<compile_context>
chip_gen: v7x
topology: tpu7x:2x2x1
jax: 0.10.2.dev20260603
libtpu: 0.0.44.dev20260713+nightly
codegen_flags: <defaults>
</compile_context>

<pallas_src>
import functools

import jax
import jax.numpy as jnp
from jax import lax
from jax.experimental import pallas as pl
from jax.experimental.pallas import tpu as pltpu
from jax.experimental.pallas import tpu_sc as plsc

_B = 2
_C = 128
_N = 10000
_K = 16
_OUT_C = 128
_G = 4

_NW = 32
_NODES = _B * _N
_CHUNK = 8
_NODES_PAD = 20480
_NPW = _NODES_PAD // _NW
_CPW = _NPW // _CHUNK
_IPW = _NPW * _K


def _sc_max_relative(xt, idx0, idx1):
    mesh = plsc.VectorSubcoreMesh(core_axis_name="c", subcore_axis_name="s")
    _CK = _CHUNK * _K

    @functools.partial(
        pl.kernel,
        mesh=mesh,
        out_type=jax.ShapeDtypeStruct((_NODES_PAD, _C), jnp.float32),
        scratch_types=[
            pltpu.VMEM((_IPW + _CK,), jnp.int32),
            pltpu.VMEM((_IPW + _CK,), jnp.int32),
            pltpu.VMEM((_CK, _C), jnp.float32),
            pltpu.VMEM((_CK, _C), jnp.float32),
            pltpu.VMEM((_CK, _C), jnp.float32),
            pltpu.VMEM((_CK, _C), jnp.float32),
            pltpu.VMEM((_CHUNK, _C), jnp.float32),
            pltpu.SemaphoreType.DMA,
            pltpu.SemaphoreType.DMA,
        ],
    )
    def k(xt_hbm, i0_hbm, i1_hbm, out_hbm, i0_v, i1_v, r0a, r1a, r0b, r1b,
          ob_v, semA, semB):
        wid = lax.axis_index("s") * 2 + lax.axis_index("c")
        node_base = wid * _NPW
        idx_base = wid * _IPW
        pltpu.sync_copy(i0_hbm.at[pl.ds(idx_base, _IPW)],
                        i0_v.at[pl.ds(0, _IPW)])
        pltpu.sync_copy(i1_hbm.at[pl.ds(idx_base, _IPW)],
                        i1_v.at[pl.ds(0, _IPW)])
        pltpu.sync_copy(i0_hbm.at[pl.ds(idx_base, _CK)],
                        i0_v.at[pl.ds(_IPW, _CK)])
        pltpu.sync_copy(i1_hbm.at[pl.ds(idx_base, _CK)],
                        i1_v.at[pl.ds(_IPW, _CK)])

        def start(ci, r0, r1, sem):
            off = ci * _CK
            pltpu.async_copy(xt_hbm.at[i0_v.at[pl.ds(off, _CK)]], r0, sem)
            pltpu.async_copy(xt_hbm.at[i1_v.at[pl.ds(off, _CK)]], r1, sem)

        def wait_pair(r0, r1, sem):
            pltpu.make_async_copy(xt_hbm.at[pl.ds(0, _CK)], r0, sem).wait()
            pltpu.make_async_copy(xt_hbm.at[pl.ds(0, _CK)], r1, sem).wait()

        def compute(ci, r0, r1):
            def node_body(nj, c2):
                row = nj * _K
                for cc in range(_C // 16):
                    sl = pl.ds(cc * 16, 16)
                    acc = r0[row, sl] - r1[row, sl]
                    for kk in range(1, _K):
                        acc = jnp.maximum(
                            acc, r0[row + kk, sl] - r1[row + kk, sl])
                    ob_v[nj, sl] = acc
                return c2

            lax.fori_loop(0, _CHUNK, node_body, 0)
            pltpu.sync_copy(
                ob_v, out_hbm.at[pl.ds(node_base + ci * _CHUNK, _CHUNK)])

        start(0, r0a, r1a, semA)

        def body2(i2, carry):
            ci = i2 * 2
            start(ci + 1, r0b, r1b, semB)
            wait_pair(r0a, r1a, semA)
            compute(ci, r0a, r1a)
            start(ci + 2, r0a, r1a, semA)
            wait_pair(r0b, r1b, semB)
            compute(ci + 1, r0b, r1b)
            return carry

        lax.fori_loop(0, _CPW // 2, body2, 0)
        wait_pair(r0a, r1a, semA)

    return k(xt, idx0, idx1)


def _tc_conv_kernel(xt_ref, xj_ref, wx_ref, wj_ref, b_ref, o_ref):
    o = jnp.dot(xt_ref[...], wx_ref[...], preferred_element_type=jnp.float32)
    o = o + jnp.dot(xj_ref[...], wj_ref[...],
                    preferred_element_type=jnp.float32)
    o_ref[...] = jnp.maximum(o + b_ref[...], 0.0)


def _tc_conv(xt, xj, wxT, wjT, bias):
    rows = xt.shape[0]
    blk = 2000
    grid = rows // blk
    return pl.pallas_call(
        _tc_conv_kernel,
        grid=(grid,),
        in_specs=[
            pl.BlockSpec((blk, _C), lambda i: (i, 0)),
            pl.BlockSpec((blk, _C), lambda i: (i, 0)),
            pl.BlockSpec((_C, _OUT_C), lambda i: (0, 0)),
            pl.BlockSpec((_C, _OUT_C), lambda i: (0, 0)),
            pl.BlockSpec((1, _OUT_C), lambda i: (0, 0)),
        ],
        out_specs=pl.BlockSpec((blk, _OUT_C), lambda i: (i, 0)),
        out_shape=jax.ShapeDtypeStruct((rows, _OUT_C), jnp.float32),
    )(xt, xj, wxT, wjT, bias)


def kernel(x, edge_index, W, b):
    xt = jnp.transpose(x[..., 0], (0, 2, 1)).reshape(_NODES, _C)

    boff = (jnp.arange(_B, dtype=jnp.int32) * _N)[:, None, None]
    pad = jnp.zeros((_NODES_PAD * _K - _NODES * _K,), jnp.int32)
    idx0 = jnp.concatenate([(edge_index[0] + boff).reshape(-1), pad])
    idx1 = jnp.concatenate([(edge_index[1] + boff).reshape(-1), pad])

    xj = _sc_max_relative(xt, idx0, idx1)[:_NODES]

    gsz_o = _OUT_C // _G
    gsz_i = _C // _G
    Wx_p = W[:, 0::2].reshape(_G, gsz_o, gsz_i)
    Wj_p = W[:, 1::2].reshape(_G, gsz_o, gsz_i)
    eye = jnp.eye(_G, dtype=W.dtype)
    Wx_bd = jnp.einsum('goc,gh->gohc', Wx_p, eye).reshape(_OUT_C, _C)
    Wj_bd = jnp.einsum('goc,gh->gohc', Wj_p, eye).reshape(_OUT_C, _C)

    out_nm = _tc_conv(xt, xj, Wx_bd.T, Wj_bd.T, b.reshape(1, _OUT_C))

    out = jnp.transpose(out_nm.reshape(_B, _N, _OUT_C), (0, 2, 1))
    return out[..., None]

# --- scband reference (transcript-rebuilt; emitter-appended) ---
"""Pipeline reference for scband-mrconv2d-11922829214263 (READ-ONLY COPY).

The authoritative reference and input builder live on the scoring server;
editing this copy changes nothing except your own understanding.
"""

import jax, jax.numpy as jnp
import numpy as np

B, C, N, K = 2, 128, 10000, 16
OUT_C = 128
GROUPS = 4


def batched_index_select(x, idx):
    # x: [B, C, Nr, 1], idx: [B, N, k] -> [B, C, N, k]
    b, c, nr = x.shape[0], x.shape[1], x.shape[2]
    _, n, k = idx.shape
    idx_base = jnp.arange(b, dtype=idx.dtype).reshape(-1, 1, 1) * nr
    flat_idx = (idx + idx_base).reshape(-1)
    xt = jnp.transpose(x, (0, 2, 1, 3)).reshape(b * nr, -1)  # [B*Nr, C]
    feat = jnp.take(xt, flat_idx, axis=0)  # [B*N*k, C]
    feat = feat.reshape(b, n, k, c)
    feat = jnp.transpose(feat, (0, 3, 1, 2))  # [B, C, N, k]
    return feat


def setup_inputs(seed: int = 0) -> dict:
    key = jax.random.key(seed)
    k1, k2, k3, k4 = jax.random.split(key, 4)
    x = jax.random.normal(k1, (B, C, N, 1), dtype=jnp.float32)
    edge_index = jax.random.randint(k2, (2, B, N, K), 0, N, dtype=jnp.int32)
    # grouped 1x1 conv weight: [out_channels, (2*C)//groups, 1, 1] -> store as [OUT_C, (2*C)//GROUPS]
    W = jax.random.normal(k3, (OUT_C, (2 * C) // GROUPS), dtype=jnp.float32) * 0.05
    b = jax.random.normal(k4, (OUT_C,), dtype=jnp.float32) * 0.05
    return {"x": x, "edge_index": edge_index, "W": W, "b": b}


def reference(x, edge_index, W, b):
    x_i = batched_index_select(x, edge_index[1])
    x_j = batched_index_select(x, edge_index[0])
    x_j = jnp.max(x_j - x_i, axis=-1, keepdims=True)  # [B, C, N, 1]
    bsz, c, n, one = x.shape
    xc = jnp.concatenate([x[:, :, None, :, :], x_j[:, :, None, :, :]], axis=2)
    xc = xc.reshape(bsz, 2 * c, n, one)  # interleaved channels [B, 2C, N, 1]
    # grouped pointwise (1x1) conv with groups=4
    xin = xc.reshape(bsz, GROUPS, (2 * c) // GROUPS, n)  # [B, G, Cin_g, N]
    Wg = W.reshape(GROUPS, OUT_C // GROUPS, (2 * c) // GROUPS)  # [G, Cout_g, Cin_g]
    out = jnp.einsum('bgin,goi->bgon', xin, Wg).reshape(bsz, OUT_C, n)
    out = out + b[None, :, None]
    out = jax.nn.relu(out)
    return out[..., None]  # [B, OUT_C, N, 1]

if __name__ == "__main__":
    import jax
    _d = setup_inputs()
    print(jax.jit(kernel)(*tuple(_d.values())))

</pallas_src>

<mosaic_0001>
#map = affine_map<(d0, d1) -> (0, 0)>
#map1 = affine_map<(d0, d1) -> (0)>
module attributes {stable_mosaic.version = 14 : i64} {
  func.func @k(%arg0: i32, %arg1: i32, %arg2: memref<20000x128xf32, #tpu.memory_space<hbm>>, %arg3: memref<327680xi32, #tpu.memory_space<hbm>>, %arg4: memref<327680xi32, #tpu.memory_space<hbm>>, %arg5: memref<20480x128xf32, #tpu.memory_space<hbm>>, %arg6: memref<10368xi32, #tpu.memory_space<vmem>>, %arg7: memref<10368xi32, #tpu.memory_space<vmem>>, %arg8: memref<128x128xf32, #tpu.memory_space<vmem>>, %arg9: memref<128x128xf32, #tpu.memory_space<vmem>>, %arg10: memref<128x128xf32, #tpu.memory_space<vmem>>, %arg11: memref<128x128xf32, #tpu.memory_space<vmem>>, %arg12: memref<8x128xf32, #tpu.memory_space<vmem>>, %arg13: memref<!tpu.dma_semaphore, #tpu.memory_space<semaphore_mem>>, %arg14: memref<!tpu.dma_semaphore, #tpu.memory_space<semaphore_mem>>) attributes {dimension_semantics = [#tpu.dimension_semantics<core_parallel>, #tpu.dimension_semantics<subcore_parallel>], iteration_bounds = array<i64: 2, 16>, scalar_prefetch = 0 : i64, scratch_operands = 9 : i64, tpu.core_type = #tpu.core_type<sc_vector_subcore>, window_params = [{transform_indices = #map}, {transform_indices = #map1}, {transform_indices = #map1}, {transform_indices = #map}]} {
    %mul3A = arith.constant 2 : i32
    %mul3A_0 = arith.muli %arg1, %mul3A : i32
    %add3A = arith.addi %mul3A_0, %arg0 : i32
    %mul3A_1 = arith.constant 640 : i32
    %mul3A_2 = arith.muli %add3A, %mul3A_1 : i32
    %mul3A_3 = arith.constant 10240 : i32
    %mul3A_4 = arith.muli %add3A, %mul3A_3 : i32
    "tpu.region"() ({
      %run_scoped3A = tpu.sem_alloc : memref<!tpu.dma_semaphore, #tpu.memory_space<semaphore_mem>>
      %dma_start3A_30 = arith.constant 0 : i32
      %dma_start3A_31 = tpu.memref_slice %arg6[%dma_start3A_30] : memref<10368xi32, #tpu.memory_space<vmem>> -> memref<10240xi32, #tpu.memory_space<vmem>>
      %dma_start3A_32 = tpu.memref_slice %arg3[%mul3A_4] : memref<327680xi32, #tpu.memory_space<hbm>> -> memref<10240xi32, #tpu.memory_space<hbm>>
      %dma_start3A_33 = arith.constant 0 : i32
      %dma_start3A_34 = tpu.memref_slice %arg6[%dma_start3A_33] : memref<10368xi32, #tpu.memory_space<vmem>> -> memref<10240xi32, #tpu.memory_space<vmem>>
      %dma_start3A_35 = tpu.memref_slice %arg3[%mul3A_4] : memref<327680xi32, #tpu.memory_space<hbm>> -> memref<10240xi32, #tpu.memory_space<hbm>>
      tpu.enqueue_dma source(%dma_start3A_35 : memref<10240xi32, #tpu.memory_space<hbm>>) target(%dma_start3A_34 : memref<10240xi32, #tpu.memory_space<vmem>>) target_semaphore(%run_scoped3A : memref<!tpu.dma_semaphore, #tpu.memory_space<semaphore_mem>>)
      %dma_wait3A_36 = arith.constant 0 : i32
      %dma_wait3A_37 = tpu.memref_slice %arg6[%dma_wait3A_36] : memref<10368xi32, #tpu.memory_space<vmem>> -> memref<10240xi32, #tpu.memory_space<vmem>>
      %dma_wait3A_38 = tpu.memref_slice %arg3[%mul3A_4] : memref<327680xi32, #tpu.memory_space<hbm>> -> memref<10240xi32, #tpu.memory_space<hbm>>
      %dma_wait3A_39 = arith.constant 0 : i32
      %dma_wait3A_40 = tpu.memref_slice %arg6[%dma_wait3A_39] : memref<10368xi32, #tpu.memory_space<vmem>> -> memref<10240xi32, #tpu.memory_space<vmem>>
      %dma_wait3A_41 = tpu.memref_slice %arg3[%mul3A_4] : memref<327680xi32, #tpu.memory_space<hbm>> -> memref<10240xi32, #tpu.memory_space<hbm>>
      tpu.wait_dma2 semaphore(%run_scoped3A : memref<!tpu.dma_semaphore, #tpu.memory_space<semaphore_mem>>) src(%dma_wait3A_41 : memref<10240xi32, #tpu.memory_space<hbm>>) dst(%dma_wait3A_40 : memref<10240xi32, #tpu.memory_space<vmem>>)
      tpu.yield
    }) : () -> ()
    "tpu.region"() ({
      %run_scoped3A = tpu.sem_alloc : memref<!tpu.dma_semaphore, #tpu.memory_space<semaphore_mem>>
      %dma_start3A_30 = arith.constant 0 : i32
      %dma_start3A_31 = tpu.memref_slice %arg7[%dma_start3A_30] : memref<10368xi32, #tpu.memory_space<vmem>> -> memref<10240xi32, #tpu.memory_space<vmem>>
      %dma_start3A_32 = tpu.memref_slice %arg4[%mul3A_4] : memref<327680xi32, #tpu.memory_space<hbm>> -> memref<10240xi32, #tpu.memory_space<hbm>>
      %dma_start3A_33 = arith.constant 0 : i32
      %dma_start3A_34 = tpu.memref_slice %arg7[%dma_start3A_33] : memref<10368xi32, #tpu.memory_space<vmem>> -> memref<10240xi32, #tpu.memory_space<vmem>>
      %dma_start3A_35 = tpu.memref_slice %arg4[%mul3A_4] : memref<327680xi32, #tpu.memory_space<hbm>> -> memref<10240xi32, #tpu.memory_space<hbm>>
      tpu.enqueue_dma source(%dma_start3A_35 : memref<10240xi32, #tpu.memory_space<hbm>>) target(%dma_start3A_34 : memref<10240xi32, #tpu.memory_space<vmem>>) target_semaphore(%run_scoped3A : memref<!tpu.dma_semaphore, #tpu.memory_space<semaphore_mem>>)
      %dma_wait3A_36 = arith.constant 0 : i32
      %dma_wait3A_37 = tpu.memref_slice %arg7[%dma_wait3A_36] : memref<10368xi32, #tpu.memory_space<vmem>> -> memref<10240xi32, #tpu.memory_space<vmem>>
      %dma_wait3A_38 = tpu.memref_slice %arg4[%mul3A_4] : memref<327680xi32, #tpu.memory_space<hbm>> -> memref<10240xi32, #tpu.memory_space<hbm>>
      %dma_wait3A_39 = arith.constant 0 : i32
      %dma_wait3A_40 = tpu.memref_slice %arg7[%dma_wait3A_39] : memref<10368xi32, #tpu.memory_space<vmem>> -> memref<10240xi32, #tpu.memory_space<vmem>>
      %dma_wait3A_41 = tpu.memref_slice %arg4[%mul3A_4] : memref<327680xi32, #tpu.memory_space<hbm>> -> memref<10240xi32, #tpu.memory_space<hbm>>
      tpu.wait_dma2 semaphore(%run_scoped3A : memref<!tpu.dma_semaphore, #tpu.memory_space<semaphore_mem>>) src(%dma_wait3A_41 : memref<10240xi32, #tpu.memory_space<hbm>>) dst(%dma_wait3A_40 : memref<10240xi32, #tpu.memory_space<vmem>>)
      tpu.yield
    }) : () -> ()
    "tpu.region"() ({
      %run_scoped3A = tpu.sem_alloc : memref<!tpu.dma_semaphore, #tpu.memory_space<semaphore_mem>>
      %dma_start3A_30 = arith.constant 10240 : i32
      %dma_start3A_31 = tpu.memref_slice %arg6[%dma_start3A_30] : memref<10368xi32, #tpu.memory_space<vmem>> -> memref<128xi32, #tpu.memory_space<vmem>>
      %dma_start3A_32 = tpu.memref_slice %arg3[%mul3A_4] : memref<327680xi32, #tpu.memory_space<hbm>> -> memref<128xi32, #tpu.memory_space<hbm>>
      %dma_start3A_33 = arith.constant 10240 : i32
      %dma_start3A_34 = tpu.memref_slice %arg6[%dma_start3A_33] : memref<10368xi32, #tpu.memory_space<vmem>> -> memref<128xi32, #tpu.memory_space<vmem>>
      %dma_start3A_35 = tpu.memref_slice %arg3[%mul3A_4] : memref<327680xi32, #tpu.memory_space<hbm>> -> memref<128xi32, #tpu.memory_space<hbm>>
      tpu.enqueue_dma source(%dma_start3A_35 : memref<128xi32, #tpu.memory_space<hbm>>) target(%dma_start3A_34 : memref<128xi32, #tpu.memory_space<vmem>>) target_semaphore(%run_scoped3A : memref<!tpu.dma_semaphore, #tpu.memory_space<semaphore_mem>>)
      %dma_wait3A_36 = arith.constant 10240 : i32
      %dma_wait3A_37 = tpu.memref_slice %arg6[%dma_wait3A_36] : memref<10368xi32, #tpu.memory_space<vmem>> -> memref<128xi32, #tpu.memory_space<vmem>>
      %dma_wait3A_38 = tpu.memref_slice %arg3[%mul3A_4] : memref<327680xi32, #tpu.memory_space<hbm>> -> memref<128xi32, #tpu.memory_space<hbm>>
      %dma_wait3A_39 = arith.constant 10240 : i32
      %dma_wait3A_40 = tpu.memref_slice %arg6[%dma_wait3A_39] : memref<10368xi32, #tpu.memory_space<vmem>> -> memref<128xi32, #tpu.memory_space<vmem>>
      %dma_wait3A_41 = tpu.memref_slice %arg3[%mul3A_4] : memref<327680xi32, #tpu.memory_space<hbm>> -> memref<128xi32, #tpu.memory_space<hbm>>
      tpu.wait_dma2 semaphore(%run_scoped3A : memref<!tpu.dma_semaphore, #tpu.memory_space<semaphore_mem>>) src(%dma_wait3A_41 : memref<128xi32, #tpu.memory_space<hbm>>) dst(%dma_wait3A_40 : memref<128xi32, #tpu.memory_space<vmem>>)
      tpu.yield
    }) : () -> ()
    "tpu.region"() ({
      %run_scoped3A = tpu.sem_alloc : memref<!tpu.dma_semaphore, #tpu.memory_space<semaphore_mem>>
      %dma_start3A_30 = arith.constant 10240 : i32
      %dma_start3A_31 = tpu.memref_slice %arg7[%dma_start3A_30] : memref<10368xi32, #tpu.memory_space<vmem>> -> memref<128xi32, #tpu.memory_space<vmem>>
      %dma_start3A_32 = tpu.memref_slice %arg4[%mul3A_4] : memref<327680xi32, #tpu.memory_space<hbm>> -> memref<128xi32, #tpu.memory_space<hbm>>
      %dma_start3A_33 = arith.constant 10240 : i32
      %dma_start3A_34 = tpu.memref_slice %arg7[%dma_start3A_33] : memref<10368xi32, #tpu.memory_space<vmem>> -> memref<128xi32, #tpu.memory_space<vmem>>
      %dma_start3A_35 = tpu.memref_slice %arg4[%mul3A_4] : memref<327680xi32, #tpu.memory_space<hbm>> -> memref<128xi32, #tpu.memory_space<hbm>>
      tpu.enqueue_dma source(%dma_start3A_35 : memref<128xi32, #tpu.memory_space<hbm>>) target(%dma_start3A_34 : memref<128xi32, #tpu.memory_space<vmem>>) target_semaphore(%run_scoped3A : memref<!tpu.dma_semaphore, #tpu.memory_space<semaphore_mem>>)
      %dma_wait3A_36 = arith.constant 10240 : i32
      %dma_wait3A_37 = tpu.memref_slice %arg7[%dma_wait3A_36] : memref<10368xi32, #tpu.memory_space<vmem>> -> memref<128xi32, #tpu.memory_space<vmem>>
      %dma_wait3A_38 = tpu.memref_slice %arg4[%mul3A_4] : memref<327680xi32, #tpu.memory_space<hbm>> -> memref<128xi32, #tpu.memory_space<hbm>>
      %dma_wait3A_39 = arith.constant 10240 : i32
      %dma_wait3A_40 = tpu.memref_slice %arg7[%dma_wait3A_39] : memref<10368xi32, #tpu.memory_space<vmem>> -> memref<128xi32, #tpu.memory_space<vmem>>
      %dma_wait3A_41 = tpu.memref_slice %arg4[%mul3A_4] : memref<327680xi32, #tpu.memory_space<hbm>> -> memref<128xi32, #tpu.memory_space<hbm>>
      tpu.wait_dma2 semaphore(%run_scoped3A : memref<!tpu.dma_semaphore, #tpu.memory_space<semaphore_mem>>) src(%dma_wait3A_41 : memref<128xi32, #tpu.memory_space<hbm>>) dst(%dma_wait3A_40 : memref<128xi32, #tpu.memory_space<vmem>>)
      tpu.yield
    }) : () -> ()
    %dma_start3A = arith.constant 0 : i32
    %dma_start3A_5 = tpu.memref_slice %arg6[%dma_start3A] : memref<10368xi32, #tpu.memory_space<vmem>> -> memref<128xi32, #tpu.memory_space<vmem>>
    %dma_start3A_6 = arith.constant 0 : i32
    %dma_start3A_7 = arith.constant 0 : i32
    %dma_start3A_8 = tpu.memref_slice %arg2[%dma_start3A_6, %dma_start3A_7] : memref<20000x128xf32, #tpu.memory_space<hbm>> -> memref<20000x128xf32, #tpu.memory_space<hbm>>
    tpu.enqueue_indirect_dma source(%dma_start3A_8 : memref<20000x128xf32, #tpu.memory_space<hbm>>) target(%arg8 : memref<128x128xf32, #tpu.memory_space<vmem>>) offsets(%dma_start3A_5 : memref<128xi32, #tpu.memory_space<vmem>>) semaphore(%arg13 : memref<!tpu.dma_semaphore, #tpu.memory_space<semaphore_mem>>)
    %dma_start3A_9 = arith.constant 0 : i32
    %dma_start3A_10 = tpu.memref_slice %arg7[%dma_start3A_9] : memref<10368xi32, #tpu.memory_space<vmem>> -> memref<128xi32, #tpu.memory_space<vmem>>
    %dma_start3A_11 = arith.constant 0 : i32
    %dma_start3A_12 = arith.constant 0 : i32
    %dma_start3A_13 = tpu.memref_slice %arg2[%dma_start3A_11, %dma_start3A_12] : memref<20000x128xf32, #tpu.memory_space<hbm>> -> memref<20000x128xf32, #tpu.memory_space<hbm>>
    tpu.enqueue_indirect_dma source(%dma_start3A_13 : memref<20000x128xf32, #tpu.memory_space<hbm>>) target(%arg9 : memref<128x128xf32, #tpu.memory_space<vmem>>) offsets(%dma_start3A_10 : memref<128xi32, #tpu.memory_space<vmem>>) semaphore(%arg13 : memref<!tpu.dma_semaphore, #tpu.memory_space<semaphore_mem>>)
    %scan3A = arith.constant 0 : i32
    %scan3A_14 = arith.constant 0 : i32
    %scan3A_15 = arith.constant 40 : i32
    %scan3A_16 = arith.addi %scan3A_14, %scan3A_15 : i32
    %scan3A_17 = arith.constant 1 : i32
    scf.for %scan3A_30 = %scan3A_14 to %scan3A_16 step %scan3A_17  : i32 {
      %mul3A_31 = arith.constant 2 : i32
      %mul3A_32 = arith.muli %scan3A_30, %mul3A_31 : i32
      %add3A_33 = arith.constant 1 : i32
      %add3A_34 = arith.addi %mul3A_32, %add3A_33 : i32
      %mul3A_35 = arith.constant 128 : i32
      %mul3A_36 = arith.muli %add3A_34, %mul3A_35 : i32
      %dma_start3A_37 = tpu.memref_slice %arg6[%mul3A_36] : memref<10368xi32, #tpu.memory_space<vmem>> -> memref<128xi32, #tpu.memory_space<vmem>>
      %dma_start3A_38 = arith.constant 0 : i32
      %dma_start3A_39 = arith.constant 0 : i32
      %dma_start3A_40 = tpu.memref_slice %arg2[%dma_start3A_38, %dma_start3A_39] : memref<20000x128xf32, #tpu.memory_space<hbm>> -> memref<20000x128xf32, #tpu.memory_space<hbm>>
      tpu.enqueue_indirect_dma source(%dma_start3A_40 : memref<20000x128xf32, #tpu.memory_space<hbm>>) target(%arg10 : memref<128x128xf32, #tpu.memory_space<vmem>>) offsets(%dma_start3A_37 : memref<128xi32, #tpu.memory_space<vmem>>) semaphore(%arg14 : memref<!tpu.dma_semaphore, #tpu.memory_space<semaphore_mem>>)
      %dma_start3A_41 = tpu.memref_slice %arg7[%mul3A_36] : memref<10368xi32, #tpu.memory_space<vmem>> -> memref<128xi32, #tpu.memory_space<vmem>>
      %dma_start3A_42 = arith.constant 0 : i32
      %dma_start3A_43 = arith.constant 0 : i32
      %dma_start3A_44 = tpu.memref_slice %arg2[%dma_start3A_42, %dma_start3A_43] : memref<20000x128xf32, #tpu.memory_space<hbm>> -> memref<20000x128xf32, #tpu.memory_space<hbm>>
      tpu.enqueue_indirect_dma source(%dma_start3A_44 : memref<20000x128xf32, #tpu.memory_space<hbm>>) target(%arg11 : memref<128x128xf32, #tpu.memory_space<vmem>>) offsets(%dma_start3A_41 : memref<128xi32, #tpu.memory_space<vmem>>) semaphore(%arg14 : memref<!tpu.dma_semaphore, #tpu.memory_space<semaphore_mem>>)
      %dma_wait3A_45 = arith.constant 0 : i32
      %dma_wait3A_46 = arith.constant 0 : i32
      %dma_wait3A_47 = tpu.memref_slice %arg2[%dma_wait3A_45, %dma_wait3A_46] : memref<20000x128xf32, #tpu.memory_space<hbm>> -> memref<128x128xf32, #tpu.memory_space<hbm>>
      %dma_wait3A_48 = arith.constant 0 : i32
      %dma_wait3A_49 = arith.constant 0 : i32
      %dma_wait3A_50 = tpu.memref_slice %arg2[%dma_wait3A_48, %dma_wait3A_49] : memref<20000x128xf32, #tpu.memory_space<hbm>> -> memref<128x128xf32, #tpu.memory_space<hbm>>
      tpu.wait_dma2 semaphore(%arg13 : memref<!tpu.dma_semaphore, #tpu.memory_space<semaphore_mem>>) src(%dma_wait3A_50 : memref<128x128xf32, #tpu.memory_space<hbm>>) dst(%arg8 : memref<128x128xf32, #tpu.memory_space<vmem>>)
      %dma_wait3A_51 = arith.constant 0 : i32
      %dma_wait3A_52 = arith.constant 0 : i32
      %dma_wait3A_53 = tpu.memref_slice %arg2[%dma_wait3A_51, %dma_wait3A_52] : memref<20000x128xf32, #tpu.memory_space<hbm>> -> memref<128x128xf32, #tpu.memory_space<hbm>>
      %dma_wait3A_54 = arith.constant 0 : i32
      %dma_wait3A_55 = arith.constant 0 : i32
      %dma_wait3A_56 = tpu.memref_slice %arg2[%dma_wait3A_54, %dma_wait3A_55] : memref<20000x128xf32, #tpu.memory_space<hbm>> -> memref<128x128xf32, #tpu.memory_space<hbm>>
      tpu.wait_dma2 semaphore(%arg13 : memref<!tpu.dma_semaphore, #tpu.memory_space<semaphore_mem>>) src(%dma_wait3A_56 : memref<128x128xf32, #tpu.memory_space<hbm>>) dst(%arg9 : memref<128x128xf32, #tpu.memory_space<vmem>>)
      %scan3A_57 = arith.constant 0 : i32
      %scan3A_58 = arith.constant 0 : i32
      %scan3A_59 = arith.constant 8 : i32
      %scan3A_60 = arith.addi %scan3A_58, %scan3A_59 : i32
      %scan3A_61 = arith.constant 1 : i32
      scf.for %scan3A_101 = %scan3A_58 to %scan3A_60 step %scan3A_61  : i32 {
        %mul3A_102 = arith.constant 16 : i32
        %mul3A_103 = arith.muli %scan3A_101, %mul3A_102 : i32
        %get3A = arith.index_cast %mul3A_103 : i32 to index
        %get3A_104 = arith.constant 0 : index
        %get3A_105 = tpu.vector_load %arg8[%get3A, %get3A_104] {strides = array<i32>} : memref<128x128xf32, #tpu.memory_space<vmem>>, vector<1x16xf32>,
        %get3A_106 = vector.shape_cast %get3A_105 : vector<1x16xf32> to vector<16xf32>
        %get3A_107 = arith.index_cast %mul3A_103 : i32 to index
        %get3A_108 = arith.constant 0 : index
        %get3A_109 = tpu.vector_load %arg9[%get3A_107, %get3A_108] {strides = array<i32>} : memref<128x128xf32, #tpu.memory_space<vmem>>, vector<1x16xf32>,
        %get3A_110 = vector.shape_cast %get3A_109 : vector<1x16xf32> to vector<16xf32>
        %sub3A = arith.subf %get3A_106, %get3A_110 : vector<16xf32>
        %add3A_111 = arith.constant 1 : i32
        %add3A_112 = arith.addi %mul3A_103, %add3A_111 : i32
        %get3A_113 = arith.index_cast %add3A_112 : i32 to index
        %get3A_114 = arith.constant 0 : index
        %get3A_115 = tpu.vector_load %arg8[%get3A_113, %get3A_114] {strides = array<i32>} : memref<128x128xf32, #tpu.memory_space<vmem>>, vector<1x16xf32>,
        %get3A_116 = vector.shape_cast %get3A_115 : vector<1x16xf32> to vector<16xf32>
        %add3A_117 = arith.constant 1 : i32
        %add3A_118 = arith.addi %mul3A_103, %add3A_117 : i32
        %get3A_119 = arith.index_cast %add3A_118 : i32 to index
        %get3A_120 = arith.constant 0 : index
        %get3A_121 = tpu.vector_load %arg9[%get3A_119, %get3A_120] {strides = array<i32>} : memref<128x128xf32, #tpu.memory_space<vmem>>, vector<1x16xf32>,
        %get3A_122 = vector.shape_cast %get3A_121 : vector<1x16xf32> to vector<16xf32>
        %sub3A_123 = arith.subf %get3A_116, %get3A_122 : vector<16xf32>
        %max3A = arith.maximumf %sub3A, %sub3A_123 : vector<16xf32>
        %add3A_124 = arith.constant 2 : i32
        %add3A_125 = arith.addi %mul3A_103, %add3A_124 : i32
        %get3A_126 = arith.index_cast %add3A_125 : i32 to index
        %get3A_127 = arith.constant 0 : index
        %get3A_128 = tpu.vector_load %arg8[%get3A_126, %get3A_127] {strides = array<i32>} : memref<128x128xf32, #tpu.memory_space<vmem>>, vector<1x16xf32>,
        %get3A_129 = vector.shape_cast %get3A_128 : vector<1x16xf32> to vector<16xf32>
        %add3A_130 = arith.constant 2 : i32
        %add3A_131 = arith.addi %mul3A_103, %add3A_130 : i32
        %get3A_132 = arith.index_cast %add3A_131 : i32 to index
        %get3A_133 = arith.constant 0 : index
        %get3A_134 = tpu.vector_load %arg9[%get3A_132, %get3A_133] {strides = array<i32>} : memref<128x128xf32, #tpu.memory_space<vmem>>, vector<1x16xf32>,
        %get3A_135 = vector.shape_cast %get3A_134 : vector<1x16xf32> to vector<16xf32>
        %sub3A_136 = arith.subf %get3A_129, %get3A_135 : vector<16xf32>
        %max3A_137 = arith.maximumf %max3A, %sub3A_136 : vector<16xf32>
        %add3A_138 = arith.constant 3 : i32
        %add3A_139 = arith.addi %mul3A_103, %add3A_138 : i32
        %get3A_140 = arith.index_cast %add3A_139 : i32 to index
        %get3A_141 = arith.constant 0 : index
        %get3A_142 = tpu.vector_load %arg8[%get3A_140, %get3A_141] {strides = array<i32>} : memref<128x128xf32, #tpu.memory_space<vmem>>, vector<1x16xf32>,
        %get3A_143 = vector.shape_cast %get3A_142 : vector<1x16xf32> to vector<16xf32>
        %add3A_144 = arith.constant 3 : i32
        %add3A_145 = arith.addi %mul3A_103, %add3A_144 : i32
        %get3A_146 = arith.index_cast %add3A_145 : i32 to index
        %get3A_147 = arith.constant 0 : index
        %get3A_148 = tpu.vector_load %arg9[%get3A_146, %get3A_147] {strides = array<i32>} : memref<128x128xf32, #tpu.memory_space<vmem>>, vector<1x16xf32>,
        %get3A_149 = vector.shape_cast %get3A_148 : vector<1x16xf32> to vector<16xf32>
        %sub3A_150 = arith.subf %get3A_143, %get3A_149 : vector<16xf32>
        %max3A_151 = arith.maximumf %max3A_137, %sub3A_150 : vector<16xf32>
        %add3A_152 = arith.constant 4 : i32
        %add3A_153 = arith.addi %mul3A_103, %add3A_152 : i32
        %get3A_154 = arith.index_cast %add3A_153 : i32 to index
        %get3A_155 = arith.constant 0 : index
        %get3A_156 = tpu.vector_load %arg8[%get3A_154, %get3A_155] {strides = array<i32>} : memref<128x128xf32, #tpu.memory_space<vmem>>, vector<1x16xf32>,
        %get3A_157 = vector.shape_cast %get3A_156 : vector<1x16xf32> to vector<16xf32>
        %add3A_158 = arith.constant 4 : i32
        %add3A_159 = arith.addi %mul3A_103, %add3A_158 : i32
        %get3A_160 = arith.index_cast %add3A_159 : i32 to index
        %get3A_161 = arith.constant 0 : index
        %get3A_162 = tpu.vector_load %arg9[%get3A_160, %get3A_161] {strides = array<i32>} : memref<128x128xf32, #tpu.memory_space<vmem>>, vector<1x16xf32>,
        %get3A_163 = vector.shape_cast %get3A_162 : vector<1x16xf32> to vector<16xf32>
        %sub3A_164 = arith.subf %get3A_157, %get3A_163 : vector<16xf32>
        %max3A_165 = arith.maximumf %max3A_151, %sub3A_164 : vector<16xf32>
        %add3A_166 = arith.constant 5 : i32
        %add3A_167 = arith.addi %mul3A_103, %add3A_166 : i32
        %get3A_168 = arith.index_cast %add3A_167 : i32 to index
        %get3A_169 = arith.constant 0 : index
        %get3A_170 = tpu.vector_load %arg8[%get3A_168, %get3A_169] {strides = array<i32>} : memref<128x128xf32, #tpu.memory_space<vmem>>, vector<1x16xf32>,
        %get3A_171 = vector.shape_cast %get3A_170 : vector<1x16xf32> to vector<16xf32>
        %add3A_172 = arith.constant 5 : i32
        %add3A_173 = arith.addi %mul3A_103, %add3A_172 : i32
        %get3A_174 = arith.index_cast %add3A_173 : i32 to index
        %get3A_175 = arith.constant 0 : index
        %get3A_176 = tpu.vector_load %arg9[%get3A_174, %get3A_175] {strides = array<i32>} : memref<128x128xf32, #tpu.memory_space<vmem>>, vector<1x16xf32>,
        %get3A_177 = vector.shape_cast %get3A_176 : vector<1x16xf32> to vector<16xf32>
        %sub3A_178 = arith.subf %get3A_171, %get3A_177 : vector<16xf32>
        %max3A_179 = arith.maximumf %max3A_165, %sub3A_178 : vector<16xf32>
        %add3A_180 = arith.constant 6 : i32
        %add3A_181 = arith.addi %mul3A_103, %add3A_180 : i32
        %get3A_182 = arith.index_cast %add3A_181 : i32 to index
        %get3A_183 = arith.constant 0 : index
        %get3A_184 = tpu.vector_load %arg8[%get3A_182, %get3A_183] {strides = array<i32>} : memref<128x128xf32, #tpu.memory_space<vmem>>, vector<1x16xf32>,
        %get3A_185 = vector.shape_cast %get3A_184 : vector<1x16xf32> to vector<16xf32>
        %add3A_186 = arith.constant 6 : i32
        %add3A_187 = arith.addi %mul3A_103, %add3A_186 : i32
        %get3A_188 = arith.index_cast %add3A_187 : i32 to index
        %get3A_189 = arith.constant 0 : index
        %get3A_190 = tpu.vector_load %arg9[%get3A_188, %get3A_189] {strides = array<i32>} : memref<128x128xf32, #tpu.memory_space<vmem>>, vector<1x16xf32>,
        %get3A_191 = vector.shape_cast %get3A_190 : vector<1x16xf32> to vector<16xf32>
        %sub3A_192 = arith.subf %get3A_185, %get3A_191 : vector<16xf32>
        %max3A_193 = arith.maximumf %max3A_179, %sub3A_192 : vector<16xf32>
        %add3A_194 = arith.constant 7 : i32
        %add3A_195 = arith.addi %mul3A_103, %add3A_194 : i32
        %get3A_196 = arith.index_cast %add3A_195 : i32 to index
        %get3A_197 = arith.constant 0 : index
        %get3A_198 = tpu.vector_load %arg8[%get3A_196, %get3A_197] {strides = array<i32>} : memref<128x128xf32, #tpu.memory_space<vmem>>, vector<1x16xf32>,
        %get3A_199 = vector.shape_cast %get3A_198 : vector<1x16xf32> to vector<16xf32>
        %add3A_200 = arith.constant 7 : i32
        %add3A_201 = arith.addi %mul3A_103, %add3A_200 : i32
        %get3A_202 = arith.index_cast %add3A_201 : i32 to index
        %get3A_203 = arith.constant 0 : index
        %get3A_204 = tpu.vector_load %arg9[%get3A_202, %get3A_203] {strides = array<i32>} : memref<128x128xf32, #tpu.memory_space<vmem>>, vector<1x16xf32>,
        %get3A_205 = vector.shape_cast %get3A_204 : vector<1x16xf32> to vector<16xf32>
        %sub3A_206 = arith.subf %get3A_199, %get3A_205 : vector<16xf32>
        %max3A_207 = arith.maximumf %max3A_193, %sub3A_206 : vector<16xf32>
        %add3A_208 = arith.constant 8 : i32
        %add3A_209 = arith.addi %mul3A_103, %add3A_208 : i32
        %get3A_210 = arith.index_cast %add3A_209 : i32 to index
        %get3A_211 = arith.constant 0 : index
        %get3A_212 = tpu.vector_load %arg8[%get3A_210, %get3A_211] {strides = array<i32>} : memref<128x128xf32, #tpu.memory_space<vmem>>, vector<1x16xf32>,
        %get3A_213 = vector.shape_cast %get3A_212 : vector<1x16xf32> to vector<16xf32>
        %add3A_214 = arith.constant 8 : i32
        %add3A_215 = arith.addi %mul3A_103, %add3A_214 : i32
        %get3A_216 = arith.index_cast %add3A_215 : i32 to index
        %get3A_217 = arith.constant 0 : index
        %get3A_218 = tpu.vector_load %arg9[%get3A_216, %get3A_217] {strides = array<i32>} : memref<128x128xf32, #tpu.memory_space<vmem>>, vector<1x16xf32>,
        %get3A_219 = vector.shape_cast %get3A_218 : vector<1x16xf32> to vector<16xf32>
        %sub3A_220 = arith.subf %get3A_213, %get3A_219 : vector<16xf32>
        %max3A_221 = arith.maximumf %max3A_207, %sub3A_220 : vector<16xf32>
        %add3A_222 = arith.constant 9 : i32
        %add3A_223 = arith.addi %mul3A_103, %add3A_222 : i32
        %get3A_224 = arith.index_cast %add3A_223 : i32 to index
        %get3A_225 = arith.constant 0 : index
        %get3A_226 = tpu.vector_load %arg8[%get3A_224, %get3A_225] {strides = array<i32>} : memref<128x128xf32, #tpu.memory_space<vmem>>, vector<1x16xf32>,
        %get3A_227 = vector.shape_cast %get3A_226 : vector<1x16xf32> to vector<16xf32>
        %add3A_228 = arith.constant 9 : i32
        %add3A_229 = arith.addi %mul3A_103, %add3A_228 : i32
        %get3A_230 = arith.index_cast %add3A_229 : i32 to index
        %get3A_231 = arith.constant 0 : index
        %get3A_232 = tpu.vector_load %arg9[%get3A_230, %get3A_231] {strides = array<i32>} : memref<128x128xf32, #tpu.memory_space<vmem>>, vector<1x16xf32>,
        %get3A_233 = vector.shape_cast %get3A_232 : vector<1x16xf32> to vector<16xf32>
        %sub3A_234 = arith.subf %get3A_227, %get3A_233 : vector<16xf32>
        %max3A_235 = arith.maximumf %max3A_221, %sub3A_234 : vector<16xf32>
        %add3A_236 = arith.constant 10 : i32
        %add3A_237 = arith.addi %mul3A_103, %add3A_236 : i32
        %get3A_238 = arith.index_cast %add3A_237 : i32 to index
        %get3A_239 = arith.constant 0 : index
        %get3A_240 = tpu.vector_load %arg8[%get3A_238, %get3A_239] {strides = array<i32>} : memref<128x128xf32, #tpu.memory_space<vmem>>, vector<1x16xf32>,
        %get3A_241 = vector.shape_cast %get3A_240 : vector<1x16xf32> to vector<16xf32>
        %add3A_242 = arith.constant 10 : i32
        %add3A_243 = arith.addi %mul3A_103, %add3A_242 : i32
        %get3A_244 = arith.index_cast %add3A_243 : i32 to index
        %get3A_245 = arith.constant 0 : index
        %get3A_246 = tpu.vector_load %arg9[%get3A_244, %get3A_245] {strides = array<i32>} : memref<128x128xf32, #tpu.memory_space<vmem>>, vector<1x16xf32>,
        %get3A_247 = vector.shape_cast %get3A_246 : vector<1x16xf32> to vector<16xf32>
        %sub3A_248 = arith.subf %get3A_241, %get3A_247 : vector<16xf32>
        %max3A_249 = arith.maximumf %max3A_235, %sub3A_248 : vector<16xf32>
        %add3A_250 = arith.constant 11 : i32
        %add3A_251 = arith.addi %mul3A_103, %add3A_250 : i32
        %get3A_252 = arith.index_cast %add3A_251 : i32 to index
        %get3A_253 = arith.constant 0 : index
        %get3A_254 = tpu.vector_load %arg8[%get3A_252, %get3A_253] {strides = array<i32>} : memref<128x128xf32, #tpu.memory_space<vmem>>, vector<1x16xf32>,
        %get3A_255 = vector.shape_cast %get3A_254 : vector<1x16xf32> to vector<16xf32>
        %add3A_256 = arith.constant 11 : i32
        %add3A_257 = arith.addi %mul3A_103, %add3A_256 : i32
        %get3A_258 = arith.index_cast %add3A_257 : i32 to index
        %get3A_259 = arith.constant 0 : index
        %get3A_260 = tpu.vector_load %arg9[%get3A_258, %get3A_259] {strides = array<i32>} : memref<128x128xf32, #tpu.memory_space<vmem>>, vector<1x16xf32>,
        %get3A_261 = vector.shape_cast %get3A_260 : vector<1x16xf32> to vector<16xf32>
        %sub3A_262 = arith.subf %get3A_255, %get3A_261 : vector<16xf32>
        %max3A_263 = arith.maximumf %max3A_249, %sub3A_262 : vector<16xf32>
        %add3A_264 = arith.constant 12 : i32
        %add3A_265 = arith.addi %mul3A_103, %add3A_264 : i32
        %get3A_266 = arith.index_cast %add3A_265 : i32 to index
        %get3A_267 = arith.constant 0 : index
        %get3A_268 = tpu.vector_load %arg8[%get3A_266, %get3A_267] {strides = array<i32>} : memref<128x128xf32, #tpu.memory_space<vmem>>, vector<1x16xf32>,
        %get3A_269 = vector.shape_cast %get3A_268 : vector<1x16xf32> to vector<16xf32>
        %add3A_270 = arith.constant 12 : i32
        %add3A_271 = arith.addi %mul3A_103, %add3A_270 : i32
        %get3A_272 = arith.index_cast %add3A_271 : i32 to index
        %get3A_273 = arith.constant 0 : index
        %get3A_274 = tpu.vector_load %arg9[%get3A_272, %get3A_273] {strides = array<i32>} : memref<128x128xf32, #tpu.memory_space<vmem>>, vector<1x16xf32>,
        %get3A_275 = vector.shape_cast %get3A_274 : vector<1x16xf32> to vector<16xf32>
        %sub3A_276 = arith.subf %get3A_269, %get3A_275 : vector<16xf32>
        %max3A_277 = arith.maximumf %max3A_263, %sub3A_276 : vector<16xf32>
        %add3A_278 = arith.constant 13 : i32
        %add3A_279 = arith.addi %mul3A_103, %add3A_278 : i32
        %get3A_280 = arith.index_cast %add3A_279 : i32 to index
        %get3A_281 = arith.constant 0 : index
        %get3A_282 = tpu.vector_load %arg8[%get3A_280, %get3A_281] {strides = array<i32>} : memref<128x128xf32, #tpu.memory_space<vmem>>, vector<1x16xf32>,
        %get3A_283 = vector.shape_cast %get3A_282 : vector<1x16xf32> to vector<16xf32>
        %add3A_284 = arith.constant 13 : i32
        %add3A_285 = arith.addi %mul3A_103, %add3A_284 : i32
        %get3A_286 = arith.index_cast %add3A_285 : i32 to index
        %get3A_287 = arith.constant 0 : index
        %get3A_288 = tpu.vector_load %arg9[%get3A_286, %get3A_287] {strides = array<i32>} : memref<128x128xf32, #tpu.memory_space<vmem>>, vector<1x16xf32>,
        %get3A_289 = vector.shape_cast %get3A_288 : vector<1x16xf32> to vector<16xf32>
        %sub3A_290 = arith.subf %get3A_283, %get3A_289 : vector<16xf32>
        %max3A_291 = arith.maximumf %max3A_277, %sub3A_290 : vector<16xf32>
        %add3A_292 = arith.constant 14 : i32
        %add3A_293 = arith.addi %mul3A_103, %add3A_292 : i32
        %get3A_294 = arith.index_cast %add3A_293 : i32 to index
        %get3A_295 = arith.constant 0 : index
        %get3A_296 = tpu.vector_load %arg8[%get3A_294, %get3A_295] {strides = array<i32>} : memref<128x128xf32, #tpu.memory_space<vmem>>, vector<1x16xf32>,
        %get3A_297 = vector.shape_cast %get3A_296 : vector<1x16xf32> to vector<16xf32>
        %add3A_298 = arith.constant 14 : i32
        %add3A_299 = arith.addi %mul3A_103, %add3A_298 : i32
        %get3A_300 = arith.index_cast %add3A_299 : i32 to index
        %get3A_301 = arith.constant 0 : index
        %get3A_302 = tpu.vector_load %arg9[%get3A_300, %get3A_301] {strides = array<i32>} : memref<128x128xf32, #tpu.memory_space<vmem>>, vector<1x16xf32>,
        %get3A_303 = vector.shape_cast %get3A_302 : vector<1x16xf32> to vector<16xf32>
        %sub3A_304 = arith.subf %get3A_297, %get3A_303 : vector<16xf32>
        %max3A_305 = arith.maximumf %max3A_291, %sub3A_304 : vector<16xf32>
        %add3A_306 = arith.constant 15 : i32
        %add3A_307 = arith.addi %mul3A_103, %add3A_306 : i32
        %get3A_308 = arith.index_cast %add3A_307 : i32 to index
        %get3A_309 = arith.constant 0 : index
        %get3A_310 = tpu.vector_load %arg8[%get3A_308, %get3A_309] {strides = array<i32>} : memref<128x128xf32, #tpu.memory_space<vmem>>, vector<1x16xf32>,
        %get3A_311 = vector.shape_cast %get3A_310 : vector<1x16xf32> to vector<16xf32>
        %add3A_312 = arith.constant 15 : i32
        %add3A_313 = arith.addi %mul3A_103, %add3A_312 : i32
        %get3A_314 = arith.index_cast %add3A_313 : i32 to index
        %get3A_315 = arith.constant 0 : index
        %get3A_316 = tpu.vector_load %arg9[%get3A_314, %get3A_315] {strides = array<i32>} : memref<128x128xf32, #tpu.memory_space<vmem>>, vector<1x16xf32>,
        %get3A_317 = vector.shape_cast %get3A_316 : vector<1x16xf32> to vector<16xf32>
        %sub3A_318 = arith.subf %get3A_311, %get3A_317 : vector<16xf32>
        %max3A_319 = arith.maximumf %max3A_305, %sub3A_318 : vector<16xf32>
        %swap3A = arith.index_cast %scan3A_101 : i32 to index
        %swap3A_320 = arith.constant 0 : index
        %swap3A_321 = tpu.vector_load %arg12[%swap3A, %swap3A_320] {strides = array<i32>} : memref<8x128xf32, #tpu.memory_space<vmem>>, vector<1x16xf32>,
        %swap3A_322 = vector.shape_cast %swap3A_321 : vector<1x16xf32> to vector<16xf32>
        %swap3A_323 = vector.shape_cast %max3A_319 : vector<16xf32> to vector<1x16xf32>
        tpu.vector_store %arg12[%swap3A, %swap3A_320], %swap3A_323 {strides = array<i32>} : memref<8x128xf32, #tpu.memory_space<vmem>>, vector<1x16xf32>,
        %get3A_324 = arith.index_cast %mul3A_103 : i32 to index
        %get3A_325 = arith.constant 16 : index
        %get3A_326 = tpu.vector_load %arg8[%get3A_324, %get3A_325] {strides = array<i32>} : memref<128x128xf32, #tpu.memory_space<vmem>>, vector<1x16xf32>,
        %get3A_327 = vector.shape_cast %get3A_326 : vector<1x16xf32> to vector<16xf32>
        %get3A_328 = arith.index_cast %mul3A_103 : i32 to index
        %get3A_329 = arith.constant 16 : index
        %get3A_330 = tpu.vector_load %arg9[%get3A_328, %get3A_329] {strides = array<i32>} : memref<128x128xf32, #tpu.memory_space<vmem>>, vector<1x16xf32>,
        %get3A_331 = vector.shape_cast %get3A_330 : vector<1x16xf32> to vector<16xf32>
        %sub3A_332 = arith.subf %get3A_327, %get3A_331 : vector<16xf32>
        %add3A_333 = arith.constant 1 : i32
        %add3A_334 = arith.addi %mul3A_103, %add3A_333 : i32
        %get3A_335 = arith.index_cast %add3A_334 : i32 to index
        %get3A_336 = arith.constant 16 : index
        %get3A_337 = tpu.vector_load %arg8[%get3A_335, %get3A_336] {strides = array<i32>} : memref<128x128xf32, #tpu.memory_space<vmem>>, vector<1x16xf32>,
        %get3A_338 = vector.shape_cast %get3A_337 : vector<1x16xf32> to vector<16xf32>
        %add3A_339 = arith.constant 1 : i32
        %add3A_340 = arith.addi %mul3A_103, %add3A_339 : i32
        %get3A_341 = arith.index_cast %add3A_340 : i32 to index
        %get3A_342 = arith.constant 16 : index
        %get3A_343 = tpu.vector_load %arg9[%get3A_341, %get3A_342] {strides = array<i32>} : memref<128x128xf32, #tpu.memory_space<vmem>>, vector<1x16xf32>,
        %get3A_344 = vector.shape_cast %get3A_343 : vector<1x16xf32> to vector<16xf32>
        %sub3A_345 = arith.subf %get3A_338, %get3A_344 : vector<16xf32>
        %max3A_346 = arith.maximumf %sub3A_332, %sub3A_345 : vector<16xf32>
        %add3A_347 = arith.constant 2 : i32
        %add3A_348 = arith.addi %mul3A_103, %add3A_347 : i32
        %get3A_349 = arith.index_cast %add3A_348 : i32 to index
        %get3A_350 = arith.constant 16 : index
        %get3A_351 = tpu.vector_load %arg8[%get3A_349, %get3A_350] {strides = array<i32>} : memref<128x128xf32, #tpu.memory_space<vmem>>, vector<1x16xf32>,
        %get3A_352 = vector.shape_cast %get3A_351 : vector<1x16xf32> to vector<16xf32>
        %add3A_353 = arith.constant 2 : i32
        %add3A_354 = arith.addi %mul3A_103, %add3A_353 : i32
        %get3A_355 = arith.index_cast %add3A_354 : i32 to index
        %get3A_356 = arith.constant 16 : index
        %get3A_357 = tpu.vector_load %arg9[%get3A_355, %get3A_356] {strides = array<i32>} : memref<128x128xf32, #tpu.memory_space<vmem>>, vector<1x16xf32>,
        %get3A_358 = vector.shape_cast %get3A_357 : vector<1x16xf32> to vector<16xf32>
        %sub3A_359 = arith.subf %get3A_352, %get3A_358 : vector<16xf32>
        %max3A_360 = arith.maximumf %max3A_346, %sub3A_359 : vector<16xf32>
        %add3A_361 = arith.constant 3 : i32
        %add3A_362 = arith.addi %mul3A_103, %add3A_361 : i32
        %get3A_363 = arith.index_cast %add3A_362 : i32 to index
        %get3A_364 = arith.constant 16 : index
        %get3A_365 = tpu.vector_load %arg8[%get3A_363, %get3A_364] {strides = array<i32>} : memref<128x128xf32, #tpu.memory_space<vmem>>, vector<1x16xf32>,
        %get3A_366 = vector.shape_cast %get3A_365 : vector<1x16xf32> to vector<16xf32>
        %add3A_367 = arith.constant 3 : i32
        %add3A_368 = arith.addi %mul3A_103, %add3A_367 : i32
        %get3A_369 = arith.index_cast %add3A_368 : i32 to index
        %get3A_370 = arith.constant 16 : index
        %get3A_371 = tpu.vector_load %arg9[%get3A_369, %get3A_370] {strides = array<i32>} : memref<128x128xf32, #tpu.memory_space<vmem>>, vector<1x16xf32>,
        %get3A_372 = vector.shape_cast %get3A_371 : vector<1x16xf32> to vector<16xf32>
        %sub3A_373 = arith.subf %get3A_366, %get3A_372 : vector<16xf32>
        %max3A_374 = arith.maximumf %max3A_360, %sub3A_373 : vector<16xf32>
        %add3A_375 = arith.constant 4 : i32
        %add3A_376 = arith.addi %mul3A_103, %add3A_375 : i32
        %get3A_377 = arith.index_cast %add3A_376 : i32 to index
        %get3A_378 = arith.constant 16 : index
        %get3A_379 = tpu.vector_load %arg8[%get3A_377, %get3A_378] {strides = array<i32>} : memref<128x128xf32, #tpu.memory_space<vmem>>, vector<1x16xf32>,
        %get3A_380 = vector.shape_cast %get3A_379 : vector<1x16xf32> to vector<16xf32>
        %add3A_381 = arith.constant 4 : i32
        %add3A_382 = arith.addi %mul3A_103, %add3A_381 : i32
        %get3A_383 = arith.index_cast %add3A_382 : i32 to index
        %get3A_384 = arith.constant 16 : index
        %get3A_385 = tpu.vector_load %arg9[%get3A_383, %get3A_384] {strides = array<i32>} : memref<128x128xf32, #tpu.memory_space<vmem>>, vector<1x16xf32>,
        %get3A_386 = vector.shape_cast %get3A_385 : vector<1x16xf32> to vector<16xf32>
        %sub3A_387 = arith.subf %get3A_380, %get3A_386 : vector<16xf32>
        %max3A_388 = arith.maximumf %max3A_374, %sub3A_387 : vector<16xf32>
        %add3A_389 = arith.constant 5 : i32
        %add3A_390 = arith.addi %mul3A_103, %add3A_389 : i32
        %get3A_391 = arith.index_cast %add3A_390 : i32 to index
        %get3A_392 = arith.constant 16 : index
        %get3A_393 = tpu.vector_load %arg8[%get3A_391, %get3A_392] {strides = array<i32>} : memref<128x128xf32, #tpu.memory_space<vmem>>, vector<1x16xf32>,
        %get3A_394 = vector.shape_cast %get3A_393 : vector<1x16xf32> to vector<16xf32>
        %add3A_395 = arith.constant 5 : i32
        %add3A_396 = arith.addi %mul3A_103, %add3A_395 : i32
        %get3A_397 = arith.index_cast %add3A_396 : i32 to index
        %get3A_398 = arith.constant 16 : index
        %get3A_399 = tpu.vector_load %arg9[%get3A_397, %get3A_398] {strides = array<i32>} : memref<128x128xf32, #tpu.memory_space<vmem>>, vector<1x16xf32>,
        %get3A_400 = vector.shape_cast %get3A_399 : vector<1x16xf32> to vector<16xf32>
        %sub3A_401 = arith.subf %get3A_394, %get3A_400 : vector<16xf32>
        %max3A_402 = arith.maximumf %max3A_388, %sub3A_401 : vector<16xf32>
        %add3A_403 = arith.constant 6 : i32
        %add3A_404 = arith.addi %mul3A_103, %add3A_403 : i32
        %get3A_405 = arith.index_cast %add3A_404 : i32 to index
        %get3A_406 = arith.constant 16 : index
        %get3A_407 = tpu.vector_load %arg8[%get3A_405, %get3A_406] {strides = array<i32>} : memref<128x128xf32, #tpu.memory_space<vmem>>, vector<1x16xf32>,
        %get3A_408 = vector.shape_cast %get3A_407 : vector<1x16xf32> to vector<16xf32>
        %add3A_409 = arith.constant 6 : i32
        %add3A_410 = arith.addi %mul3A_103, %add3A_409 : i32
        %get3A_411 = arith.index_cast %add3A_410 : i32 to index
        %get3A_412 = arith.constant 16 : index
        %get3A_413 = tpu.vector_load %arg9[%get3A_411, %get3A_412] {strides = array<i32>} : memref<128x128xf32, #tpu.memory_space<vmem>>, vector<1x16xf32>,
        %get3A_414 = vector.shape_cast %get3A_413 : vector<1x16xf32> to vector<16xf32>
        %sub3A_415 = arith.subf %get3A_408, %get3A_414 : vector<16xf32>
        %max3A_416 = arith.maximumf %max3A_402, %sub3A_415 : vector<16xf32>
        %add3A_417 = arith.constant 7 : i32
        %add3A_418 = arith.addi %mul3A_103, %add3A_417 : i32
        %get3A_419 = arith.index_cast %add3A_418 : i32 to index
        %get3A_420 = arith.constant 16 : index
        %get3A_421 = tpu.vector_load %arg8[%get3A_419, %get3A_420] {strides = array<i32>} : memref<128x128xf32, #tpu.memory_space<vmem>>, vector<1x16xf32>,
        %get3A_422 = vector.shape_cast %get3A_421 : vector<1x16xf32> to vector<16xf32>
        %add3A_423 = arith.constant 7 : i32
        %add3A_424 = arith.addi %mul3A_103, %add3A_423 : i32
        %get3A_425 = arith.index_cast %add3A_424 : i32 to index
        %get3A_426 = arith.constant 16 : index
        %get3A_427 = tpu.vector_load %arg9[%get3A_425, %get3A_426] {strides = array<i32>} : memref<128x128xf32, #tpu.memory_space<vmem>>, vector<1x16xf32>,
        %get3A_428 = vector.shape_cast %get3A_427 : vector<1x16xf32> to vector<16xf32>
        %sub3A_429 = arith.subf %get3A_422, %get3A_428 : vector<16xf32>
        %max3A_430 = arith.maximumf %max3A_416, %sub3A_429 : vector<16xf32>
        %add3A_431 = arith.constant 8 : i32
        %add3A_432 = arith.addi %mul3A_103, %add3A_431 : i32
        %get3A_433 = arith.index_cast %add3A_432 : i32 to index
        %get3A_434 = arith.constant 16 : index
        %get3A_435 = tpu.vector_load %arg8[%get3A_433, %get3A_434] {strides = array<i32>} : memref<128x128xf32, #tpu.memory_space<vmem>>, vector<1x16xf32>,
        %get3A_436 = vector.shape_cast %get3A_435 : vector<1x16xf32> to vector<16xf32>
        %add3A_437 = arith.constant 8 : i32
        %add3A_438 = arith.addi %mul3A_103, %add3A_437 : i32
        %get3A_439 = arith.index_cast %add3A_438 : i32 to index
        %get3A_440 = arith.constant 16 : index
        %get3A_441 = tpu.vector_load %arg9[%get3A_439, %get3A_440] {strides = array<i32>} : memref<128x128xf32, #tpu.memory_space<vmem>>, vector<1x16xf32>,
        %get3A_442 = vector.shape_cast %get3A_441 : vector<1x16xf32> to vector<16xf32>
        %sub3A_443 = arith.subf %get3A_436, %get3A_442 : vector<16xf32>
        %max3A_444 = arith.maximumf %max3A_430, %sub3A_443 : vector<16xf32>
        %add3A_445 = arith.constant 9 : i32
        %add3A_446 = arith.addi %mul3A_103, %add3A_445 : i32
        %get3A_447 = arith.index_cast %add3A_446 : i32 to index
        %get3A_448 = arith.constant 16 : index
        %get3A_449 = tpu.vector_load %arg8[%get3A_447, %get3A_448] {strides = array<i32>} : memref<128x128xf32, #tpu.memory_space<vmem>>, vector<1x16xf32>,
        %get3A_450 = vector.shape_cast %get3A_449 : vector<1x16xf32> to vector<16xf32>
        %add3A_451 = arith.constant 9 : i32
        %add3A_452 = arith.addi %mul3A_103, %add3A_451 : i32
        %get3A_453 = arith.index_cast %add3A_452 : i32 to index
        %get3A_454 = arith.constant 16 : index
        %get3A_455 = tpu.vector_load %arg9[%get3A_453, %get3A_454] {strides = array<i32>} : memref<128x128xf32, #tpu.memory_space<vmem>>, vector<1x16xf32>,
        %get3A_456 = vector.shape_cast %get3A_455 : vector<1x16xf32> to vector<16xf32>
        %sub3A_457 = arith.subf %get3A_450, %get3A_456 : vector<16xf32>
        %max3A_458 = arith.maximumf %max3A_444, %sub3A_457 : vector<16xf32>
        %add3A_459 = arith.constant 10 : i32
        %add3A_460 = arith.addi %mul3A_103, %add3A_459 : i32
        %get3A_461 = arith.index_cast %add3A_460 : i32 to index
        %get3A_462 = arith.constant 16 : index
        %get3A_463 = tpu.vector_load %arg8[%get3A_461, %get3A_462] {strides = array<i32>} : memref<128x128xf32, #tpu.memory_space<vmem>>, vector<1x16xf32>,
        %get3A_464 = vector.shape_cast %get3A_463 : vector<1x16xf32> to vector<16xf32>
        %add3A_465 = arith.constant 10 : i32
        %add3A_466 = arith.addi %mul3A_103, %add3A_465 : i32
        %get3A_467 = arith.index_cast %add3A_466 : i32 to index
        %get3A_468 = arith.constant 16 : index
        %get3A_469 = tpu.vector_load %arg9[%get3A_467, %get3A_468] {strides = array<i32>} : memref<128x128xf32, #tpu.memory_space<vmem>>, vector<1x16xf32>,
        %get3A_470 = vector.shape_cast %get3A_469 : vector<1x16xf32> to vector<16xf32>
        %sub3A_471 = arith.subf %get3A_464, %get3A_470 : vector<16xf32>
        %max3A_472 = arith.maximumf %max3A_458, %sub3A_471 : vector<16xf32>
        %add3A_473 = arith.constant 11 : i32
        %add3A_474 = arith.addi %mul3A_103, %add3A_473 : i32
        %get3A_475 = arith.index_cast %add3A_474 : i32 to index
        %get3A_476 = arith.constant 16 : index
        %get3A_477 = tpu.vector_load %arg8[%get3A_475, %get3A_476] {strides = array<i32>} : memref<128x128xf32, #tpu.memory_space<vmem>>, vector<1x16xf32>,
        %get3A_478 = vector.shape_cast %get3A_477 : vector<1x16xf32> to vector<16xf32>
        %add3A_479 = arith.constant 11 : i32
        %add3A_480 = arith.addi %mul3A_103, %add3A_479 : i32
        %get3A_481 = arith.index_cast %add3A_480 : i32 to index
        %get3A_482 = arith.constant 16 : index
        %get3A_483 = tpu.vector_load %arg9[%get3A_481, %get3A_482] {strides = array<i32>} : memref<128x128xf32, #tpu.memory_space<vmem>>, vector<1x16xf32>,
        %get3A_484 = vector.shape_cast %get3A_483 : vector<1x16xf32> to vector<16xf32>
        %sub3A_485 = arith.subf %get3A_478, %get3A_484 : vector<16xf32>
        %max3A_486 = arith.maximumf %max3A_472, %sub3A_485 : vector<16xf32>
        %add3A_487 = arith.constant 12 : i32
        %add3A_488 = arith.addi %mul3A_103, %add3A_487 : i32
        %get3A_489 = arith.index_cast %add3A_488 : i32 to index
        %get3A_490 = arith.constant 16 : index
        %get3A_491 = tpu.vector_load %arg8[%get3A_489, %get3A_490] {strides = array<i32>} : memref<128x128xf32, #tpu.memory_space<vmem>>, vector<1x16xf32>,
        %get3A_492 = vector.shape_cast %get3A_491 : vector<1x16xf32> to vector<16xf32>
        %add3A_493 = arith.constant 12 : i32
        %add3A_494 = arith.addi %mul3A_103, %add3A_493 : i32
        %get3A_495 = arith.index_cast %add3A_494 : i32 to index
        %get3A_496 = arith.constant 16 : index
        %get3A_497 = tpu.vector_load %arg9[%get3A_495, %get3A_496] {strides = array<i32>} : memref<128x128xf32, #tpu.memory_space<vmem>>, vector<1x16xf32>,
        %get3A_498 = vector.shape_cast %get3A_497 : vector<1x16xf32> to vector<16xf32>
        %sub3A_499 = arith.subf %get3A_492, %get3A_498 : vector<16xf32>
        %max3A_500 = arith.maximumf %max3A_486, %sub3A_499 : vector<16xf32>
        %add3A_501 = arith.constant 13 : i32
        %add3A_502 = arith.addi %mul3A_103, %add3A_501 : i32
        %get3A_503 = arith.index_cast %add3A_502 : i32 to index
        %get3A_504 = arith.constant 16 : index
        %get3A_505 = tpu.vector_load %arg8[%get3A_503, %get3A_504] {strides = array<i32>} : memref<128x128xf32, #tpu.memory_space<vmem>>, vector<1x16xf32>,
        %get3A_506 = vector.shape_cast %get3A_505 : vector<1x16xf32> to vector<16xf32>
        %add3A_507 = arith.constant 13 : i32
        %add3A_508 = arith.addi %mul3A_103, %add3A_507 : i32
        %get3A_509 = arith.index_cast %add3A_508 : i32 to index
        %get3A_510 = arith.constant 16 : index
        %get3A_511 = tpu.vector_load %arg9[%get3A_509, %get3A_510] {strides = array<i32>} : memref<128x128xf32, #tpu.memory_space<vmem>>, vector<1x16xf32>,
        %get3A_512 = vector.shape_cast %get3A_511 : vector<1x16xf32> to vector<16xf32>
        %sub3A_513 = arith.subf %get3A_506, %get3A_512 : vector<16xf32>
        %max3A_514 = arith.maximumf %max3A_500, %sub3A_513 : vector<16xf32>
        %add3A_515 = arith.constant 14 : i32
        %add3A_516 = arith.addi %mul3A_103, %add3A_515 : i32
        %get3A_517 = arith.index_cast %add3A_516 : i32 to index
        %get3A_518 = arith.constant 16 : index
        %get3A_519 = tpu.vector_load %arg8[%get3A_517, %get3A_518] {strides = array<i32>} : memref<128x128xf32, #tpu.memory_space<vmem>>, vector<1x16xf32>,
        %get3A_520 = vector.shape_cast %get3A_519 : vector<1x16xf32> to vector<16xf32>
        %add3A_521 = arith.constant 14 : i32
        %add3A_522 = arith.addi %mul3A_103, %add3A_521 : i32
        %get3A_523 = arith.index_cast %add3A_522 : i32 to index
        %get3A_524 = arith.constant 16 : index
        %get3A_525 = tpu.vector_load %arg9[%get3A_523, %get3A_524] {strides = array<i32>} : memref<128x128xf32, #tpu.memory_space<vmem>>, vector<1x16xf32>,
        %get3A_526 = vector.shape_cast %get3A_525 : vector<1x16xf32> to vector<16xf32>
        %sub3A_527 = arith.subf %get3A_520, %get3A_526 : vector<16xf32>
        %max3A_528 = arith.maximumf %max3A_514, %sub3A_527 : vector<16xf32>
        %add3A_529 = arith.constant 15 : i32
        %add3A_530 = arith.addi %mul3A_103, %add3A_529 : i32
        %get3A_531 = arith.index_cast %add3A_530 : i32 to index
        %get3A_532 = arith.constant 16 : index
        %get3A_533 = tpu.vector_load %arg8[%get3A_531, %get3A_532] {strides = array<i32>} : memref<128x128xf32, #tpu.memory_space<vmem>>, vector<1x16xf32>,
        %get3A_534 = vector.shape_cast %get3A_533 : vector<1x16xf32> to vector<16xf32>
        %add3A_535 = arith.constant 15 : i32
        %add3A_536 = arith.addi %mul3A_103, %add3A_535 : i32
        %get3A_537 = arith.index_cast %add3A_536 : i32 to index
        %get3A_538 = arith.constant 16 : index
        %get3A_539 = tpu.vector_load %arg9[%get3A_537, %get3A_538] {strides = array<i32>} : memref<128x128xf32, #tpu.memory_space<vmem>>, vector<1x16xf32>,
        %get3A_540 = vector.shape_cast %get3A_539 : vector<1x16xf32> to vector<16xf32>
        %sub3A_541 = arith.subf %get3A_534, %get3A_540 : vector<16xf32>
        %max3A_542 = arith.maximumf %max3A_528, %sub3A_541 : vector<16xf32>
        %swap3A_543 = arith.index_cast %scan3A_101 : i32 to index
        %swap3A_544 = arith.constant 16 : index
        %swap3A_545 = tpu.vector_load %arg12[%swap3A_543, %swap3A_544] {strides = array<i32>} : memref<8x128xf32, #tpu.memory_space<vmem>>, vector<1x16xf32>,
        %swap3A_546 = vector.shape_cast %swap3A_545 : vector<1x16xf32> to vector<16xf32>
        %swap3A_547 = vector.shape_cast %max3A_542 : vector<16xf32> to vector<1x16xf32>
        tpu.vector_store %arg12[%swap3A_543, %swap3A_544], %swap3A_547 {strides = array<i32>} : memref<8x128xf32, #tpu.memory_space<vmem>>, vector<1x16xf32>,
        %get3A_548 = arith.index_cast %mul3A_103 : i32 to index
        %get3A_549 = arith.constant 32 : index
        %get3A_550 = tpu.vector_load %arg8[%get3A_548, %get3A_549] {strides = array<i32>} : memref<128x128xf32, #tpu.memory_space<vmem>>, vector<1x16xf32>,
        %get3A_551 = vector.shape_cast %get3A_550 : vector<1x16xf32> to vector<16xf32>
        %get3A_552 = arith.index_cast %mul3A_103 : i32 to index
        %get3A_553 = arith.constant 32 : index
        %get3A_554 = tpu.vector_load %arg9[%get3A_552, %get3A_553] {strides = array<i32>} : memref<128x128xf32, #tpu.memory_space<vmem>>, vector<1x16xf32>,
        %get3A_555 = vector.shape_cast %get3A_554 : vector<1x16xf32> to vector<16xf32>
        %sub3A_556 = arith.subf %get3A_551, %get3A_555 : vector<16xf32>
        %add3A_557 = arith.constant 1 : i32
        %add3A_558 = arith.addi %mul3A_103, %add3A_557 : i32
        %get3A_559 = arith.index_cast %add3A_558 : i32 to index
        %get3A_560 = arith.constant 32 : index
        %get3A_561 = tpu.vector_load %arg8[%get3A_559, %get3A_560] {strides = array<i32>} : memref<128x128xf32, #tpu.memory_space<vmem>>, vector<1x16xf32>,
        %get3A_562 = vector.shape_cast %get3A_561 : vector<1x16xf32> to vector<16xf32>
        %add3A_563 = arith.constant 1 : i32
        %add3A_564 = arith.addi %mul3A_103, %add3A_563 : i32
        %get3A_565 = arith.index_cast %add3A_564 : i32 to index
        %get3A_566 = arith.constant 32 : index
        %get3A_567 = tpu.vector_load %arg9[%get3A_565, %get3A_566] {strides = array<i32>} : memref<128x128xf32, #tpu.memory_space<vmem>>, vector<1x16xf32>,
        %get3A_568 = vector.shape_cast %get3A_567 : vector<1x16xf32> to vector<16xf32>
        %sub3A_569 = arith.subf %get3A_562, %get3A_568 : vector<16xf32>
        %max3A_570 = arith.maximumf %sub3A_556, %sub3A_569 : vector<16xf32>
        %add3A_571 = arith.constant 2 : i32
        %add3A_572 = arith.addi %mul3A_103, %add3A_571 : i32
        %get3A_573 = arith.index_cast %add3A_572 : i32 to index
        %get3A_574 = arith.constant 32 : index
        %get3A_575 = tpu.vector_load %arg8[%get3A_573, %get3A_574] {strides = array<i32>} : memref<128x128xf32, #tpu.memory_space<vmem>>, vector<1x16xf32>,
        %get3A_576 = vector.shape_cast %get3A_575 : vector<1x16xf32> to vector<16xf32>
        %add3A_577 = arith.constant 2 : i32
        %add3A_578 = arith.addi %mul3A_103, %add3A_577 : i32
        %get3A_579 = arith.index_cast %add3A_578 : i32 to index
        %get3A_580 = arith.constant 32 : index
        %get3A_581 = tpu.vector_load %arg9[%get3A_579, %get3A_580] {strides = array<i32>} : memref<128x128xf32, #tpu.memory_space<vmem>>, vector<1x16xf32>,
        %get3A_582 = vector.shape_cast %get3A_581 : vector<1x16xf32> to vector<16xf32>
        %sub3A_583 = arith.subf %get3A_576, %get3A_582 : vector<16xf32>
        %max3A_584 = arith.maximumf %max3A_570, %sub3A_583 : vector<16xf32>
        %add3A_585 = arith.constant 3 : i32
        %add3A_586 = arith.addi %mul3A_103, %add3A_585 : i32
        %get3A_587 = arith.index_cast %add3A_586 : i32 to index
        %get3A_588 = arith.constant 32 : index
        %get3A_589 = tpu.vector_load %arg8[%get3A_587, %get3A_588] {strides = array<i32>} : memref<128x128xf32, #tpu.memory_space<vmem>>, vector<1x16xf32>,
        %get3A_590 = vector.shape_cast %get3A_589 : vector<1x16xf32> to vector<16xf32>
        %add3A_591 = arith.constant 3 : i32
        %add3A_592 = arith.addi %mul3A_103, %add3A_591 : i32
        %get3A_593 = arith.index_cast %add3A_592 : i32 to index
        %get3A_594 = arith.constant 32 : index
        %get3A_595 = tpu.vector_load %arg9[%get3A_593, %get3A_594] {strides = array<i32>} : memref<128x128xf32, #tpu.memory_space<vmem>>, vector<1x16xf32>,
        %get3A_596 = vector.shape_cast %get3A_595 : vector<1x16xf32> to vector<16xf32>
        %sub3A_597 = arith.subf %get3A_590, %get3A_596 : vector<16xf32>
        %max3A_598 = arith.maximumf %max3A_584, %sub3A_597 : vector<16xf32>
        %add3A_599 = arith.constant 4 : i32
        %add3A_600 = arith.addi %mul3A_103, %add3A_599 : i32
        %get3A_601 = arith.index_cast %add3A_600 : i32 to index
        %get3A_602 = arith.constant 32 : index
        %get3A_603 = tpu.vector_load %arg8[%get3A_601, %get3A_602] {strides = array<i32>} : memref<128x128xf32, #tpu.memory_space<vmem>>, vector<1x16xf32>,
        %get3A_604 = vector.shape_cast %get3A_603 : vector<1x16xf32> to vector<16xf32>
        %add3A_605 = arith.constant 4 : i32
        %add3A_606 = arith.addi %mul3A_103, %add3A_605 : i32
        %get3A_607 = arith.index_cast %add3A_606 : i32 to index
        %get3A_608 = arith.constant 32 : index
        %get3A_609 = tpu.vector_load %arg9[%get3A_607, %get3A_608] {strides = array<i32>} : memref<128x128xf32, #tpu.memory_space<vmem>>, vector<1x16xf32>,
        %get3A_610 = vector.shape_cast %get3A_609 : vector<1x16xf32> to vector<16xf32>
        %sub3A_611 = arith.subf %get3A_604, %get3A_610 : vector<16xf32>
        %max3A_612 = arith.maximumf %max3A_598, %sub3A_611 : vector<16xf32>
        %add3A_613 = arith.constant 5 : i32
        %add3A_614 = arith.addi %mul3A_103, %add3A_613 : i32
        %get3A_615 = arith.index_cast %add3A_614 : i32 to index
        %get3A_616 = arith.constant 32 : index
        %get3A_617 = tpu.vector_load %arg8[%get3A_615, %get3A_616] {strides = array<i32>} : memref<128x128xf32, #tpu.memory_space<vmem>>, vector<1x16xf32>,
        %get3A_618 = vector.shape_cast %get3A_617 : vector<1x16xf32> to vector<16xf32>
        %add3A_619 = arith.constant 5 : i32
        %add3A_620 = arith.addi %mul3A_103, %add3A_619 : i32
        %get3A_621 = arith.index_cast %add3A_620 : i32 to index
        %get3A_622 = arith.constant 32 : index
        %get3A_623 = tpu.vector_load %arg9[%get3A_621, %get3A_622] {strides = array<i32>} : memref<128x128xf32, #tpu.memory_space<vmem>>, vector<1x16xf32>,
        %get3A_624 = vector.shape_cast %get3A_623 : vector<1x16xf32> to vector<16xf32>
        %sub3A_625 = arith.subf %get3A_618, %get3A_624 : vector<16xf32>
        %max3A_626 = arith.maximumf %max3A_612, %sub3A_625 : vector<16xf32>
        %add3A_627 = arith.constant 6 : i32
        %add3A_628 = arith.addi %mul3A_103, %add3A_627 : i32
        %get3A_629 = arith.index_cast %add3A_628 : i32 to index
        %get3A_630 = arith.constant 32 : index
        %get3A_631 = tpu.vector_load %arg8[%get3A_629, %get3A_630] {strides = array<i32>} : memref<128x128xf32, #tpu.memory_space<vmem>>, vector<1x16xf32>,
        %get3A_632 = vector.shape_cast %get3A_631 : vector<1x16xf32> to vector<16xf32>
        %add3A_633 = arith.constant 6 : i32
        %add3A_634 = arith.addi %mul3A_103, %add3A_633 : i32
        %get3A_635 = arith.index_cast %add3A_634 : i32 to index
        %get3A_636 = arith.constant 32 : index
        %get3A_637 = tpu.vector_load %arg9[%get3A_635, %get3A_636] {strides = array<i32>} : memref<128x128xf32, #tpu.memory_space<vmem>>, vector<1x16xf32>,
        %get3A_638 = vector.shape_cast %get3A_637 : vector<1x16xf32> to vector<16xf32>
        %sub3A_639 = arith.subf %get3A_632, %get3A_638 : vector<16xf32>
        %max3A_640 = arith.maximumf %max3A_626, %sub3A_639 : vector<16xf32>
        %add3A_641 = arith.constant 7 : i32
        %add3A_642 = arith.addi %mul3A_103, %add3A_641 : i32
        %get3A_643 = arith.index_cast %add3A_642 : i32 to index
        %get3A_644 = arith.constant 32 : index
        %get3A_645 = tpu.vector_load %arg8[%get3A_643, %get3A_644] {strides = array<i32>} : memref<128x128xf32, #tpu.memory_space<vmem>>, vector<1x16xf32>,
        %get3A_646 = vector.shape_cast %get3A_645 : vector<1x16xf32> to vector<16xf32>
        %add3A_647 = arith.constant 7 : i32
        %add3A_648 = arith.addi %mul3A_103, %add3A_647 : i32
        %get3A_649 = arith.index_cast %add3A_648 : i32 to index
        %get3A_650 = arith.constant 32 : index
        %get3A_651 = tpu.vector_load %arg9[%get3A_649, %get3A_650] {strides = array<i32>} : memref<128x128xf32, #tpu.memory_space<vmem>>, vector<1x16xf32>,
        %get3A_652 = vector.shape_cast %get3A_651 : vector<1x16xf32> to vector<16xf32>
        %sub3A_653 = arith.subf %get3A_646, %get3A_652 : vector<16xf32>
        %max3A_654 = arith.maximumf %max3A_640, %sub3A_653 : vector<16xf32>
        %add3A_655 = arith.constant 8 : i32
        %add3A_656 = arith.addi %mul3A_103, %add3A_655 : i32
        %get3A_657 = arith.index_cast %add3A_656 : i32 to index
        %get3A_658 = arith.constant 32 : index
        %get3A_659 = tpu.vector_load %arg8[%get3A_657, %get3A_658] {strides = array<i32>} : memref<128x128xf32, #tpu.memory_space<vmem>>, vector<1x16xf32>,
        %get3A_660 = vector.shape_cast %get3A_659 : vector<1x16xf32> to vector<16xf32>
        %add3A_661 = arith.constant 8 : i32
        %add3A_662 = arith.addi %mul3A_103, %add3A_661 : i32
        %get3A_663 = arith.index_cast %add3A_662 : i32 to index
        %get3A_664 = arith.constant 32 : index
        %get3A_665 = tpu.vector_load %arg9[%get3A_663, %get3A_664] {strides = array<i32>} : memref<128x128xf32, #tpu.memory_space<vmem>>, vector<1x16xf32>,
        %get3A_666 = vector.shape_cast %get3A_665 : vector<1x16xf32> to vector<16xf32>
        %sub3A_667 = arith.subf %get3A_660, %get3A_666 : vector<16xf32>
        %max3A_668 = arith.maximumf %max3A_654, %sub3A_667 : vector<16xf32>
        %add3A_669 = arith.constant 9 : i32
        %add3A_670 = arith.addi %mul3A_103, %add3A_669 : i32
        %get3A_671 = arith.index_cast %add3A_670 : i32 to index
        %get3A_672 = arith.constant 32 : index
        %get3A_673 = tpu.vector_load %arg8[%get3A_671, %get3A_672] {strides = array<i32>} : memref<128x128xf32, #tpu.memory_space<vmem>>, vector<1x16xf32>,
        %get3A_674 = vector.shape_cast %get3A_673 : vector<1x16xf32> to vector<16xf32>
        %add3A_675 = arith.constant 9 : i32
        %add3A_676 = arith.addi %mul3A_103, %add3A_675 : i32
        %get3A_677 = arith.index_cast %add3A_676 : i32 to index
        %get3A_678 = arith.constant 32 : index
        %get3A_679 = tpu.vector_load %arg9[%get3A_677, %get3A_678] {strides = array<i32>} : memref<128x128xf32, #tpu.memory_space<vmem>>, vector<1x16xf32>,
        %get3A_680 = vector.shape_cast %get3A_679 : vector<1x16xf32> to vector<16xf32>
        %sub3A_681 = arith.subf %get3A_674, %get3A_680 : vector<16xf32>
        %max3A_682 = arith.maximumf %max3A_668, %sub3A_681 : vector<16xf32>
        %add3A_683 = arith.constant 10 : i32
        %add3A_684 = arith.addi %mul3A_103, %add3A_683 : i32
        %get3A_685 = arith.index_cast %add3A_684 : i32 to index
        %get3A_686 = arith.constant 32 : index
        %get3A_687 = tpu.vector_load %arg8[%get3A_685, %get3A_686] {strides = array<i32>} : memref<128x128xf32, #tpu.memory_space<vmem>>, vector<1x16xf32>,
        %get3A_688 = vector.shape_cast %get3A_687 : vector<1x16xf32> to vector<16xf32>
        %add3A_689 = arith.constant 10 : i32
        %add3A_690 = arith.addi %mul3A_103, %add3A_689 : i32
        %get3A_691 = arith.index_cast %add3A_690 : i32 to index
        %get3A_692 = arith.constant 32 : index
        %get3A_693 = tpu.vector_load %arg9[%get3A_691, %get3A_692] {strides = array<i32>} : memref<128x128xf32, #tpu.memory_space<vmem>>, vector<1x16xf32>,
        %get3A_694 = vector.shape_cast %get3A_693 : vector<1x16xf32> to vector<16xf32>
        %sub3A_695 = arith.subf %get3A_688, %get3A_694 : vector<16xf32>
        %max3A_696 = arith.maximumf %max3A_682, %sub3A_695 : vector<16xf32>
        %add3A_697 = arith.constant 11 : i32
        %add3A_698 = arith.addi %mul3A_103, %add3A_697 : i32
        %get3A_699 = arith.index_cast %add3A_698 : i32 to index
        %get3A_700 = arith.constant 32 : index
        %get3A_701 = tpu.vector_load %arg8[%get3A_699, %get3A_700] {strides = array<i32>} : memref<128x128xf32, #tpu.memory_space<vmem>>, vector<1x16xf32>,
        %get3A_702 = vector.shape_cast %get3A_701 : vector<1x16xf32> to vector<16xf32>
        %add3A_703 = arith.constant 11 : i32
        %add3A_704 = arith.addi %mul3A_103, %add3A_703 : i32
        %get3A_705 = arith.index_cast %add3A_704 : i32 to index
        %get3A_706 = arith.constant 32 : index
        %get3A_707 = tpu.vector_load %arg9[%get3A_705, %get3A_706] {strides = array<i32>} : memref<128x128xf32, #tpu.memory_space<vmem>>, vector<1x16xf32>,
        %get3A_708 = vector.shape_cast %get3A_707 : vector<1x16xf32> to vector<16xf32>
        %sub3A_709 = arith.subf %get3A_702, %get3A_708 : vector<16xf32>
        %max3A_710 = arith.maximumf %max3A_696, %sub3A_709 : vector<16xf32>
        %add3A_711 = arith.constant 12 : i32
        %add3A_712 = arith.addi %mul3A_103, %add3A_711 : i32
        %get3A_713 = arith.index_cast %add3A_712 : i32 to index
        %get3A_714 = arith.constant 32 : index
        %get3A_715 = tpu.vector_load %arg8[%get3A_713, %get3A_714] {strides = array<i32>} : memref<128x128xf32, #tpu.memory_space<vmem>>, vector<1x16xf32>,
        %get3A_716 = vector.shape_cast %get3A_715 : vector<1x16xf32> to vector<16xf32>
        %add3A_717 = arith.constant 12 : i32
        %add3A_718 = arith.addi %mul3A_103, %add3A_717 : i32
        %get3A_719 = arith.index_cast %add3A_718 : i32 to index
        %get3A_720 = arith.constant 32 : index
        %get3A_721 = tpu.vector_load %arg9[%get3A_719, %get3A_720] {strides = array<i32>} : memref<128x128xf32, #tpu.memory_space<vmem>>, vector<1x16xf32>,
        %get3A_722 = vector.shape_cast %get3A_721 : vector<1x16xf32> to vector<16xf32>
        %sub3A_723 = arith.subf %get3A_716, %get3A_722 : vector<16xf32>
        %max3A_724 = arith.maximumf %max3A_710, %sub3A_723 : vector<16xf32>
        %add3A_725 = arith.constant 13 : i32
        %add3A_726 = arith.addi %mul3A_103, %add3A_725 : i32
        %get3A_727 = arith.index_cast %add3A_726 : i32 to index
        %get3A_728 = arith.constant 32 : index
        %get3A_729 = tpu.vector_load %arg8[%get3A_727, %get3A_728] {strides = array<i32>} : memref<128x128xf32, #tpu.memory_space<vmem>>, vector<1x16xf32>,
        %get3A_730 = vector.shape_cast %get3A_729 : vector<1x16xf32> to vector<16xf32>
        %add3A_731 = arith.constant 13 : i32
        %add3A_732 = arith.addi %mul3A_103, %add3A_731 : i32
        %get3A_733 = arith.index_cast %add3A_732 : i32 to index
        %get3A_734 = arith.constant 32 : index
        %get3A_735 = tpu.vector_load %arg9[%get3A_733, %get3A_734] {strides = array<i32>} : memref<128x128xf32, #tpu.memory_space<vmem>>, vector<1x16xf32>,
        %get3A_736 = vector.shape_cast %get3A_735 : vector<1x16xf32> to vector<16xf32>
        %sub3A_737 = arith.subf %get3A_730, %get3A_736 : vector<16xf32>
        %max3A_738 = arith.maximumf %max3A_724, %sub3A_737 : vector<16xf32>
        %add3A_739 = arith.constant 14 : i32
        %add3A_740 = arith.addi %mul3A_103, %add3A_739 : i32
        %get3A_741 = arith.index_cast %add3A_740 : i32 to index
        %get3A_742 = arith.constant 32 : index
        %get3A_743 = tpu.vector_load %arg8[%get3A_741, %get3A_742] {strides = array<i32>} : memref<128x128xf32, #tpu.memory_space<vmem>>, vector<1x16xf32>,
        %get3A_744 = vector.shape_cast %get3A_743 : vector<1x16xf32> to vector<16xf32>
        %add3A_745 = arith.constant 14 : i32
        %add3A_746 = arith.addi %mul3A_103, %add3A_745 : i32
        %get3A_747 = arith.index_cast %add3A_746 : i32 to index
        %get3A_748 = arith.constant 32 : index
        %get3A_749 = tpu.vector_load %arg9[%get3A_747, %get3A_748] {strides = array<i32>} : memref<128x128xf32, #tpu.memory_space<vmem>>, vector<1x16xf32>,
        %get3A_750 = vector.shape_cast %get3A_749 : vector<1x16xf32> to vector<16xf32>
        %sub3A_751 = arith.subf %get3A_744, %get3A_750 : vector<16xf32>
        %max3A_752 = arith.maximumf %max3A_738, %sub3A_751 : vector<16xf32>
        %add3A_753 = arith.constant 15 : i32
        %add3A_754 = arith.addi %mul3A_103, %add3A_753 : i32
        %get3A_755 = arith.index_cast %add3A_754 : i32 to index
        %get3A_756 = arith.constant 32 : index
        %get3A_757 = tpu.vector_load %arg8[%get3A_755, %get3A_756] {strides = array<i32>} : memref<128x128xf32, #tpu.memory_space<vmem>>, vector<1x16xf32>,
        %get3A_758 = vector.shape_cast %get3A_757 : vector<1x16xf32> to vector<16xf32>
        %add3A_759 = arith.constant 15 : i32
        %add3A_760 = arith.addi %mul3A_103, %add3A_759 : i32
        %get3A_761 = arith.index_cast %add3A_760 : i32 to index
        %get3A_762 = arith.constant 32 : index
        %get3A_763 = tpu.vector_load %arg9[%get3A_761, %get3A_762] {strides = array<i32>} : memref<128x128xf32, #tpu.memory_space<vmem>>, vector<1x16xf32>,
        %get3A_764 = vector.shape_cast %get3A_763 : vector<1x16xf32> to vector<16xf32>
        %sub3A_765 = arith.subf %get3A_758, %get3A_764 : vector<16xf32>
        %max3A_766 = arith.maximumf %max3A_752, %sub3A_765 : vector<16xf32>
        %swap3A_767 = arith.index_cast %scan3A_101 : i32 to index
        %swap3A_768 = arith.constant 32 : index
        %swap3A_769 = tpu.vector_load %arg12[%swap3A_767, %swap3A_768] {strides = array<i32>} : memref<8x128xf32, #tpu.memory_space<vmem>>, vector<1x16xf32>,
        %swap3A_770 = vector.shape_cast %swap3A_769 : vector<1x16xf32> to vector<16xf32>
        %swap3A_771 = vector.shape_cast %max3A_766 : vector<16xf32> to vector<1x16xf32>
        tpu.vector_store %arg12[%swap3A_767, %swap3A_768], %swap3A_771 {strides = array<i32>} : memref<8x128xf32, #tpu.memory_space<vmem>>, vector<1x16xf32>,
        %get3A_772 = arith.index_cast %mul3A_103 : i32 to index
        %get3A_773 = arith.constant 48 : index
        %get3A_774 = tpu.vector_load %arg8[%get3A_772, %get3A_773] {strides = array<i32>} : memref<128x128xf32, #tpu.memory_space<vmem>>, vector<1x16xf32>,
        %get3A_775 = vector.shape_cast %get3A_774 : vector<1x16xf32> to vector<16xf32>
        %get3A_776 = arith.index_cast %mul3A_103 : i32 to index
        %get3A_777 = arith.constant 48 : index
        %get3A_778 = tpu.vector_load %arg9[%get3A_776, %get3A_777] {strides = array<i32>} : memref<128x128xf32, #tpu.memory_space<vmem>>, vector<1x16xf32>,
        %get3A_779 = vector.shape_cast %get3A_778 : vector<1x16xf32> to vector<16xf32>
        %sub3A_780 = arith.subf %get3A_775, %get3A_779 : vector<16xf32>
        %add3A_781 = arith.constant 1 : i32
        %add3A_782 = arith.addi %mul3A_103, %add3A_781 : i32
        %get3A_783 = arith.index_cast %add3A_782 : i32 to index
        %get3A_784 = arith.constant 48 : index
        %get3A_785 = tpu.vector_load %arg8[%get3A_783, %get3A_784] {strides = array<i32>} : memref<128x128xf32, #tpu.memory_space<vmem>>, vector<1x16xf32>,
        %get3A_786 = vector.shape_cast %get3A_785 : vector<1x16xf32> to vector<16xf32>
        %add3A_787 = arith.constant 1 : i32
        %add3A_788 = arith.addi %mul3A_103, %add3A_787 : i32
        %get3A_789 = arith.index_cast %add3A_788 : i32 to index
        %get3A_790 = arith.constant 48 : index
        %get3A_791 = tpu.vector_load %arg9[%get3A_789, %get3A_790] {strides = array<i32>} : memref<128x128xf32, #tpu.memory_space<vmem>>, vector<1x16xf32>,
        %get3A_792 = vector.shape_cast %get3A_791 : vector<1x16xf32> to vector<16xf32>
        %sub3A_793 = arith.subf %get3A_786, %get3A_792 : vector<16xf32>
        %max3A_794 = arith.maximumf %sub3A_780, %sub3A_793 : vector<16xf32>
        %add3A_795 = arith.constant 2 : i32
        %add3A_796 = arith.addi %mul3A_103, %add3A_795 : i32
        %get3A_797 = arith.index_cast %add3A_796 : i32 to index
        %get3A_798 = arith.constant 48 : index
        %get3A_799 = tpu.vector_load %arg8[%get3A_797, %get3A_798] {strides = array<i32>} : memref<128x128xf32, #tpu.memory_space<vmem>>, vector<1x16xf32>,
        %get3A_800 = vector.shape_cast %get3A_799 : vector<1x16xf32> to vector<16xf32>
        %add3A_801 = arith.constant 2 : i32
        %add3A_802 = arith.addi %mul3A_103, %add3A_801 : i32
        %get3A_803 = arith.index_cast %add3A_802 : i32 to index
        %get3A_804 = arith.constant 48 : index
        %get3A_805 = tpu.vector_load %arg9[%get3A_803, %get3A_804] {strides = array<i32>} : memref<128x128xf32, #tpu.memory_space<vmem>>, vector<1x16xf32>,
        %get3A_806 = vector.shape_cast %get3A_805 : vector<1x16xf32> to vector<16xf32>
        %sub3A_807 = arith.subf %get3A_800, %get3A_806 : vector<16xf32>
        %max3A_808 = arith.maximumf %max3A_794, %sub3A_807 : vector<16xf32>
        %add3A_809 = arith.constant 3 : i32
        %add3A_810 = arith.addi %mul3A_103, %add3A_809 : i32
        %get3A_811 = arith.index_cast %add3A_810 : i32 to index
        %get3A_812 = arith.constant 48 : index
        %get3A_813 = tpu.vector_load %arg8[%get3A_811, %get3A_812] {strides = array<i32>} : memref<128x128xf32, #tpu.memory_space<vmem>>, vector<1x16xf32>,
        %get3A_814 = vector.shape_cast %get3A_813 : vector<1x16xf32> to vector<16xf32>
        %add3A_815 = arith.constant 3 : i32
        %add3A_816 = arith.addi %mul3A_103, %add3A_815 : i32
        %get3A_817 = arith.index_cast %add3A_816 : i32 to index
        %get3A_818 = arith.constant 48 : index
        %get3A_819 = tpu.vector_load %arg9[%get3A_817, %get3A_818] {strides = array<i32>} : memref<128x128xf32, #tpu.memory_space<vmem>>, vector<1x16xf32>,
        %get3A_820 = vector.shape_cast %get3A_819 : vector<1x16xf32> to vector<16xf32>
        %sub3A_821 = arith.subf %get3A_814, %get3A_820 : vector<16xf32>
        %max3A_822 = arith.maximumf %max3A_808, %sub3A_821 : vector<16xf32>
        %add3A_823 = arith.constant 4 : i32
        %add3A_824 = arith.addi %mul3A_103, %add3A_823 : i32
        %get3A_825 = arith.index_cast %add3A_824 : i32 to index
        %get3A_826 = arith.constant 48 : index
        %get3A_827 = tpu.vector_load %arg8[%get3A_825, %get3A_826] {strides = array<i32>} : memref<128x128xf32, #tpu.memory_space<vmem>>, vector<1x16xf32>,
        %get3A_828 = vector.shape_cast %get3A_827 : vector<1x16xf32> to vector<16xf32>
        %add3A_829 = arith.constant 4 : i32
        %add3A_830 = arith.addi %mul3A_103, %add3A_829 : i32
        %get3A_831 = arith.index_cast %add3A_830 : i32 to index
        %get3A_832 = arith.constant 48 : index
        %get3A_833 = tpu.vector_load %arg9[%get3A_831, %get3A_832] {strides = array<i32>} : memref<128x128xf32, #tpu.memory_space<vmem>>, vector<1x16xf32>,
        %get3A_834 = vector.shape_cast %get3A_833 : vector<1x16xf32> to vector<16xf32>
        %sub3A_835 = arith.subf %get3A_828, %get3A_834 : vector<16xf32>
        %max3A_836 = arith.maximumf %max3A_822, %sub3A_835 : vector<16xf32>
        %add3A_837 = arith.constant 5 : i32
        %add3A_838 = arith.addi %mul3A_103, %add3A_837 : i32
        %get3A_839 = arith.index_cast %add3A_838 : i32 to index
        %get3A_840 = arith.constant 48 : index
        %get3A_841 = tpu.vector_load %arg8[%get3A_839, %get3A_840] {strides = array<i32>} : memref<128x128xf32, #tpu.memory_space<vmem>>, vector<1x16xf32>,
        %get3A_842 = vector.shape_cast %get3A_841 : vector<1x16xf32> to vector<16xf32>
        %add3A_843 = arith.constant 5 : i32
        %add3A_844 = arith.addi %mul3A_103, %add3A_843 : i32
        %get3A_845 = arith.index_cast %add3A_844 : i32 to index
        %get3A_846 = arith.constant 48 : index
        %get3A_847 = tpu.vector_load %arg9[%get3A_845, %get3A_846] {strides = array<i32>} : memref<128x128xf32, #tpu.memory_space<vmem>>, vector<1x16xf32>,
        %get3A_848 = vector.shape_cast %get3A_847 : vector<1x16xf32> to vector<16xf32>
        %sub3A_849 = arith.subf %get3A_842, %get3A_848 : vector<16xf32>
        %max3A_850 = arith.maximumf %max3A_836, %sub3A_849 : vector<16xf32>
        %add3A_851 = arith.constant 6 : i32
        %add3A_852 = arith.addi %mul3A_103, %add3A_851 : i32
        %get3A_853 = arith.index_cast %add3A_852 : i32 to index
        %get3A_854 = arith.constant 48 : index
        %get3A_855 = tpu.vector_load %arg8[%get3A_853, %get3A_854] {strides = array<i32>} : memref<128x128xf32, #tpu.memory_space<vmem>>, vector<1x16xf32>,
        %get3A_856 = vector.shape_cast %get3A_855 : vector<1x16xf32> to vector<16xf32>
        %add3A_857 = arith.constant 6 : i32
        %add3A_858 = arith.addi %mul3A_103, %add3A_857 : i32
        %get3A_859 = arith.index_cast %add3A_858 : i32 to index
        %get3A_860 = arith.constant 48 : index
        %get3A_861 = tpu.vector_load %arg9[%get3A_859, %get3A_860] {strides = array<i32>} : memref<128x128xf32, #tpu.memory_space<vmem>>, vector<1x16xf32>,
        %get3A_862 = vector.shape_cast %get3A_861 : vector<1x16xf32> to vector<16xf32>
        %sub3A_863 = arith.subf %get3A_856, %get3A_862 : vector<16xf32>
        %max3A_864 = arith.maximumf %max3A_850, %sub3A_863 : vector<16xf32>
        %add3A_865 = arith.constant 7 : i32
        %add3A_866 = arith.addi %mul3A_103, %add3A_865 : i32
        %get3A_867 = arith.index_cast %add3A_866 : i32 to index
        %get3A_868 = arith.constant 48 : index
        %get3A_869 = tpu.vector_load %arg8[%get3A_867, %get3A_868] {strides = array<i32>} : memref<128x128xf32, #tpu.memory_space<vmem>>, vector<1x16xf32>,
        %get3A_870 = vector.shape_cast %get3A_869 : vector<1x16xf32> to vector<16xf32>
        %add3A_871 = arith.constant 7 : i32
        %add3A_872 = arith.addi %mul3A_103, %add3A_871 : i32
        %get3A_873 = arith.index_cast %add3A_872 : i32 to index
        %get3A_874 = arith.constant 48 : index
        %get3A_875 = tpu.vector_load %arg9[%get3A_873, %get3A_874] {strides = array<i32>} : memref<128x128xf32, #tpu.memory_space<vmem>>, vector<1x16xf32>,
        %get3A_876 = vector.shape_cast %get3A_875 : vector<1x16xf32> to vector<16xf32>
        %sub3A_877 = arith.subf %get3A_870, %get3A_876 : vector<16xf32>
        %max3A_878 = arith.maximumf %max3A_864, %sub3A_877 : vector<16xf32>
        %add3A_879 = arith.constant 8 : i32
        %add3A_880 = arith.addi %mul3A_103, %add3A_879 : i32
        %get3A_881 = arith.index_cast %add3A_880 : i32 to index
        %get3A_882 = arith.constant 48 : index
        %get3A_883 = tpu.vector_load %arg8[%get3A_881, %get3A_882] {strides = array<i32>} : memref<128x128xf32, #tpu.memory_space<vmem>>, vector<1x16xf32>,
        %get3A_884 = vector.shape_cast %get3A_883 : vector<1x16xf32> to vector<16xf32>
        %add3A_885 = arith.constant 8 : i32
        %add3A_886 = arith.addi %mul3A_103, %add3A_885 : i32
        %get3A_887 = arith.index_cast %add3A_886 : i32 to index
        %get3A_888 = arith.constant 48 : index
        %get3A_889 = tpu.vector_load %arg9[%get3A_887, %get3A_888] {strides = array<i32>} : memref<128x128xf32, #tpu.memory_space<vmem>>, vector<1x16xf32>,
        %get3A_890 = vector.shape_cast %get3A_889 : vector<1x16xf32> to vector<16xf32>
        %sub3A_891 = arith.subf %get3A_884, %get3A_890 : vector<16xf32>
        %max3A_892 = arith.maximumf %max3A_878, %sub3A_891 : vector<16xf32>
        %add3A_893 = arith.constant 9 : i32
        %add3A_894 = arith.addi %mul3A_103, %add3A_893 : i32
        %get3A_895 = arith.index_cast %add3A_894 : i32 to index
        %get3A_896 = arith.constant 48 : index
        %get3A_897 = tpu.vector_load %arg8[%get3A_895, %get3A_896] {strides = array<i32>} : memref<128x128xf32, #tpu.memory_space<vmem>>, vector<1x16xf32>,
        %get3A_898 = vector.shape_cast %get3A_897 : vector<1x16xf32> to vector<16xf32>
        %add3A_899 = arith.constant 9 : i32
        %add3A_900 = arith.addi %mul3A_103, %add3A_899 : i32
        %get3A_901 = arith.index_cast %add3A_900 : i32 to index
        %get3A_902 = arith.constant 48 : index
        %get3A_903 = tpu.vector_load %arg9[%get3A_901, %get3A_902] {strides = array<i32>} : memref<128x128xf32, #tpu.memory_space<vmem>>, vector<1x16xf32>,
        %get3A_904 = vector.shape_cast %get3A_903 : vector<1x16xf32> to vector<16xf32>
        %sub3A_905 = arith.subf %get3A_898, %get3A_904 : vector<16xf32>
        %max3A_906 = arith.maximumf %max3A_892, %sub3A_905 : vector<16xf32>
        %add3A_907 = arith.constant 10 : i32
        %add3A_908 = arith.addi %mul3A_103, %add3A_907 : i32
        %get3A_909 = arith.index_cast %add3A_908 : i32 to index
        %get3A_910 = arith.constant 48 : index
        %get3A_911 = tpu.vector_load %arg8[%get3A_909, %get3A_910] {strides = array<i32>} : memref<128x128xf32, #tpu.memory_space<vmem>>, vector<1x16xf32>,
        %get3A_912 = vector.shape_cast %get3A_911 : vector<1x16xf32> to vector<16xf32>
        %add3A_913 = arith.constant 10 : i32
        %add3A_914 = arith.addi %mul3A_103, %add3A_913 : i32
        %get3A_915 = arith.index_cast %add3A_914 : i32 to index
        %get3A_916 = arith.constant 48 : index
        %get3A_917 = tpu.vector_load %arg9[%get3A_915, %get3A_916] {strides = array<i32>} : memref<128x128xf32, #tpu.memory_space<vmem>>, vector<1x16xf32>,
        %get3A_918 = vector.shape_cast %get3A_917 : vector<1x16xf32> to vector<16xf32>
        %sub3A_919 = arith.subf %get3A_912, %get3A_918 : vector<16xf32>
        %max3A_920 = arith.maximumf %max3A_906, %sub3A_919 : vector<16xf32>
        %add3A_921 = arith.constant 11 : i32
        %add3A_922 = arith.addi %mul3A_103, %add3A_921 : i32
        %get3A_923 = arith.index_cast %add3A_922 : i32 to index
        %get3A_924 = arith.constant 48 : index
        %get3A_925 = tpu.vector_load %arg8[%get3A_923, %get3A_924] {strides = array<i32>} : memref<128x128xf32, #tpu.memory_space<vmem>>, vector<1x16xf32>,
        %get3A_926 = vector.shape_cast %get3A_925 : vector<1x16xf32> to vector<16xf32>
        %add3A_927 = arith.constant 11 : i32
        %add3A_928 = arith.addi %mul3A_103, %add3A_927 : i32
        %get3A_929 = arith.index_cast %add3A_928 : i32 to index
        %get3A_930 = arith.constant 48 : index
        %get3A_931 = tpu.vector_load %arg9[%get3A_929, %get3A_930] {strides = array<i32>} : memref<128x128xf32, #tpu.memory_space<vmem>>, vector<1x16xf32>,
        %get3A_932 = vector.shape_cast %get3A_931 : vector<1x16xf32> to vector<16xf32>
        %sub3A_933 = arith.subf %get3A_926, %get3A_932 : vector<16xf32>
        %max3A_934 = arith.maximumf %max3A_920, %sub3A_933 : vector<16xf32>
        %add3A_935 = arith.constant 12 : i32
        %add3A_936 = arith.addi %mul3A_103, %add3A_935 : i32
        %get3A_937 = arith.index_cast %add3A_936 : i32 to index
        %get3A_938 = arith.constant 48 : index
        %get3A_939 = tpu.vector_load %arg8[%get3A_937, %get3A_938] {strides = array<i32>} : memref<128x128xf32, #tpu.memory_space<vmem>>, vector<1x16xf32>,
        %get3A_940 = vector.shape_cast %get3A_939 : vector<1x16xf32> to vector<16xf32>
        %add3A_941 = arith.constant 12 : i32
        %add3A_942 = arith.addi %mul3A_103, %add3A_941 : i32
        %get3A_943 = arith.index_cast %add3A_942 : i32 to index
        %get3A_944 = arith.constant 48 : index
        %get3A_945 = tpu.vector_load %arg9[%get3A_943, %get3A_944] {strides = array<i32>} : memref<128x128xf32, #tpu.memory_space<vmem>>, vector<1x16xf32>,
        %get3A_946 = vector.shape_cast %get3A_945 : vector<1x16xf32> to vector<16xf32>
        %sub3A_947 = arith.subf %get3A_940, %get3A_946 : vector<16xf32>
        %max3A_948 = arith.maximumf %max3A_934, %sub3A_947 : vector<16xf32>
        %add3A_949 = arith.constant 13 : i32
        %add3A_950 = arith.addi %mul3A_103, %add3A_949 : i32
        %get3A_951 = arith.index_cast %add3A_950 : i32 to index
        %get3A_952 = arith.constant 48 : index
        %get3A_953 = tpu.vector_load %arg8[%get3A_951, %get3A_952] {strides = array<i32>} : memref<128x128xf32, #tpu.memory_space<vmem>>, vector<1x16xf32>,
        %get3A_954 = vector.shape_cast %get3A_953 : vector<1x16xf32> to vector<16xf32>
        %add3A_955 = arith.constant 13 : i32
        %add3A_956 = arith.addi %mul3A_103, %add3A_955 : i32
        %get3A_957 = arith.index_cast %add3A_956 : i32 to index
        %get3A_958 = arith.constant 48 : index
        %get3A_959 = tpu.vector_load %arg9[%get3A_957, %get3A_958] {strides = array<i32>} : memref<128x128xf32, #tpu.memory_space<vmem>>, vector<1x16xf32>,
        %get3A_960 = vector.shape_cast %get3A_959 : vector<1x16xf32> to vector<16xf32>
        %sub3A_961 = arith.subf %get3A_954, %get3A_960 : vector<16xf32>
        %max3A_962 = arith.maximumf %max3A_948, %sub3A_961 : vector<16xf32>
        %add3A_963 = arith.constant 14 : i32
        %add3A_964 = arith.addi %mul3A_103, %add3A_963 : i32
        %get3A_965 = arith.index_cast %add3A_964 : i32 to index
        %get3A_966 = arith.constant 48 : index
        %get3A_967 = tpu.vector_load %arg8[%get3A_965, %get3A_966] {strides = array<i32>} : memref<128x128xf32, #tpu.memory_space<vmem>>, vector<1x16xf32>,
        %get3A_968 = vector.shape_cast %get3A_967 : vector<1x16xf32> to vector<16xf32>
        %add3A_969 = arith.constant 14 : i32
        %add3A_970 = arith.addi %mul3A_103, %add3A_969 : i32
        %get3A_971 = arith.index_cast %add3A_970 : i32 to index
        %get3A_972 = arith.constant 48 : index
        %get3A_973 = tpu.vector_load %arg9[%get3A_971, %get3A_972] {strides = array<i32>} : memref<128x128xf32, #tpu.memory_space<vmem>>, vector<1x16xf32>,
        %get3A_974 = vector.shape_cast %get3A_973 : vector<1x16xf32> to vector<16xf32>
        %sub3A_975 = arith.subf %get3A_968, %get3A_974 : vector<16xf32>
        %max3A_976 = arith.maximumf %max3A_962, %sub3A_975 : vector<16xf32>
        %add3A_977 = arith.constant 15 : i32
        %add3A_978 = arith.addi %mul3A_103, %add3A_977 : i32
        %get3A_979 = arith.index_cast %add3A_978 : i32 to index
        %get3A_980 = arith.constant 48 : index
        %get3A_981 = tpu.vector_load %arg8[%get3A_979, %get3A_980] {strides = array<i32>} : memref<128x128xf32, #tpu.memory_space<vmem>>, vector<1x16xf32>,
        %get3A_982 = vector.shape_cast %get3A_981 : vector<1x16xf32> to vector<16xf32>
        %add3A_983 = arith.constant 15 : i32
        %add3A_984 = arith.addi %mul3A_103, %add3A_983 : i32
        %get3A_985 = arith.index_cast %add3A_984 : i32 to index
        %get3A_986 = arith.constant 48 : index
        %get3A_987 = tpu.vector_load %arg9[%get3A_985, %get3A_986] {strides = array<i32>} : memref<128x128xf32, #tpu.memory_space<vmem>>, vector<1x16xf32>,
        %get3A_988 = vector.shape_cast %get3A_987 : vector<1x16xf32> to vector<16xf32>
        %sub3A_989 = arith.subf %get3A_982, %get3A_988 : vector<16xf32>
        %max3A_990 = arith.maximumf %max3A_976, %sub3A_989 : vector<16xf32>
        %swap3A_991 = arith.index_cast %scan3A_101 : i32 to index
        %swap3A_992 = arith.constant 48 : index
        %swap3A_993 = tpu.vector_load %arg12[%swap3A_991, %swap3A_992] {strides = array<i32>} : memref<8x128xf32, #tpu.memory_space<vmem>>, vector<1x16xf32>,
        %swap3A_994 = vector.shape_cast %swap3A_993 : vector<1x16xf32> to vector<16xf32>
        %swap3A_995 = vector.shape_cast %max3A_990 : vector<16xf32> to vector<1x16xf32>
        tpu.vector_store %arg12[%swap3A_991, %swap3A_992], %swap3A_995 {strides = array<i32>} : memref<8x128xf32, #tpu.memory_space<vmem>>, vector<1x16xf32>,
        %get3A_996 = arith.index_cast %mul3A_103 : i32 to index
        %get3A_997 = arith.constant 64 : index
        %get3A_998 = tpu.vector_load %arg8[%get3A_996, %get3A_997] {strides = array<i32>} : memref<128x128xf32, #tpu.memory_space<vmem>>, vector<1x16xf32>,
        %get3A_999 = vector.shape_cast %get3A_998 : vector<1x16xf32> to vector<16xf32>
        %get3A_1000 = arith.index_cast %mul3A_103 : i32 to index
        %get3A_1001 = arith.constant 64 : index
        %get3A_1002 = tpu.vector_load %arg9[%get3A_1000, %get3A_1001] {strides = array<i32>} : memref<128x128xf32, #tpu.memory_space<vmem>>, vector<1x16xf32>,
        %get3A_1003 = vector.shape_cast %get3A_1002 : vector<1x16xf32> to vector<16xf32>
        %sub3A_1004 = arith.subf %get3A_999, %get3A_1003 : vector<16xf32>
        %add3A_1005 = arith.constant 1 : i32
        %add3A_1006 = arith.addi %mul3A_103, %add3A_1005 : i32
        %get3A_1007 = arith.index_cast %add3A_1006 : i32 to index
        %get3A_1008 = arith.constant 64 : index
        %get3A_1009 = tpu.vector_load %arg8[%get3A_1007, %get3A_1008] {strides = array<i32>} : memref<128x128xf32, #tpu.memory_space<vmem>>, vector<1x16xf32>,
        %get3A_1010 = vector.shape_cast %get3A_1009 : vector<1x16xf32> to vector<16xf32>
        %add3A_1011 = arith.constant 1 : i32
        %add3A_1012 = arith.addi %mul3A_103, %add3A_1011 : i32
        %get3A_1013 = arith.index_cast %add3A_1012 : i32 to index
        %get3A_1014 = arith.constant 64 : index
        %get3A_1015 = tpu.vector_load %arg9[%get3A_1013, %get3A_1014] {strides = array<i32>} : memref<128x128xf32, #tpu.memory_space<vmem>>, vector<1x16xf32>,
        %get3A_1016 = vector.shape_cast %get3A_1015 : vector<1x16xf32> to vector<16xf32>
        %sub3A_1017 = arith.subf %get3A_1010, %get3A_1016 : vector<16xf32>
        %max3A_1018 = arith.maximumf %sub3A_1004, %sub3A_1017 : vector<16xf32>
        %add3A_1019 = arith.constant 2 : i32
        %add3A_1020 = arith.addi %mul3A_103, %add3A_1019 : i32
        %get3A_1021 = arith.index_cast %add3A_1020 : i32 to index
        %get3A_1022 = arith.constant 64 : index
        %get3A_1023 = tpu.vector_load %arg8[%get3A_1021, %get3A_1022] {strides = array<i32>} : memref<128x128xf32, #tpu.memory_space<vmem>>, vector<1x16xf32>,
        %get3A_1024 = vector.shape_cast %get3A_1023 : vector<1x16xf32> to vector<16xf32>
        %add3A_1025 = arith.constant 2 : i32
        %add3A_1026 = arith.addi %mul3A_103, %add3A_1025 : i32
        %get3A_1027 = arith.index_cast %add3A_1026 : i32 to index
        %get3A_1028 = arith.constant 64 : index
        %get3A_1029 = tpu.vector_load %arg9[%get3A_1027, %get3A_1028] {strides = array<i32>} : memref<128x128xf32, #tpu.memory_space<vmem>>, vector<1x16xf32>,
        %get3A_1030 = vector.shape_cast %get3A_1029 : vector<1x16xf32> to vector<16xf32>
        %sub3A_1031 = arith.subf %get3A_1024, %get3A_1030 : vector<16xf32>
        %max3A_1032 = arith.maximumf %max3A_1018, %sub3A_1031 : vector<16xf32>
        %add3A_1033 = arith.constant 3 : i32
        %add3A_1034 = arith.addi %mul3A_103, %add3A_1033 : i32
        %get3A_1035 = arith.index_cast %add3A_1034 : i32 to index
        %get3A_1036 = arith.constant 64 : index
        %get3A_1037 = tpu.vector_load %arg8[%get3A_1035, %get3A_1036] {strides = array<i32>} : memref<128x128xf32, #tpu.memory_space<vmem>>, vector<1x16xf32>,
        %get3A_1038 = vector.shape_cast %get3A_1037 : vector<1x16xf32> to vector<16xf32>
        %add3A_1039 = arith.constant 3 : i32
        %add3A_1040 = arith.addi %mul3A_103, %add3A_1039 : i32
        %get3A_1041 = arith.index_cast %add3A_1040 : i32 to index
        %get3A_1042 = arith.constant 64 : index
        %get3A_1043 = tpu.vector_load %arg9[%get3A_1041, %get3A_1042] {strides = array<i32>} : memref<128x128xf32, #tpu.memory_space<vmem>>, vector<1x16xf32>,
        %get3A_1044 = vector.shape_cast %get3A_1043 : vector<1x16xf32> to vector<16xf32>
        %sub3A_1045 = arith.subf %get3A_1038, %get3A_1044 : vector<16xf32>
        %max3A_1046 = arith.maximumf %max3A_1032, %sub3A_1045 : vector<16xf32>
        %add3A_1047 = arith.constant 4 : i32
        %add3A_1048 = arith.addi %mul3A_103, %add3A_1047 : i32
        %get3A_1049 = arith.index_cast %add3A_1048 : i32 to index
        %get3A_1050 = arith.constant 64 : index
        %get3A_1051 = tpu.vector_load %arg8[%get3A_1049, %get3A_1050] {strides = array<i32>} : memref<128x128xf32, #tpu.memory_space<vmem>>, vector<1x16xf32>,
        %get3A_1052 = vector.shape_cast %get3A_1051 : vector<1x16xf32> to vector<16xf32>
        %add3A_1053 = arith.constant 4 : i32
        %add3A_1054 = arith.addi %mul3A_103, %add3A_1053 : i32
        %get3A_1055 = arith.index_cast %add3A_1054 : i32 to index
        %get3A_1056 = arith.constant 64 : index
        %get3A_1057 = tpu.vector_load %arg9[%get3A_1055, %get3A_1056] {strides = array<i32>} : memref<128x128xf32, #tpu.memory_space<vmem>>, vector<1x16xf32>,
        %get3A_1058 = vector.shape_cast %get3A_1057 : vector<1x16xf32> to vector<16xf32>
        %sub3A_1059 = arith.subf %get3A_1052, %get3A_1058 : vector<16xf32>
        %max3A_1060 = arith.maximumf %max3A_1046, %sub3A_1059 : vector<16xf32>
        %add3A_1061 = arith.constant 5 : i32
        %add3A_1062 = arith.addi %mul3A_103, %add3A_1061 : i32
        %get3A_1063 = arith.index_cast %add3A_1062 : i32 to index
        %get3A_1064 = arith.constant 64 : index
        %get3A_1065 = tpu.vector_load %arg8[%get3A_1063, %get3A_1064] {strides = array<i32>} : memref<128x128xf32, #tpu.memory_space<vmem>>, vector<1x16xf32>,
        %get3A_1066 = vector.shape_cast %get3A_1065 : vector<1x16xf32> to vector<16xf32>
        %add3A_1067 = arith.constant 5 : i32
        %add3A_1068 = arith.addi %mul3A_103, %add3A_1067 : i32
        %get3A_1069 = arith.index_cast %add3A_1068 : i32 to index
        %get3A_1070 = arith.constant 64 : index
        %get3A_1071 = tpu.vector_load %arg9[%get3A_1069, %get3A_1070] {strides = array<i32>} : memref<128x128xf32, #tpu.memory_space<vmem>>, vector<1x16xf32>,
        %get3A_1072 = vector.shape_cast %get3A_1071 : vector<1x16xf32> to vector<16xf32>
        %sub3A_1073 = arith.subf %get3A_1066, %get3A_1072 : vector<16xf32>
        %max3A_1074 = arith.maximumf %max3A_1060, %sub3A_1073 : vector<16xf32>
        %add3A_1075 = arith.constant 6 : i32
        %add3A_1076 = arith.addi %mul3A_103, %add3A_1075 : i32
        %get3A_1077 = arith.index_cast %add3A_1076 : i32 to index
        %get3A_1078 = arith.constant 64 : index
        %get3A_1079 = tpu.vector_load %arg8[%get3A_1077, %get3A_1078] {strides = array<i32>} : memref<128x128xf32, #tpu.memory_space<vmem>>, vector<1x16xf32>,
        %get3A_1080 = vector.shape_cast %get3A_1079 : vector<1x16xf32> to vector<16xf32>
        %add3A_1081 = arith.constant 6 : i32
        %add3A_1082 = arith.addi %mul3A_103, %add3A_1081 : i32
        %get3A_1083 = arith.index_cast %add3A_1082 : i32 to index
        %get3A_1084 = arith.constant 64 : index
        %get3A_1085 = tpu.vector_load %arg9[%get3A_1083, %get3A_1084] {strides = array<i32>} : memref<128x128xf32, #tpu.memory_space<vmem>>, vector<1x16xf32>,
        %get3A_1086 = vector.shape_cast %get3A_1085 : vector<1x16xf32> to vector<16xf32>
        %sub3A_1087 = arith.subf %get3A_1080, %get3A_1086 : vector<16xf32>
        %max3A_1088 = arith.maximumf %max3A_1074, %sub3A_1087 : vector<16xf32>
        %add3A_1089 = arith.constant 7 : i32
        %add3A_1090 = arith.addi %mul3A_103, %add3A_1089 : i32
        %get3A_1091 = arith.index_cast %add3A_1090 : i32 to index
        %get3A_1092 = arith.constant 64 : index
        %get3A_1093 = tpu.vector_load %arg8[%get3A_1091, %get3A_1092] {strides = array<i32>} : memref<128x128xf32, #tpu.memory_space<vmem>>, vector<1x16xf32>,
        %get3A_1094 = vector.shape_cast %get3A_1093 : vector<1x16xf32> to vector<16xf32>
        %add3A_1095 = arith.constant 7 : i32
        %add3A_1096 = arith.addi %mul3A_103, %add3A_1095 : i32
        %get3A_1097 = arith.index_cast %add3A_1096 : i32 to index
        %get3A_1098 = arith.constant 64 : index
        %get3A_1099 = tpu.vector_load %arg9[%get3A_1097, %get3A_1098] {strides = array<i32>} : memref<128x128xf32, #tpu.memory_space<vmem>>, vector<1x16xf32>,
        %get3A_1100 = vector.shape_cast %get3A_1099 : vector<1x16xf32> to vector<16xf32>
        %sub3A_1101 = arith.subf %get3A_1094, %get3A_1100 : vector<16xf32>
        %max3A_1102 = arith.maximumf %max3A_1088, %sub3A_1101 : vector<16xf32>
        %add3A_1103 = arith.constant 8 : i32
        %add3A_1104 = arith.addi %mul3A_103, %add3A_1103 : i32
        %get3A_1105 = arith.index_cast %add3A_1104 : i32 to index
        %get3A_1106 = arith.constant 64 : index
        %get3A_1107 = tpu.vector_load %arg8[%get3A_1105, %get3A_1106] {strides = array<i32>} : memref<128x128xf32, #tpu.memory_space<vmem>>, vector<1x16xf32>,
        %get3A_1108 = vector.shape_cast %get3A_1107 : vector<1x16xf32> to vector<16xf32>
        %add3A_1109 = arith.constant 8 : i32
        %add3A_1110 = arith.addi %mul3A_103, %add3A_1109 : i32
        %get3A_1111 = arith.index_cast %add3A_1110 : i32 to index
        %get3A_1112 = arith.constant 64 : index
        %get3A_1113 = tpu.vector_load %arg9[%get3A_1111, %get3A_1112] {strides = array<i32>} : memref<128x128xf32, #tpu.memory_space<vmem>>, vector<1x16xf32>,
        %get3A_1114 = vector.shape_cast %get3A_1113 : vector<1x16xf32> to vector<16xf32>
        %sub3A_1115 = arith.subf %get3A_1108, %get3A_1114 : vector<16xf32>
        %max3A_1116 = arith.maximumf %max3A_1102, %sub3A_1115 : vector<16xf32>
        %add3A_1117 = arith.constant 9 : i32
        %add3A_1118 = arith.addi %mul3A_103, %add3A_1117 : i32
        %get3A_1119 = arith.index_cast %add3A_1118 : i32 to index
        %get3A_1120 = arith.constant 64 : index
        %get3A_1121 = tpu.vector_load %arg8[%get3A_1119, %get3A_1120] {strides = array<i32>} : memref<128x128xf32, #tpu.memory_space<vmem>>, vector<1x16xf32>,
        %get3A_1122 = vector.shape_cast %get3A_1121 : vector<1x16xf32> to vector<16xf32>
        %add3A_1123 = arith.constant 9 : i32
        %add3A_1124 = arith.addi %mul3A_103, %add3A_1123 : i32
        %get3A_1125 = arith.index_cast %add3A_1124 : i32 to index
        %get3A_1126 = arith.constant 64 : index
        %get3A_1127 = tpu.vector_load %arg9[%get3A_1125, %get3A_1126] {strides = array<i32>} : memref<128x128xf32, #tpu.memory_space<vmem>>, vector<1x16xf32>,
        %get3A_1128 = vector.shape_cast %get3A_1127 : vector<1x16xf32> to vector<16xf32>
        %sub3A_1129 = arith.subf %get3A_1122, %get3A_1128 : vector<16xf32>
        %max3A_1130 = arith.maximumf %max3A_1116, %sub3A_1129 : vector<16xf32>
        %add3A_1131 = arith.constant 10 : i32
        %add3A_1132 = arith.addi %mul3A_103, %add3A_1131 : i32
        %get3A_1133 = arith.index_cast %add3A_1132 : i32 to index
        %get3A_1134 = arith.constant 64 : index
        %get3A_1135 = tpu.vector_load %arg8[%get3A_1133, %get3A_1134] {strides = array<i32>} : memref<128x128xf32, #tpu.memory_space<vmem>>, vector<1x16xf32>,
        %get3A_1136 = vector.shape_cast %get3A_1135 : vector<1x16xf32> to vector<16xf32>
        %add3A_1137 = arith.constant 10 : i32
        %add3A_1138 = arith.addi %mul3A_103, %add3A_1137 : i32
        %get3A_1139 = arith.index_cast %add3A_1138 : i32 to index
        %get3A_1140 = arith.constant 64 : index
        %get3A_1141 = tpu.vector_load %arg9[%get3A_1139, %get3A_1140] {strides = array<i32>} : memref<128x128xf32, #tpu.memory_space<vmem>>, vector<1x16xf32>,
        %get3A_1142 = vector.shape_cast %get3A_1141 : vector<1x16xf32> to vector<16xf32>
        %sub3A_1143 = arith.subf %get3A_1136, %get3A_1142 : vector<16xf32>
        %max3A_1144 = arith.maximumf %max3A_1130, %sub3A_1143 : vector<16xf32>
        %add3A_1145 = arith.constant 11 : i32
        %add3A_1146 = arith.addi %mul3A_103, %add3A_1145 : i32
        %get3A_1147 = arith.index_cast %add3A_1146 : i32 to index
        %get3A_1148 = arith.constant 64 : index
        %get3A_1149 = tpu.vector_load %arg8[%get3A_1147, %get3A_1148] {strides = array<i32>} : memref<128x128xf32, #tpu.memory_space<vmem>>, vector<1x16xf32>,
        %get3A_1150 = vector.shape_cast %get3A_1149 : vector<1x16xf32> to vector<16xf32>
        %add3A_1151 = arith.constant 11 : i32
        %add3A_1152 = arith.addi %mul3A_103, %add3A_1151 : i32
        %get3A_1153 = arith.index_cast %add3A_1152 : i32 to index
        %get3A_1154 = arith.constant 64 : index
        %get3A_1155 = tpu.vector_load %arg9[%get3A_1153, %get3A_1154] {strides = array<i32>} : memref<128x128xf32, #tpu.memory_space<vmem>>, vector<1x16xf32>,
        %get3A_1156 = vector.shape_cast %get3A_1155 : vector<1x16xf32> to vector<16xf32>
        %sub3A_1157 = arith.subf %get3A_1150, %get3A_1156 : vector<16xf32>
        %max3A_1158 = arith.maximumf %max3A_1144, %sub3A_1157 : vector<16xf32>
        %add3A_1159 = arith.constant 12 : i32
        %add3A_1160 = arith.addi %mul3A_103, %add3A_1159 : i32
        %get3A_1161 = arith.index_cast %add3A_1160 : i32 to index
        %get3A_1162 = arith.constant 64 : index
        %get3A_1163 = tpu.vector_load %arg8[%get3A_1161, %get3A_1162] {strides = array<i32>} : memref<128x128xf32, #tpu.memory_space<vmem>>, vector<1x16xf32>,
        %get3A_1164 = vector.shape_cast %get3A_1163 : vector<1x16xf32> to vector<16xf32>
        %add3A_1165 = arith.constant 12 : i32
        %add3A_1166 = arith.addi %mul3A_103, %add3A_1165 : i32
        %get3A_1167 = arith.index_cast %add3A_1166 : i32 to index
        %get3A_1168 = arith.constant 64 : index
        %get3A_1169 = tpu.vector_load %arg9[%get3A_1167, %get3A_1168] {strides = array<i32>} : memref<128x128xf32, #tpu.memory_space<vmem>>, vector<1x16xf32>,
        %get3A_1170 = vector.shape_cast %get3A_1169 : vector<1x16xf32> to vector<16xf32>
        %sub3A_1171 = arith.subf %get3A_1164, %get3A_1170 : vector<16xf32>
        %max3A_1172 = arith.maximumf %max3A_1158, %sub3A_1171 : vector<16xf32>
        %add3A_1173 = arith.constant 13 : i32
        %add3A_1174 = arith.addi %mul3A_103, %add3A_1173 : i32
        %get3A_1175 = arith.index_cast %add3A_1174 : i32 to index
        %get3A_1176 = arith.constant 64 : index
        %get3A_1177 = tpu.vector_load %arg8[%get3A_1175, %get3A_1176] {strides = array<i32>} : memref<128x128xf32, #tpu.memory_space<vmem>>, vector<1x16xf32>,
        %get3A_1178 = vector.shape_cast %get3A_1177 : vector<1x16xf32> to vector<16xf32>
        %add3A_1179 = arith.constant 13 : i32
        %add3A_1180 = arith.addi %mul3A_103, %add3A_1179 : i32
        %get3A_1181 = arith.index_cast %add3A_1180 : i32 to index
        %get3A_1182 = arith.constant 64 : index
        %get3A_1183 = tpu.vector_load %arg9[%get3A_1181, %get3A_1182] {strides = array<i32>} : memref<128x128xf32, #tpu.memory_space<vmem>>, vector<1x16xf32>,
        %get3A_1184 = vector.shape_cast %get3A_1183 : vector<1x16xf32> to vector<16xf32>
        %sub3A_1185 = arith.subf %get3A_1178, %get3A_1184 : vector<16xf32>
        %max3A_1186 = arith.maximumf %max3A_1172, %sub3A_1185 : vector<16xf32>
        %add3A_1187 = arith.constant 14 : i32
        %add3A_1188 = arith.addi %mul3A_103, %add3A_1187 : i32
        %get3A_1189 = arith.index_cast %add3A_1188 : i32 to index
        %get3A_1190 = arith.constant 64 : index
        %get3A_1191 = tpu.vector_load %arg8[%get3A_1189, %get3A_1190] {strides = array<i32>} : memref<128x128xf32, #tpu.memory_space<vmem>>, vector<1x16xf32>,
        %get3A_1192 = vector.shape_cast %get3A_1191 : vector<1x16xf32> to vector<16xf32>
        %add3A_1193 = arith.constant 14 : i32
        %add3A_1194 = arith.addi %mul3A_103, %add3A_1193 : i32
        %get3A_1195 = arith.index_cast %add3A_1194 : i32 to index
        %get3A_1196 = arith.constant 64 : index
        %get3A_1197 = tpu.vector_load %arg9[%get3A_1195, %get3A_1196] {strides = array<i32>} : memref<128x128xf32, #tpu.memory_space<vmem>>, vector<1x16xf32>,
        %get3A_1198 = vector.shape_cast %get3A_1197 : vector<1x16xf32> to vector<16xf32>
        %sub3A_1199 = arith.subf %get3A_1192, %get3A_1198 : vector<16xf32>
        %max3A_1200 = arith.maximumf %max3A_1186, %sub3A_1199 : vector<16xf32>
        %add3A_1201 = arith.constant 15 : i32
        %add3A_1202 = arith.addi %mul3A_103, %add3A_1201 : i32
        %get3A_1203 = arith.index_cast %add3A_1202 : i32 to index
        %get3A_1204 = arith.constant 64 : index
        %get3A_1205 = tpu.vector_load %arg8[%get3A_1203, %get3A_1204] {strides = array<i32>} : memref<128x128xf32, #tpu.memory_space<vmem>>, vector<1x16xf32>,
        %get3A_1206 = vector.shape_cast %get3A_1205 : vector<1x16xf32> to vector<16xf32>
        %add3A_1207 = arith.constant 15 : i32
        %add3A_1208 = arith.addi %mul3A_103, %add3A_1207 : i32
        %get3A_1209 = arith.index_cast %add3A_1208 : i32 to index
        %get3A_1210 = arith.constant 64 : index
        %get3A_1211 = tpu.vector_load %arg9[%get3A_1209, %get3A_1210] {strides = array<i32>} : memref<128x128xf32, #tpu.memory_space<vmem>>, vector<1x16xf32>,
        %get3A_1212 = vector.shape_cast %get3A_1211 : vector<1x16xf32> to vector<16xf32>
        %sub3A_1213 = arith.subf %get3A_1206, %get3A_1212 : vector<16xf32>
        %max3A_1214 = arith.maximumf %max3A_1200, %sub3A_1213 : vector<16xf32>
        %swap3A_1215 = arith.index_cast %scan3A_101 : i32 to index
        %swap3A_1216 = arith.constant 64 : index
        %swap3A_1217 = tpu.vector_load %arg12[%swap3A_1215, %swap3A_1216] {strides = array<i32>} : memref<8x128xf32, #tpu.memory_space<vmem>>, vector<1x16xf32>,
        %swap3A_1218 = vector.shape_cast %swap3A_1217 : vector<1x16xf32> to vector<16xf32>
        %swap3A_1219 = vector.shape_cast %max3A_1214 : vector<16xf32> to vector<1x16xf32>
        tpu.vector_store %arg12[%swap3A_1215, %swap3A_1216], %swap3A_1219 {strides = array<i32>} : memref<8x128xf32, #tpu.memory_space<vmem>>, vector<1x16xf32>,
        %get3A_1220 = arith.index_cast %mul3A_103 : i32 to index
        %get3A_1221 = arith.constant 80 : index
        %get3A_1222 = tpu.vector_load %arg8[%get3A_1220, %get3A_1221] {strides = array<i32>} : memref<128x128xf32, #tpu.memory_space<vmem>>, vector<1x16xf32>,
        %get3A_1223 = vector.shape_cast %get3A_1222 : vector<1x16xf32> to vector<16xf32>
        %get3A_1224 = arith.index_cast %mul3A_103 : i32 to index
        %get3A_1225 = arith.constant 80 : index
        %get3A_1226 = tpu.vector_load %arg9[%get3A_1224, %get3A_1225] {strides = array<i32>} : memref<128x128xf32, #tpu.memory_space<vmem>>, vector<1x16xf32>,
        %get3A_1227 = vector.shape_cast %get3A_1226 : vector<1x16xf32> to vector<16xf32>
        %sub3A_1228 = arith.subf %get3A_1223, %get3A_1227 : vector<16xf32>
        %add3A_1229 = arith.constant 1 : i32
        %add3A_1230 = arith.addi %mul3A_103, %add3A_1229 : i32
        %get3A_1231 = arith.index_cast %add3A_1230 : i32 to index
        %get3A_1232 = arith.constant 80 : index
        %get3A_1233 = tpu.vector_load %arg8[%get3A_1231, %get3A_1232] {strides = array<i32>} : memref<128x128xf32, #tpu.memory_space<vmem>>, vector<1x16xf32>,
        %get3A_1234 = vector.shape_cast %get3A_1233 : vector<1x16xf32> to vector<16xf32>
        %add3A_1235 = arith.constant 1 : i32
        %add3A_1236 = arith.addi %mul3A_103, %add3A_1235 : i32
        %get3A_1237 = arith.index_cast %add3A_1236 : i32 to index
        %get3A_1238 = arith.constant 80 : index
        %get3A_1239 = tpu.vector_load %arg9[%get3A_1237, %get3A_1238] {strides = array<i32>} : memref<128x128xf32, #tpu.memory_space<vmem>>, vector<1x16xf32>,
        %get3A_1240 = vector.shape_cast %get3A_1239 : vector<1x16xf32> to vector<16xf32>
        %sub3A_1241 = arith.subf %get3A_1234, %get3A_1240 : vector<16xf32>
        %max3A_1242 = arith.maximumf %sub3A_1228, %sub3A_1241 : vector<16xf32>
        %add3A_1243 = arith.constant 2 : i32
        %add3A_1244 = arith.addi %mul3A_103, %add3A_1243 : i32
        %get3A_1245 = arith.index_cast %add3A_1244 : i32 to index
        %get3A_1246 = arith.constant 80 : index
        %get3A_1247 = tpu.vector_load %arg8[%get3A_1245, %get3A_1246] {strides = array<i32>} : memref<128x128xf32, #tpu.memory_space<vmem>>, vector<1x16xf32>,
        %get3A_1248 = vector.shape_cast %get3A_1247 : vector<1x16xf32> to vector<16xf32>
        %add3A_1249 = arith.constant 2 : i32
        %add3A_1250 = arith.addi %mul3A_103, %add3A_1249 : i32
        %get3A_1251 = arith.index_cast %add3A_1250 : i32 to index
        %get3A_1252 = arith.constant 80 : index
        %get3A_1253 = tpu.vector_load %arg9[%get3A_1251, %get3A_1252] {strides = array<i32>} : memref<128x128xf32, #tpu.memory_space<vmem>>, vector<1x16xf32>,
        %get3A_1254 = vector.shape_cast %get3A_1253 : vector<1x16xf32> to vector<16xf32>
        %sub3A_1255 = arith.subf %get3A_1248, %get3A_1254 : vector<16xf32>
        %max3A_1256 = arith.maximumf %max3A_1242, %sub3A_1255 : vector<16xf32>
        %add3A_1257 = arith.constant 3 : i32
        %add3A_1258 = arith.addi %mul3A_103, %add3A_1257 : i32
        %get3A_1259 = arith.index_cast %add3A_1258 : i32 to index
        %get3A_1260 = arith.constant 80 : index
        %get3A_1261 = tpu.vector_load %arg8[%get3A_1259, %get3A_1260] {strides = array<i32>} : memref<128x128xf32, #tpu.memory_space<vmem>>, vector<1x16xf32>,
        %get3A_1262 = vector.shape_cast %get3A_1261 : vector<1x16xf32> to vector<16xf32>
        %add3A_1263 = arith.constant 3 : i32
        %add3A_1264 = arith.addi %mul3A_103, %add3A_1263 : i32
        %get3A_1265 = arith.index_cast %add3A_1264 : i32 to index
        %get3A_1266 = arith.constant 80 : index
        %get3A_1267 = tpu.vector_load %arg9[%get3A_1265, %get3A_1266] {strides = array<i32>} : memref<128x128xf32, #tpu.memory_space<vmem>>, vector<1x16xf32>,
        %get3A_1268 = vector.shape_cast %get3A_1267 : vector<1x16xf32> to vector<16xf32>
        %sub3A_1269 = arith.subf %get3A_1262, %get3A_1268 : vector<16xf32>
        %max3A_1270 = arith.maximumf %max3A_1256, %sub3A_1269 : vector<16xf32>
        %add3A_1271 = arith.constant 4 : i32
        %add3A_1272 = arith.addi %mul3A_103, %add3A_1271 : i32
        %get3A_1273 = arith.index_cast %add3A_1272 : i32 to index
        %get3A_1274 = arith.constant 80 : index
        %get3A_1275 = tpu.vector_load %arg8[%get3A_1273, %get3A_1274] {strides = array<i32>} : memref<128x128xf32, #tpu.memory_space<vmem>>, vector<1x16xf32>,
        %get3A_1276 = vector.shape_cast %get3A_1275 : vector<1x16xf32> to vector<16xf32>
        %add3A_1277 = arith.constant 4 : i32
        %add3A_1278 = arith.addi %mul3A_103, %add3A_1277 : i32
        %get3A_1279 = arith.index_cast %add3A_1278 : i32 to index
        %get3A_1280 = arith.constant 80 : index
        %get3A_1281 = tpu.vector_load %arg9[%get3A_1279, %get3A_1280] {strides = array<i32>} : memref<128x128xf32, #tpu.memory_space<vmem>>, vector<1x16xf32>,
        %get3A_1282 = vector.shape_cast %get3A_1281 : vector<1x16xf32> to vector<16xf32>
        %sub3A_1283 = arith.subf %get3A_1276, %get3A_1282 : vector<16xf32>
        %max3A_1284 = arith.maximumf %max3A_1270, %sub3A_1283 : vector<16xf32>
        %add3A_1285 = arith.constant 5 : i32
        %add3A_1286 = arith.addi %mul3A_103, %add3A_1285 : i32
        %get3A_1287 = arith.index_cast %add3A_1286 : i32 to index
        %get3A_1288 = arith.constant 80 : index
        %get3A_1289 = tpu.vector_load %arg8[%get3A_1287, %get3A_1288] {strides = array<i32>} : memref<128x128xf32, #tpu.memory_space<vmem>>, vector<1x16xf32>,
        %get3A_1290 = vector.shape_cast %get3A_1289 : vector<1x16xf32> to vector<16xf32>
        %add3A_1291 = arith.constant 5 : i32
        %add3A_1292 = arith.addi %mul3A_103, %add3A_1291 : i32
        %get3A_1293 = arith.index_cast %add3A_1292 : i32 to index
        %get3A_1294 = arith.constant 80 : index
        %get3A_1295 = tpu.vector_load %arg9[%get3A_1293, %get3A_1294] {strides = array<i32>} : memref<128x128xf32, #tpu.memory_space<vmem>>, vector<1x16xf32>,
        %get3A_1296 = vector.shape_cast %get3A_1295 : vector<1x16xf32> to vector<16xf32>
        %sub3A_1297 = arith.subf %get3A_1290, %get3A_1296 : vector<16xf32>
        %max3A_1298 = arith.maximumf %max3A_1284, %sub3A_1297 : vector<16xf32>
        %add3A_1299 = arith.constant 6 : i32
        %add3A_1300 = arith.addi %mul3A_103, %add3A_1299 : i32
        %get3A_1301 = arith.index_cast %add3A_1300 : i32 to index
        %get3A_1302 = arith.constant 80 : index
        %get3A_1303 = tpu.vector_load %arg8[%get3A_1301, %get3A_1302] {strides = array<i32>} : memref<128x128xf32, #tpu.memory_space<vmem>>, vector<1x16xf32>,
        %get3A_1304 = vector.shape_cast %get3A_1303 : vector<1x16xf32> to vector<16xf32>
        %add3A_1305 = arith.constant 6 : i32
        %add3A_1306 = arith.addi %mul3A_103, %add3A_1305 : i32
        %get3A_1307 = arith.index_cast %add3A_1306 : i32 to index
        %get3A_1308 = arith.constant 80 : index
        %get3A_1309 = tpu.vector_load %arg9[%get3A_1307, %get3A_1308] {strides = array<i32>} : memref<128x128xf32, #tpu.memory_space<vmem>>, vector<1x16xf32>,
        %get3A_1310 = vector.shape_cast %get3A_1309 : vector<1x16xf32> to vector<16xf32>
        %sub3A_1311 = arith.subf %get3A_1304, %get3A_1310 : vector<16xf32>
        %max3A_1312 = arith.maximumf %max3A_1298, %sub3A_1311 : vector<16xf32>
        %add3A_1313 = arith.constant 7 : i32
        %add3A_1314 = arith.addi %mul3A_103, %add3A_1313 : i32
        %get3A_1315 = arith.index_cast %add3A_1314 : i32 to index
        %get3A_1316 = arith.constant 80 : index
        %get3A_1317 = tpu.vector_load %arg8[%get3A_1315, %get3A_1316] {strides = array<i32>} : memref<128x128xf32, #tpu.memory_space<vmem>>, vector<1x16xf32>,
        %get3A_1318 = vector.shape_cast %get3A_1317 : vector<1x16xf32> to vector<16xf32>
        %add3A_1319 = arith.constant 7 : i32
        %add3A_1320 = arith.addi %mul3A_103, %add3A_1319 : i32
        %get3A_1321 = arith.index_cast %add3A_1320 : i32 to index
        %get3A_1322 = arith.constant 80 : index
        %get3A_1323 = tpu.vector_load %arg9[%get3A_1321, %get3A_1322] {strides = array<i32>} : memref<128x128xf32, #tpu.memory_space<vmem>>, vector<1x16xf32>,
        %get3A_1324 = vector.shape_cast %get3A_1323 : vector<1x16xf32> to vector<16xf32>
        %sub3A_1325 = arith.subf %get3A_1318, %get3A_1324 : vector<16xf32>
        %max3A_1326 = arith.maximumf %max3A_1312, %sub3A_1325 : vector<16xf32>
        %add3A_1327 = arith.constant 8 : i32
        %add3A_1328 = arith.addi %mul3A_103, %add3A_1327 : i32
        %get3A_1329 = arith.index_cast %add3A_1328 : i32 to index
        %get3A_1330 = arith.constant 80 : index
        %get3A_1331 = tpu.vector_load %arg8[%get3A_1329, %get3A_1330] {strides = array<i32>} : memref<128x128xf32, #tpu.memory_space<vmem>>, vector<1x16xf32>,
        %get3A_1332 = vector.shape_cast %get3A_1331 : vector<1x16xf32> to vector<16xf32>
        %add3A_1333 = arith.constant 8 : i32
        %add3A_1334 = arith.addi %mul3A_103, %add3A_1333 : i32
        %get3A_1335 = arith.index_cast %add3A_1334 : i32 to index
        %get3A_1336 = arith.constant 80 : index
        %get3A_1337 = tpu.vector_load %arg9[%get3A_1335, %get3A_1336] {strides = array<i32>} : memref<128x128xf32, #tpu.memory_space<vmem>>, vector<1x16xf32>,
        %get3A_1338 = vector.shape_cast %get3A_1337 : vector<1x16xf32> to vector<16xf32>
        %sub3A_1339 = arith.subf %get3A_1332, %get3A_1338 : vector<16xf32>
        %max3A_1340 = arith.maximumf %max3A_1326, %sub3A_1339 : vector<16xf32>
        %add3A_1341 = arith.constant 9 : i32
        %add3A_1342 = arith.addi %mul3A_103, %add3A_1341 : i32
        %get3A_1343 = arith.index_cast %add3A_1342 : i32 to index
        %get3A_1344 = arith.constant 80 : index
        %get3A_1345 = tpu.vector_load %arg8[%get3A_1343, %get3A_1344] {strides = array<i32>} : memref<128x128xf32, #tpu.memory_space<vmem>>, vector<1x16xf32>,
        %get3A_1346 = vector.shape_cast %get3A_1345 : vector<1x16xf32> to vector<16xf32>
        %add3A_1347 = arith.constant 9 : i32
        %add3A_1348 = arith.addi %mul3A_103, %add3A_1347 : i32
        %get3A_1349 = arith.index_cast %add3A_1348 : i32 to index
        %get3A_1350 = arith.constant 80 : index
        %get3A_1351 = tpu.vector_load %arg9[%get3A_1349, %get3A_1350] {strides = array<i32>} : memref<128x128xf32, #tpu.memory_space<vmem>>, vector<1x16xf32>,
        %get3A_1352 = vector.shape_cast %get3A_1351 : vector<1x16xf32> to vector<16xf32>
        %sub3A_1353 = arith.subf %get3A_1346, %get3A_1352 : vector<16xf32>
        %max3A_1354 = arith.maximumf %max3A_1340, %sub3A_1353 : vector<16xf32>
        %add3A_1355 = arith.constant 10 : i32
        %add3A_1356 = arith.addi %mul3A_103, %add3A_1355 : i32
        %get3A_1357 = arith.index_cast %add3A_1356 : i32 to index
        %get3A_1358 = arith.constant 80 : index
        %get3A_1359 = tpu.vector_load %arg8[%get3A_1357, %get3A_1358] {strides = array<i32>} : memref<128x128xf32, #tpu.memory_space<vmem>>, vector<1x16xf32>,
        %get3A_1360 = vector.shape_cast %get3A_1359 : vector<1x16xf32> to vector<16xf32>
        %add3A_1361 = arith.constant 10 : i32
        %add3A_1362 = arith.addi %mul3A_103, %add3A_1361 : i32
        %get3A_1363 = arith.index_cast %add3A_1362 : i32 to index
        %get3A_1364 = arith.constant 80 : index
        %get3A_1365 = tpu.vector_load %arg9[%get3A_1363, %get3A_1364] {strides = array<i32>} : memref<128x128xf32, #tpu.memory_space<vmem>>, vector<1x16xf32>,
        %get3A_1366 = vector.shape_cast %get3A_1365 : vector<1x16xf32> to vector<16xf32>
        %sub3A_1367 = arith.subf %get3A_1360, %get3A_1366 : vector<16xf32>
        %max3A_1368 = arith.maximumf %max3A_1354, %sub3A_1367 : vector<16xf32>
        %add3A_1369 = arith.constant 11 : i32
        %add3A_1370 = arith.addi %mul3A_103, %add3A_1369 : i32
        %get3A_1371 = arith.index_cast %add3A_1370 : i32 to index
        %get3A_1372 = arith.constant 80 : index
        %get3A_1373 = tpu.vector_load %arg8[%get3A_1371, %get3A_1372] {strides = array<i32>} : memref<128x128xf32, #tpu.memory_space<vmem>>, vector<1x16xf32>,
        %get3A_1374 = vector.shape_cast %get3A_1373 : vector<1x16xf32> to vector<16xf32>
        %add3A_1375 = arith.constant 11 : i32
        %add3A_1376 = arith.addi %mul3A_103, %add3A_1375 : i32
        %get3A_1377 = arith.index_cast %add3A_1376 : i32 to index
        %get3A_1378 = arith.constant 80 : index
        %get3A_1379 = tpu.vector_load %arg9[%get3A_1377, %get3A_1378] {strides = array<i32>} : memref<128x128xf32, #tpu.memory_space<vmem>>, vector<1x16xf32>,
        %get3A_1380 = vector.shape_cast %get3A_1379 : vector<1x16xf32> to vector<16xf32>
        %sub3A_1381 = arith.subf %get3A_1374, %get3A_1380 : vector<16xf32>
        %max3A_1382 = arith.maximumf %max3A_1368, %sub3A_1381 : vector<16xf32>
        %add3A_1383 = arith.constant 12 : i32
        %add3A_1384 = arith.addi %mul3A_103, %add3A_1383 : i32
        %get3A_1385 = arith.index_cast %add3A_1384 : i32 to index
        %get3A_1386 = arith.constant 80 : index
        %get3A_1387 = tpu.vector_load %arg8[%get3A_1385, %get3A_1386] {strides = array<i32>} : memref<128x128xf32, #tpu.memory_space<vmem>>, vector<1x16xf32>,
        %get3A_1388 = vector.shape_cast %get3A_1387 : vector<1x16xf32> to vector<16xf32>
        %add3A_1389 = arith.constant 12 : i32
        %add3A_1390 = arith.addi %mul3A_103, %add3A_1389 : i32
        %get3A_1391 = arith.index_cast %add3A_1390 : i32 to index
        %get3A_1392 = arith.constant 80 : index
        %get3A_1393 = tpu.vector_load %arg9[%get3A_1391, %get3A_1392] {strides = array<i32>} : memref<128x128xf32, #tpu.memory_space<vmem>>, vector<1x16xf32>,
        %get3A_1394 = vector.shape_cast %get3A_1393 : vector<1x16xf32> to vector<16xf32>
        %sub3A_1395 = arith.subf %get3A_1388, %get3A_1394 : vector<16xf32>
        %max3A_1396 = arith.maximumf %max3A_1382, %sub3A_1395 : vector<16xf32>
        %add3A_1397 = arith.constant 13 : i32
        %add3A_1398 = arith.addi %mul3A_103, %add3A_1397 : i32
        %get3A_1399 = arith.index_cast %add3A_1398 : i32 to index
        %get3A_1400 = arith.constant 80 : index
        %get3A_1401 = tpu.vector_load %arg8[%get3A_1399, %get3A_1400] {strides = array<i32>} : memref<128x128xf32, #tpu.memory_space<vmem>>, vector<1x16xf32>,
        %get3A_1402 = vector.shape_cast %get3A_1401 : vector<1x16xf32> to vector<16xf32>
        %add3A_1403 = arith.constant 13 : i32
        %add3A_1404 = arith.addi %mul3A_103, %add3A_1403 : i32
        %get3A_1405 = arith.index_cast %add3A_1404 : i32 to index
        %get3A_1406 = arith.constant 80 : index
        %get3A_1407 = tpu.vector_load %arg9[%get3A_1405, %get3A_1406] {strides = array<i32>} : memref<128x128xf32, #tpu.memory_space<vmem>>, vector<1x16xf32>,
        %get3A_1408 = vector.shape_cast %get3A_1407 : vector<1x16xf32> to vector<16xf32>
        %sub3A_1409 = arith.subf %get3A_1402, %get3A_1408 : vector<16xf32>
        %max3A_1410 = arith.maximumf %max3A_1396, %sub3A_1409 : vector<16xf32>
        %add3A_1411 = arith.constant 14 : i32
        %add3A_1412 = arith.addi %mul3A_103, %add3A_1411 : i32
        %get3A_1413 = arith.index_cast %add3A_1412 : i32 to index
        %get3A_1414 = arith.constant 80 : index
        %get3A_1415 = tpu.vector_load %arg8[%get3A_1413, %get3A_1414] {strides = array<i32>} : memref<128x128xf32, #tpu.memory_space<vmem>>, vector<1x16xf32>,
        %get3A_1416 = vector.shape_cast %get3A_1415 : vector<1x16xf32> to vector<16xf32>
        %add3A_1417 = arith.constant 14 : i32
        %add3A_1418 = arith.addi %mul3A_103, %add3A_1417 : i32
        %get3A_1419 = arith.index_cast %add3A_1418 : i32 to index
        %get3A_1420 = arith.constant 80 : index
        %get3A_1421 = tpu.vector_load %arg9[%get3A_1419, %get3A_1420] {strides = array<i32>} : memref<128x128xf32, #tpu.memory_space<vmem>>, vector<1x16xf32>,
        %get3A_1422 = vector.shape_cast %get3A_1421 : vector<1x16xf32> to vector<16xf32>
        %sub3A_1423 = arith.subf %get3A_1416, %get3A_1422 : vector<16xf32>
        %max3A_1424 = arith.maximumf %max3A_1410, %sub3A_1423 : vector<16xf32>
        %add3A_1425 = arith.constant 15 : i32
        %add3A_1426 = arith.addi %mul3A_103, %add3A_1425 : i32
        %get3A_1427 = arith.index_cast %add3A_1426 : i32 to index
        %get3A_1428 = arith.constant 80 : index
        %get3A_1429 = tpu.vector_load %arg8[%get3A_1427, %get3A_1428] {strides = array<i32>} : memref<128x128xf32, #tpu.memory_space<vmem>>, vector<1x16xf32>,
        %get3A_1430 = vector.shape_cast %get3A_1429 : vector<1x16xf32> to vector<16xf32>
        %add3A_1431 = arith.constant 15 : i32
        %add3A_1432 = arith.addi %mul3A_103, %add3A_1431 : i32
        %get3A_1433 = arith.index_cast %add3A_1432 : i32 to index
        %get3A_1434 = arith.constant 80 : index
        %get3A_1435 = tpu.vector_load %arg9[%get3A_1433, %get3A_1434] {strides = array<i32>} : memref<128x128xf32, #tpu.memory_space<vmem>>, vector<1x16xf32>,
        %get3A_1436 = vector.shape_cast %get3A_1435 : vector<1x16xf32> to vector<16xf32>
        %sub3A_1437 = arith.subf %get3A_1430, %get3A_1436 : vector<16xf32>
        %max3A_1438 = arith.maximumf %max3A_1424, %sub3A_1437 : vector<16xf32>
        %swap3A_1439 = arith.index_cast %scan3A_101 : i32 to index
        %swap3A_1440 = arith.constant 80 : index
        %swap3A_1441 = tpu.vector_load %arg12[%swap3A_1439, %swap3A_1440] {strides = array<i32>} : memref<8x128xf32, #tpu.memory_space<vmem>>, vector<1x16xf32>,
        %swap3A_1442 = vector.shape_cast %swap3A_1441 : vector<1x16xf32> to vector<16xf32>
        %swap3A_1443 = vector.shape_cast %max3A_1438 : vector<16xf32> to vector<1x16xf32>
        tpu.vector_store %arg12[%swap3A_1439, %swap3A_1440], %swap3A_1443 {strides = array<i32>} : memref<8x128xf32, #tpu.memory_space<vmem>>, vector<1x16xf32>,
        %get3A_1444 = arith.index_cast %mul3A_103 : i32 to index
        %get3A_1445 = arith.constant 96 : index
        %get3A_1446 = tpu.vector_load %arg8[%get3A_1444, %get3A_1445] {strides = array<i32>} : memref<128x128xf32, #tpu.memory_space<vmem>>, vector<1x16xf32>,
        %get3A_1447 = vector.shape_cast %get3A_1446 : vector<1x16xf32> to vector<16xf32>
        %get3A_1448 = arith.index_cast %mul3A_103 : i32 to index
        %get3A_1449 = arith.constant 96 : index
        %get3A_1450 = tpu.vector_load %arg9[%get3A_1448, %get3A_1449] {strides = array<i32>} : memref<128x128xf32, #tpu.memory_space<vmem>>, vector<1x16xf32>,
        %get3A_1451 = vector.shape_cast %get3A_1450 : vector<1x16xf32> to vector<16xf32>
        %sub3A_1452 = arith.subf %get3A_1447, %get3A_1451 : vector<16xf32>
        %add3A_1453 = arith.constant 1 : i32
        %add3A_1454 = arith.addi %mul3A_103, %add3A_1453 : i32
        %get3A_1455 = arith.index_cast %add3A_1454 : i32 to index
        %get3A_1456 = arith.constant 96 : index
        %get3A_1457 = tpu.vector_load %arg8[%get3A_1455, %get3A_1456] {strides = array<i32>} : memref<128x128xf32, #tpu.memory_space<vmem>>, vector<1x16xf32>,
        %get3A_1458 = vector.shape_cast %get3A_1457 : vector<1x16xf32> to vector<16xf32>
        %add3A_1459 = arith.constant 1 : i32
        %add3A_1460 = arith.addi %mul3A_103, %add3A_1459 : i32
        %get3A_1461 = arith.index_cast %add3A_1460 : i32 to index
        %get3A_1462 = arith.constant 96 : index
        %get3A_1463 = tpu.vector_load %arg9[%get3A_1461, %get3A_1462] {strides = array<i32>} : memref<128x128xf32, #tpu.memory_space<vmem>>, vector<1x16xf32>,
        %get3A_1464 = vector.shape_cast %get3A_1463 : vector<1x16xf32> to vector<16xf32>
        %sub3A_1465 = arith.subf %get3A_1458, %get3A_1464 : vector<16xf32>
        %max3A_1466 = arith.maximumf %sub3A_1452, %sub3A_1465 : vector<16xf32>
        %add3A_1467 = arith.constant 2 : i32
        %add3A_1468 = arith.addi %mul3A_103, %add3A_1467 : i32
        %get3A_1469 = arith.index_cast %add3A_1468 : i32 to index
        %get3A_1470 = arith.constant 96 : index
        %get3A_1471 = tpu.vector_load %arg8[%get3A_1469, %get3A_1470] {strides = array<i32>} : memref<128x128xf32, #tpu.memory_space<vmem>>, vector<1x16xf32>,
        %get3A_1472 = vector.shape_cast %get3A_1471 : vector<1x16xf32> to vector<16xf32>
        %add3A_1473 = arith.constant 2 : i32
        %add3A_1474 = arith.addi %mul3A_103, %add3A_1473 : i32
        %get3A_1475 = arith.index_cast %add3A_1474 : i32 to index
        %get3A_1476 = arith.constant 96 : index
        %get3A_1477 = tpu.vector_load %arg9[%get3A_1475, %get3A_1476] {strides = array<i32>} : memref<128x128xf32, #tpu.memory_space<vmem>>, vector<1x16xf32>,
        %get3A_1478 = vector.shape_cast %get3A_1477 : vector<1x16xf32> to vector<16xf32>
        %sub3A_1479 = arith.subf %get3A_1472, %get3A_1478 : vector<16xf32>
        %max3A_1480 = arith.maximumf %max3A_1466, %sub3A_1479 : vector<16xf32>
        %add3A_1481 = arith.constant 3 : i32
        %add3A_1482 = arith.addi %mul3A_103, %add3A_1481 : i32
        %get3A_1483 = arith.index_cast %add3A_1482 : i32 to index
        %get3A_1484 = arith.constant 96 : index
        %get3A_1485 = tpu.vector_load %arg8[%get3A_1483, %get3A_1484] {strides = array<i32>} : memref<128x128xf32, #tpu.memory_space<vmem>>, vector<1x16xf32>,
        %get3A_1486 = vector.shape_cast %get3A_1485 : vector<1x16xf32> to vector<16xf32>
        %add3A_1487 = arith.constant 3 : i32
        %add3A_1488 = arith.addi %mul3A_103, %add3A_1487 : i32
        %get3A_1489 = arith.index_cast %add3A_1488 : i32 to index
        %get3A_1490 = arith.constant 96 : index
        %get3A_1491 = tpu.vector_load %arg9[%get3A_1489, %get3A_1490] {strides = array<i32>} : memref<128x128xf32, #tpu.memory_space<vmem>>, vector<1x16xf32>,
        %get3A_1492 = vector.shape_cast %get3A_1491 : vector<1x16xf32> to vector<16xf32>
        %sub3A_1493 = arith.subf %get3A_1486, %get3A_1492 : vector<16xf32>
        %max3A_1494 = arith.maximumf %max3A_1480, %sub3A_1493 : vector<16xf32>
        %add3A_1495 = arith.constant 4 : i32
        %add3A_1496 = arith.addi %mul3A_103, %add3A_1495 : i32
        %get3A_1497 = arith.index_cast %add3A_1496 : i32 to index
        %get3A_1498 = arith.constant 96 : index
        %get3A_1499 = tpu.vector_load %arg8[%get3A_1497, %get3A_1498] {strides = array<i32>} : memref<128x128xf32, #tpu.memory_space<vmem>>, vector<1x16xf32>,
        %get3A_1500 = vector.shape_cast %get3A_1499 : vector<1x16xf32> to vector<16xf32>
        %add3A_1501 = arith.constant 4 : i32
        %add3A_1502 = arith.addi %mul3A_103, %add3A_1501 : i32
        %get3A_1503 = arith.index_cast %add3A_1502 : i32 to index
        %get3A_1504 = arith.constant 96 : index
        %get3A_1505 = tpu.vector_load %arg9[%get3A_1503, %get3A_1504] {strides = array<i32>} : memref<128x128xf32, #tpu.memory_space<vmem>>, vector<1x16xf32>,
        %get3A_1506 = vector.shape_cast %get3A_1505 : vector<1x16xf32> to vector<16xf32>
        %sub3A_1507 = arith.subf %get3A_1500, %get3A_1506 : vector<16xf32>
        %max3A_1508 = arith.maximumf %max3A_1494, %sub3A_1507 : vector<16xf32>
        %add3A_1509 = arith.constant 5 : i32
        %add3A_1510 = arith.addi %mul3A_103, %add3A_1509 : i32
        %get3A_1511 = arith.index_cast %add3A_1510 : i32 to index
        %get3A_1512 = arith.constant 96 : index
        %get3A_1513 = tpu.vector_load %arg8[%get3A_1511, %get3A_1512] {strides = array<i32>} : memref<128x128xf32, #tpu.memory_space<vmem>>, vector<1x16xf32>,
        %get3A_1514 = vector.shape_cast %get3A_1513 : vector<1x16xf32> to vector<16xf32>
        %add3A_1515 = arith.constant 5 : i32
        %add3A_1516 = arith.addi %mul3A_103, %add3A_1515 : i32
        %get3A_1517 = arith.index_cast %add3A_1516 : i32 to index
        %get3A_1518 = arith.constant 96 : index
        %get3A_1519 = tpu.vector_load %arg9[%get3A_1517, %get3A_1518] {strides = array<i32>} : memref<128x128xf32, #tpu.memory_space<vmem>>, vector<1x16xf32>,
        %get3A_1520 = vector.shape_cast %get3A_1519 : vector<1x16xf32> to vector<16xf32>
        %sub3A_1521 = arith.subf %get3A_1514, %get3A_1520 : vector<16xf32>
        %max3A_1522 = arith.maximumf %max3A_1508, %sub3A_1521 : vector<16xf32>
        %add3A_1523 = arith.constant 6 : i32
        %add3A_1524 = arith.addi %mul3A_103, %add3A_1523 : i32
        %get3A_1525 = arith.index_cast %add3A_1524 : i32 to index
        %get3A_1526 = arith.constant 96 : index
        %get3A_1527 = tpu.vector_load %arg8[%get3A_1525, %get3A_1526] {strides = array<i32>} : memref<128x128xf32, #tpu.memory_space<vmem>>, vector<1x16xf32>,
        %get3A_1528 = vector.shape_cast %get3A_1527 : vector<1x16xf32> to vector<16xf32>
        %add3A_1529 = arith.constant 6 : i32
        %add3A_1530 = arith.addi %mul3A_103, %add3A_1529 : i32
        %get3A_1531 = arith.index_cast %add3A_1530 : i32 to index
        %get3A_1532 = arith.constant 96 : index
        %get3A_1533 = tpu.vector_load %arg9[%get3A_1531, %get3A_1532] {strides = array<i32>} : memref<128x128xf32, #tpu.memory_space<vmem>>, vector<1x16xf32>,
        %get3A_1534 = vector.shape_cast %get3A_1533 : vector<1x16xf32> to vector<16xf32>
        %sub3A_1535 = arith.subf %get3A_1528, %get3A_1534 : vector<16xf32>
        %max3A_1536 = arith.maximumf %max3A_1522, %sub3A_1535 : vector<16xf32>
        %add3A_1537 = arith.constant 7 : i32
        %add3A_1538 = arith.addi %mul3A_103, %add3A_1537 : i32
        %get3A_1539 = arith.index_cast %add3A_1538 : i32 to index
        %get3A_1540 = arith.constant 96 : index
        %get3A_1541 = tpu.vector_load %arg8[%get3A_1539, %get3A_1540] {strides = array<i32>} : memref<128x128xf32, #tpu.memory_space<vmem>>, vector<1x16xf32>,
        %get3A_1542 = vector.shape_cast %get3A_1541 : vector<1x16xf32> to vector<16xf32>
        %add3A_1543 = arith.constant 7 : i32
        %add3A_1544 = arith.addi %mul3A_103, %add3A_1543 : i32
        %get3A_1545 = arith.index_cast %add3A_1544 : i32 to index
        %get3A_1546 = arith.constant 96 : index
        %get3A_1547 = tpu.vector_load %arg9[%get3A_1545, %get3A_1546] {strides = array<i32>} : memref<128x128xf32, #tpu.memory_space<vmem>>, vector<1x16xf32>,
        %get3A_1548 = vector.shape_cast %get3A_1547 : vector<1x16xf32> to vector<16xf32>
        %sub3A_1549 = arith.subf %get3A_1542, %get3A_1548 : vector<16xf32>
        %max3A_1550 = arith.maximumf %max3A_1536, %sub3A_1549 : vector<16xf32>
        %add3A_1551 = arith.constant 8 : i32
        %add3A_1552 = arith.addi %mul3A_103, %add3A_1551 : i32
        %get3A_1553 = arith.index_cast %add3A_1552 : i32 to index
        %get3A_1554 = arith.constant 96 : index
        %get3A_1555 = tpu.vector_load %arg8[%get3A_1553, %get3A_1554] {strides = array<i32>} : memref<128x128xf32, #tpu.memory_space<vmem>>, vector<1x16xf32>,
        %get3A_1556 = vector.shape_cast %get3A_1555 : vector<1x16xf32> to vector<16xf32>
        %add3A_1557 = arith.constant 8 : i32
        %add3A_1558 = arith.addi %mul3A_103, %add3A_1557 : i32
        %get3A_1559 = arith.index_cast %add3A_1558 : i32 to index
        %get3A_1560 = arith.constant 96 : index
        %get3A_1561 = tpu.vector_load %arg9[%get3A_1559, %get3A_1560] {strides = array<i32>} : memref<128x128xf32, #tpu.memory_space<vmem>>, vector<1x16xf32>,
        %get3A_1562 = vector.shape_cast %get3A_1561 : vector<1x16xf32> to vector<16xf32>
        %sub3A_1563 = arith.subf %get3A_1556, %get3A_1562 : vector<16xf32>
        %max3A_1564 = arith.maximumf %max3A_1550, %sub3A_1563 : vector<16xf32>
        %add3A_1565 = arith.constant 9 : i32
        %add3A_1566 = arith.addi %mul3A_103, %add3A_1565 : i32
        %get3A_1567 = arith.index_cast %add3A_1566 : i32 to index
        %get3A_1568 = arith.constant 96 : index
        %get3A_1569 = tpu.vector_load %arg8[%get3A_1567, %get3A_1568] {strides = array<i32>} : memref<128x128xf32, #tpu.memory_space<vmem>>, vector<1x16xf32>,
        %get3A_1570 = vector.shape_cast %get3A_1569 : vector<1x16xf32> to vector<16xf32>
        %add3A_1571 = arith.constant 9 : i32
        %add3A_1572 = arith.addi %mul3A_103, %add3A_1571 : i32
        %get3A_1573 = arith.index_cast %add3A_1572 : i32 to index
        %get3A_1574 = arith.constant 96 : index
        %get3A_1575 = tpu.vector_load %arg9[%get3A_1573, %get3A_1574] {strides = array<i32>} : memref<128x128xf32, #tpu.memory_space<vmem>>, vector<1x16xf32>,
        %get3A_1576 = vector.shape_cast %get3A_1575 : vector<1x16xf32> to vector<16xf32>
        %sub3A_1577 = arith.subf %get3A_1570, %get3A_1576 : vector<16xf32>
        %max3A_1578 = arith.maximumf %max3A_1564, %sub3A_1577 : vector<16xf32>
        %add3A_1579 = arith.constant 10 : i32
        %add3A_1580 = arith.addi %mul3A_103, %add3A_1579 : i32
        %get3A_1581 = arith.index_cast %add3A_1580 : i32 to index
        %get3A_1582 = arith.constant 96 : index
        %get3A_1583 = tpu.vector_load %arg8[%get3A_1581, %get3A_1582] {strides = array<i32>} : memref<128x128xf32, #tpu.memory_space<vmem>>, vector<1x16xf32>,
        %get3A_1584 = vector.shape_cast %get3A_1583 : vector<1x16xf32> to vector<16xf32>
        %add3A_1585 = arith.constant 10 : i32
        %add3A_1586 = arith.addi %mul3A_103, %add3A_1585 : i32
        %get3A_1587 = arith.index_cast %add3A_1586 : i32 to index
        %get3A_1588 = arith.constant 96 : index
        %get3A_1589 = tpu.vector_load %arg9[%get3A_1587, %get3A_1588] {strides = array<i32>} : memref<128x128xf32, #tpu.memory_space<vmem>>, vector<1x16xf32>,
        %get3A_1590 = vector.shape_cast %get3A_1589 : vector<1x16xf32> to vector<16xf32>
        %sub3A_1591 = arith.subf %get3A_1584, %get3A_1590 : vector<16xf32>
        %max3A_1592 = arith.maximumf %max3A_1578, %sub3A_1591 : vector<16xf32>
        %add3A_1593 = arith.constant 11 : i32
        %add3A_1594 = arith.addi %mul3A_103, %add3A_1593 : i32
        %get3A_1595 = arith.index_cast %add3A_1594 : i32 to index
        %get3A_1596 = arith.constant 96 : index
        %get3A_1597 = tpu.vector_load %arg8[%get3A_1595, %get3A_1596] {strides = array<i32>} : memref<128x128xf32, #tpu.memory_space<vmem>>, vector<1x16xf32>,
        %get3A_1598 = vector.shape_cast %get3A_1597 : vector<1x16xf32> to vector<16xf32>
        %add3A_1599 = arith.constant 11 : i32
        %add3A_1600 = arith.addi %mul3A_103, %add3A_1599 : i32
        %get3A_1601 = arith.index_cast %add3A_1600 : i32 to index
        %get3A_1602 = arith.constant 96 : index
        %get3A_1603 = tpu.vector_load %arg9[%get3A_1601, %get3A_1602] {strides = array<i32>} : memref<128x128xf32, #tpu.memory_space<vmem>>, vector<1x16xf32>,
        %get3A_1604 = vector.shape_cast %get3A_1603 : vector<1x16xf32> to vector<16xf32>
        %sub3A_1605 = arith.subf %get3A_1598, %get3A_1604 : vector<16xf32>
        %max3A_1606 = arith.maximumf %max3A_1592, %sub3A_1605 : vector<16xf32>
        %add3A_1607 = arith.constant 12 : i32
        %add3A_1608 = arith.addi %mul3A_103, %add3A_1607 : i32
        %get3A_1609 = arith.index_cast %add3A_1608 : i32 to index
        %get3A_1610 = arith.constant 96 : index
        %get3A_1611 = tpu.vector_load %arg8[%get3A_1609, %get3A_1610] {strides = array<i32>} : memref<128x128xf32, #tpu.memory_space<vmem>>, vector<1x16xf32>,
        %get3A_1612 = vector.shape_cast %get3A_1611 : vector<1x16xf32> to vector<16xf32>
        %add3A_1613 = arith.constant 12 : i32
        %add3A_1614 = arith.addi %mul3A_103, %add3A_1613 : i32
        %get3A_1615 = arith.index_cast %add3A_1614 : i32 to index
        %get3A_1616 = arith.constant 96 : index
        %get3A_1617 = tpu.vector_load %arg9[%get3A_1615, %get3A_1616] {strides = array<i32>} : memref<128x128xf32, #tpu.memory_space<vmem>>, vector<1x16xf32>,
        %get3A_1618 = vector.shape_cast %get3A_1617 : vector<1x16xf32> to vector<16xf32>
        %sub3A_1619 = arith.subf %get3A_1612, %get3A_1618 : vector<16xf32>
        %max3A_1620 = arith.maximumf %max3A_1606, %sub3A_1619 : vector<16xf32>
        %add3A_1621 = arith.constant 13 : i32
        %add3A_1622 = arith.addi %mul3A_103, %add3A_1621 : i32
        %get3A_1623 = arith.index_cast %add3A_1622 : i32 to index
        %get3A_1624 = arith.constant 96 : index
        %get3A_1625 = tpu.vector_load %arg8[%get3A_1623, %get3A_1624] {strides = array<i32>} : memref<128x128xf32, #tpu.memory_space<vmem>>, vector<1x16xf32>,
        %get3A_1626 = vector.shape_cast %get3A_1625 : vector<1x16xf32> to vector<16xf32>
        %add3A_1627 = arith.constant 13 : i32
        %add3A_1628 = arith.addi %mul3A_103, %add3A_1627 : i32
        %get3A_1629 = arith.index_cast %add3A_1628 : i32 to index
        %get3A_1630 = arith.constant 96 : index
        %get3A_1631 = tpu.vector_load %arg9[%get3A_1629, %get3A_1630] {strides = array<i32>} : memref<128x128xf32, #tpu.memory_space<vmem>>, vector<1x16xf32>,
        %get3A_1632 = vector.shape_cast %get3A_1631 : vector<1x16xf32> to vector<16xf32>
        %sub3A_1633 = arith.subf %get3A_1626, %get3A_1632 : vector<16xf32>
        %max3A_1634 = arith.maximumf %max3A_1620, %sub3A_1633 : vector<16xf32>
        %add3A_1635 = arith.constant 14 : i32
        %add3A_1636 = arith.addi %mul3A_103, %add3A_1635 : i32
        %get3A_1637 = arith.index_cast %add3A_1636 : i32 to index
        %get3A_1638 = arith.constant 96 : index
        %get3A_1639 = tpu.vector_load %arg8[%get3A_1637, %get3A_1638] {strides = array<i32>} : memref<128x128xf32, #tpu.memory_space<vmem>>, vector<1x16xf32>,
        %get3A_1640 = vector.shape_cast %get3A_1639 : vector<1x16xf32> to vector<16xf32>
        %add3A_1641 = arith.constant 14 : i32
        %add3A_1642 = arith.addi %mul3A_103, %add3A_1641 : i32
        %get3A_1643 = arith.index_cast %add3A_1642 : i32 to index
        %get3A_1644 = arith.constant 96 : index
        %get3A_1645 = tpu.vector_load %arg9[%get3A_1643, %get3A_1644] {strides = array<i32>} : memref<128x128xf32, #tpu.memory_space<vmem>>, vector<1x16xf32>,
        %get3A_1646 = vector.shape_cast %get3A_1645 : vector<1x16xf32> to vector<16xf32>
        %sub3A_1647 = arith.subf %get3A_1640, %get3A_1646 : vector<16xf32>
        %max3A_1648 = arith.maximumf %max3A_1634, %sub3A_1647 : vector<16xf32>
        %add3A_1649 = arith.constant 15 : i32
        %add3A_1650 = arith.addi %mul3A_103, %add3A_1649 : i32
        %get3A_1651 = arith.index_cast %add3A_1650 : i32 to index
        %get3A_1652 = arith.constant 96 : index
        %get3A_1653 = tpu.vector_load %arg8[%get3A_1651, %get3A_1652] {strides = array<i32>} : memref<128x128xf32, #tpu.memory_space<vmem>>, vector<1x16xf32>,
        %get3A_1654 = vector.shape_cast %get3A_1653 : vector<1x16xf32> to vector<16xf32>
        %add3A_1655 = arith.constant 15 : i32
        %add3A_1656 = arith.addi %mul3A_103, %add3A_1655 : i32
        %get3A_1657 = arith.index_cast %add3A_1656 : i32 to index
        %get3A_1658 = arith.constant 96 : index
        %get3A_1659 = tpu.vector_load %arg9[%get3A_1657, %get3A_1658] {strides = array<i32>} : memref<128x128xf32, #tpu.memory_space<vmem>>, vector<1x16xf32>,
        %get3A_1660 = vector.shape_cast %get3A_1659 : vector<1x16xf32> to vector<16xf32>
        %sub3A_1661 = arith.subf %get3A_1654, %get3A_1660 : vector<16xf32>
        %max3A_1662 = arith.maximumf %max3A_1648, %sub3A_1661 : vector<16xf32>
        %swap3A_1663 = arith.index_cast %scan3A_101 : i32 to index
        %swap3A_1664 = arith.constant 96 : index
        %swap3A_1665 = tpu.vector_load %arg12[%swap3A_1663, %swap3A_1664] {strides = array<i32>} : memref<8x128xf32, #tpu.memory_space<vmem>>, vector<1x16xf32>,
        %swap3A_1666 = vector.shape_cast %swap3A_1665 : vector<1x16xf32> to vector<16xf32>
        %swap3A_1667 = vector.shape_cast %max3A_1662 : vector<16xf32> to vector<1x16xf32>
        tpu.vector_store %arg12[%swap3A_1663, %swap3A_1664], %swap3A_1667 {strides = array<i32>} : memref<8x128xf32, #tpu.memory_space<vmem>>, vector<1x16xf32>,
        %get3A_1668 = arith.index_cast %mul3A_103 : i32 to index
        %get3A_1669 = arith.constant 112 : index
        %get3A_1670 = tpu.vector_load %arg8[%get3A_1668, %get3A_1669] {strides = array<i32>} : memref<128x128xf32, #tpu.memory_space<vmem>>, vector<1x16xf32>,
        %get3A_1671 = vector.shape_cast %get3A_1670 : vector<1x16xf32> to vector<16xf32>
        %get3A_1672 = arith.index_cast %mul3A_103 : i32 to index
        %get3A_1673 = arith.constant 112 : index
        %get3A_1674 = tpu.vector_load %arg9[%get3A_1672, %get3A_1673] {strides = array<i32>} : memref<128x128xf32, #tpu.memory_space<vmem>>, vector<1x16xf32>,
        %get3A_1675 = vector.shape_cast %get3A_1674 : vector<1x16xf32> to vector<16xf32>
        %sub3A_1676 = arith.subf %get3A_1671, %get3A_1675 : vector<16xf32>
        %add3A_1677 = arith.constant 1 : i32
        %add3A_1678 = arith.addi %mul3A_103, %add3A_1677 : i32
        %get3A_1679 = arith.index_cast %add3A_1678 : i32 to index
        %get3A_1680 = arith.constant 112 : index
        %get3A_1681 = tpu.vector_load %arg8[%get3A_1679, %get3A_1680] {strides = array<i32>} : memref<128x128xf32, #tpu.memory_space<vmem>>, vector<1x16xf32>,
        %get3A_1682 = vector.shape_cast %get3A_1681 : vector<1x16xf32> to vector<16xf32>
        %add3A_1683 = arith.constant 1 : i32
        %add3A_1684 = arith.addi %mul3A_103, %add3A_1683 : i32
        %get3A_1685 = arith.index_cast %add3A_1684 : i32 to index
        %get3A_1686 = arith.constant 112 : index
        %get3A_1687 = tpu.vector_load %arg9[%get3A_1685, %get3A_1686] {strides = array<i32>} : memref<128x128xf32, #tpu.memory_space<vmem>>, vector<1x16xf32>,
        %get3A_1688 = vector.shape_cast %get3A_1687 : vector<1x16xf32> to vector<16xf32>
        %sub3A_1689 = arith.subf %get3A_1682, %get3A_1688 : vector<16xf32>
        %max3A_1690 = arith.maximumf %sub3A_1676, %sub3A_1689 : vector<16xf32>
        %add3A_1691 = arith.constant 2 : i32
        %add3A_1692 = arith.addi %mul3A_103, %add3A_1691 : i32
        %get3A_1693 = arith.index_cast %add3A_1692 : i32 to index
        %get3A_1694 = arith.constant 112 : index
        %get3A_1695 = tpu.vector_load %arg8[%get3A_1693, %get3A_1694] {strides = array<i32>} : memref<128x128xf32, #tpu.memory_space<vmem>>, vector<1x16xf32>,
        %get3A_1696 = vector.shape_cast %get3A_1695 : vector<1x16xf32> to vector<16xf32>
        %add3A_1697 = arith.constant 2 : i32
        %add3A_1698 = arith.addi %mul3A_103, %add3A_1697 : i32
        %get3A_1699 = arith.index_cast %add3A_1698 : i32 to index
        %get3A_1700 = arith.constant 112 : index
        %get3A_1701 = tpu.vector_load %arg9[%get3A_1699, %get3A_1700] {strides = array<i32>} : memref<128x128xf32, #tpu.memory_space<vmem>>, vector<1x16xf32>,
        %get3A_1702 = vector.shape_cast %get3A_1701 : vector<1x16xf32> to vector<16xf32>
        %sub3A_1703 = arith.subf %get3A_1696, %get3A_1702 : vector<16xf32>
        %max3A_1704 = arith.maximumf %max3A_1690, %sub3A_1703 : vector<16xf32>
        %add3A_1705 = arith.constant 3 : i32
        %add3A_1706 = arith.addi %mul3A_103, %add3A_1705 : i32
        %get3A_1707 = arith.index_cast %add3A_1706 : i32 to index
        %get3A_1708 = arith.constant 112 : index
        %get3A_1709 = tpu.vector_load %arg8[%get3A_1707, %get3A_1708] {strides = array<i32>} : memref<128x128xf32, #tpu.memory_space<vmem>>, vector<1x16xf32>,
        %get3A_1710 = vector.shape_cast %get3A_1709 : vector<1x16xf32> to vector<16xf32>
        %add3A_1711 = arith.constant 3 : i32
        %add3A_1712 = arith.addi %mul3A_103, %add3A_1711 : i32
        %get3A_1713 = arith.index_cast %add3A_1712 : i32 to index
        %get3A_1714 = arith.constant 112 : index
        %get3A_1715 = tpu.vector_load %arg9[%get3A_1713, %get3A_1714] {strides = array<i32>} : memref<128x128xf32, #tpu.memory_space<vmem>>, vector<1x16xf32>,
        %get3A_1716 = vector.shape_cast %get3A_1715 : vector<1x16xf32> to vector<16xf32>
        %sub3A_1717 = arith.subf %get3A_1710, %get3A_1716 : vector<16xf32>
        %max3A_1718 = arith.maximumf %max3A_1704, %sub3A_1717 : vector<16xf32>
        %add3A_1719 = arith.constant 4 : i32
        %add3A_1720 = arith.addi %mul3A_103, %add3A_1719 : i32
        %get3A_1721 = arith.index_cast %add3A_1720 : i32 to index
        %get3A_1722 = arith.constant 112 : index
        %get3A_1723 = tpu.vector_load %arg8[%get3A_1721, %get3A_1722] {strides = array<i32>} : memref<128x128xf32, #tpu.memory_space<vmem>>, vector<1x16xf32>,
        %get3A_1724 = vector.shape_cast %get3A_1723 : vector<1x16xf32> to vector<16xf32>
        %add3A_1725 = arith.constant 4 : i32
        %add3A_1726 = arith.addi %mul3A_103, %add3A_1725 : i32
        %get3A_1727 = arith.index_cast %add3A_1726 : i32 to index
        %get3A_1728 = arith.constant 112 : index
        %get3A_1729 = tpu.vector_load %arg9[%get3A_1727, %get3A_1728] {strides = array<i32>} : memref<128x128xf32, #tpu.memory_space<vmem>>, vector<1x16xf32>,
        %get3A_1730 = vector.shape_cast %get3A_1729 : vector<1x16xf32> to vector<16xf32>
        %sub3A_1731 = arith.subf %get3A_1724, %get3A_1730 : vector<16xf32>
        %max3A_1732 = arith.maximumf %max3A_1718, %sub3A_1731 : vector<16xf32>
        %add3A_1733 = arith.constant 5 : i32
        %add3A_1734 = arith.addi %mul3A_103, %add3A_1733 : i32
        %get3A_1735 = arith.index_cast %add3A_1734 : i32 to index
        %get3A_1736 = arith.constant 112 : index
        %get3A_1737 = tpu.vector_load %arg8[%get3A_1735, %get3A_1736] {strides = array<i32>} : memref<128x128xf32, #tpu.memory_space<vmem>>, vector<1x16xf32>,
        %get3A_1738 = vector.shape_cast %get3A_1737 : vector<1x16xf32> to vector<16xf32>
        %add3A_1739 = arith.constant 5 : i32
        %add3A_1740 = arith.addi %mul3A_103, %add3A_1739 : i32
        %get3A_1741 = arith.index_cast %add3A_1740 : i32 to index
        %get3A_1742 = arith.constant 112 : index
        %get3A_1743 = tpu.vector_load %arg9[%get3A_1741, %get3A_1742] {strides = array<i32>} : memref<128x128xf32, #tpu.memory_space<vmem>>, vector<1x16xf32>,
        %get3A_1744 = vector.shape_cast %get3A_1743 : vector<1x16xf32> to vector<16xf32>
        %sub3A_1745 = arith.subf %get3A_1738, %get3A_1744 : vector<16xf32>
        %max3A_1746 = arith.maximumf %max3A_1732, %sub3A_1745 : vector<16xf32>
        %add3A_1747 = arith.constant 6 : i32
        %add3A_1748 = arith.addi %mul3A_103, %add3A_1747 : i32
        %get3A_1749 = arith.index_cast %add3A_1748 : i32 to index
        %get3A_1750 = arith.constant 112 : index
        %get3A_1751 = tpu.vector_load %arg8[%get3A_1749, %get3A_1750] {strides = array<i32>} : memref<128x128xf32, #tpu.memory_space<vmem>>, vector<1x16xf32>,
        %get3A_1752 = vector.shape_cast %get3A_1751 : vector<1x16xf32> to vector<16xf32>
        %add3A_1753 = arith.constant 6 : i32
        %add3A_1754 = arith.addi %mul3A_103, %add3A_1753 : i32
        %get3A_1755 = arith.index_cast %add3A_1754 : i32 to index
        %get3A_1756 = arith.constant 112 : index
        %get3A_1757 = tpu.vector_load %arg9[%get3A_1755, %get3A_1756] {strides = array<i32>} : memref<128x128xf32, #tpu.memory_space<vmem>>, vector<1x16xf32>,
        %get3A_1758 = vector.shape_cast %get3A_1757 : vector<1x16xf32> to vector<16xf32>
        %sub3A_1759 = arith.subf %get3A_1752, %get3A_1758 : vector<16xf32>
        %max3A_1760 = arith.maximumf %max3A_1746, %sub3A_1759 : vector<16xf32>
        %add3A_1761 = arith.constant 7 : i32
        %add3A_1762 = arith.addi %mul3A_103, %add3A_1761 : i32
        %get3A_1763 = arith.index_cast %add3A_1762 : i32 to index
        %get3A_1764 = arith.constant 112 : index
        %get3A_1765 = tpu.vector_load %arg8[%get3A_1763, %get3A_1764] {strides = array<i32>} : memref<128x128xf32, #tpu.memory_space<vmem>>, vector<1x16xf32>,
        %get3A_1766 = vector.shape_cast %get3A_1765 : vector<1x16xf32> to vector<16xf32>
        %add3A_1767 = arith.constant 7 : i32
        %add3A_1768 = arith.addi %mul3A_103, %add3A_1767 : i32
        %get3A_1769 = arith.index_cast %add3A_1768 : i32 to index
        %get3A_1770 = arith.constant 112 : index
        %get3A_1771 = tpu.vector_load %arg9[%get3A_1769, %get3A_1770] {strides = array<i32>} : memref<128x128xf32, #tpu.memory_space<vmem>>, vector<1x16xf32>,
        %get3A_1772 = vector.shape_cast %get3A_1771 : vector<1x16xf32> to vector<16xf32>
        %sub3A_1773 = arith.subf %get3A_1766, %get3A_1772 : vector<16xf32>
        %max3A_1774 = arith.maximumf %max3A_1760, %sub3A_1773 : vector<16xf32>
        %add3A_1775 = arith.constant 8 : i32
        %add3A_1776 = arith.addi %mul3A_103, %add3A_1775 : i32
        %get3A_1777 = arith.index_cast %add3A_1776 : i32 to index
        %get3A_1778 = arith.constant 112 : index
        %get3A_1779 = tpu.vector_load %arg8[%get3A_1777, %get3A_1778] {strides = array<i32>} : memref<128x128xf32, #tpu.memory_space<vmem>>, vector<1x16xf32>,
        %get3A_1780 = vector.shape_cast %get3A_1779 : vector<1x16xf32> to vector<16xf32>
        %add3A_1781 = arith.constant 8 : i32
        %add3A_1782 = arith.addi %mul3A_103, %add3A_1781 : i32
        %get3A_1783 = arith.index_cast %add3A_1782 : i32 to index
        %get3A_1784 = arith.constant 112 : index
        %get3A_1785 = tpu.vector_load %arg9[%get3A_1783, %get3A_1784] {strides = array<i32>} : memref<128x128xf32, #tpu.memory_space<vmem>>, vector<1x16xf32>,
        %get3A_1786 = vector.shape_cast %get3A_1785 : vector<1x16xf32> to vector<16xf32>
        %sub3A_1787 = arith.subf %get3A_1780, %get3A_1786 : vector<16xf32>
        %max3A_1788 = arith.maximumf %max3A_1774, %sub3A_1787 : vector<16xf32>
        %add3A_1789 = arith.constant 9 : i32
        %add3A_1790 = arith.addi %mul3A_103, %add3A_1789 : i32
        %get3A_1791 = arith.index_cast %add3A_1790 : i32 to index
        %get3A_1792 = arith.constant 112 : index
        %get3A_1793 = tpu.vector_load %arg8[%get3A_1791, %get3A_1792] {strides = array<i32>} : memref<128x128xf32, #tpu.memory_space<vmem>>, vector<1x16xf32>,
        %get3A_1794 = vector.shape_cast %get3A_1793 : vector<1x16xf32> to vector<16xf32>
        %add3A_1795 = arith.constant 9 : i32
        %add3A_1796 = arith.addi %mul3A_103, %add3A_1795 : i32
        %get3A_1797 = arith.index_cast %add3A_1796 : i32 to index
        %get3A_1798 = arith.constant 112 : index
        %get3A_1799 = tpu.vector_load %arg9[%get3A_1797, %get3A_1798] {strides = array<i32>} : memref<128x128xf32, #tpu.memory_space<vmem>>, vector<1x16xf32>,
        %get3A_1800 = vector.shape_cast %get3A_1799 : vector<1x16xf32> to vector<16xf32>
        %sub3A_1801 = arith.subf %get3A_1794, %get3A_1800 : vector<16xf32>
        %max3A_1802 = arith.maximumf %max3A_1788, %sub3A_1801 : vector<16xf32>
        %add3A_1803 = arith.constant 10 : i32
        %add3A_1804 = arith.addi %mul3A_103, %add3A_1803 : i32
        %get3A_1805 = arith.index_cast %add3A_1804 : i32 to index
        %get3A_1806 = arith.constant 112 : index
        %get3A_1807 = tpu.vector_load %arg8[%get3A_1805, %get3A_1806] {strides = array<i32>} : memref<128x128xf32, #tpu.memory_space<vmem>>, vector<1x16xf32>,
        %get3A_1808 = vector.shape_cast %get3A_1807 : vector<1x16xf32> to vector<16xf32>
        %add3A_1809 = arith.constant 10 : i32
        %add3A_1810 = arith.addi %mul3A_103, %add3A_1809 : i32
        %get3A_1811 = arith.index_cast %add3A_1810 : i32 to index
        %get3A_1812 = arith.constant 112 : index
        %get3A_1813 = tpu.vector_load %arg9[%get3A_1811, %get3A_1812] {strides = array<i32>} : memref<128x128xf32, #tpu.memory_space<vmem>>, vector<1x16xf32>,
        %get3A_1814 = vector.shape_cast %get3A_1813 : vector<1x16xf32> to vector<16xf32>
        %sub3A_1815 = arith.subf %get3A_1808, %get3A_1814 : vector<16xf32>
        %max3A_1816 = arith.maximumf %max3A_1802, %sub3A_1815 : vector<16xf32>
        %add3A_1817 = arith.constant 11 : i32
        %add3A_1818 = arith.addi %mul3A_103, %add3A_1817 : i32
        %get3A_1819 = arith.index_cast %add3A_1818 : i32 to index
        %get3A_1820 = arith.constant 112 : index
        %get3A_1821 = tpu.vector_load %arg8[%get3A_1819, %get3A_1820] {strides = array<i32>} : memref<128x128xf32, #tpu.memory_space<vmem>>, vector<1x16xf32>,
        %get3A_1822 = vector.shape_cast %get3A_1821 : vector<1x16xf32> to vector<16xf32>
        %add3A_1823 = arith.constant 11 : i32
        %add3A_1824 = arith.addi %mul3A_103, %add3A_1823 : i32
        %get3A_1825 = arith.index_cast %add3A_1824 : i32 to index
        %get3A_1826 = arith.constant 112 : index
        %get3A_1827 = tpu.vector_load %arg9[%get3A_1825, %get3A_1826] {strides = array<i32>} : memref<128x128xf32, #tpu.memory_space<vmem>>, vector<1x16xf32>,
        %get3A_1828 = vector.shape_cast %get3A_1827 : vector<1x16xf32> to vector<16xf32>
        %sub3A_1829 = arith.subf %get3A_1822, %get3A_1828 : vector<16xf32>
        %max3A_1830 = arith.maximumf %max3A_1816, %sub3A_1829 : vector<16xf32>
        %add3A_1831 = arith.constant 12 : i32
        %add3A_1832 = arith.addi %mul3A_103, %add3A_1831 : i32
        %get3A_1833 = arith.index_cast %add3A_1832 : i32 to index
        %get3A_1834 = arith.constant 112 : index
        %get3A_1835 = tpu.vector_load %arg8[%get3A_1833, %get3A_1834] {strides = array<i32>} : memref<128x128xf32, #tpu.memory_space<vmem>>, vector<1x16xf32>,
        %get3A_1836 = vector.shape_cast %get3A_1835 : vector<1x16xf32> to vector<16xf32>
        %add3A_1837 = arith.constant 12 : i32
        %add3A_1838 = arith.addi %mul3A_103, %add3A_1837 : i32
        %get3A_1839 = arith.index_cast %add3A_1838 : i32 to index
        %get3A_1840 = arith.constant 112 : index
        %get3A_1841 = tpu.vector_load %arg9[%get3A_1839, %get3A_1840] {strides = array<i32>} : memref<128x128xf32, #tpu.memory_space<vmem>>, vector<1x16xf32>,
        %get3A_1842 = vector.shape_cast %get3A_1841 : vector<1x16xf32> to vector<16xf32>
        %sub3A_1843 = arith.subf %get3A_1836, %get3A_1842 : vector<16xf32>
        %max3A_1844 = arith.maximumf %max3A_1830, %sub3A_1843 : vector<16xf32>
        %add3A_1845 = arith.constant 13 : i32
        %add3A_1846 = arith.addi %mul3A_103, %add3A_1845 : i32
        %get3A_1847 = arith.index_cast %add3A_1846 : i32 to index
        %get3A_1848 = arith.constant 112 : index
        %get3A_1849 = tpu.vector_load %arg8[%get3A_1847, %get3A_1848] {strides = array<i32>} : memref<128x128xf32, #tpu.memory_space<vmem>>, vector<1x16xf32>,
        %get3A_1850 = vector.shape_cast %get3A_1849 : vector<1x16xf32> to vector<16xf32>
        %add3A_1851 = arith.constant 13 : i32
        %add3A_1852 = arith.addi %mul3A_103, %add3A_1851 : i32
        %get3A_1853 = arith.index_cast %add3A_1852 : i32 to index
        %get3A_1854 = arith.constant 112 : index
        %get3A_1855 = tpu.vector_load %arg9[%get3A_1853, %get3A_1854] {strides = array<i32>} : memref<128x128xf32, #tpu.memory_space<vmem>>, vector<1x16xf32>,
        %get3A_1856 = vector.shape_cast %get3A_1855 : vector<1x16xf32> to vector<16xf32>
        %sub3A_1857 = arith.subf %get3A_1850, %get3A_1856 : vector<16xf32>
        %max3A_1858 = arith.maximumf %max3A_1844, %sub3A_1857 : vector<16xf32>
        %add3A_1859 = arith.constant 14 : i32
        %add3A_1860 = arith.addi %mul3A_103, %add3A_1859 : i32
        %get3A_1861 = arith.index_cast %add3A_1860 : i32 to index
        %get3A_1862 = arith.constant 112 : index
        %get3A_1863 = tpu.vector_load %arg8[%get3A_1861, %get3A_1862] {strides = array<i32>} : memref<128x128xf32, #tpu.memory_space<vmem>>, vector<1x16xf32>,
        %get3A_1864 = vector.shape_cast %get3A_1863 : vector<1x16xf32> to vector<16xf32>
        %add3A_1865 = arith.constant 14 : i32
        %add3A_1866 = arith.addi %mul3A_103, %add3A_1865 : i32
        %get3A_1867 = arith.index_cast %add3A_1866 : i32 to index
        %get3A_1868 = arith.constant 112 : index
        %get3A_1869 = tpu.vector_load %arg9[%get3A_1867, %get3A_1868] {strides = array<i32>} : memref<128x128xf32, #tpu.memory_space<vmem>>, vector<1x16xf32>,
        %get3A_1870 = vector.shape_cast %get3A_1869 : vector<1x16xf32> to vector<16xf32>
        %sub3A_1871 = arith.subf %get3A_1864, %get3A_1870 : vector<16xf32>
        %max3A_1872 = arith.maximumf %max3A_1858, %sub3A_1871 : vector<16xf32>
        %add3A_1873 = arith.constant 15 : i32
        %add3A_1874 = arith.addi %mul3A_103, %add3A_1873 : i32
        %get3A_1875 = arith.index_cast %add3A_1874 : i32 to index
        %get3A_1876 = arith.constant 112 : index
        %get3A_1877 = tpu.vector_load %arg8[%get3A_1875, %get3A_1876] {strides = array<i32>} : memref<128x128xf32, #tpu.memory_space<vmem>>, vector<1x16xf32>,
        %get3A_1878 = vector.shape_cast %get3A_1877 : vector<1x16xf32> to vector<16xf32>
        %add3A_1879 = arith.constant 15 : i32
        %add3A_1880 = arith.addi %mul3A_103, %add3A_1879 : i32
        %get3A_1881 = arith.index_cast %add3A_1880 : i32 to index
        %get3A_1882 = arith.constant 112 : index
        %get3A_1883 = tpu.vector_load %arg9[%get3A_1881, %get3A_1882] {strides = array<i32>} : memref<128x128xf32, #tpu.memory_space<vmem>>, vector<1x16xf32>,
        %get3A_1884 = vector.shape_cast %get3A_1883 : vector<1x16xf32> to vector<16xf32>
        %sub3A_1885 = arith.subf %get3A_1878, %get3A_1884 : vector<16xf32>
        %max3A_1886 = arith.maximumf %max3A_1872, %sub3A_1885 : vector<16xf32>
        %swap3A_1887 = arith.index_cast %scan3A_101 : i32 to index
        %swap3A_1888 = arith.constant 112 : index
        %swap3A_1889 = tpu.vector_load %arg12[%swap3A_1887, %swap3A_1888] {strides = array<i32>} : memref<8x128xf32, #tpu.memory_space<vmem>>, vector<1x16xf32>,
        %swap3A_1890 = vector.shape_cast %swap3A_1889 : vector<1x16xf32> to vector<16xf32>
        %swap3A_1891 = vector.shape_cast %max3A_1886 : vector<16xf32> to vector<1x16xf32>
        tpu.vector_store %arg12[%swap3A_1887, %swap3A_1888], %swap3A_1891 {strides = array<i32>} : memref<8x128xf32, #tpu.memory_space<vmem>>, vector<1x16xf32>,
      }
      %scan3A_62 = arith.constant 8 : i32
      %mul3A_63 = arith.constant 8 : i32
      %mul3A_64 = arith.muli %mul3A_32, %mul3A_63 : i32
      %add3A_65 = arith.addi %mul3A_2, %mul3A_64 : i32
      "tpu.region"() ({
        %run_scoped3A = tpu.sem_alloc : memref<!tpu.dma_semaphore, #tpu.memory_space<semaphore_mem>>
        %dma_start3A_101 = arith.constant 0 : i32
        %dma_start3A_102 = tpu.memref_slice %arg5[%add3A_65, %dma_start3A_101] : memref<20480x128xf32, #tpu.memory_space<hbm>> -> memref<8x128xf32, #tpu.memory_space<hbm>>
        %dma_start3A_103 = arith.constant 0 : i32
        %dma_start3A_104 = tpu.memref_slice %arg5[%add3A_65, %dma_start3A_103] : memref<20480x128xf32, #tpu.memory_space<hbm>> -> memref<8x128xf32, #tpu.memory_space<hbm>>
        tpu.enqueue_dma source(%arg12 : memref<8x128xf32, #tpu.memory_space<vmem>>) target(%dma_start3A_104 : memref<8x128xf32, #tpu.memory_space<hbm>>) target_semaphore(%run_scoped3A : memref<!tpu.dma_semaphore, #tpu.memory_space<semaphore_mem>>)
        %dma_wait3A_105 = arith.constant 0 : i32
        %dma_wait3A_106 = tpu.memref_slice %arg5[%add3A_65, %dma_wait3A_105] : memref<20480x128xf32, #tpu.memory_space<hbm>> -> memref<8x128xf32, #tpu.memory_space<hbm>>
        %dma_wait3A_107 = arith.constant 0 : i32
        %dma_wait3A_108 = tpu.memref_slice %arg5[%add3A_65, %dma_wait3A_107] : memref<20480x128xf32, #tpu.memory_space<hbm>> -> memref<8x128xf32, #tpu.memory_space<hbm>>
        tpu.wait_dma2 semaphore(%run_scoped3A : memref<!tpu.dma_semaphore, #tpu.memory_space<semaphore_mem>>) src(%arg12 : memref<8x128xf32, #tpu.memory_space<vmem>>) dst(%dma_wait3A_108 : memref<8x128xf32, #tpu.memory_space<hbm>>)
        tpu.yield
      }) : () -> ()
      %add3A_66 = arith.constant 2 : i32
      %add3A_67 = arith.addi %mul3A_32, %add3A_66 : i32
      %mul3A_68 = arith.constant 128 : i32
      %mul3A_69 = arith.muli %add3A_67, %mul3A_68 : i32
      %dma_start3A_70 = tpu.memref_slice %arg6[%mul3A_69] : memref<10368xi32, #tpu.memory_space<vmem>> -> memref<128xi32, #tpu.memory_space<vmem>>
      %dma_start3A_71 = arith.constant 0 : i32
      %dma_start3A_72 = arith.constant 0 : i32
      %dma_start3A_73 = tpu.memref_slice %arg2[%dma_start3A_71, %dma_start3A_72] : memref<20000x128xf32, #tpu.memory_space<hbm>> -> memref<20000x128xf32, #tpu.memory_space<hbm>>
      tpu.enqueue_indirect_dma source(%dma_start3A_73 : memref<20000x128xf32, #tpu.memory_space<hbm>>) target(%arg8 : memref<128x128xf32, #tpu.memory_space<vmem>>) offsets(%dma_start3A_70 : memref<128xi32, #tpu.memory_space<vmem>>) semaphore(%arg13 : memref<!tpu.dma_semaphore, #tpu.memory_space<semaphore_mem>>)
      %dma_start3A_74 = tpu.memref_slice %arg7[%mul3A_69] : memref<10368xi32, #tpu.memory_space<vmem>> -> memref<128xi32, #tpu.memory_space<vmem>>
      %dma_start3A_75 = arith.constant 0 : i32
      %dma_start3A_76 = arith.constant 0 : i32
      %dma_start3A_77 = tpu.memref_slice %arg2[%dma_start3A_75, %dma_start3A_76] : memref<20000x128xf32, #tpu.memory_space<hbm>> -> memref<20000x128xf32, #tpu.memory_space<hbm>>
      tpu.enqueue_indirect_dma source(%dma_start3A_77 : memref<20000x128xf32, #tpu.memory_space<hbm>>) target(%arg9 : memref<128x128xf32, #tpu.memory_space<vmem>>) offsets(%dma_start3A_74 : memref<128xi32, #tpu.memory_space<vmem>>) semaphore(%arg13 : memref<!tpu.dma_semaphore, #tpu.memory_space<semaphore_mem>>)
      %dma_wait3A_78 = arith.constant 0 : i32
      %dma_wait3A_79 = arith.constant 0 : i32
      %dma_wait3A_80 = tpu.memref_slice %arg2[%dma_wait3A_78, %dma_wait3A_79] : memref<20000x128xf32, #tpu.memory_space<hbm>> -> memref<128x128xf32, #tpu.memory_space<hbm>>
      %dma_wait3A_81 = arith.constant 0 : i32
      %dma_wait3A_82 = arith.constant 0 : i32
      %dma_wait3A_83 = tpu.memref_slice %arg2[%dma_wait3A_81, %dma_wait3A_82] : memref<20000x128xf32, #tpu.memory_space<hbm>> -> memref<128x128xf32, #tpu.memory_space<hbm>>
      tpu.wait_dma2 semaphore(%arg14 : memref<!tpu.dma_semaphore, #tpu.memory_space<semaphore_mem>>) src(%dma_wait3A_83 : memref<128x128xf32, #tpu.memory_space<hbm>>) dst(%arg10 : memref<128x128xf32, #tpu.memory_space<vmem>>)
      %dma_wait3A_84 = arith.constant 0 : i32
      %dma_wait3A_85 = arith.constant 0 : i32
      %dma_wait3A_86 = tpu.memref_slice %arg2[%dma_wait3A_84, %dma_wait3A_85] : memref<20000x128xf32, #tpu.memory_space<hbm>> -> memref<128x128xf32, #tpu.memory_space<hbm>>
      %dma_wait3A_87 = arith.constant 0 : i32
      %dma_wait3A_88 = arith.constant 0 : i32
      %dma_wait3A_89 = tpu.memref_slice %arg2[%dma_wait3A_87, %dma_wait3A_88] : memref<20000x128xf32, #tpu.memory_space<hbm>> -> memref<128x128xf32, #tpu.memory_space<hbm>>
      tpu.wait_dma2 semaphore(%arg14 : memref<!tpu.dma_semaphore, #tpu.memory_space<semaphore_mem>>) src(%dma_wait3A_89 : memref<128x128xf32, #tpu.memory_space<hbm>>) dst(%arg11 : memref<128x128xf32, #tpu.memory_space<vmem>>)
      %add3A_90 = arith.constant 1 : i32
      %add3A_91 = arith.addi %mul3A_32, %add3A_90 : i32
      %scan3A_92 = arith.constant 0 : i32
      %scan3A_93 = arith.constant 0 : i32
      %scan3A_94 = arith.constant 8 : i32
      %scan3A_95 = arith.addi %scan3A_93, %scan3A_94 : i32
      %scan3A_96 = arith.constant 1 : i32
      scf.for %scan3A_101 = %scan3A_93 to %scan3A_95 step %scan3A_96  : i32 {
        %mul3A_102 = arith.constant 16 : i32
        %mul3A_103 = arith.muli %scan3A_101, %mul3A_102 : i32
        %get3A = arith.index_cast %mul3A_103 : i32 to index
        %get3A_104 = arith.constant 0 : index
        %get3A_105 = tpu.vector_load %arg10[%get3A, %get3A_104] {strides = array<i32>} : memref<128x128xf32, #tpu.memory_space<vmem>>, vector<1x16xf32>,
        %get3A_106 = vector.shape_cast %get3A_105 : vector<1x16xf32> to vector<16xf32>
        %get3A_107 = arith.index_cast %mul3A_103 : i32 to index
        %get3A_108 = arith.constant 0 : index
        %get3A_109 = tpu.vector_load %arg11[%get3A_107, %get3A_108] {strides = array<i32>} : memref<128x128xf32, #tpu.memory_space<vmem>>, vector<1x16xf32>,
        %get3A_110 = vector.shape_cast %get3A_109 : vector<1x16xf32> to vector<16xf32>
        %sub3A = arith.subf %get3A_106, %get3A_110 : vector<16xf32>
        %add3A_111 = arith.constant 1 : i32
        %add3A_112 = arith.addi %mul3A_103, %add3A_111 : i32
        %get3A_113 = arith.index_cast %add3A_112 : i32 to index
        %get3A_114 = arith.constant 0 : index
        %get3A_115 = tpu.vector_load %arg10[%get3A_113, %get3A_114] {strides = array<i32>} : memref<128x128xf32, #tpu.memory_space<vmem>>, vector<1x16xf32>,
        %get3A_116 = vector.shape_cast %get3A_115 : vector<1x16xf32> to vector<16xf32>
        %add3A_117 = arith.constant 1 : i32
        %add3A_118 = arith.addi %mul3A_103, %add3A_117 : i32
        %get3A_119 = arith.index_cast %add3A_118 : i32 to index
        %get3A_120 = arith.constant 0 : index
        %get3A_121 = tpu.vector_load %arg11[%get3A_119, %get3A_120] {strides = array<i32>} : memref<128x128xf32, #tpu.memory_space<vmem>>, vector<1x16xf32>,
        %get3A_122 = vector.shape_cast %get3A_121 : vector<1x16xf32> to vector<16xf32>
        %sub3A_123 = arith.subf %get3A_116, %get3A_122 : vector<16xf32>
        %max3A = arith.maximumf %sub3A, %sub3A_123 : vector<16xf32>
        %add3A_124 = arith.constant 2 : i32
        %add3A_125 = arith.addi %mul3A_103, %add3A_124 : i32
        %get3A_126 = arith.index_cast %add3A_125 : i32 to index
        %get3A_127 = arith.constant 0 : index
        %get3A_128 = tpu.vector_load %arg10[%get3A_126, %get3A_127] {strides = array<i32>} : memref<128x128xf32, #tpu.memory_space<vmem>>, vector<1x16xf32>,
        %get3A_129 = vector.shape_cast %get3A_128 : vector<1x16xf32> to vector<16xf32>
        %add3A_130 = arith.constant 2 : i32
        %add3A_131 = arith.addi %mul3A_103, %add3A_130 : i32
        %get3A_132 = arith.index_cast %add3A_131 : i32 to index
        %get3A_133 = arith.constant 0 : index
        %get3A_134 = tpu.vector_load %arg11[%get3A_132, %get3A_133] {strides = array<i32>} : memref<128x128xf32, #tpu.memory_space<vmem>>, vector<1x16xf32>,
        %get3A_135 = vector.shape_cast %get3A_134 : vector<1x16xf32> to vector<16xf32>
        %sub3A_136 = arith.subf %get3A_129, %get3A_135 : vector<16xf32>
        %max3A_137 = arith.maximumf %max3A, %sub3A_136 : vector<16xf32>
        %add3A_138 = arith.constant 3 : i32
        %add3A_139 = arith.addi %mul3A_103, %add3A_138 : i32
        %get3A_140 = arith.index_cast %add3A_139 : i32 to index
        %get3A_141 = arith.constant 0 : index
        %get3A_142 = tpu.vector_load %arg10[%get3A_140, %get3A_141] {strides = array<i32>} : memref<128x128xf32, #tpu.memory_space<vmem>>, vector<1x16xf32>,
        %get3A_143 = vector.shape_cast %get3A_142 : vector<1x16xf32> to vector<16xf32>
        %add3A_144 = arith.constant 3 : i32
        %add3A_145 = arith.addi %mul3A_103, %add3A_144 : i32
        %get3A_146 = arith.index_cast %add3A_145 : i32 to index
        %get3A_147 = arith.constant 0 : index
        %get3A_148 = tpu.vector_load %arg11[%get3A_146, %get3A_147] {strides = array<i32>} : memref<128x128xf32, #tpu.memory_space<vmem>>, vector<1x16xf32>,
        %get3A_149 = vector.shape_cast %get3A_148 : vector<1x16xf32> to vector<16xf32>
        %sub3A_150 = arith.subf %get3A_143, %get3A_149 : vector<16xf32>
        %max3A_151 = arith.maximumf %max3A_137, %sub3A_150 : vector<16xf32>
        %add3A_152 = arith.constant 4 : i32
        %add3A_153 = arith.addi %mul3A_103, %add3A_152 : i32
        %get3A_154 = arith.index_cast %add3A_153 : i32 to index
        %get3A_155 = arith.constant 0 : index
        %get3A_156 = tpu.vector_load %arg10[%get3A_154, %get3A_155] {strides = array<i32>} : memref<128x128xf32, #tpu.memory_space<vmem>>, vector<1x16xf32>,
        %get3A_157 = vector.shape_cast %get3A_156 : vector<1x16xf32> to vector<16xf32>
        %add3A_158 = arith.constant 4 : i32
        %add3A_159 = arith.addi %mul3A_103, %add3A_158 : i32
        %get3A_160 = arith.index_cast %add3A_159 : i32 to index
        %get3A_161 = arith.constant 0 : index
        %get3A_162 = tpu.vector_load %arg11[%get3A_160, %get3A_161] {strides = array<i32>} : memref<128x128xf32, #tpu.memory_space<vmem>>, vector<1x16xf32>,
        %get3A_163 = vector.shape_cast %get3A_162 : vector<1x16xf32> to vector<16xf32>
        %sub3A_164 = arith.subf %get3A_157, %get3A_163 : vector<16xf32>
        %max3A_165 = arith.maximumf %max3A_151, %sub3A_164 : vector<16xf32>
        %add3A_166 = arith.constant 5 : i32
        %add3A_167 = arith.addi %mul3A_103, %add3A_166 : i32
        %get3A_168 = arith.index_cast %add3A_167 : i32 to index
        %get3A_169 = arith.constant 0 : index
        %get3A_170 = tpu.vector_load %arg10[%get3A_168, %get3A_169] {strides = array<i32>} : memref<128x128xf32, #tpu.memory_space<vmem>>, vector<1x16xf32>,
        %get3A_171 = vector.shape_cast %get3A_170 : vector<1x16xf32> to vector<16xf32>
        %add3A_172 = arith.constant 5 : i32
        %add3A_173 = arith.addi %mul3A_103, %add3A_172 : i32
        %get3A_174 = arith.index_cast %add3A_173 : i32 to index
        %get3A_175 = arith.constant 0 : index
        %get3A_176 = tpu.vector_load %arg11[%get3A_174, %get3A_175] {strides = array<i32>} : memref<128x128xf32, #tpu.memory_space<vmem>>, vector<1x16xf32>,
        %get3A_177 = vector.shape_cast %get3A_176 : vector<1x16xf32> to vector<16xf32>
        %sub3A_178 = arith.subf %get3A_171, %get3A_177 : vector<16xf32>
        %max3A_179 = arith.maximumf %max3A_165, %sub3A_178 : vector<16xf32>
        %add3A_180 = arith.constant 6 : i32
        %add3A_181 = arith.addi %mul3A_103, %add3A_180 : i32
        %get3A_182 = arith.index_cast %add3A_181 : i32 to index
        %get3A_183 = arith.constant 0 : index
        %get3A_184 = tpu.vector_load %arg10[%get3A_182, %get3A_183] {strides = array<i32>} : memref<128x128xf32, #tpu.memory_space<vmem>>, vector<1x16xf32>,
        %get3A_185 = vector.shape_cast %get3A_184 : vector<1x16xf32> to vector<16xf32>
        %add3A_186 = arith.constant 6 : i32
        %add3A_187 = arith.addi %mul3A_103, %add3A_186 : i32
        %get3A_188 = arith.index_cast %add3A_187 : i32 to index
        %get3A_189 = arith.constant 0 : index
        %get3A_190 = tpu.vector_load %arg11[%get3A_188, %get3A_189] {strides = array<i32>} : memref<128x128xf32, #tpu.memory_space<vmem>>, vector<1x16xf32>,
        %get3A_191 = vector.shape_cast %get3A_190 : vector<1x16xf32> to vector<16xf32>
        %sub3A_192 = arith.subf %get3A_185, %get3A_191 : vector<16xf32>
        %max3A_193 = arith.maximumf %max3A_179, %sub3A_192 : vector<16xf32>
        %add3A_194 = arith.constant 7 : i32
        %add3A_195 = arith.addi %mul3A_103, %add3A_194 : i32
        %get3A_196 = arith.index_cast %add3A_195 : i32 to index
        %get3A_197 = arith.constant 0 : index
        %get3A_198 = tpu.vector_load %arg10[%get3A_196, %get3A_197] {strides = array<i32>} : memref<128x128xf32, #tpu.memory_space<vmem>>, vector<1x16xf32>,
        %get3A_199 = vector.shape_cast %get3A_198 : vector<1x16xf32> to vector<16xf32>
        %add3A_200 = arith.constant 7 : i32
        %add3A_201 = arith.addi %mul3A_103, %add3A_200 : i32
        %get3A_202 = arith.index_cast %add3A_201 : i32 to index
        %get3A_203 = arith.constant 0 : index
        %get3A_204 = tpu.vector_load %arg11[%get3A_202, %get3A_203] {strides = array<i32>} : memref<128x128xf32, #tpu.memory_space<vmem>>, vector<1x16xf32>,
        %get3A_205 = vector.shape_cast %get3A_204 : vector<1x16xf32> to vector<16xf32>
        %sub3A_206 = arith.subf %get3A_199, %get3A_205 : vector<16xf32>
        %max3A_207 = arith.maximumf %max3A_193, %sub3A_206 : vector<16xf32>
        %add3A_208 = arith.constant 8 : i32
        %add3A_209 = arith.addi %mul3A_103, %add3A_208 : i32
        %get3A_210 = arith.index_cast %add3A_209 : i32 to index
        %get3A_211 = arith.constant 0 : index
        %get3A_212 = tpu.vector_load %arg10[%get3A_210, %get3A_211] {strides = array<i32>} : memref<128x128xf32, #tpu.memory_space<vmem>>, vector<1x16xf32>,
        %get3A_213 = vector.shape_cast %get3A_212 : vector<1x16xf32> to vector<16xf32>
        %add3A_214 = arith.constant 8 : i32
        %add3A_215 = arith.addi %mul3A_103, %add3A_214 : i32
        %get3A_216 = arith.index_cast %add3A_215 : i32 to index
        %get3A_217 = arith.constant 0 : index
        %get3A_218 = tpu.vector_load %arg11[%get3A_216, %get3A_217] {strides = array<i32>} : memref<128x128xf32, #tpu.memory_space<vmem>>, vector<1x16xf32>,
        %get3A_219 = vector.shape_cast %get3A_218 : vector<1x16xf32> to vector<16xf32>
        %sub3A_220 = arith.subf %get3A_213, %get3A_219 : vector<16xf32>
        %max3A_221 = arith.maximumf %max3A_207, %sub3A_220 : vector<16xf32>
        %add3A_222 = arith.constant 9 : i32
        %add3A_223 = arith.addi %mul3A_103, %add3A_222 : i32
        %get3A_224 = arith.index_cast %add3A_223 : i32 to index
        %get3A_225 = arith.constant 0 : index
        %get3A_226 = tpu.vector_load %arg10[%get3A_224, %get3A_225] {strides = array<i32>} : memref<128x128xf32, #tpu.memory_space<vmem>>, vector<1x16xf32>,
        %get3A_227 = vector.shape_cast %get3A_226 : vector<1x16xf32> to vector<16xf32>
        %add3A_228 = arith.constant 9 : i32
        %add3A_229 = arith.addi %mul3A_103, %add3A_228 : i32
        %get3A_230 = arith.index_cast %add3A_229 : i32 to index
        %get3A_231 = arith.constant 0 : index
        %get3A_232 = tpu.vector_load %arg11[%get3A_230, %get3A_231] {strides = array<i32>} : memref<128x128xf32, #tpu.memory_space<vmem>>, vector<1x16xf32>,
        %get3A_233 = vector.shape_cast %get3A_232 : vector<1x16xf32> to vector<16xf32>
        %sub3A_234 = arith.subf %get3A_227, %get3A_233 : vector<16xf32>
        %max3A_235 = arith.maximumf %max3A_221, %sub3A_234 : vector<16xf32>
        %add3A_236 = arith.constant 10 : i32
        %add3A_237 = arith.addi %mul3A_103, %add3A_236 : i32
        %get3A_238 = arith.index_cast %add3A_237 : i32 to index
        %get3A_239 = arith.constant 0 : index
        %get3A_240 = tpu.vector_load %arg10[%get3A_238, %get3A_239] {strides = array<i32>} : memref<128x128xf32, #tpu.memory_space<vmem>>, vector<1x16xf32>,
        %get3A_241 = vector.shape_cast %get3A_240 : vector<1x16xf32> to vector<16xf32>
        %add3A_242 = arith.constant 10 : i32
        %add3A_243 = arith.addi %mul3A_103, %add3A_242 : i32
        %get3A_244 = arith.index_cast %add3A_243 : i32 to index
        %get3A_245 = arith.constant 0 : index
        %get3A_246 = tpu.vector_load %arg11[%get3A_244, %get3A_245] {strides = array<i32>} : memref<128x128xf32, #tpu.memory_space<vmem>>, vector<1x16xf32>,
        %get3A_247 = vector.shape_cast %get3A_246 : vector<1x16xf32> to vector<16xf32>
        %sub3A_248 = arith.subf %get3A_241, %get3A_247 : vector<16xf32>
        %max3A_249 = arith.maximumf %max3A_235, %sub3A_248 : vector<16xf32>
        %add3A_250 = arith.constant 11 : i32
        %add3A_251 = arith.addi %mul3A_103, %add3A_250 : i32
        %get3A_252 = arith.index_cast %add3A_251 : i32 to index
        %get3A_253 = arith.constant 0 : index
        %get3A_254 = tpu.vector_load %arg10[%get3A_252, %get3A_253] {strides = array<i32>} : memref<128x128xf32, #tpu.memory_space<vmem>>, vector<1x16xf32>,
        %get3A_255 = vector.shape_cast %get3A_254 : vector<1x16xf32> to vector<16xf32>
        %add3A_256 = arith.constant 11 : i32
        %add3A_257 = arith.addi %mul3A_103, %add3A_256 : i32
        %get3A_258 = arith.index_cast %add3A_257 : i32 to index
        %get3A_259 = arith.constant 0 : index
        %get3A_260 = tpu.vector_load %arg11[%get3A_258, %get3A_259] {strides = array<i32>} : memref<128x128xf32, #tpu.memory_space<vmem>>, vector<1x16xf32>,
        %get3A_261 = vector.shape_cast %get3A_260 : vector<1x16xf32> to vector<16xf32>
        %sub3A_262 = arith.subf %get3A_255, %get3A_261 : vector<16xf32>
        %max3A_263 = arith.maximumf %max3A_249, %sub3A_262 : vector<16xf32>
        %add3A_264 = arith.constant 12 : i32
        %add3A_265 = arith.addi %mul3A_103, %add3A_264 : i32
        %get3A_266 = arith.index_cast %add3A_265 : i32 to index
        %get3A_267 = arith.constant 0 : index
        %get3A_268 = tpu.vector_load %arg10[%get3A_266, %get3A_267] {strides = array<i32>} : memref<128x128xf32, #tpu.memory_space<vmem>>, vector<1x16xf32>,
        %get3A_269 = vector.shape_cast %get3A_268 : vector<1x16xf32> to vector<16xf32>
        %add3A_270 = arith.constant 12 : i32
        %add3A_271 = arith.addi %mul3A_103, %add3A_270 : i32
        %get3A_272 = arith.index_cast %add3A_271 : i32 to index
        %get3A_273 = arith.constant 0 : index
        %get3A_274 = tpu.vector_load %arg11[%get3A_272, %get3A_273] {strides = array<i32>} : memref<128x128xf32, #tpu.memory_space<vmem>>, vector<1x16xf32>,
        %get3A_275 = vector.shape_cast %get3A_274 : vector<1x16xf32> to vector<16xf32>
        %sub3A_276 = arith.subf %get3A_269, %get3A_275 : vector<16xf32>
        %max3A_277 = arith.maximumf %max3A_263, %sub3A_276 : vector<16xf32>
        %add3A_278 = arith.constant 13 : i32
        %add3A_279 = arith.addi %mul3A_103, %add3A_278 : i32
        %get3A_280 = arith.index_cast %add3A_279 : i32 to index
        %get3A_281 = arith.constant 0 : index
        %get3A_282 = tpu.vector_load %arg10[%get3A_280, %get3A_281] {strides = array<i32>} : memref<128x128xf32, #tpu.memory_space<vmem>>, vector<1x16xf32>,
        %get3A_283 = vector.shape_cast %get3A_282 : vector<1x16xf32> to vector<16xf32>
        %add3A_284 = arith.constant 13 : i32
        %add3A_285 = arith.addi %mul3A_103, %add3A_284 : i32
        %get3A_286 = arith.index_cast %add3A_285 : i32 to index
        %get3A_287 = arith.constant 0 : index
        %get3A_288 = tpu.vector_load %arg11[%get3A_286, %get3A_287] {strides = array<i32>} : memref<128x128xf32, #tpu.memory_space<vmem>>, vector<1x16xf32>,
        %get3A_289 = vector.shape_cast %get3A_288 : vector<1x16xf32> to vector<16xf32>
        %sub3A_290 = arith.subf %get3A_283, %get3A_289 : vector<16xf32>
        %max3A_291 = arith.maximumf %max3A_277, %sub3A_290 : vector<16xf32>
        %add3A_292 = arith.constant 14 : i32
        %add3A_293 = arith.addi %mul3A_103, %add3A_292 : i32
        %get3A_294 = arith.index_cast %add3A_293 : i32 to index
        %get3A_295 = arith.constant 0 : index
        %get3A_296 = tpu.vector_load %arg10[%get3A_294, %get3A_295] {strides = array<i32>} : memref<128x128xf32, #tpu.memory_space<vmem>>, vector<1x16xf32>,
        %get3A_297 = vector.shape_cast %get3A_296 : vector<1x16xf32> to vector<16xf32>
        %add3A_298 = arith.constant 14 : i32
        %add3A_299 = arith.addi %mul3A_103, %add3A_298 : i32
        %get3A_300 = arith.index_cast %add3A_299 : i32 to index
        %get3A_301 = arith.constant 0 : index
        %get3A_302 = tpu.vector_load %arg11[%get3A_300, %get3A_301] {strides = array<i32>} : memref<128x128xf32, #tpu.memory_space<vmem>>, vector<1x16xf32>,
        %get3A_303 = vector.shape_cast %get3A_302 : vector<1x16xf32> to vector<16xf32>
        %sub3A_304 = arith.subf %get3A_297, %get3A_303 : vector<16xf32>
        %max3A_305 = arith.maximumf %max3A_291, %sub3A_304 : vector<16xf32>
        %add3A_306 = arith.constant 15 : i32
        %add3A_307 = arith.addi %mul3A_103, %add3A_306 : i32
        %get3A_308 = arith.index_cast %add3A_307 : i32 to index
        %get3A_309 = arith.constant 0 : index
        %get3A_310 = tpu.vector_load %arg10[%get3A_308, %get3A_309] {strides = array<i32>} : memref<128x128xf32, #tpu.memory_space<vmem>>, vector<1x16xf32>,
        %get3A_311 = vector.shape_cast %get3A_310 : vector<1x16xf32> to vector<16xf32>
        %add3A_312 = arith.constant 15 : i32
        %add3A_313 = arith.addi %mul3A_103, %add3A_312 : i32
        %get3A_314 = arith.index_cast %add3A_313 : i32 to index
        %get3A_315 = arith.constant 0 : index
        %get3A_316 = tpu.vector_load %arg11[%get3A_314, %get3A_315] {strides = array<i32>} : memref<128x128xf32, #tpu.memory_space<vmem>>, vector<1x16xf32>,
        %get3A_317 = vector.shape_cast %get3A_316 : vector<1x16xf32> to vector<16xf32>
        %sub3A_318 = arith.subf %get3A_311, %get3A_317 : vector<16xf32>
        %max3A_319 = arith.maximumf %max3A_305, %sub3A_318 : vector<16xf32>
        %swap3A = arith.index_cast %scan3A_101 : i32 to index
        %swap3A_320 = arith.constant 0 : index
        %swap3A_321 = tpu.vector_load %arg12[%swap3A, %swap3A_320] {strides = array<i32>} : memref<8x128xf32, #tpu.memory_space<vmem>>, vector<1x16xf32>,
        %swap3A_322 = vector.shape_cast %swap3A_321 : vector<1x16xf32> to vector<16xf32>
        %swap3A_323 = vector.shape_cast %max3A_319 : vector<16xf32> to vector<1x16xf32>
        tpu.vector_store %arg12[%swap3A, %swap3A_320], %swap3A_323 {strides = array<i32>} : memref<8x128xf32, #tpu.memory_space<vmem>>, vector<1x16xf32>,
        %get3A_324 = arith.index_cast %mul3A_103 : i32 to index
        %get3A_325 = arith.constant 16 : index
        %get3A_326 = tpu.vector_load %arg10[%get3A_324, %get3A_325] {strides = array<i32>} : memref<128x128xf32, #tpu.memory_space<vmem>>, vector<1x16xf32>,
        %get3A_327 = vector.shape_cast %get3A_326 : vector<1x16xf32> to vector<16xf32>
        %get3A_328 = arith.index_cast %mul3A_103 : i32 to index
        %get3A_329 = arith.constant 16 : index
        %get3A_330 = tpu.vector_load %arg11[%get3A_328, %get3A_329] {strides = array<i32>} : memref<128x128xf32, #tpu.memory_space<vmem>>, vector<1x16xf32>,
        %get3A_331 = vector.shape_cast %get3A_330 : vector<1x16xf32> to vector<16xf32>
        %sub3A_332 = arith.subf %get3A_327, %get3A_331 : vector<16xf32>
        %add3A_333 = arith.constant 1 : i32
        %add3A_334 = arith.addi %mul3A_103, %add3A_333 : i32
        %get3A_335 = arith.index_cast %add3A_334 : i32 to index
        %get3A_336 = arith.constant 16 : index
        %get3A_337 = tpu.vector_load %arg10[%get3A_335, %get3A_336] {strides = array<i32>} : memref<128x128xf32, #tpu.memory_space<vmem>>, vector<1x16xf32>,
        %get3A_338 = vector.shape_cast %get3A_337 : vector<1x16xf32> to vector<16xf32>
        %add3A_339 = arith.constant 1 : i32
        %add3A_340 = arith.addi %mul3A_103, %add3A_339 : i32
        %get3A_341 = arith.index_cast %add3A_340 : i32 to index
        %get3A_342 = arith.constant 16 : index
        %get3A_343 = tpu.vector_load %arg11[%get3A_341, %get3A_342] {strides = array<i32>} : memref<128x128xf32, #tpu.memory_space<vmem>>, vector<1x16xf32>,
        %get3A_344 = vector.shape_cast %get3A_343 : vector<1x16xf32> to vector<16xf32>
        %sub3A_345 = arith.subf %get3A_338, %get3A_344 : vector<16xf32>
        %max3A_346 = arith.maximumf %sub3A_332, %sub3A_345 : vector<16xf32>
        %add3A_347 = arith.constant 2 : i32
        %add3A_348 = arith.addi %mul3A_103, %add3A_347 : i32
        %get3A_349 = arith.index_cast %add3A_348 : i32 to index
        %get3A_350 = arith.constant 16 : index
        %get3A_351 = tpu.vector_load %arg10[%get3A_349, %get3A_350] {strides = array<i32>} : memref<128x128xf32, #tpu.memory_space<vmem>>, vector<1x16xf32>,
        %get3A_352 = vector.shape_cast %get3A_351 : vector<1x16xf32> to vector<16xf32>
        %add3A_353 = arith.constant 2 : i32
        %add3A_354 = arith.addi %mul3A_103, %add3A_353 : i32
        %get3A_355 = arith.index_cast %add3A_354 : i32 to index
        %get3A_356 = arith.constant 16 : index
        %get3A_357 = tpu.vector_load %arg11[%get3A_355, %get3A_356] {strides = array<i32>} : memref<128x128xf32, #tpu.memory_space<vmem>>, vector<1x16xf32>,
        %get3A_358 = vector.shape_cast %get3A_357 : vector<1x16xf32> to vector<16xf32>
        %sub3A_359 = arith.subf %get3A_352, %get3A_358 : vector<16xf32>
        %max3A_360 = arith.maximumf %max3A_346, %sub3A_359 : vector<16xf32>
        %add3A_361 = arith.constant 3 : i32
        %add3A_362 = arith.addi %mul3A_103, %add3A_361 : i32
        %get3A_363 = arith.index_cast %add3A_362 : i32 to index
        %get3A_364 = arith.constant 16 : index
        %get3A_365 = tpu.vector_load %arg10[%get3A_363, %get3A_364] {strides = array<i32>} : memref<128x128xf32, #tpu.memory_space<vmem>>, vector<1x16xf32>,
        %get3A_366 = vector.shape_cast %get3A_365 : vector<1x16xf32> to vector<16xf32>
        %add3A_367 = arith.constant 3 : i32
        %add3A_368 = arith.addi %mul3A_103, %add3A_367 : i32
        %get3A_369 = arith.index_cast %add3A_368 : i32 to index
        %get3A_370 = arith.constant 16 : index
        %get3A_371 = tpu.vector_load %arg11[%get3A_369, %get3A_370] {strides = array<i32>} : memref<128x128xf32, #tpu.memory_space<vmem>>, vector<1x16xf32>,
        %get3A_372 = vector.shape_cast %get3A_371 : vector<1x16xf32> to vector<16xf32>
        %sub3A_373 = arith.subf %get3A_366, %get3A_372 : vector<16xf32>
        %max3A_374 = arith.maximumf %max3A_360, %sub3A_373 : vector<16xf32>
        %add3A_375 = arith.constant 4 : i32
        %add3A_376 = arith.addi %mul3A_103, %add3A_375 : i32
        %get3A_377 = arith.index_cast %add3A_376 : i32 to index
        %get3A_378 = arith.constant 16 : index
        %get3A_379 = tpu.vector_load %arg10[%get3A_377, %get3A_378] {strides = array<i32>} : memref<128x128xf32, #tpu.memory_space<vmem>>, vector<1x16xf32>,
        %get3A_380 = vector.shape_cast %get3A_379 : vector<1x16xf32> to vector<16xf32>
        %add3A_381 = arith.constant 4 : i32
        %add3A_382 = arith.addi %mul3A_103, %add3A_381 : i32
        %get3A_383 = arith.index_cast %add3A_382 : i32 to index
        %get3A_384 = arith.constant 16 : index
        %get3A_385 = tpu.vector_load %arg11[%get3A_383, %get3A_384] {strides = array<i32>} : memref<128x128xf32, #tpu.memory_space<vmem>>, vector<1x16xf32>,
        %get3A_386 = vector.shape_cast %get3A_385 : vector<1x16xf32> to vector<16xf32>
        %sub3A_387 = arith.subf %get3A_380, %get3A_386 : vector<16xf32>
        %max3A_388 = arith.maximumf %max3A_374, %sub3A_387 : vector<16xf32>
        %add3A_389 = arith.constant 5 : i32
        %add3A_390 = arith.addi %mul3A_103, %add3A_389 : i32
        %get3A_391 = arith.index_cast %add3A_390 : i32 to index
        %get3A_392 = arith.constant 16 : index
        %get3A_393 = tpu.vector_load %arg10[%get3A_391, %get3A_392] {strides = array<i32>} : memref<128x128xf32, #tpu.memory_space<vmem>>, vector<1x16xf32>,
        %get3A_394 = vector.shape_cast %get3A_393 : vector<1x16xf32> to vector<16xf32>
        %add3A_395 = arith.constant 5 : i32
        %add3A_396 = arith.addi %mul3A_103, %add3A_395 : i32
        %get3A_397 = arith.index_cast %add3A_396 : i32 to index
        %get3A_398 = arith.constant 16 : index
        %get3A_399 = tpu.vector_load %arg11[%get3A_397, %get3A_398] {strides = array<i32>} : memref<128x128xf32, #tpu.memory_space<vmem>>, vector<1x16xf32>,
        %get3A_400 = vector.shape_cast %get3A_399 : vector<1x16xf32> to vector<16xf32>
        %sub3A_401 = arith.subf %get3A_394, %get3A_400 : vector<16xf32>
        %max3A_402 = arith.maximumf %max3A_388, %sub3A_401 : vector<16xf32>
        %add3A_403 = arith.constant 6 : i32
        %add3A_404 = arith.addi %mul3A_103, %add3A_403 : i32
        %get3A_405 = arith.index_cast %add3A_404 : i32 to index
        %get3A_406 = arith.constant 16 : index
        %get3A_407 = tpu.vector_load %arg10[%get3A_405, %get3A_406] {strides = array<i32>} : memref<128x128xf32, #tpu.memory_space<vmem>>, vector<1x16xf32>,
        %get3A_408 = vector.shape_cast %get3A_407 : vector<1x16xf32> to vector<16xf32>
        %add3A_409 = arith.constant 6 : i32
        %add3A_410 = arith.addi %mul3A_103, %add3A_409 : i32
        %get3A_411 = arith.index_cast %add3A_410 : i32 to index
        %get3A_412 = arith.constant 16 : index
        %get3A_413 = tpu.vector_load %arg11[%get3A_411, %get3A_412] {strides = array<i32>} : memref<128x128xf32, #tpu.memory_space<vmem>>, vector<1x16xf32>,
        %get3A_414 = vector.shape_cast %get3A_413 : vector<1x16xf32> to vector<16xf32>
        %sub3A_415 = arith.subf %get3A_408, %get3A_414 : vector<16xf32>
        %max3A_416 = arith.maximumf %max3A_402, %sub3A_415 : vector<16xf32>
        %add3A_417 = arith.constant 7 : i32
        %add3A_418 = arith.addi %mul3A_103, %add3A_417 : i32
        %get3A_419 = arith.index_cast %add3A_418 : i32 to index
        %get3A_420 = arith.constant 16 : index
        %get3A_421 = tpu.vector_load %arg10[%get3A_419, %get3A_420] {strides = array<i32>} : memref<128x128xf32, #tpu.memory_space<vmem>>, vector<1x16xf32>,
        %get3A_422 = vector.shape_cast %get3A_421 : vector<1x16xf32> to vector<16xf32>
        %add3A_423 = arith.constant 7 : i32
        %add3A_424 = arith.addi %mul3A_103, %add3A_423 : i32
        %get3A_425 = arith.index_cast %add3A_424 : i32 to index
        %get3A_426 = arith.constant 16 : index
        %get3A_427 = tpu.vector_load %arg11[%get3A_425, %get3A_426] {strides = array<i32>} : memref<128x128xf32, #tpu.memory_space<vmem>>, vector<1x16xf32>,
        %get3A_428 = vector.shape_cast %get3A_427 : vector<1x16xf32> to vector<16xf32>
        %sub3A_429 = arith.subf %get3A_422, %get3A_428 : vector<16xf32>
        %max3A_430 = arith.maximumf %max3A_416, %sub3A_429 : vector<16xf32>
        %add3A_431 = arith.constant 8 : i32
        %add3A_432 = arith.addi %mul3A_103, %add3A_431 : i32
        %get3A_433 = arith.index_cast %add3A_432 : i32 to index
        %get3A_434 = arith.constant 16 : index
        %get3A_435 = tpu.vector_load %arg10[%get3A_433, %get3A_434] {strides = array<i32>} : memref<128x128xf32, #tpu.memory_space<vmem>>, vector<1x16xf32>,
        %get3A_436 = vector.shape_cast %get3A_435 : vector<1x16xf32> to vector<16xf32>
        %add3A_437 = arith.constant 8 : i32
        %add3A_438 = arith.addi %mul3A_103, %add3A_437 : i32
        %get3A_439 = arith.index_cast %add3A_438 : i32 to index
        %get3A_440 = arith.constant 16 : index
        %get3A_441 = tpu.vector_load %arg11[%get3A_439, %get3A_440] {strides = array<i32>} : memref<128x128xf32, #tpu.memory_space<vmem>>, vector<1x16xf32>,
        %get3A_442 = vector.shape_cast %get3A_441 : vector<1x16xf32> to vector<16xf32>
        %sub3A_443 = arith.subf %get3A_436, %get3A_442 : vector<16xf32>
        %max3A_444 = arith.maximumf %max3A_430, %sub3A_443 : vector<16xf32>
        %add3A_445 = arith.constant 9 : i32
        %add3A_446 = arith.addi %mul3A_103, %add3A_445 : i32
        %get3A_447 = arith.index_cast %add3A_446 : i32 to index
        %get3A_448 = arith.constant 16 : index
        %get3A_449 = tpu.vector_load %arg10[%get3A_447, %get3A_448] {strides = array<i32>} : memref<128x128xf32, #tpu.memory_space<vmem>>, vector<1x16xf32>,
        %get3A_450 = vector.shape_cast %get3A_449 : vector<1x16xf32> to vector<16xf32>
        %add3A_451 = arith.constant 9 : i32
        %add3A_452 = arith.addi %mul3A_103, %add3A_451 : i32
        %get3A_453 = arith.index_cast %add3A_452 : i32 to index
        %get3A_454 = arith.constant 16 : index
        %get3A_455 = tpu.vector_load %arg11[%get3A_453, %get3A_454] {strides = array<i32>} : memref<128x128xf32, #tpu.memory_space<vmem>>, vector<1x16xf32>,
        %get3A_456 = vector.shape_cast %get3A_455 : vector<1x16xf32> to vector<16xf32>
        %sub3A_457 = arith.subf %get3A_450, %get3A_456 : vector<16xf32>
        %max3A_458 = arith.maximumf %max3A_444, %sub3A_457 : vector<16xf32>
        %add3A_459 = arith.constant 10 : i32
        %add3A_460 = arith.addi %mul3A_103, %add3A_459 : i32
        %get3A_461 = arith.index_cast %add3A_460 : i32 to index
        %get3A_462 = arith.constant 16 : index
        %get3A_463 = tpu.vector_load %arg10[%get3A_461, %get3A_462] {strides = array<i32>} : memref<128x128xf32, #tpu.memory_space<vmem>>, vector<1x16xf32>,
        %get3A_464 = vector.shape_cast %get3A_463 : vector<1x16xf32> to vector<16xf32>
        %add3A_465 = arith.constant 10 : i32
        %add3A_466 = arith.addi %mul3A_103, %add3A_465 : i32
        %get3A_467 = arith.index_cast %add3A_466 : i32 to index
        %get3A_468 = arith.constant 16 : index
        %get3A_469 = tpu.vector_load %arg11[%get3A_467, %get3A_468] {strides = array<i32>} : memref<128x128xf32, #tpu.memory_space<vmem>>, vector<1x16xf32>,
        %get3A_470 = vector.shape_cast %get3A_469 : vector<1x16xf32> to vector<16xf32>
        %sub3A_471 = arith.subf %get3A_464, %get3A_470 : vector<16xf32>
        %max3A_472 = arith.maximumf %max3A_458, %sub3A_471 : vector<16xf32>
        %add3A_473 = arith.constant 11 : i32
        %add3A_474 = arith.addi %mul3A_103, %add3A_473 : i32
        %get3A_475 = arith.index_cast %add3A_474 : i32 to index
        %get3A_476 = arith.constant 16 : index
        %get3A_477 = tpu.vector_load %arg10[%get3A_475, %get3A_476] {strides = array<i32>} : memref<128x128xf32, #tpu.memory_space<vmem>>, vector<1x16xf32>,
        %get3A_478 = vector.shape_cast %get3A_477 : vector<1x16xf32> to vector<16xf32>
        %add3A_479 = arith.constant 11 : i32
        %add3A_480 = arith.addi %mul3A_103, %add3A_479 : i32
        %get3A_481 = arith.index_cast %add3A_480 : i32 to index
        %get3A_482 = arith.constant 16 : index
        %get3A_483 = tpu.vector_load %arg11[%get3A_481, %get3A_482] {strides = array<i32>} : memref<128x128xf32, #tpu.memory_space<vmem>>, vector<1x16xf32>,
        %get3A_484 = vector.shape_cast %get3A_483 : vector<1x16xf32> to vector<16xf32>
        %sub3A_485 = arith.subf %get3A_478, %get3A_484 : vector<16xf32>
        %max3A_486 = arith.maximumf %max3A_472, %sub3A_485 : vector<16xf32>
        %add3A_487 = arith.constant 12 : i32
        %add3A_488 = arith.addi %mul3A_103, %add3A_487 : i32
        %get3A_489 = arith.index_cast %add3A_488 : i32 to index
        %get3A_490 = arith.constant 16 : index
        %get3A_491 = tpu.vector_load %arg10[%get3A_489, %get3A_490] {strides = array<i32>} : memref<128x128xf32, #tpu.memory_space<vmem>>, vector<1x16xf32>,
        %get3A_492 = vector.shape_cast %get3A_491 : vector<1x16xf32> to vector<16xf32>
        %add3A_493 = arith.constant 12 : i32
        %add3A_494 = arith.addi %mul3A_103, %add3A_493 : i32
        %get3A_495 = arith.index_cast %add3A_494 : i32 to index
        %get3A_496 = arith.constant 16 : index
        %get3A_497 = tpu.vector_load %arg11[%get3A_495, %get3A_496] {strides = array<i32>} : memref<128x128xf32, #tpu.memory_space<vmem>>, vector<1x16xf32>,
        %get3A_498 = vector.shape_cast %get3A_497 : vector<1x16xf32> to vector<16xf32>
        %sub3A_499 = arith.subf %get3A_492, %get3A_498 : vector<16xf32>
        %max3A_500 = arith.maximumf %max3A_486, %sub3A_499 : vector<16xf32>
        %add3A_501 = arith.constant 13 : i32
        %add3A_502 = arith.addi %mul3A_103, %add3A_501 : i32
        %get3A_503 = arith.index_cast %add3A_502 : i32 to index
        %get3A_504 = arith.constant 16 : index
        %get3A_505 = tpu.vector_load %arg10[%get3A_503, %get3A_504] {strides = array<i32>} : memref<128x128xf32, #tpu.memory_space<vmem>>, vector<1x16xf32>,
        %get3A_506 = vector.shape_cast %get3A_505 : vector<1x16xf32> to vector<16xf32>
        %add3A_507 = arith.constant 13 : i32
        %add3A_508 = arith.addi %mul3A_103, %add3A_507 : i32
        %get3A_509 = arith.index_cast %add3A_508 : i32 to index
        %get3A_510 = arith.constant 16 : index
        %get3A_511 = tpu.vector_load %arg11[%get3A_509, %get3A_510] {strides = array<i32>} : memref<128x128xf32, #tpu.memory_space<vmem>>, vector<1x16xf32>,
        %get3A_512 = vector.shape_cast %get3A_511 : vector<1x16xf32> to vector<16xf32>
        %sub3A_513 = arith.subf %get3A_506, %get3A_512 : vector<16xf32>
        %max3A_514 = arith.maximumf %max3A_500, %sub3A_513 : vector<16xf32>
        %add3A_515 = arith.constant 14 : i32
        %add3A_516 = arith.addi %mul3A_103, %add3A_515 : i32
        %get3A_517 = arith.index_cast %add3A_516 : i32 to index
        %get3A_518 = arith.constant 16 : index
        %get3A_519 = tpu.vector_load %arg10[%get3A_517, %get3A_518] {strides = array<i32>} : memref<128x128xf32, #tpu.memory_space<vmem>>, vector<1x16xf32>,
        %get3A_520 = vector.shape_cast %get3A_519 : vector<1x16xf32> to vector<16xf32>
        %add3A_521 = arith.constant 14 : i32
        %add3A_522 = arith.addi %mul3A_103, %add3A_521 : i32
        %get3A_523 = arith.index_cast %add3A_522 : i32 to index
        %get3A_524 = arith.constant 16 : index
        %get3A_525 = tpu.vector_load %arg11[%get3A_523, %get3A_524] {strides = array<i32>} : memref<128x128xf32, #tpu.memory_space<vmem>>, vector<1x16xf32>,
        %get3A_526 = vector.shape_cast %get3A_525 : vector<1x16xf32> to vector<16xf32>
        %sub3A_527 = arith.subf %get3A_520, %get3A_526 : vector<16xf32>
        %max3A_528 = arith.maximumf %max3A_514, %sub3A_527 : vector<16xf32>
        %add3A_529 = arith.constant 15 : i32
        %add3A_530 = arith.addi %mul3A_103, %add3A_529 : i32
        %get3A_531 = arith.index_cast %add3A_530 : i32 to index
        %get3A_532 = arith.constant 16 : index
        %get3A_533 = tpu.vector_load %arg10[%get3A_531, %get3A_532] {strides = array<i32>} : memref<128x128xf32, #tpu.memory_space<vmem>>, vector<1x16xf32>,
        %get3A_534 = vector.shape_cast %get3A_533 : vector<1x16xf32> to vector<16xf32>
        %add3A_535 = arith.constant 15 : i32
        %add3A_536 = arith.addi %mul3A_103, %add3A_535 : i32
        %get3A_537 = arith.index_cast %add3A_536 : i32 to index
        %get3A_538 = arith.constant 16 : index
        %get3A_539 = tpu.vector_load %arg11[%get3A_537, %get3A_538] {strides = array<i32>} : memref<128x128xf32, #tpu.memory_space<vmem>>, vector<1x16xf32>,
        %get3A_540 = vector.shape_cast %get3A_539 : vector<1x16xf32> to vector<16xf32>
        %sub3A_541 = arith.subf %get3A_534, %get3A_540 : vector<16xf32>
        %max3A_542 = arith.maximumf %max3A_528, %sub3A_541 : vector<16xf32>
        %swap3A_543 = arith.index_cast %scan3A_101 : i32 to index
        %swap3A_544 = arith.constant 16 : index
        %swap3A_545 = tpu.vector_load %arg12[%swap3A_543, %swap3A_544] {strides = array<i32>} : memref<8x128xf32, #tpu.memory_space<vmem>>, vector<1x16xf32>,
        %swap3A_546 = vector.shape_cast %swap3A_545 : vector<1x16xf32> to vector<16xf32>
        %swap3A_547 = vector.shape_cast %max3A_542 : vector<16xf32> to vector<1x16xf32>
        tpu.vector_store %arg12[%swap3A_543, %swap3A_544], %swap3A_547 {strides = array<i32>} : memref<8x128xf32, #tpu.memory_space<vmem>>, vector<1x16xf32>,
        %get3A_548 = arith.index_cast %mul3A_103 : i32 to index
        %get3A_549 = arith.constant 32 : index
        %get3A_550 = tpu.vector_load %arg10[%get3A_548, %get3A_549] {strides = array<i32>} : memref<128x128xf32, #tpu.memory_space<vmem>>, vector<1x16xf32>,
        %get3A_551 = vector.shape_cast %get3A_550 : vector<1x16xf32> to vector<16xf32>
        %get3A_552 = arith.index_cast %mul3A_103 : i32 to index
        %get3A_553 = arith.constant 32 : index
        %get3A_554 = tpu.vector_load %arg11[%get3A_552, %get3A_553] {strides = array<i32>} : memref<128x128xf32, #tpu.memory_space<vmem>>, vector<1x16xf32>,
        %get3A_555 = vector.shape_cast %get3A_554 : vector<1x16xf32> to vector<16xf32>
        %sub3A_556 = arith.subf %get3A_551, %get3A_555 : vector<16xf32>
        %add3A_557 = arith.constant 1 : i32
        %add3A_558 = arith.addi %mul3A_103, %add3A_557 : i32
        %get3A_559 = arith.index_cast %add3A_558 : i32 to index
        %get3A_560 = arith.constant 32 : index
        %get3A_561 = tpu.vector_load %arg10[%get3A_559, %get3A_560] {strides = array<i32>} : memref<128x128xf32, #tpu.memory_space<vmem>>, vector<1x16xf32>,
        %get3A_562 = vector.shape_cast %get3A_561 : vector<1x16xf32> to vector<16xf32>
        %add3A_563 = arith.constant 1 : i32
        %add3A_564 = arith.addi %mul3A_103, %add3A_563 : i32
        %get3A_565 = arith.index_cast %add3A_564 : i32 to index
        %get3A_566 = arith.constant 32 : index
        %get3A_567 = tpu.vector_load %arg11[%get3A_565, %get3A_566] {strides = array<i32>} : memref<128x128xf32, #tpu.memory_space<vmem>>, vector<1x16xf32>,
        %get3A_568 = vector.shape_cast %get3A_567 : vector<1x16xf32> to vector<16xf32>
        %sub3A_569 = arith.subf %get3A_562, %get3A_568 : vector<16xf32>
        %max3A_570 = arith.maximumf %sub3A_556, %sub3A_569 : vector<16xf32>
        %add3A_571 = arith.constant 2 : i32
        %add3A_572 = arith.addi %mul3A_103, %add3A_571 : i32
        %get3A_573 = arith.index_cast %add3A_572 : i32 to index
        %get3A_574 = arith.constant 32 : index
        %get3A_575 = tpu.vector_load %arg10[%get3A_573, %get3A_574] {strides = array<i32>} : memref<128x128xf32, #tpu.memory_space<vmem>>, vector<1x16xf32>,
        %get3A_576 = vector.shape_cast %get3A_575 : vector<1x16xf32> to vector<16xf32>
        %add3A_577 = arith.constant 2 : i32
        %add3A_578 = arith.addi %mul3A_103, %add3A_577 : i32
        %get3A_579 = arith.index_cast %add3A_578 : i32 to index
        %get3A_580 = arith.constant 32 : index
        %get3A_581 = tpu.vector_load %arg11[%get3A_579, %get3A_580] {strides = array<i32>} : memref<128x128xf32, #tpu.memory_space<vmem>>, vector<1x16xf32>,
        %get3A_582 = vector.shape_cast %get3A_581 : vector<1x16xf32> to vector<16xf32>
        %sub3A_583 = arith.subf %get3A_576, %get3A_582 : vector<16xf32>
        %max3A_584 = arith.maximumf %max3A_570, %sub3A_583 : vector<16xf32>
        %add3A_585 = arith.constant 3 : i32
        %add3A_586 = arith.addi %mul3A_103, %add3A_585 : i32
        %get3A_587 = arith.index_cast %add3A_586 : i32 to index
        %get3A_588 = arith.constant 32 : index
        %get3A_589 = tpu.vector_load %arg10[%get3A_587, %get3A_588] {strides = array<i32>} : memref<128x128xf32, #tpu.memory_space<vmem>>, vector<1x16xf32>,
        %get3A_590 = vector.shape_cast %get3A_589 : vector<1x16xf32> to vector<16xf32>
        %add3A_591 = arith.constant 3 : i32
        %add3A_592 = arith.addi %mul3A_103, %add3A_591 : i32
        %get3A_593 = arith.index_cast %add3A_592 : i32 to index
        %get3A_594 = arith.constant 32 : index
        %get3A_595 = tpu.vector_load %arg11[%get3A_593, %get3A_594] {strides = array<i32>} : memref<128x128xf32, #tpu.memory_space<vmem>>, vector<1x16xf32>,
        %get3A_596 = vector.shape_cast %get3A_595 : vector<1x16xf32> to vector<16xf32>
        %sub3A_597 = arith.subf %get3A_590, %get3A_596 : vector<16xf32>
        %max3A_598 = arith.maximumf %max3A_584, %sub3A_597 : vector<16xf32>
        %add3A_599 = arith.constant 4 : i32
        %add3A_600 = arith.addi %mul3A_103, %add3A_599 : i32
        %get3A_601 = arith.index_cast %add3A_600 : i32 to index
        %get3A_602 = arith.constant 32 : index
        %get3A_603 = tpu.vector_load %arg10[%get3A_601, %get3A_602] {strides = array<i32>} : memref<128x128xf32, #tpu.memory_space<vmem>>, vector<1x16xf32>,
        %get3A_604 = vector.shape_cast %get3A_603 : vector<1x16xf32> to vector<16xf32>
        %add3A_605 = arith.constant 4 : i32
        %add3A_606 = arith.addi %mul3A_103, %add3A_605 : i32
        %get3A_607 = arith.index_cast %add3A_606 : i32 to index
        %get3A_608 = arith.constant 32 : index
        %get3A_609 = tpu.vector_load %arg11[%get3A_607, %get3A_608] {strides = array<i32>} : memref<128x128xf32, #tpu.memory_space<vmem>>, vector<1x16xf32>,
        %get3A_610 = vector.shape_cast %get3A_609 : vector<1x16xf32> to vector<16xf32>
        %sub3A_611 = arith.subf %get3A_604, %get3A_610 : vector<16xf32>
        %max3A_612 = arith.maximumf %max3A_598, %sub3A_611 : vector<16xf32>
        %add3A_613 = arith.constant 5 : i32
        %add3A_614 = arith.addi %mul3A_103, %add3A_613 : i32
        %get3A_615 = arith.index_cast %add3A_614 : i32 to index
        %get3A_616 = arith.constant 32 : index
        %get3A_617 = tpu.vector_load %arg10[%get3A_615, %get3A_616] {strides = array<i32>} : memref<128x128xf32, #tpu.memory_space<vmem>>, vector<1x16xf32>,
        %get3A_618 = vector.shape_cast %get3A_617 : vector<1x16xf32> to vector<16xf32>
        %add3A_619 = arith.constant 5 : i32
        %add3A_620 = arith.addi %mul3A_103, %add3A_619 : i32
        %get3A_621 = arith.index_cast %add3A_620 : i32 to index
        %get3A_622 = arith.constant 32 : index
        %get3A_623 = tpu.vector_load %arg11[%get3A_621, %get3A_622] {strides = array<i32>} : memref<128x128xf32, #tpu.memory_space<vmem>>, vector<1x16xf32>,
        %get3A_624 = vector.shape_cast %get3A_623 : vector<1x16xf32> to vector<16xf32>
        %sub3A_625 = arith.subf %get3A_618, %get3A_624 : vector<16xf32>
        %max3A_626 = arith.maximumf %max3A_612, %sub3A_625 : vector<16xf32>
        %add3A_627 = arith.constant 6 : i32
        %add3A_628 = arith.addi %mul3A_103, %add3A_627 : i32
        %get3A_629 = arith.index_cast %add3A_628 : i32 to index
        %get3A_630 = arith.constant 32 : index
        %get3A_631 = tpu.vector_load %arg10[%get3A_629, %get3A_630] {strides = array<i32>} : memref<128x128xf32, #tpu.memory_space<vmem>>, vector<1x16xf32>,
        %get3A_632 = vector.shape_cast %get3A_631 : vector<1x16xf32> to vector<16xf32>
        %add3A_633 = arith.constant 6 : i32
        %add3A_634 = arith.addi %mul3A_103, %add3A_633 : i32
        %get3A_635 = arith.index_cast %add3A_634 : i32 to index
        %get3A_636 = arith.constant 32 : index
        %get3A_637 = tpu.vector_load %arg11[%get3A_635, %get3A_636] {strides = array<i32>} : memref<128x128xf32, #tpu.memory_space<vmem>>, vector<1x16xf32>,
        %get3A_638 = vector.shape_cast %get3A_637 : vector<1x16xf32> to vector<16xf32>
        %sub3A_639 = arith.subf %get3A_632, %get3A_638 : vector<16xf32>
        %max3A_640 = arith.maximumf %max3A_626, %sub3A_639 : vector<16xf32>
        %add3A_641 = arith.constant 7 : i32
        %add3A_642 = arith.addi %mul3A_103, %add3A_641 : i32
        %get3A_643 = arith.index_cast %add3A_642 : i32 to index
        %get3A_644 = arith.constant 32 : index
        %get3A_645 = tpu.vector_load %arg10[%get3A_643, %get3A_644] {strides = array<i32>} : memref<128x128xf32, #tpu.memory_space<vmem>>, vector<1x16xf32>,
        %get3A_646 = vector.shape_cast %get3A_645 : vector<1x16xf32> to vector<16xf32>
        %add3A_647 = arith.constant 7 : i32
        %add3A_648 = arith.addi %mul3A_103, %add3A_647 : i32
        %get3A_649 = arith.index_cast %add3A_648 : i32 to index
        %get3A_650 = arith.constant 32 : index
        %get3A_651 = tpu.vector_load %arg11[%get3A_649, %get3A_650] {strides = array<i32>} : memref<128x128xf32, #tpu.memory_space<vmem>>, vector<1x16xf32>,
        %get3A_652 = vector.shape_cast %get3A_651 : vector<1x16xf32> to vector<16xf32>
        %sub3A_653 = arith.subf %get3A_646, %get3A_652 : vector<16xf32>
        %max3A_654 = arith.maximumf %max3A_640, %sub3A_653 : vector<16xf32>
        %add3A_655 = arith.constant 8 : i32
        %add3A_656 = arith.addi %mul3A_103, %add3A_655 : i32
        %get3A_657 = arith.index_cast %add3A_656 : i32 to index
        %get3A_658 = arith.constant 32 : index
        %get3A_659 = tpu.vector_load %arg10[%get3A_657, %get3A_658] {strides = array<i32>} : memref<128x128xf32, #tpu.memory_space<vmem>>, vector<1x16xf32>,
        %get3A_660 = vector.shape_cast %get3A_659 : vector<1x16xf32> to vector<16xf32>
        %add3A_661 = arith.constant 8 : i32
        %add3A_662 = arith.addi %mul3A_103, %add3A_661 : i32
        %get3A_663 = arith.index_cast %add3A_662 : i32 to index
        %get3A_664 = arith.constant 32 : index
        %get3A_665 = tpu.vector_load %arg11[%get3A_663, %get3A_664] {strides = array<i32>} : memref<128x128xf32, #tpu.memory_space<vmem>>, vector<1x16xf32>,
        %get3A_666 = vector.shape_cast %get3A_665 : vector<1x16xf32> to vector<16xf32>
        %sub3A_667 = arith.subf %get3A_660, %get3A_666 : vector<16xf32>
        %max3A_668 = arith.maximumf %max3A_654, %sub3A_667 : vector<16xf32>
        %add3A_669 = arith.constant 9 : i32
        %add3A_670 = arith.addi %mul3A_103, %add3A_669 : i32
        %get3A_671 = arith.index_cast %add3A_670 : i32 to index
        %get3A_672 = arith.constant 32 : index
        %get3A_673 = tpu.vector_load %arg10[%get3A_671, %get3A_672] {strides = array<i32>} : memref<128x128xf32, #tpu.memory_space<vmem>>, vector<1x16xf32>,
        %get3A_674 = vector.shape_cast %get3A_673 : vector<1x16xf32> to vector<16xf32>
        %add3A_675 = arith.constant 9 : i32
        %add3A_676 = arith.addi %mul3A_103, %add3A_675 : i32
        %get3A_677 = arith.index_cast %add3A_676 : i32 to index
        %get3A_678 = arith.constant 32 : index
        %get3A_679 = tpu.vector_load %arg11[%get3A_677, %get3A_678] {strides = array<i32>} : memref<128x128xf32, #tpu.memory_space<vmem>>, vector<1x16xf32>,
        %get3A_680 = vector.shape_cast %get3A_679 : vector<1x16xf32> to vector<16xf32>
        %sub3A_681 = arith.subf %get3A_674, %get3A_680 : vector<16xf32>
        %max3A_682 = arith.maximumf %max3A_668, %sub3A_681 : vector<16xf32>
        %add3A_683 = arith.constant 10 : i32
        %add3A_684 = arith.addi %mul3A_103, %add3A_683 : i32
        %get3A_685 = arith.index_cast %add3A_684 : i32 to index
        %get3A_686 = arith.constant 32 : index
        %get3A_687 = tpu.vector_load %arg10[%get3A_685, %get3A_686] {strides = array<i32>} : memref<128x128xf32, #tpu.memory_space<vmem>>, vector<1x16xf32>,
        %get3A_688 = vector.shape_cast %get3A_687 : vector<1x16xf32> to vector<16xf32>
        %add3A_689 = arith.constant 10 : i32
        %add3A_690 = arith.addi %mul3A_103, %add3A_689 : i32
        %get3A_691 = arith.index_cast %add3A_690 : i32 to index
        %get3A_692 = arith.constant 32 : index
        %get3A_693 = tpu.vector_load %arg11[%get3A_691, %get3A_692] {strides = array<i32>} : memref<128x128xf32, #tpu.memory_space<vmem>>, vector<1x16xf32>,
        %get3A_694 = vector.shape_cast %get3A_693 : vector<1x16xf32> to vector<16xf32>
        %sub3A_695 = arith.subf %get3A_688, %get3A_694 : vector<16xf32>
        %max3A_696 = arith.maximumf %max3A_682, %sub3A_695 : vector<16xf32>
        %add3A_697 = arith.constant 11 : i32
        %add3A_698 = arith.addi %mul3A_103, %add3A_697 : i32
        %get3A_699 = arith.index_cast %add3A_698 : i32 to index
        %get3A_700 = arith.constant 32 : index
        %get3A_701 = tpu.vector_load %arg10[%get3A_699, %get3A_700] {strides = array<i32>} : memref<128x128xf32, #tpu.memory_space<vmem>>, vector<1x16xf32>,
        %get3A_702 = vector.shape_cast %get3A_701 : vector<1x16xf32> to vector<16xf32>
        %add3A_703 = arith.constant 11 : i32
        %add3A_704 = arith.addi %mul3A_103, %add3A_703 : i32
        %get3A_705 = arith.index_cast %add3A_704 : i32 to index
        %get3A_706 = arith.constant 32 : index
        %get3A_707 = tpu.vector_load %arg11[%get3A_705, %get3A_706] {strides = array<i32>} : memref<128x128xf32, #tpu.memory_space<vmem>>, vector<1x16xf32>,
        %get3A_708 = vector.shape_cast %get3A_707 : vector<1x16xf32> to vector<16xf32>
        %sub3A_709 = arith.subf %get3A_702, %get3A_708 : vector<16xf32>
        %max3A_710 = arith.maximumf %max3A_696, %sub3A_709 : vector<16xf32>
        %add3A_711 = arith.constant 12 : i32
        %add3A_712 = arith.addi %mul3A_103, %add3A_711 : i32
        %get3A_713 = arith.index_cast %add3A_712 : i32 to index
        %get3A_714 = arith.constant 32 : index
        %get3A_715 = tpu.vector_load %arg10[%get3A_713, %get3A_714] {strides = array<i32>} : memref<128x128xf32, #tpu.memory_space<vmem>>, vector<1x16xf32>,
        %get3A_716 = vector.shape_cast %get3A_715 : vector<1x16xf32> to vector<16xf32>
        %add3A_717 = arith.constant 12 : i32
        %add3A_718 = arith.addi %mul3A_103, %add3A_717 : i32
        %get3A_719 = arith.index_cast %add3A_718 : i32 to index
        %get3A_720 = arith.constant 32 : index
        %get3A_721 = tpu.vector_load %arg11[%get3A_719, %get3A_720] {strides = array<i32>} : memref<128x128xf32, #tpu.memory_space<vmem>>, vector<1x16xf32>,
        %get3A_722 = vector.shape_cast %get3A_721 : vector<1x16xf32> to vector<16xf32>
        %sub3A_723 = arith.subf %get3A_716, %get3A_722 : vector<16xf32>
        %max3A_724 = arith.maximumf %max3A_710, %sub3A_723 : vector<16xf32>
        %add3A_725 = arith.constant 13 : i32
        %add3A_726 = arith.addi %mul3A_103, %add3A_725 : i32
        %get3A_727 = arith.index_cast %add3A_726 : i32 to index
        %get3A_728 = arith.constant 32 : index
        %get3A_729 = tpu.vector_load %arg10[%get3A_727, %get3A_728] {strides = array<i32>} : memref<128x128xf32, #tpu.memory_space<vmem>>, vector<1x16xf32>,
        %get3A_730 = vector.shape_cast %get3A_729 : vector<1x16xf32> to vector<16xf32>
        %add3A_731 = arith.constant 13 : i32
        %add3A_732 = arith.addi %mul3A_103, %add3A_731 : i32
        %get3A_733 = arith.index_cast %add3A_732 : i32 to index
        %get3A_734 = arith.constant 32 : index
        %get3A_735 = tpu.vector_load %arg11[%get3A_733, %get3A_734] {strides = array<i32>} : memref<128x128xf32, #tpu.memory_space<vmem>>, vector<1x16xf32>,
        %get3A_736 = vector.shape_cast %get3A_735 : vector<1x16xf32> to vector<16xf32>
        %sub3A_737 = arith.subf %get3A_730, %get3A_736 : vector<16xf32>
        %max3A_738 = arith.maximumf %max3A_724, %sub3A_737 : vector<16xf32>
        %add3A_739 = arith.constant 14 : i32
        %add3A_740 = arith.addi %mul3A_103, %add3A_739 : i32
        %get3A_741 = arith.index_cast %add3A_740 : i32 to index
        %get3A_742 = arith.constant 32 : index
        %get3A_743 = tpu.vector_load %arg10[%get3A_741, %get3A_742] {strides = array<i32>} : memref<128x128xf32, #tpu.memory_space<vmem>>, vector<1x16xf32>,
        %get3A_744 = vector.shape_cast %get3A_743 : vector<1x16xf32> to vector<16xf32>
        %add3A_745 = arith.constant 14 : i32
        %add3A_746 = arith.addi %mul3A_103, %add3A_745 : i32
        %get3A_747 = arith.index_cast %add3A_746 : i32 to index
        %get3A_748 = arith.constant 32 : index
        %get3A_749 = tpu.vector_load %arg11[%get3A_747, %get3A_748] {strides = array<i32>} : memref<128x128xf32, #tpu.memory_space<vmem>>, vector<1x16xf32>,
        %get3A_750 = vector.shape_cast %get3A_749 : vector<1x16xf32> to vector<16xf32>
        %sub3A_751 = arith.subf %get3A_744, %get3A_750 : vector<16xf32>
        %max3A_752 = arith.maximumf %max3A_738, %sub3A_751 : vector<16xf32>
        %add3A_753 = arith.constant 15 : i32
        %add3A_754 = arith.addi %mul3A_103, %add3A_753 : i32
        %get3A_755 = arith.index_cast %add3A_754 : i32 to index
        %get3A_756 = arith.constant 32 : index
        %get3A_757 = tpu.vector_load %arg10[%get3A_755, %get3A_756] {strides = array<i32>} : memref<128x128xf32, #tpu.memory_space<vmem>>, vector<1x16xf32>,
        %get3A_758 = vector.shape_cast %get3A_757 : vector<1x16xf32> to vector<16xf32>
        %add3A_759 = arith.constant 15 : i32
        %add3A_760 = arith.addi %mul3A_103, %add3A_759 : i32
        %get3A_761 = arith.index_cast %add3A_760 : i32 to index
        %get3A_762 = arith.constant 32 : index
        %get3A_763 = tpu.vector_load %arg11[%get3A_761, %get3A_762] {strides = array<i32>} : memref<128x128xf32, #tpu.memory_space<vmem>>, vector<1x16xf32>,
        %get3A_764 = vector.shape_cast %get3A_763 : vector<1x16xf32> to vector<16xf32>
        %sub3A_765 = arith.subf %get3A_758, %get3A_764 : vector<16xf32>
        %max3A_766 = arith.maximumf %max3A_752, %sub3A_765 : vector<16xf32>
        %swap3A_767 = arith.index_cast %scan3A_101 : i32 to index
        %swap3A_768 = arith.constant 32 : index
        %swap3A_769 = tpu.vector_load %arg12[%swap3A_767, %swap3A_768] {strides = array<i32>} : memref<8x128xf32, #tpu.memory_space<vmem>>, vector<1x16xf32>,
        %swap3A_770 = vector.shape_cast %swap3A_769 : vector<1x16xf32> to vector<16xf32>
        %swap3A_771 = vector.shape_cast %max3A_766 : vector<16xf32> to vector<1x16xf32>
        tpu.vector_store %arg12[%swap3A_767, %swap3A_768], %swap3A_771 {strides = array<i32>} : memref<8x128xf32, #tpu.memory_space<vmem>>, vector<1x16xf32>,
        %get3A_772 = arith.index_cast %mul3A_103 : i32 to index
        %get3A_773 = arith.constant 48 : index
        %get3A_774 = tpu.vector_load %arg10[%get3A_772, %get3A_773] {strides = array<i32>} : memref<128x128xf32, #tpu.memory_space<vmem>>, vector<1x16xf32>,
        %get3A_775 = vector.shape_cast %get3A_774 : vector<1x16xf32> to vector<16xf32>
        %get3A_776 = arith.index_cast %mul3A_103 : i32 to index
        %get3A_777 = arith.constant 48 : index
        %get3A_778 = tpu.vector_load %arg11[%get3A_776, %get3A_777] {strides = array<i32>} : memref<128x128xf32, #tpu.memory_space<vmem>>, vector<1x16xf32>,
        %get3A_779 = vector.shape_cast %get3A_778 : vector<1x16xf32> to vector<16xf32>
        %sub3A_780 = arith.subf %get3A_775, %get3A_779 : vector<16xf32>
        %add3A_781 = arith.constant 1 : i32
        %add3A_782 = arith.addi %mul3A_103, %add3A_781 : i32
        %get3A_783 = arith.index_cast %add3A_782 : i32 to index
        %get3A_784 = arith.constant 48 : index
        %get3A_785 = tpu.vector_load %arg10[%get3A_783, %get3A_784] {strides = array<i32>} : memref<128x128xf32, #tpu.memory_space<vmem>>, vector<1x16xf32>,
        %get3A_786 = vector.shape_cast %get3A_785 : vector<1x16xf32> to vector<16xf32>
        %add3A_787 = arith.constant 1 : i32
        %add3A_788 = arith.addi %mul3A_103, %add3A_787 : i32
        %get3A_789 = arith.index_cast %add3A_788 : i32 to index
        %get3A_790 = arith.constant 48 : index
        %get3A_791 = tpu.vector_load %arg11[%get3A_789, %get3A_790] {strides = array<i32>} : memref<128x128xf32, #tpu.memory_space<vmem>>, vector<1x16xf32>,
        %get3A_792 = vector.shape_cast %get3A_791 : vector<1x16xf32> to vector<16xf32>
        %sub3A_793 = arith.subf %get3A_786, %get3A_792 : vector<16xf32>
        %max3A_794 = arith.maximumf %sub3A_780, %sub3A_793 : vector<16xf32>
        %add3A_795 = arith.constant 2 : i32
        %add3A_796 = arith.addi %mul3A_103, %add3A_795 : i32
        %get3A_797 = arith.index_cast %add3A_796 : i32 to index
        %get3A_798 = arith.constant 48 : index
        %get3A_799 = tpu.vector_load %arg10[%get3A_797, %get3A_798] {strides = array<i32>} : memref<128x128xf32, #tpu.memory_space<vmem>>, vector<1x16xf32>,
        %get3A_800 = vector.shape_cast %get3A_799 : vector<1x16xf32> to vector<16xf32>
        %add3A_801 = arith.constant 2 : i32
        %add3A_802 = arith.addi %mul3A_103, %add3A_801 : i32
        %get3A_803 = arith.index_cast %add3A_802 : i32 to index
        %get3A_804 = arith.constant 48 : index
        %get3A_805 = tpu.vector_load %arg11[%get3A_803, %get3A_804] {strides = array<i32>} : memref<128x128xf32, #tpu.memory_space<vmem>>, vector<1x16xf32>,
        %get3A_806 = vector.shape_cast %get3A_805 : vector<1x16xf32> to vector<16xf32>
        %sub3A_807 = arith.subf %get3A_800, %get3A_806 : vector<16xf32>
        %max3A_808 = arith.maximumf %max3A_794, %sub3A_807 : vector<16xf32>
        %add3A_809 = arith.constant 3 : i32
        %add3A_810 = arith.addi %mul3A_103, %add3A_809 : i32
        %get3A_811 = arith.index_cast %add3A_810 : i32 to index
        %get3A_812 = arith.constant 48 : index
        %get3A_813 = tpu.vector_load %arg10[%get3A_811, %get3A_812] {strides = array<i32>} : memref<128x128xf32, #tpu.memory_space<vmem>>, vector<1x16xf32>,
        %get3A_814 = vector.shape_cast %get3A_813 : vector<1x16xf32> to vector<16xf32>
        %add3A_815 = arith.constant 3 : i32
        %add3A_816 = arith.addi %mul3A_103, %add3A_815 : i32
        %get3A_817 = arith.index_cast %add3A_816 : i32 to index
        %get3A_818 = arith.constant 48 : index
        %get3A_819 = tpu.vector_load %arg11[%get3A_817, %get3A_818] {strides = array<i32>} : memref<128x128xf32, #tpu.memory_space<vmem>>, vector<1x16xf32>,
        %get3A_820 = vector.shape_cast %get3A_819 : vector<1x16xf32> to vector<16xf32>
        %sub3A_821 = arith.subf %get3A_814, %get3A_820 : vector<16xf32>
        %max3A_822 = arith.maximumf %max3A_808, %sub3A_821 : vector<16xf32>
        %add3A_823 = arith.constant 4 : i32
        %add3A_824 = arith.addi %mul3A_103, %add3A_823 : i32
        %get3A_825 = arith.index_cast %add3A_824 : i32 to index
        %get3A_826 = arith.constant 48 : index
        %get3A_827 = tpu.vector_load %arg10[%get3A_825, %get3A_826] {strides = array<i32>} : memref<128x128xf32, #tpu.memory_space<vmem>>, vector<1x16xf32>,
        %get3A_828 = vector.shape_cast %get3A_827 : vector<1x16xf32> to vector<16xf32>
        %add3A_829 = arith.constant 4 : i32
        %add3A_830 = arith.addi %mul3A_103, %add3A_829 : i32
        %get3A_831 = arith.index_cast %add3A_830 : i32 to index
        %get3A_832 = arith.constant 48 : index
        %get3A_833 = tpu.vector_load %arg11[%get3A_831, %get3A_832] {strides = array<i32>} : memref<128x128xf32, #tpu.memory_space<vmem>>, vector<1x16xf32>,
        %get3A_834 = vector.shape_cast %get3A_833 : vector<1x16xf32> to vector<16xf32>
        %sub3A_835 = arith.subf %get3A_828, %get3A_834 : vector<16xf32>
        %max3A_836 = arith.maximumf %max3A_822, %sub3A_835 : vector<16xf32>
        %add3A_837 = arith.constant 5 : i32
        %add3A_838 = arith.addi %mul3A_103, %add3A_837 : i32
        %get3A_839 = arith.index_cast %add3A_838 : i32 to index
        %get3A_840 = arith.constant 48 : index
        %get3A_841 = tpu.vector_load %arg10[%get3A_839, %get3A_840] {strides = array<i32>} : memref<128x128xf32, #tpu.memory_space<vmem>>, vector<1x16xf32>,
        %get3A_842 = vector.shape_cast %get3A_841 : vector<1x16xf32> to vector<16xf32>
        %add3A_843 = arith.constant 5 : i32
        %add3A_844 = arith.addi %mul3A_103, %add3A_843 : i32
        %get3A_845 = arith.index_cast %add3A_844 : i32 to index
        %get3A_846 = arith.constant 48 : index
        %get3A_847 = tpu.vector_load %arg11[%get3A_845, %get3A_846] {strides = array<i32>} : memref<128x128xf32, #tpu.memory_space<vmem>>, vector<1x16xf32>,
        %get3A_848 = vector.shape_cast %get3A_847 : vector<1x16xf32> to vector<16xf32>
        %sub3A_849 = arith.subf %get3A_842, %get3A_848 : vector<16xf32>
        %max3A_850 = arith.maximumf %max3A_836, %sub3A_849 : vector<16xf32>
        %add3A_851 = arith.constant 6 : i32
        %add3A_852 = arith.addi %mul3A_103, %add3A_851 : i32
        %get3A_853 = arith.index_cast %add3A_852 : i32 to index
        %get3A_854 = arith.constant 48 : index
        %get3A_855 = tpu.vector_load %arg10[%get3A_853, %get3A_854] {strides = array<i32>} : memref<128x128xf32, #tpu.memory_space<vmem>>, vector<1x16xf32>,
        %get3A_856 = vector.shape_cast %get3A_855 : vector<1x16xf32> to vector<16xf32>
        %add3A_857 = arith.constant 6 : i32
        %add3A_858 = arith.addi %mul3A_103, %add3A_857 : i32
        %get3A_859 = arith.index_cast %add3A_858 : i32 to index
        %get3A_860 = arith.constant 48 : index
        %get3A_861 = tpu.vector_load %arg11[%get3A_859, %get3A_860] {strides = array<i32>} : memref<128x128xf32, #tpu.memory_space<vmem>>, vector<1x16xf32>,
        %get3A_862 = vector.shape_cast %get3A_861 : vector<1x16xf32> to vector<16xf32>
        %sub3A_863 = arith.subf %get3A_856, %get3A_862 : vector<16xf32>
        %max3A_864 = arith.maximumf %max3A_850, %sub3A_863 : vector<16xf32>
        %add3A_865 = arith.constant 7 : i32
        %add3A_866 = arith.addi %mul3A_103, %add3A_865 : i32
        %get3A_867 = arith.index_cast %add3A_866 : i32 to index
        %get3A_868 = arith.constant 48 : index
        %get3A_869 = tpu.vector_load %arg10[%get3A_867, %get3A_868] {strides = array<i32>} : memref<128x128xf32, #tpu.memory_space<vmem>>, vector<1x16xf32>,
        %get3A_870 = vector.shape_cast %get3A_869 : vector<1x16xf32> to vector<16xf32>
        %add3A_871 = arith.constant 7 : i32
        %add3A_872 = arith.addi %mul3A_103, %add3A_871 : i32
        %get3A_873 = arith.index_cast %add3A_872 : i32 to index
        %get3A_874 = arith.constant 48 : index
        %get3A_875 = tpu.vector_load %arg11[%get3A_873, %get3A_874] {strides = array<i32>} : memref<128x128xf32, #tpu.memory_space<vmem>>, vector<1x16xf32>,
        %get3A_876 = vector.shape_cast %get3A_875 : vector<1x16xf32> to vector<16xf32>
        %sub3A_877 = arith.subf %get3A_870, %get3A_876 : vector<16xf32>
        %max3A_878 = arith.maximumf %max3A_864, %sub3A_877 : vector<16xf32>
        %add3A_879 = arith.constant 8 : i32
        %add3A_880 = arith.addi %mul3A_103, %add3A_879 : i32
        %get3A_881 = arith.index_cast %add3A_880 : i32 to index
        %get3A_882 = arith.constant 48 : index
        %get3A_883 = tpu.vector_load %arg10[%get3A_881, %get3A_882] {strides = array<i32>} : memref<128x128xf32, #tpu.memory_space<vmem>>, vector<1x16xf32>,
        %get3A_884 = vector.shape_cast %get3A_883 : vector<1x16xf32> to vector<16xf32>
        %add3A_885 = arith.constant 8 : i32
        %add3A_886 = arith.addi %mul3A_103, %add3A_885 : i32
        %get3A_887 = arith.index_cast %add3A_886 : i32 to index
        %get3A_888 = arith.constant 48 : index
        %get3A_889 = tpu.vector_load %arg11[%get3A_887, %get3A_888] {strides = array<i32>} : memref<128x128xf32, #tpu.memory_space<vmem>>, vector<1x16xf32>,
        %get3A_890 = vector.shape_cast %get3A_889 : vector<1x16xf32> to vector<16xf32>
        %sub3A_891 = arith.subf %get3A_884, %get3A_890 : vector<16xf32>
        %max3A_892 = arith.maximumf %max3A_878, %sub3A_891 : vector<16xf32>
        %add3A_893 = arith.constant 9 : i32
        %add3A_894 = arith.addi %mul3A_103, %add3A_893 : i32
        %get3A_895 = arith.index_cast %add3A_894 : i32 to index
        %get3A_896 = arith.constant 48 : index
        %get3A_897 = tpu.vector_load %arg10[%get3A_895, %get3A_896] {strides = array<i32>} : memref<128x128xf32, #tpu.memory_space<vmem>>, vector<1x16xf32>,
        %get3A_898 = vector.shape_cast %get3A_897 : vector<1x16xf32> to vector<16xf32>
        %add3A_899 = arith.constant 9 : i32
        %add3A_900 = arith.addi %mul3A_103, %add3A_899 : i32
        %get3A_901 = arith.index_cast %add3A_900 : i32 to index
        %get3A_902 = arith.constant 48 : index
        %get3A_903 = tpu.vector_load %arg11[%get3A_901, %get3A_902] {strides = array<i32>} : memref<128x128xf32, #tpu.memory_space<vmem>>, vector<1x16xf32>,
        %get3A_904 = vector.shape_cast %get3A_903 : vector<1x16xf32> to vector<16xf32>
        %sub3A_905 = arith.subf %get3A_898, %get3A_904 : vector<16xf32>
        %max3A_906 = arith.maximumf %max3A_892, %sub3A_905 : vector<16xf32>
        %add3A_907 = arith.constant 10 : i32
        %add3A_908 = arith.addi %mul3A_103, %add3A_907 : i32
        %get3A_909 = arith.index_cast %add3A_908 : i32 to index
        %get3A_910 = arith.constant 48 : index
        %get3A_911 = tpu.vector_load %arg10[%get3A_909, %get3A_910] {strides = array<i32>} : memref<128x128xf32, #tpu.memory_space<vmem>>, vector<1x16xf32>,
        %get3A_912 = vector.shape_cast %get3A_911 : vector<1x16xf32> to vector<16xf32>
        %add3A_913 = arith.constant 10 : i32
        %add3A_914 = arith.addi %mul3A_103, %add3A_913 : i32
        %get3A_915 = arith.index_cast %add3A_914 : i32 to index
        %get3A_916 = arith.constant 48 : index
        %get3A_917 = tpu.vector_load %arg11[%get3A_915, %get3A_916] {strides = array<i32>} : memref<128x128xf32, #tpu.memory_space<vmem>>, vector<1x16xf32>,
        %get3A_918 = vector.shape_cast %get3A_917 : vector<1x16xf32> to vector<16xf32>
        %sub3A_919 = arith.subf %get3A_912, %get3A_918 : vector<16xf32>
        %max3A_920 = arith.maximumf %max3A_906, %sub3A_919 : vector<16xf32>
        %add3A_921 = arith.constant 11 : i32
        %add3A_922 = arith.addi %mul3A_103, %add3A_921 : i32
        %get3A_923 = arith.index_cast %add3A_922 : i32 to index
        %get3A_924 = arith.constant 48 : index
        %get3A_925 = tpu.vector_load %arg10[%get3A_923, %get3A_924] {strides = array<i32>} : memref<128x128xf32, #tpu.memory_space<vmem>>, vector<1x16xf32>,
        %get3A_926 = vector.shape_cast %get3A_925 : vector<1x16xf32> to vector<16xf32>
        %add3A_927 = arith.constant 11 : i32
        %add3A_928 = arith.addi %mul3A_103, %add3A_927 : i32
        %get3A_929 = arith.index_cast %add3A_928 : i32 to index
        %get3A_930 = arith.constant 48 : index
        %get3A_931 = tpu.vector_load %arg11[%get3A_929, %get3A_930] {strides = array<i32>} : memref<128x128xf32, #tpu.memory_space<vmem>>, vector<1x16xf32>,
        %get3A_932 = vector.shape_cast %get3A_931 : vector<1x16xf32> to vector<16xf32>
        %sub3A_933 = arith.subf %get3A_926, %get3A_932 : vector<16xf32>
        %max3A_934 = arith.maximumf %max3A_920, %sub3A_933 : vector<16xf32>
        %add3A_935 = arith.constant 12 : i32
        %add3A_936 = arith.addi %mul3A_103, %add3A_935 : i32
        %get3A_937 = arith.index_cast %add3A_936 : i32 to index
        %get3A_938 = arith.constant 48 : index
        %get3A_939 = tpu.vector_load %arg10[%get3A_937, %get3A_938] {strides = array<i32>} : memref<128x128xf32, #tpu.memory_space<vmem>>, vector<1x16xf32>,
        %get3A_940 = vector.shape_cast %get3A_939 : vector<1x16xf32> to vector<16xf32>
        %add3A_941 = arith.constant 12 : i32
        %add3A_942 = arith.addi %mul3A_103, %add3A_941 : i32
        %get3A_943 = arith.index_cast %add3A_942 : i32 to index
        %get3A_944 = arith.constant 48 : index
        %get3A_945 = tpu.vector_load %arg11[%get3A_943, %get3A_944] {strides = array<i32>} : memref<128x128xf32, #tpu.memory_space<vmem>>, vector<1x16xf32>,
        %get3A_946 = vector.shape_cast %get3A_945 : vector<1x16xf32> to vector<16xf32>
        %sub3A_947 = arith.subf %get3A_940, %get3A_946 : vector<16xf32>
        %max3A_948 = arith.maximumf %max3A_934, %sub3A_947 : vector<16xf32>
        %add3A_949 = arith.constant 13 : i32
        %add3A_950 = arith.addi %mul3A_103, %add3A_949 : i32
        %get3A_951 = arith.index_cast %add3A_950 : i32 to index
        %get3A_952 = arith.constant 48 : index
        %get3A_953 = tpu.vector_load %arg10[%get3A_951, %get3A_952] {strides = array<i32>} : memref<128x128xf32, #tpu.memory_space<vmem>>, vector<1x16xf32>,
        %get3A_954 = vector.shape_cast %get3A_953 : vector<1x16xf32> to vector<16xf32>
        %add3A_955 = arith.constant 13 : i32
        %add3A_956 = arith.addi %mul3A_103, %add3A_955 : i32
        %get3A_957 = arith.index_cast %add3A_956 : i32 to index
        %get3A_958 = arith.constant 48 : index
        %get3A_959 = tpu.vector_load %arg11[%get3A_957, %get3A_958] {strides = array<i32>} : memref<128x128xf32, #tpu.memory_space<vmem>>, vector<1x16xf32>,
        %get3A_960 = vector.shape_cast %get3A_959 : vector<1x16xf32> to vector<16xf32>
        %sub3A_961 = arith.subf %get3A_954, %get3A_960 : vector<16xf32>
        %max3A_962 = arith.maximumf %max3A_948, %sub3A_961 : vector<16xf32>
        %add3A_963 = arith.constant 14 : i32
        %add3A_964 = arith.addi %mul3A_103, %add3A_963 : i32
        %get3A_965 = arith.index_cast %add3A_964 : i32 to index
        %get3A_966 = arith.constant 48 : index
        %get3A_967 = tpu.vector_load %arg10[%get3A_965, %get3A_966] {strides = array<i32>} : memref<128x128xf32, #tpu.memory_space<vmem>>, vector<1x16xf32>,
        %get3A_968 = vector.shape_cast %get3A_967 : vector<1x16xf32> to vector<16xf32>
        %add3A_969 = arith.constant 14 : i32
        %add3A_970 = arith.addi %mul3A_103, %add3A_969 : i32
        %get3A_971 = arith.index_cast %add3A_970 : i32 to index
        %get3A_972 = arith.constant 48 : index
        %get3A_973 = tpu.vector_load %arg11[%get3A_971, %get3A_972] {strides = array<i32>} : memref<128x128xf32, #tpu.memory_space<vmem>>, vector<1x16xf32>,
        %get3A_974 = vector.shape_cast %get3A_973 : vector<1x16xf32> to vector<16xf32>
        %sub3A_975 = arith.subf %get3A_968, %get3A_974 : vector<16xf32>
        %max3A_976 = arith.maximumf %max3A_962, %sub3A_975 : vector<16xf32>
        %add3A_977 = arith.constant 15 : i32
        %add3A_978 = arith.addi %mul3A_103, %add3A_977 : i32
        %get3A_979 = arith.index_cast %add3A_978 : i32 to index
        %get3A_980 = arith.constant 48 : index
        %get3A_981 = tpu.vector_load %arg10[%get3A_979, %get3A_980] {strides = array<i32>} : memref<128x128xf32, #tpu.memory_space<vmem>>, vector<1x16xf32>,
        %get3A_982 = vector.shape_cast %get3A_981 : vector<1x16xf32> to vector<16xf32>
        %add3A_983 = arith.constant 15 : i32
        %add3A_984 = arith.addi %mul3A_103, %add3A_983 : i32
        %get3A_985 = arith.index_cast %add3A_984 : i32 to index
        %get3A_986 = arith.constant 48 : index
        %get3A_987 = tpu.vector_load %arg11[%get3A_985, %get3A_986] {strides = array<i32>} : memref<128x128xf32, #tpu.memory_space<vmem>>, vector<1x16xf32>,
        %get3A_988 = vector.shape_cast %get3A_987 : vector<1x16xf32> to vector<16xf32>
        %sub3A_989 = arith.subf %get3A_982, %get3A_988 : vector<16xf32>
        %max3A_990 = arith.maximumf %max3A_976, %sub3A_989 : vector<16xf32>
        %swap3A_991 = arith.index_cast %scan3A_101 : i32 to index
        %swap3A_992 = arith.constant 48 : index
        %swap3A_993 = tpu.vector_load %arg12[%swap3A_991, %swap3A_992] {strides = array<i32>} : memref<8x128xf32, #tpu.memory_space<vmem>>, vector<1x16xf32>,
        %swap3A_994 = vector.shape_cast %swap3A_993 : vector<1x16xf32> to vector<16xf32>
        %swap3A_995 = vector.shape_cast %max3A_990 : vector<16xf32> to vector<1x16xf32>
        tpu.vector_store %arg12[%swap3A_991, %swap3A_992], %swap3A_995 {strides = array<i32>} : memref<8x128xf32, #tpu.memory_space<vmem>>, vector<1x16xf32>,
        %get3A_996 = arith.index_cast %mul3A_103 : i32 to index
        %get3A_997 = arith.constant 64 : index
        %get3A_998 = tpu.vector_load %arg10[%get3A_996, %get3A_997] {strides = array<i32>} : memref<128x128xf32, #tpu.memory_space<vmem>>, vector<1x16xf32>,
        %get3A_999 = vector.shape_cast %get3A_998 : vector<1x16xf32> to vector<16xf32>
        %get3A_1000 = arith.index_cast %mul3A_103 : i32 to index
        %get3A_1001 = arith.constant 64 : index
        %get3A_1002 = tpu.vector_load %arg11[%get3A_1000, %get3A_1001] {strides = array<i32>} : memref<128x128xf32, #tpu.memory_space<vmem>>, vector<1x16xf32>,
        %get3A_1003 = vector.shape_cast %get3A_1002 : vector<1x16xf32> to vector<16xf32>
        %sub3A_1004 = arith.subf %get3A_999, %get3A_1003 : vector<16xf32>
        %add3A_1005 = arith.constant 1 : i32
        %add3A_1006 = arith.addi %mul3A_103, %add3A_1005 : i32
        %get3A_1007 = arith.index_cast %add3A_1006 : i32 to index
        %get3A_1008 = arith.constant 64 : index
        %get3A_1009 = tpu.vector_load %arg10[%get3A_1007, %get3A_1008] {strides = array<i32>} : memref<128x128xf32, #tpu.memory_space<vmem>>, vector<1x16xf32>,
        %get3A_1010 = vector.shape_cast %get3A_1009 : vector<1x16xf32> to vector<16xf32>
        %add3A_1011 = arith.constant 1 : i32
        %add3A_1012 = arith.addi %mul3A_103, %add3A_1011 : i32
        %get3A_1013 = arith.index_cast %add3A_1012 : i32 to index
        %get3A_1014 = arith.constant 64 : index
        %get3A_1015 = tpu.vector_load %arg11[%get3A_1013, %get3A_1014] {strides = array<i32>} : memref<128x128xf32, #tpu.memory_space<vmem>>, vector<1x16xf32>,
        %get3A_1016 = vector.shape_cast %get3A_1015 : vector<1x16xf32> to vector<16xf32>
        %sub3A_1017 = arith.subf %get3A_1010, %get3A_1016 : vector<16xf32>
        %max3A_1018 = arith.maximumf %sub3A_1004, %sub3A_1017 : vector<16xf32>
        %add3A_1019 = arith.constant 2 : i32
        %add3A_1020 = arith.addi %mul3A_103, %add3A_1019 : i32
        %get3A_1021 = arith.index_cast %add3A_1020 : i32 to index
        %get3A_1022 = arith.constant 64 : index
        %get3A_1023 = tpu.vector_load %arg10[%get3A_1021, %get3A_1022] {strides = array<i32>} : memref<128x128xf32, #tpu.memory_space<vmem>>, vector<1x16xf32>,
        %get3A_1024 = vector.shape_cast %get3A_1023 : vector<1x16xf32> to vector<16xf32>
        %add3A_1025 = arith.constant 2 : i32
        %add3A_1026 = arith.addi %mul3A_103, %add3A_1025 : i32
        %get3A_1027 = arith.index_cast %add3A_1026 : i32 to index
        %get3A_1028 = arith.constant 64 : index
        %get3A_1029 = tpu.vector_load %arg11[%get3A_1027, %get3A_1028] {strides = array<i32>} : memref<128x128xf32, #tpu.memory_space<vmem>>, vector<1x16xf32>,
        %get3A_1030 = vector.shape_cast %get3A_1029 : vector<1x16xf32> to vector<16xf32>
        %sub3A_1031 = arith.subf %get3A_1024, %get3A_1030 : vector<16xf32>
        %max3A_1032 = arith.maximumf %max3A_1018, %sub3A_1031 : vector<16xf32>
        %add3A_1033 = arith.constant 3 : i32
        %add3A_1034 = arith.addi %mul3A_103, %add3A_1033 : i32
        %get3A_1035 = arith.index_cast %add3A_1034 : i32 to index
        %get3A_1036 = arith.constant 64 : index
        %get3A_1037 = tpu.vector_load %arg10[%get3A_1035, %get3A_1036] {strides = array<i32>} : memref<128x128xf32, #tpu.memory_space<vmem>>, vector<1x16xf32>,
        %get3A_1038 = vector.shape_cast %get3A_1037 : vector<1x16xf32> to vector<16xf32>
        %add3A_1039 = arith.constant 3 : i32
        %add3A_1040 = arith.addi %mul3A_103, %add3A_1039 : i32
        %get3A_1041 = arith.index_cast %add3A_1040 : i32 to index
        %get3A_1042 = arith.constant 64 : index
        %get3A_1043 = tpu.vector_load %arg11[%get3A_1041, %get3A_1042] {strides = array<i32>} : memref<128x128xf32, #tpu.memory_space<vmem>>, vector<1x16xf32>,
        %get3A_1044 = vector.shape_cast %get3A_1043 : vector<1x16xf32> to vector<16xf32>
        %sub3A_1045 = arith.subf %get3A_1038, %get3A_1044 : vector<16xf32>
        %max3A_1046 = arith.maximumf %max3A_1032, %sub3A_1045 : vector<16xf32>
        %add3A_1047 = arith.constant 4 : i32
        %add3A_1048 = arith.addi %mul3A_103, %add3A_1047 : i32
        %get3A_1049 = arith.index_cast %add3A_1048 : i32 to index
        %get3A_1050 = arith.constant 64 : index
        %get3A_1051 = tpu.vector_load %arg10[%get3A_1049, %get3A_1050] {strides = array<i32>} : memref<128x128xf32, #tpu.memory_space<vmem>>, vector<1x16xf32>,
        %get3A_1052 = vector.shape_cast %get3A_1051 : vector<1x16xf32> to vector<16xf32>
        %add3A_1053 = arith.constant 4 : i32
        %add3A_1054 = arith.addi %mul3A_103, %add3A_1053 : i32
        %get3A_1055 = arith.index_cast %add3A_1054 : i32 to index
        %get3A_1056 = arith.constant 64 : index
        %get3A_1057 = tpu.vector_load %arg11[%get3A_1055, %get3A_1056] {strides = array<i32>} : memref<128x128xf32, #tpu.memory_space<vmem>>, vector<1x16xf32>,
        %get3A_1058 = vector.shape_cast %get3A_1057 : vector<1x16xf32> to vector<16xf32>
        %sub3A_1059 = arith.subf %get3A_1052, %get3A_1058 : vector<16xf32>
        %max3A_1060 = arith.maximumf %max3A_1046, %sub3A_1059 : vector<16xf32>
        %add3A_1061 = arith.constant 5 : i32
        %add3A_1062 = arith.addi %mul3A_103, %add3A_1061 : i32
        %get3A_1063 = arith.index_cast %add3A_1062 : i32 to index
        %get3A_1064 = arith.constant 64 : index
        %get3A_1065 = tpu.vector_load %arg10[%get3A_1063, %get3A_1064] {strides = array<i32>} : memref<128x128xf32, #tpu.memory_space<vmem>>, vector<1x16xf32>,
        %get3A_1066 = vector.shape_cast %get3A_1065 : vector<1x16xf32> to vector<16xf32>
        %add3A_1067 = arith.constant 5 : i32
        %add3A_1068 = arith.addi %mul3A_103, %add3A_1067 : i32
        %get3A_1069 = arith.index_cast %add3A_1068 : i32 to index
        %get3A_1070 = arith.constant 64 : index
        %get3A_1071 = tpu.vector_load %arg11[%get3A_1069, %get3A_1070] {strides = array<i32>} : memref<128x128xf32, #tpu.memory_space<vmem>>, vector<1x16xf32>,
        %get3A_1072 = vector.shape_cast %get3A_1071 : vector<1x16xf32> to vector<16xf32>
        %sub3A_1073 = arith.subf %get3A_1066, %get3A_1072 : vector<16xf32>
        %max3A_1074 = arith.maximumf %max3A_1060, %sub3A_1073 : vector<16xf32>
        %add3A_1075 = arith.constant 6 : i32
        %add3A_1076 = arith.addi %mul3A_103, %add3A_1075 : i32
        %get3A_1077 = arith.index_cast %add3A_1076 : i32 to index
        %get3A_1078 = arith.constant 64 : index
        %get3A_1079 = tpu.vector_load %arg10[%get3A_1077, %get3A_1078] {strides = array<i32>} : memref<128x128xf32, #tpu.memory_space<vmem>>, vector<1x16xf32>,
        %get3A_1080 = vector.shape_cast %get3A_1079 : vector<1x16xf32> to vector<16xf32>
        %add3A_1081 = arith.constant 6 : i32
        %add3A_1082 = arith.addi %mul3A_103, %add3A_1081 : i32
        %get3A_1083 = arith.index_cast %add3A_1082 : i32 to index
        %get3A_1084 = arith.constant 64 : index
        %get3A_1085 = tpu.vector_load %arg11[%get3A_1083, %get3A_1084] {strides = array<i32>} : memref<128x128xf32, #tpu.memory_space<vmem>>, vector<1x16xf32>,
        %get3A_1086 = vector.shape_cast %get3A_1085 : vector<1x16xf32> to vector<16xf32>
        %sub3A_1087 = arith.subf %get3A_1080, %get3A_1086 : vector<16xf32>
        %max3A_1088 = arith.maximumf %max3A_1074, %sub3A_1087 : vector<16xf32>
        %add3A_1089 = arith.constant 7 : i32
        %add3A_1090 = arith.addi %mul3A_103, %add3A_1089 : i32
        %get3A_1091 = arith.index_cast %add3A_1090 : i32 to index
        %get3A_1092 = arith.constant 64 : index
        %get3A_1093 = tpu.vector_load %arg10[%get3A_1091, %get3A_1092] {strides = array<i32>} : memref<128x128xf32, #tpu.memory_space<vmem>>, vector<1x16xf32>,
        %get3A_1094 = vector.shape_cast %get3A_1093 : vector<1x16xf32> to vector<16xf32>
        %add3A_1095 = arith.constant 7 : i32
        %add3A_1096 = arith.addi %mul3A_103, %add3A_1095 : i32
        %get3A_1097 = arith.index_cast %add3A_1096 : i32 to index
        %get3A_1098 = arith.constant 64 : index
        %get3A_1099 = tpu.vector_load %arg11[%get3A_1097, %get3A_1098] {strides = array<i32>} : memref<128x128xf32, #tpu.memory_space<vmem>>, vector<1x16xf32>,
        %get3A_1100 = vector.shape_cast %get3A_1099 : vector<1x16xf32> to vector<16xf32>
        %sub3A_1101 = arith.subf %get3A_1094, %get3A_1100 : vector<16xf32>
        %max3A_1102 = arith.maximumf %max3A_1088, %sub3A_1101 : vector<16xf32>
        %add3A_1103 = arith.constant 8 : i32
        %add3A_1104 = arith.addi %mul3A_103, %add3A_1103 : i32
        %get3A_1105 = arith.index_cast %add3A_1104 : i32 to index
        %get3A_1106 = arith.constant 64 : index
        %get3A_1107 = tpu.vector_load %arg10[%get3A_1105, %get3A_1106] {strides = array<i32>} : memref<128x128xf32, #tpu.memory_space<vmem>>, vector<1x16xf32>,
        %get3A_1108 = vector.shape_cast %get3A_1107 : vector<1x16xf32> to vector<16xf32>
        %add3A_1109 = arith.constant 8 : i32
        %add3A_1110 = arith.addi %mul3A_103, %add3A_1109 : i32
        %get3A_1111 = arith.index_cast %add3A_1110 : i32 to index
        %get3A_1112 = arith.constant 64 : index
        %get3A_1113 = tpu.vector_load %arg11[%get3A_1111, %get3A_1112] {strides = array<i32>} : memref<128x128xf32, #tpu.memory_space<vmem>>, vector<1x16xf32>,
        %get3A_1114 = vector.shape_cast %get3A_1113 : vector<1x16xf32> to vector<16xf32>
        %sub3A_1115 = arith.subf %get3A_1108, %get3A_1114 : vector<16xf32>
        %max3A_1116 = arith.maximumf %max3A_1102, %sub3A_1115 : vector<16xf32>
        %add3A_1117 = arith.constant 9 : i32
        %add3A_1118 = arith.addi %mul3A_103, %add3A_1117 : i32
        %get3A_1119 = arith.index_cast %add3A_1118 : i32 to index
        %get3A_1120 = arith.constant 64 : index
        %get3A_1121 = tpu.vector_load %arg10[%get3A_1119, %get3A_1120] {strides = array<i32>} : memref<128x128xf32, #tpu.memory_space<vmem>>, vector<1x16xf32>,
        %get3A_1122 = vector.shape_cast %get3A_1121 : vector<1x16xf32> to vector<16xf32>
        %add3A_1123 = arith.constant 9 : i32
        %add3A_1124 = arith.addi %mul3A_103, %add3A_1123 : i32
        %get3A_1125 = arith.index_cast %add3A_1124 : i32 to index
        %get3A_1126 = arith.constant 64 : index
        %get3A_1127 = tpu.vector_load %arg11[%get3A_1125, %get3A_1126] {strides = array<i32>} : memref<128x128xf32, #tpu.memory_space<vmem>>, vector<1x16xf32>,
        %get3A_1128 = vector.shape_cast %get3A_1127 : vector<1x16xf32> to vector<16xf32>
        %sub3A_1129 = arith.subf %get3A_1122, %get3A_1128 : vector<16xf32>
        %max3A_1130 = arith.maximumf %max3A_1116, %sub3A_1129 : vector<16xf32>
        %add3A_1131 = arith.constant 10 : i32
        %add3A_1132 = arith.addi %mul3A_103, %add3A_1131 : i32
        %get3A_1133 = arith.index_cast %add3A_1132 : i32 to index
        %get3A_1134 = arith.constant 64 : index
        %get3A_1135 = tpu.vector_load %arg10[%get3A_1133, %get3A_1134] {strides = array<i32>} : memref<128x128xf32, #tpu.memory_space<vmem>>, vector<1x16xf32>,
        %get3A_1136 = vector.shape_cast %get3A_1135 : vector<1x16xf32> to vector<16xf32>
        %add3A_1137 = arith.constant 10 : i32
        %add3A_1138 = arith.addi %mul3A_103, %add3A_1137 : i32
        %get3A_1139 = arith.index_cast %add3A_1138 : i32 to index
        %get3A_1140 = arith.constant 64 : index
        %get3A_1141 = tpu.vector_load %arg11[%get3A_1139, %get3A_1140] {strides = array<i32>} : memref<128x128xf32, #tpu.memory_space<vmem>>, vector<1x16xf32>,
        %get3A_1142 = vector.shape_cast %get3A_1141 : vector<1x16xf32> to vector<16xf32>
        %sub3A_1143 = arith.subf %get3A_1136, %get3A_1142 : vector<16xf32>
        %max3A_1144 = arith.maximumf %max3A_1130, %sub3A_1143 : vector<16xf32>
        %add3A_1145 = arith.constant 11 : i32
        %add3A_1146 = arith.addi %mul3A_103, %add3A_1145 : i32
        %get3A_1147 = arith.index_cast %add3A_1146 : i32 to index
        %get3A_1148 = arith.constant 64 : index
        %get3A_1149 = tpu.vector_load %arg10[%get3A_1147, %get3A_1148] {strides = array<i32>} : memref<128x128xf32, #tpu.memory_space<vmem>>, vector<1x16xf32>,
        %get3A_1150 = vector.shape_cast %get3A_1149 : vector<1x16xf32> to vector<16xf32>
        %add3A_1151 = arith.constant 11 : i32
        %add3A_1152 = arith.addi %mul3A_103, %add3A_1151 : i32
        %get3A_1153 = arith.index_cast %add3A_1152 : i32 to index
        %get3A_1154 = arith.constant 64 : index
        %get3A_1155 = tpu.vector_load %arg11[%get3A_1153, %get3A_1154] {strides = array<i32>} : memref<128x128xf32, #tpu.memory_space<vmem>>, vector<1x16xf32>,
        %get3A_1156 = vector.shape_cast %get3A_1155 : vector<1x16xf32> to vector<16xf32>
        %sub3A_1157 = arith.subf %get3A_1150, %get3A_1156 : vector<16xf32>
        %max3A_1158 = arith.maximumf %max3A_1144, %sub3A_1157 : vector<16xf32>
        %add3A_1159 = arith.constant 12 : i32
        %add3A_1160 = arith.addi %mul3A_103, %add3A_1159 : i32
        %get3A_1161 = arith.index_cast %add3A_1160 : i32 to index
        %get3A_1162 = arith.constant 64 : index
        %get3A_1163 = tpu.vector_load %arg10[%get3A_1161, %get3A_1162] {strides = array<i32>} : memref<128x128xf32, #tpu.memory_space<vmem>>, vector<1x16xf32>,
        %get3A_1164 = vector.shape_cast %get3A_1163 : vector<1x16xf32> to vector<16xf32>
        %add3A_1165 = arith.constant 12 : i32
        %add3A_1166 = arith.addi %mul3A_103, %add3A_1165 : i32
        %get3A_1167 = arith.index_cast %add3A_1166 : i32 to index
        %get3A_1168 = arith.constant 64 : index
        %get3A_1169 = tpu.vector_load %arg11[%get3A_1167, %get3A_1168] {strides = array<i32>} : memref<128x128xf32, #tpu.memory_space<vmem>>, vector<1x16xf32>,
        %get3A_1170 = vector.shape_cast %get3A_1169 : vector<1x16xf32> to vector<16xf32>
        %sub3A_1171 = arith.subf %get3A_1164, %get3A_1170 : vector<16xf32>
        %max3A_1172 = arith.maximumf %max3A_1158, %sub3A_1171 : vector<16xf32>
        %add3A_1173 = arith.constant 13 : i32
        %add3A_1174 = arith.addi %mul3A_103, %add3A_1173 : i32
        %get3A_1175 = arith.index_cast %add3A_1174 : i32 to index
        %get3A_1176 = arith.constant 64 : index
        %get3A_1177 = tpu.vector_load %arg10[%get3A_1175, %get3A_1176] {strides = array<i32>} : memref<128x128xf32, #tpu.memory_space<vmem>>, vector<1x16xf32>,
        %get3A_1178 = vector.shape_cast %get3A_1177 : vector<1x16xf32> to vector<16xf32>
        %add3A_1179 = arith.constant 13 : i32
        %add3A_1180 = arith.addi %mul3A_103, %add3A_1179 : i32
        %get3A_1181 = arith.index_cast %add3A_1180 : i32 to index
        %get3A_1182 = arith.constant 64 : index
        %get3A_1183 = tpu.vector_load %arg11[%get3A_1181, %get3A_1182] {strides = array<i32>} : memref<128x128xf32, #tpu.memory_space<vmem>>, vector<1x16xf32>,
        %get3A_1184 = vector.shape_cast %get3A_1183 : vector<1x16xf32> to vector<16xf32>
        %sub3A_1185 = arith.subf %get3A_1178, %get3A_1184 : vector<16xf32>
        %max3A_1186 = arith.maximumf %max3A_1172, %sub3A_1185 : vector<16xf32>
        %add3A_1187 = arith.constant 14 : i32
        %add3A_1188 = arith.addi %mul3A_103, %add3A_1187 : i32
        %get3A_1189 = arith.index_cast %add3A_1188 : i32 to index
        %get3A_1190 = arith.constant 64 : index
        %get3A_1191 = tpu.vector_load %arg10[%get3A_1189, %get3A_1190] {strides = array<i32>} : memref<128x128xf32, #tpu.memory_space<vmem>>, vector<1x16xf32>,
        %get3A_1192 = vector.shape_cast %get3A_1191 : vector<1x16xf32> to vector<16xf32>
        %add3A_1193 = arith.constant 14 : i32
        %add3A_1194 = arith.addi %mul3A_103, %add3A_1193 : i32
        %get3A_1195 = arith.index_cast %add3A_1194 : i32 to index
        %get3A_1196 = arith.constant 64 : index
        %get3A_1197 = tpu.vector_load %arg11[%get3A_1195, %get3A_1196] {strides = array<i32>} : memref<128x128xf32, #tpu.memory_space<vmem>>, vector<1x16xf32>,
        %get3A_1198 = vector.shape_cast %get3A_1197 : vector<1x16xf32> to vector<16xf32>
        %sub3A_1199 = arith.subf %get3A_1192, %get3A_1198 : vector<16xf32>
        %max3A_1200 = arith.maximumf %max3A_1186, %sub3A_1199 : vector<16xf32>
        %add3A_1201 = arith.constant 15 : i32
        %add3A_1202 = arith.addi %mul3A_103, %add3A_1201 : i32
        %get3A_1203 = arith.index_cast %add3A_1202 : i32 to index
        %get3A_1204 = arith.constant 64 : index
        %get3A_1205 = tpu.vector_load %arg10[%get3A_1203, %get3A_1204] {strides = array<i32>} : memref<128x128xf32, #tpu.memory_space<vmem>>, vector<1x16xf32>,
        %get3A_1206 = vector.shape_cast %get3A_1205 : vector<1x16xf32> to vector<16xf32>
        %add3A_1207 = arith.constant 15 : i32
        %add3A_1208 = arith.addi %mul3A_103, %add3A_1207 : i32
        %get3A_1209 = arith.index_cast %add3A_1208 : i32 to index
        %get3A_1210 = arith.constant 64 : index
        %get3A_1211 = tpu.vector_load %arg11[%get3A_1209, %get3A_1210] {strides = array<i32>} : memref<128x128xf32, #tpu.memory_space<vmem>>, vector<1x16xf32>,
        %get3A_1212 = vector.shape_cast %get3A_1211 : vector<1x16xf32> to vector<16xf32>
        %sub3A_1213 = arith.subf %get3A_1206, %get3A_1212 : vector<16xf32>
        %max3A_1214 = arith.maximumf %max3A_1200, %sub3A_1213 : vector<16xf32>
        %swap3A_1215 = arith.index_cast %scan3A_101 : i32 to index
        %swap3A_1216 = arith.constant 64 : index
        %swap3A_1217 = tpu.vector_load %arg12[%swap3A_1215, %swap3A_1216] {strides = array<i32>} : memref<8x128xf32, #tpu.memory_space<vmem>>, vector<1x16xf32>,
        %swap3A_1218 = vector.shape_cast %swap3A_1217 : vector<1x16xf32> to vector<16xf32>
        %swap3A_1219 = vector.shape_cast %max3A_1214 : vector<16xf32> to vector<1x16xf32>
        tpu.vector_store %arg12[%swap3A_1215, %swap3A_1216], %swap3A_1219 {strides = array<i32>} : memref<8x128xf32, #tpu.memory_space<vmem>>, vector<1x16xf32>,
        %get3A_1220 = arith.index_cast %mul3A_103 : i32 to index
        %get3A_1221 = arith.constant 80 : index
        %get3A_1222 = tpu.vector_load %arg10[%get3A_1220, %get3A_1221] {strides = array<i32>} : memref<128x128xf32, #tpu.memory_space<vmem>>, vector<1x16xf32>,
        %get3A_1223 = vector.shape_cast %get3A_1222 : vector<1x16xf32> to vector<16xf32>
        %get3A_1224 = arith.index_cast %mul3A_103 : i32 to index
        %get3A_1225 = arith.constant 80 : index
        %get3A_1226 = tpu.vector_load %arg11[%get3A_1224, %get3A_1225] {strides = array<i32>} : memref<128x128xf32, #tpu.memory_space<vmem>>, vector<1x16xf32>,
        %get3A_1227 = vector.shape_cast %get3A_1226 : vector<1x16xf32> to vector<16xf32>
        %sub3A_1228 = arith.subf %get3A_1223, %get3A_1227 : vector<16xf32>
        %add3A_1229 = arith.constant 1 : i32
        %add3A_1230 = arith.addi %mul3A_103, %add3A_1229 : i32
        %get3A_1231 = arith.index_cast %add3A_1230 : i32 to index
        %get3A_1232 = arith.constant 80 : index
        %get3A_1233 = tpu.vector_load %arg10[%get3A_1231, %get3A_1232] {strides = array<i32>} : memref<128x128xf32, #tpu.memory_space<vmem>>, vector<1x16xf32>,
        %get3A_1234 = vector.shape_cast %get3A_1233 : vector<1x16xf32> to vector<16xf32>
        %add3A_1235 = arith.constant 1 : i32
        %add3A_1236 = arith.addi %mul3A_103, %add3A_1235 : i32
        %get3A_1237 = arith.index_cast %add3A_1236 : i32 to index
        %get3A_1238 = arith.constant 80 : index
        %get3A_1239 = tpu.vector_load %arg11[%get3A_1237, %get3A_1238] {strides = array<i32>} : memref<128x128xf32, #tpu.memory_space<vmem>>, vector<1x16xf32>,
        %get3A_1240 = vector.shape_cast %get3A_1239 : vector<1x16xf32> to vector<16xf32>
        %sub3A_1241 = arith.subf %get3A_1234, %get3A_1240 : vector<16xf32>
        %max3A_1242 = arith.maximumf %sub3A_1228, %sub3A_1241 : vector<16xf32>
        %add3A_1243 = arith.constant 2 : i32
        %add3A_1244 = arith.addi %mul3A_103, %add3A_1243 : i32
        %get3A_1245 = arith.index_cast %add3A_1244 : i32 to index
        %get3A_1246 = arith.constant 80 : index
        %get3A_1247 = tpu.vector_load %arg10[%get3A_1245, %get3A_1246] {strides = array<i32>} : memref<128x128xf32, #tpu.memory_space<vmem>>, vector<1x16xf32>,
        %get3A_1248 = vector.shape_cast %get3A_1247 : vector<1x16xf32> to vector<16xf32>
        %add3A_1249 = arith.constant 2 : i32
        %add3A_1250 = arith.addi %mul3A_103, %add3A_1249 : i32
        %get3A_1251 = arith.index_cast %add3A_1250 : i32 to index
        %get3A_1252 = arith.constant 80 : index
        %get3A_1253 = tpu.vector_load %arg11[%get3A_1251, %get3A_1252] {strides = array<i32>} : memref<128x128xf32, #tpu.memory_space<vmem>>, vector<1x16xf32>,
        %get3A_1254 = vector.shape_cast %get3A_1253 : vector<1x16xf32> to vector<16xf32>
        %sub3A_1255 = arith.subf %get3A_1248, %get3A_1254 : vector<16xf32>
        %max3A_1256 = arith.maximumf %max3A_1242, %sub3A_1255 : vector<16xf32>
        %add3A_1257 = arith.constant 3 : i32
        %add3A_1258 = arith.addi %mul3A_103, %add3A_1257 : i32
        %get3A_1259 = arith.index_cast %add3A_1258 : i32 to index
        %get3A_1260 = arith.constant 80 : index
        %get3A_1261 = tpu.vector_load %arg10[%get3A_1259, %get3A_1260] {strides = array<i32>} : memref<128x128xf32, #tpu.memory_space<vmem>>, vector<1x16xf32>,
        %get3A_1262 = vector.shape_cast %get3A_1261 : vector<1x16xf32> to vector<16xf32>
        %add3A_1263 = arith.constant 3 : i32
        %add3A_1264 = arith.addi %mul3A_103, %add3A_1263 : i32
        %get3A_1265 = arith.index_cast %add3A_1264 : i32 to index
        %get3A_1266 = arith.constant 80 : index
        %get3A_1267 = tpu.vector_load %arg11[%get3A_1265, %get3A_1266] {strides = array<i32>} : memref<128x128xf32, #tpu.memory_space<vmem>>, vector<1x16xf32>,
        %get3A_1268 = vector.shape_cast %get3A_1267 : vector<1x16xf32> to vector<16xf32>
        %sub3A_1269 = arith.subf %get3A_1262, %get3A_1268 : vector<16xf32>
        %max3A_1270 = arith.maximumf %max3A_1256, %sub3A_1269 : vector<16xf32>
        %add3A_1271 = arith.constant 4 : i32
        %add3A_1272 = arith.addi %mul3A_103, %add3A_1271 : i32
        %get3A_1273 = arith.index_cast %add3A_1272 : i32 to index
        %get3A_1274 = arith.constant 80 : index
        %get3A_1275 = tpu.vector_load %arg10[%get3A_1273, %get3A_1274] {strides = array<i32>} : memref<128x128xf32, #tpu.memory_space<vmem>>, vector<1x16xf32>,
        %get3A_1276 = vector.shape_cast %get3A_1275 : vector<1x16xf32> to vector<16xf32>
        %add3A_1277 = arith.constant 4 : i32
        %add3A_1278 = arith.addi %mul3A_103, %add3A_1277 : i32
        %get3A_1279 = arith.index_cast %add3A_1278 : i32 to index
        %get3A_1280 = arith.constant 80 : index
        %get3A_1281 = tpu.vector_load %arg11[%get3A_1279, %get3A_1280] {strides = array<i32>} : memref<128x128xf32, #tpu.memory_space<vmem>>, vector<1x16xf32>,
        %get3A_1282 = vector.shape_cast %get3A_1281 : vector<1x16xf32> to vector<16xf32>
        %sub3A_1283 = arith.subf %get3A_1276, %get3A_1282 : vector<16xf32>
        %max3A_1284 = arith.maximumf %max3A_1270, %sub3A_1283 : vector<16xf32>
        %add3A_1285 = arith.constant 5 : i32
        %add3A_1286 = arith.addi %mul3A_103, %add3A_1285 : i32
        %get3A_1287 = arith.index_cast %add3A_1286 : i32 to index
        %get3A_1288 = arith.constant 80 : index
        %get3A_1289 = tpu.vector_load %arg10[%get3A_1287, %get3A_1288] {strides = array<i32>} : memref<128x128xf32, #tpu.memory_space<vmem>>, vector<1x16xf32>,
        %get3A_1290 = vector.shape_cast %get3A_1289 : vector<1x16xf32> to vector<16xf32>
        %add3A_1291 = arith.constant 5 : i32
        %add3A_1292 = arith.addi %mul3A_103, %add3A_1291 : i32
        %get3A_1293 = arith.index_cast %add3A_1292 : i32 to index
        %get3A_1294 = arith.constant 80 : index
        %get3A_1295 = tpu.vector_load %arg11[%get3A_1293, %get3A_1294] {strides = array<i32>} : memref<128x128xf32, #tpu.memory_space<vmem>>, vector<1x16xf32>,
        %get3A_1296 = vector.shape_cast %get3A_1295 : vector<1x16xf32> to vector<16xf32>
        %sub3A_1297 = arith.subf %get3A_1290, %get3A_1296 : vector<16xf32>
        %max3A_1298 = arith.maximumf %max3A_1284, %sub3A_1297 : vector<16xf32>
        %add3A_1299 = arith.constant 6 : i32
        %add3A_1300 = arith.addi %mul3A_103, %add3A_1299 : i32
        %get3A_1301 = arith.index_cast %add3A_1300 : i32 to index
        %get3A_1302 = arith.constant 80 : index
        %get3A_1303 = tpu.vector_load %arg10[%get3A_1301, %get3A_1302] {strides = array<i32>} : memref<128x128xf32, #tpu.memory_space<vmem>>, vector<1x16xf32>,
        %get3A_1304 = vector.shape_cast %get3A_1303 : vector<1x16xf32> to vector<16xf32>
        %add3A_1305 = arith.constant 6 : i32
        %add3A_1306 = arith.addi %mul3A_103, %add3A_1305 : i32
        %get3A_1307 = arith.index_cast %add3A_1306 : i32 to index
        %get3A_1308 = arith.constant 80 : index
        %get3A_1309 = tpu.vector_load %arg11[%get3A_1307, %get3A_1308] {strides = array<i32>} : memref<128x128xf32, #tpu.memory_space<vmem>>, vector<1x16xf32>,
        %get3A_1310 = vector.shape_cast %get3A_1309 : vector<1x16xf32> to vector<16xf32>
        %sub3A_1311 = arith.subf %get3A_1304, %get3A_1310 : vector<16xf32>
        %max3A_1312 = arith.maximumf %max3A_1298, %sub3A_1311 : vector<16xf32>
        %add3A_1313 = arith.constant 7 : i32
        %add3A_1314 = arith.addi %mul3A_103, %add3A_1313 : i32
        %get3A_1315 = arith.index_cast %add3A_1314 : i32 to index
        %get3A_1316 = arith.constant 80 : index
        %get3A_1317 = tpu.vector_load %arg10[%get3A_1315, %get3A_1316] {strides = array<i32>} : memref<128x128xf32, #tpu.memory_space<vmem>>, vector<1x16xf32>,
        %get3A_1318 = vector.shape_cast %get3A_1317 : vector<1x16xf32> to vector<16xf32>
        %add3A_1319 = arith.constant 7 : i32
        %add3A_1320 = arith.addi %mul3A_103, %add3A_1319 : i32
        %get3A_1321 = arith.index_cast %add3A_1320 : i32 to index
        %get3A_1322 = arith.constant 80 : index
        %get3A_1323 = tpu.vector_load %arg11[%get3A_1321, %get3A_1322] {strides = array<i32>} : memref<128x128xf32, #tpu.memory_space<vmem>>, vector<1x16xf32>,
        %get3A_1324 = vector.shape_cast %get3A_1323 : vector<1x16xf32> to vector<16xf32>
        %sub3A_1325 = arith.subf %get3A_1318, %get3A_1324 : vector<16xf32>
        %max3A_1326 = arith.maximumf %max3A_1312, %sub3A_1325 : vector<16xf32>
        %add3A_1327 = arith.constant 8 : i32
        %add3A_1328 = arith.addi %mul3A_103, %add3A_1327 : i32
        %get3A_1329 = arith.index_cast %add3A_1328 : i32 to index
        %get3A_1330 = arith.constant 80 : index
        %get3A_1331 = tpu.vector_load %arg10[%get3A_1329, %get3A_1330] {strides = array<i32>} : memref<128x128xf32, #tpu.memory_space<vmem>>, vector<1x16xf32>,
        %get3A_1332 = vector.shape_cast %get3A_1331 : vector<1x16xf32> to vector<16xf32>
        %add3A_1333 = arith.constant 8 : i32
        %add3A_1334 = arith.addi %mul3A_103, %add3A_1333 : i32
        %get3A_1335 = arith.index_cast %add3A_1334 : i32 to index
        %get3A_1336 = arith.constant 80 : index
        %get3A_1337 = tpu.vector_load %arg11[%get3A_1335, %get3A_1336] {strides = array<i32>} : memref<128x128xf32, #tpu.memory_space<vmem>>, vector<1x16xf32>,
        %get3A_1338 = vector.shape_cast %get3A_1337 : vector<1x16xf32> to vector<16xf32>
        %sub3A_1339 = arith.subf %get3A_1332, %get3A_1338 : vector<16xf32>
        %max3A_1340 = arith.maximumf %max3A_1326, %sub3A_1339 : vector<16xf32>
        %add3A_1341 = arith.constant 9 : i32
        %add3A_1342 = arith.addi %mul3A_103, %add3A_1341 : i32
        %get3A_1343 = arith.index_cast %add3A_1342 : i32 to index
        %get3A_1344 = arith.constant 80 : index
        %get3A_1345 = tpu.vector_load %arg10[%get3A_1343, %get3A_1344] {strides = array<i32>} : memref<128x128xf32, #tpu.memory_space<vmem>>, vector<1x16xf32>,
        %get3A_1346 = vector.shape_cast %get3A_1345 : vector<1x16xf32> to vector<16xf32>
        %add3A_1347 = arith.constant 9 : i32
        %add3A_1348 = arith.addi %mul3A_103, %add3A_1347 : i32
        %get3A_1349 = arith.index_cast %add3A_1348 : i32 to index
        %get3A_1350 = arith.constant 80 : index
        %get3A_1351 = tpu.vector_load %arg11[%get3A_1349, %get3A_1350] {strides = array<i32>} : memref<128x128xf32, #tpu.memory_space<vmem>>, vector<1x16xf32>,
        %get3A_1352 = vector.shape_cast %get3A_1351 : vector<1x16xf32> to vector<16xf32>
        %sub3A_1353 = arith.subf %get3A_1346, %get3A_1352 : vector<16xf32>
        %max3A_1354 = arith.maximumf %max3A_1340, %sub3A_1353 : vector<16xf32>
        %add3A_1355 = arith.constant 10 : i32
        %add3A_1356 = arith.addi %mul3A_103, %add3A_1355 : i32
        %get3A_1357 = arith.index_cast %add3A_1356 : i32 to index
        %get3A_1358 = arith.constant 80 : index
        %get3A_1359 = tpu.vector_load %arg10[%get3A_1357, %get3A_1358] {strides = array<i32>} : memref<128x128xf32, #tpu.memory_space<vmem>>, vector<1x16xf32>,
        %get3A_1360 = vector.shape_cast %get3A_1359 : vector<1x16xf32> to vector<16xf32>
        %add3A_1361 = arith.constant 10 : i32
        %add3A_1362 = arith.addi %mul3A_103, %add3A_1361 : i32
        %get3A_1363 = arith.index_cast %add3A_1362 : i32 to index
        %get3A_1364 = arith.constant 80 : index
        %get3A_1365 = tpu.vector_load %arg11[%get3A_1363, %get3A_1364] {strides = array<i32>} : memref<128x128xf32, #tpu.memory_space<vmem>>, vector<1x16xf32>,
        %get3A_1366 = vector.shape_cast %get3A_1365 : vector<1x16xf32> to vector<16xf32>
        %sub3A_1367 = arith.subf %get3A_1360, %get3A_1366 : vector<16xf32>
        %max3A_1368 = arith.maximumf %max3A_1354, %sub3A_1367 : vector<16xf32>
        %add3A_1369 = arith.constant 11 : i32
        %add3A_1370 = arith.addi %mul3A_103, %add3A_1369 : i32
        %get3A_1371 = arith.index_cast %add3A_1370 : i32 to index
        %get3A_1372 = arith.constant 80 : index
        %get3A_1373 = tpu.vector_load %arg10[%get3A_1371, %get3A_1372] {strides = array<i32>} : memref<128x128xf32, #tpu.memory_space<vmem>>, vector<1x16xf32>,
        %get3A_1374 = vector.shape_cast %get3A_1373 : vector<1x16xf32> to vector<16xf32>
        %add3A_1375 = arith.constant 11 : i32
        %add3A_1376 = arith.addi %mul3A_103, %add3A_1375 : i32
        %get3A_1377 = arith.index_cast %add3A_1376 : i32 to index
        %get3A_1378 = arith.constant 80 : index
        %get3A_1379 = tpu.vector_load %arg11[%get3A_1377, %get3A_1378] {strides = array<i32>} : memref<128x128xf32, #tpu.memory_space<vmem>>, vector<1x16xf32>,
        %get3A_1380 = vector.shape_cast %get3A_1379 : vector<1x16xf32> to vector<16xf32>
        %sub3A_1381 = arith.subf %get3A_1374, %get3A_1380 : vector<16xf32>
        %max3A_1382 = arith.maximumf %max3A_1368, %sub3A_1381 : vector<16xf32>
        %add3A_1383 = arith.constant 12 : i32
        %add3A_1384 = arith.addi %mul3A_103, %add3A_1383 : i32
        %get3A_1385 = arith.index_cast %add3A_1384 : i32 to index
        %get3A_1386 = arith.constant 80 : index
        %get3A_1387 = tpu.vector_load %arg10[%get3A_1385, %get3A_1386] {strides = array<i32>} : memref<128x128xf32, #tpu.memory_space<vmem>>, vector<1x16xf32>,
        %get3A_1388 = vector.shape_cast %get3A_1387 : vector<1x16xf32> to vector<16xf32>
        %add3A_1389 = arith.constant 12 : i32
        %add3A_1390 = arith.addi %mul3A_103, %add3A_1389 : i32
        %get3A_1391 = arith.index_cast %add3A_1390 : i32 to index
        %get3A_1392 = arith.constant 80 : index
        %get3A_1393 = tpu.vector_load %arg11[%get3A_1391, %get3A_1392] {strides = array<i32>} : memref<128x128xf32, #tpu.memory_space<vmem>>, vector<1x16xf32>,
        %get3A_1394 = vector.shape_cast %get3A_1393 : vector<1x16xf32> to vector<16xf32>
        %sub3A_1395 = arith.subf %get3A_1388, %get3A_1394 : vector<16xf32>
        %max3A_1396 = arith.maximumf %max3A_1382, %sub3A_1395 : vector<16xf32>
        %add3A_1397 = arith.constant 13 : i32
        %add3A_1398 = arith.addi %mul3A_103, %add3A_1397 : i32
        %get3A_1399 = arith.index_cast %add3A_1398 : i32 to index
        %get3A_1400 = arith.constant 80 : index
        %get3A_1401 = tpu.vector_load %arg10[%get3A_1399, %get3A_1400] {strides = array<i32>} : memref<128x128xf32, #tpu.memory_space<vmem>>, vector<1x16xf32>,
        %get3A_1402 = vector.shape_cast %get3A_1401 : vector<1x16xf32> to vector<16xf32>
        %add3A_1403 = arith.constant 13 : i32
        %add3A_1404 = arith.addi %mul3A_103, %add3A_1403 : i32
        %get3A_1405 = arith.index_cast %add3A_1404 : i32 to index
        %get3A_1406 = arith.constant 80 : index
        %get3A_1407 = tpu.vector_load %arg11[%get3A_1405, %get3A_1406] {strides = array<i32>} : memref<128x128xf32, #tpu.memory_space<vmem>>, vector<1x16xf32>,
        %get3A_1408 = vector.shape_cast %get3A_1407 : vector<1x16xf32> to vector<16xf32>
        %sub3A_1409 = arith.subf %get3A_1402, %get3A_1408 : vector<16xf32>
        %max3A_1410 = arith.maximumf %max3A_1396, %sub3A_1409 : vector<16xf32>
        %add3A_1411 = arith.constant 14 : i32
        %add3A_1412 = arith.addi %mul3A_103, %add3A_1411 : i32
        %get3A_1413 = arith.index_cast %add3A_1412 : i32 to index
        %get3A_1414 = arith.constant 80 : index
        %get3A_1415 = tpu.vector_load %arg10[%get3A_1413, %get3A_1414] {strides = array<i32>} : memref<128x128xf32, #tpu.memory_space<vmem>>, vector<1x16xf32>,
        %get3A_1416 = vector.shape_cast %get3A_1415 : vector<1x16xf32> to vector<16xf32>
        %add3A_1417 = arith.constant 14 : i32
        %add3A_1418 = arith.addi %mul3A_103, %add3A_1417 : i32
        %get3A_1419 = arith.index_cast %add3A_1418 : i32 to index
        %get3A_1420 = arith.constant 80 : index
        %get3A_1421 = tpu.vector_load %arg11[%get3A_1419, %get3A_1420] {strides = array<i32>} : memref<128x128xf32, #tpu.memory_space<vmem>>, vector<1x16xf32>,
        %get3A_1422 = vector.shape_cast %get3A_1421 : vector<1x16xf32> to vector<16xf32>
        %sub3A_1423 = arith.subf %get3A_1416, %get3A_1422 : vector<16xf32>
        %max3A_1424 = arith.maximumf %max3A_1410, %sub3A_1423 : vector<16xf32>
        %add3A_1425 = arith.constant 15 : i32
        %add3A_1426 = arith.addi %mul3A_103, %add3A_1425 : i32
        %get3A_1427 = arith.index_cast %add3A_1426 : i32 to index
        %get3A_1428 = arith.constant 80 : index
        %get3A_1429 = tpu.vector_load %arg10[%get3A_1427, %get3A_1428] {strides = array<i32>} : memref<128x128xf32, #tpu.memory_space<vmem>>, vector<1x16xf32>,
        %get3A_1430 = vector.shape_cast %get3A_1429 : vector<1x16xf32> to vector<16xf32>
        %add3A_1431 = arith.constant 15 : i32
        %add3A_1432 = arith.addi %mul3A_103, %add3A_1431 : i32
        %get3A_1433 = arith.index_cast %add3A_1432 : i32 to index
        %get3A_1434 = arith.constant 80 : index
        %get3A_1435 = tpu.vector_load %arg11[%get3A_1433, %get3A_1434] {strides = array<i32>} : memref<128x128xf32, #tpu.memory_space<vmem>>, vector<1x16xf32>,
        %get3A_1436 = vector.shape_cast %get3A_1435 : vector<1x16xf32> to vector<16xf32>
        %sub3A_1437 = arith.subf %get3A_1430, %get3A_1436 : vector<16xf32>
        %max3A_1438 = arith.maximumf %max3A_1424, %sub3A_1437 : vector<16xf32>
        %swap3A_1439 = arith.index_cast %scan3A_101 : i32 to index
        %swap3A_1440 = arith.constant 80 : index
        %swap3A_1441 = tpu.vector_load %arg12[%swap3A_1439, %swap3A_1440] {strides = array<i32>} : memref<8x128xf32, #tpu.memory_space<vmem>>, vector<1x16xf32>,
        %swap3A_1442 = vector.shape_cast %swap3A_1441 : vector<1x16xf32> to vector<16xf32>
        %swap3A_1443 = vector.shape_cast %max3A_1438 : vector<16xf32> to vector<1x16xf32>
        tpu.vector_store %arg12[%swap3A_1439, %swap3A_1440], %swap3A_1443 {strides = array<i32>} : memref<8x128xf32, #tpu.memory_space<vmem>>, vector<1x16xf32>,
        %get3A_1444 = arith.index_cast %mul3A_103 : i32 to index
        %get3A_1445 = arith.constant 96 : index
        %get3A_1446 = tpu.vector_load %arg10[%get3A_1444, %get3A_1445] {strides = array<i32>} : memref<128x128xf32, #tpu.memory_space<vmem>>, vector<1x16xf32>,
        %get3A_1447 = vector.shape_cast %get3A_1446 : vector<1x16xf32> to vector<16xf32>
        %get3A_1448 = arith.index_cast %mul3A_103 : i32 to index
        %get3A_1449 = arith.constant 96 : index
        %get3A_1450 = tpu.vector_load %arg11[%get3A_1448, %get3A_1449] {strides = array<i32>} : memref<128x128xf32, #tpu.memory_space<vmem>>, vector<1x16xf32>,
        %get3A_1451 = vector.shape_cast %get3A_1450 : vector<1x16xf32> to vector<16xf32>
        %sub3A_1452 = arith.subf %get3A_1447, %get3A_1451 : vector<16xf32>
        %add3A_1453 = arith.constant 1 : i32
        %add3A_1454 = arith.addi %mul3A_103, %add3A_1453 : i32
        %get3A_1455 = arith.index_cast %add3A_1454 : i32 to index
        %get3A_1456 = arith.constant 96 : index
        %get3A_1457 = tpu.vector_load %arg10[%get3A_1455, %get3A_1456] {strides = array<i32>} : memref<128x128xf32, #tpu.memory_space<vmem>>, vector<1x16xf32>,
        %get3A_1458 = vector.shape_cast %get3A_1457 : vector<1x16xf32> to vector<16xf32>
        %add3A_1459 = arith.constant 1 : i32
        %add3A_1460 = arith.addi %mul3A_103, %add3A_1459 : i32
        %get3A_1461 = arith.index_cast %add3A_1460 : i32 to index
        %get3A_1462 = arith.constant 96 : index
        %get3A_1463 = tpu.vector_load %arg11[%get3A_1461, %get3A_1462] {strides = array<i32>} : memref<128x128xf32, #tpu.memory_space<vmem>>, vector<1x16xf32>,
        %get3A_1464 = vector.shape_cast %get3A_1463 : vector<1x16xf32> to vector<16xf32>
        %sub3A_1465 = arith.subf %get3A_1458, %get3A_1464 : vector<16xf32>
        %max3A_1466 = arith.maximumf %sub3A_1452, %sub3A_1465 : vector<16xf32>
        %add3A_1467 = arith.constant 2 : i32
        %add3A_1468 = arith.addi %mul3A_103, %add3A_1467 : i32
        %get3A_1469 = arith.index_cast %add3A_1468 : i32 to index
        %get3A_1470 = arith.constant 96 : index
        %get3A_1471 = tpu.vector_load %arg10[%get3A_1469, %get3A_1470] {strides = array<i32>} : memref<128x128xf32, #tpu.memory_space<vmem>>, vector<1x16xf32>,
        %get3A_1472 = vector.shape_cast %get3A_1471 : vector<1x16xf32> to vector<16xf32>
        %add3A_1473 = arith.constant 2 : i32
        %add3A_1474 = arith.addi %mul3A_103, %add3A_1473 : i32
        %get3A_1475 = arith.index_cast %add3A_1474 : i32 to index
        %get3A_1476 = arith.constant 96 : index
        %get3A_1477 = tpu.vector_load %arg11[%get3A_1475, %get3A_1476] {strides = array<i32>} : memref<128x128xf32, #tpu.memory_space<vmem>>, vector<1x16xf32>,
        %get3A_1478 = vector.shape_cast %get3A_1477 : vector<1x16xf32> to vector<16xf32>
        %sub3A_1479 = arith.subf %get3A_1472, %get3A_1478 : vector<16xf32>
        %max3A_1480 = arith.maximumf %max3A_1466, %sub3A_1479 : vector<16xf32>
        %add3A_1481 = arith.constant 3 : i32
        %add3A_1482 = arith.addi %mul3A_103, %add3A_1481 : i32
        %get3A_1483 = arith.index_cast %add3A_1482 : i32 to index
        %get3A_1484 = arith.constant 96 : index
        %get3A_1485 = tpu.vector_load %arg10[%get3A_1483, %get3A_1484] {strides = array<i32>} : memref<128x128xf32, #tpu.memory_space<vmem>>, vector<1x16xf32>,
        %get3A_1486 = vector.shape_cast %get3A_1485 : vector<1x16xf32> to vector<16xf32>
        %add3A_1487 = arith.constant 3 : i32
        %add3A_1488 = arith.addi %mul3A_103, %add3A_1487 : i32
        %get3A_1489 = arith.index_cast %add3A_1488 : i32 to index
        %get3A_1490 = arith.constant 96 : index
        %get3A_1491 = tpu.vector_load %arg11[%get3A_1489, %get3A_1490] {strides = array<i32>} : memref<128x128xf32, #tpu.memory_space<vmem>>, vector<1x16xf32>,
        %get3A_1492 = vector.shape_cast %get3A_1491 : vector<1x16xf32> to vector<16xf32>
        %sub3A_1493 = arith.subf %get3A_1486, %get3A_1492 : vector<16xf32>
        %max3A_1494 = arith.maximumf %max3A_1480, %sub3A_1493 : vector<16xf32>
        %add3A_1495 = arith.constant 4 : i32
        %add3A_1496 = arith.addi %mul3A_103, %add3A_1495 : i32
        %get3A_1497 = arith.index_cast %add3A_1496 : i32 to index
        %get3A_1498 = arith.constant 96 : index
        %get3A_1499 = tpu.vector_load %arg10[%get3A_1497, %get3A_1498] {strides = array<i32>} : memref<128x128xf32, #tpu.memory_space<vmem>>, vector<1x16xf32>,
        %get3A_1500 = vector.shape_cast %get3A_1499 : vector<1x16xf32> to vector<16xf32>
        %add3A_1501 = arith.constant 4 : i32
        %add3A_1502 = arith.addi %mul3A_103, %add3A_1501 : i32
        %get3A_1503 = arith.index_cast %add3A_1502 : i32 to index
        %get3A_1504 = arith.constant 96 : index
        %get3A_1505 = tpu.vector_load %arg11[%get3A_1503, %get3A_1504] {strides = array<i32>} : memref<128x128xf32, #tpu.memory_space<vmem>>, vector<1x16xf32>,
        %get3A_1506 = vector.shape_cast %get3A_1505 : vector<1x16xf32> to vector<16xf32>
        %sub3A_1507 = arith.subf %get3A_1500, %get3A_1506 : vector<16xf32>
        %max3A_1508 = arith.maximumf %max3A_1494, %sub3A_1507 : vector<16xf32>
        %add3A_1509 = arith.constant 5 : i32
        %add3A_1510 = arith.addi %mul3A_103, %add3A_1509 : i32
        %get3A_1511 = arith.index_cast %add3A_1510 : i32 to index
        %get3A_1512 = arith.constant 96 : index
        %get3A_1513 = tpu.vector_load %arg10[%get3A_1511, %get3A_1512] {strides = array<i32>} : memref<128x128xf32, #tpu.memory_space<vmem>>, vector<1x16xf32>,
        %get3A_1514 = vector.shape_cast %get3A_1513 : vector<1x16xf32> to vector<16xf32>
        %add3A_1515 = arith.constant 5 : i32
        %add3A_1516 = arith.addi %mul3A_103, %add3A_1515 : i32
        %get3A_1517 = arith.index_cast %add3A_1516 : i32 to index
        %get3A_1518 = arith.constant 96 : index
        %get3A_1519 = tpu.vector_load %arg11[%get3A_1517, %get3A_1518] {strides = array<i32>} : memref<128x128xf32, #tpu.memory_space<vmem>>, vector<1x16xf32>,
        %get3A_1520 = vector.shape_cast %get3A_1519 : vector<1x16xf32> to vector<16xf32>
        %sub3A_1521 = arith.subf %get3A_1514, %get3A_1520 : vector<16xf32>
        %max3A_1522 = arith.maximumf %max3A_1508, %sub3A_1521 : vector<16xf32>
        %add3A_1523 = arith.constant 6 : i32
        %add3A_1524 = arith.addi %mul3A_103, %add3A_1523 : i32
        %get3A_1525 = arith.index_cast %add3A_1524 : i32 to index
        %get3A_1526 = arith.constant 96 : index
        %get3A_1527 = tpu.vector_load %arg10[%get3A_1525, %get3A_1526] {strides = array<i32>} : memref<128x128xf32, #tpu.memory_space<vmem>>, vector<1x16xf32>,
        %get3A_1528 = vector.shape_cast %get3A_1527 : vector<1x16xf32> to vector<16xf32>
        %add3A_1529 = arith.constant 6 : i32
        %add3A_1530 = arith.addi %mul3A_103, %add3A_1529 : i32
        %get3A_1531 = arith.index_cast %add3A_1530 : i32 to index
        %get3A_1532 = arith.constant 96 : index
        %get3A_1533 = tpu.vector_load %arg11[%get3A_1531, %get3A_1532] {strides = array<i32>} : memref<128x128xf32, #tpu.memory_space<vmem>>, vector<1x16xf32>,
        %get3A_1534 = vector.shape_cast %get3A_1533 : vector<1x16xf32> to vector<16xf32>
        %sub3A_1535 = arith.subf %get3A_1528, %get3A_1534 : vector<16xf32>
        %max3A_1536 = arith.maximumf %max3A_1522, %sub3A_1535 : vector<16xf32>
        %add3A_1537 = arith.constant 7 : i32
        %add3A_1538 = arith.addi %mul3A_103, %add3A_1537 : i32
        %get3A_1539 = arith.index_cast %add3A_1538 : i32 to index
        %get3A_1540 = arith.constant 96 : index
        %get3A_1541 = tpu.vector_load %arg10[%get3A_1539, %get3A_1540] {strides = array<i32>} : memref<128x128xf32, #tpu.memory_space<vmem>>, vector<1x16xf32>,
        %get3A_1542 = vector.shape_cast %get3A_1541 : vector<1x16xf32> to vector<16xf32>
        %add3A_1543 = arith.constant 7 : i32
        %add3A_1544 = arith.addi %mul3A_103, %add3A_1543 : i32
        %get3A_1545 = arith.index_cast %add3A_1544 : i32 to index
        %get3A_1546 = arith.constant 96 : index
        %get3A_1547 = tpu.vector_load %arg11[%get3A_1545, %get3A_1546] {strides = array<i32>} : memref<128x128xf32, #tpu.memory_space<vmem>>, vector<1x16xf32>,
        %get3A_1548 = vector.shape_cast %get3A_1547 : vector<1x16xf32> to vector<16xf32>
        %sub3A_1549 = arith.subf %get3A_1542, %get3A_1548 : vector<16xf32>
        %max3A_1550 = arith.maximumf %max3A_1536, %sub3A_1549 : vector<16xf32>
        %add3A_1551 = arith.constant 8 : i32
        %add3A_1552 = arith.addi %mul3A_103, %add3A_1551 : i32
        %get3A_1553 = arith.index_cast %add3A_1552 : i32 to index
        %get3A_1554 = arith.constant 96 : index
        %get3A_1555 = tpu.vector_load %arg10[%get3A_1553, %get3A_1554] {strides = array<i32>} : memref<128x128xf32, #tpu.memory_space<vmem>>, vector<1x16xf32>,
        %get3A_1556 = vector.shape_cast %get3A_1555 : vector<1x16xf32> to vector<16xf32>
        %add3A_1557 = arith.constant 8 : i32
        %add3A_1558 = arith.addi %mul3A_103, %add3A_1557 : i32
        %get3A_1559 = arith.index_cast %add3A_1558 : i32 to index
        %get3A_1560 = arith.constant 96 : index
        %get3A_1561 = tpu.vector_load %arg11[%get3A_1559, %get3A_1560] {strides = array<i32>} : memref<128x128xf32, #tpu.memory_space<vmem>>, vector<1x16xf32>,
        %get3A_1562 = vector.shape_cast %get3A_1561 : vector<1x16xf32> to vector<16xf32>
        %sub3A_1563 = arith.subf %get3A_1556, %get3A_1562 : vector<16xf32>
        %max3A_1564 = arith.maximumf %max3A_1550, %sub3A_1563 : vector<16xf32>
        %add3A_1565 = arith.constant 9 : i32
        %add3A_1566 = arith.addi %mul3A_103, %add3A_1565 : i32
        %get3A_1567 = arith.index_cast %add3A_1566 : i32 to index
        %get3A_1568 = arith.constant 96 : index
        %get3A_1569 = tpu.vector_load %arg10[%get3A_1567, %get3A_1568] {strides = array<i32>} : memref<128x128xf32, #tpu.memory_space<vmem>>, vector<1x16xf32>,
        %get3A_1570 = vector.shape_cast %get3A_1569 : vector<1x16xf32> to vector<16xf32>
        %add3A_1571 = arith.constant 9 : i32
        %add3A_1572 = arith.addi %mul3A_103, %add3A_1571 : i32
        %get3A_1573 = arith.index_cast %add3A_1572 : i32 to index
        %get3A_1574 = arith.constant 96 : index
        %get3A_1575 = tpu.vector_load %arg11[%get3A_1573, %get3A_1574] {strides = array<i32>} : memref<128x128xf32, #tpu.memory_space<vmem>>, vector<1x16xf32>,
        %get3A_1576 = vector.shape_cast %get3A_1575 : vector<1x16xf32> to vector<16xf32>
        %sub3A_1577 = arith.subf %get3A_1570, %get3A_1576 : vector<16xf32>
        %max3A_1578 = arith.maximumf %max3A_1564, %sub3A_1577 : vector<16xf32>
        %add3A_1579 = arith.constant 10 : i32
        %add3A_1580 = arith.addi %mul3A_103, %add3A_1579 : i32
        %get3A_1581 = arith.index_cast %add3A_1580 : i32 to index
        %get3A_1582 = arith.constant 96 : index
        %get3A_1583 = tpu.vector_load %arg10[%get3A_1581, %get3A_1582] {strides = array<i32>} : memref<128x128xf32, #tpu.memory_space<vmem>>, vector<1x16xf32>,
        %get3A_1584 = vector.shape_cast %get3A_1583 : vector<1x16xf32> to vector<16xf32>
        %add3A_1585 = arith.constant 10 : i32
        %add3A_1586 = arith.addi %mul3A_103, %add3A_1585 : i32
        %get3A_1587 = arith.index_cast %add3A_1586 : i32 to index
        %get3A_1588 = arith.constant 96 : index
        %get3A_1589 = tpu.vector_load %arg11[%get3A_1587, %get3A_1588] {strides = array<i32>} : memref<128x128xf32, #tpu.memory_space<vmem>>, vector<1x16xf32>,
        %get3A_1590 = vector.shape_cast %get3A_1589 : vector<1x16xf32> to vector<16xf32>
        %sub3A_1591 = arith.subf %get3A_1584, %get3A_1590 : vector<16xf32>
        %max3A_1592 = arith.maximumf %max3A_1578, %sub3A_1591 : vector<16xf32>
        %add3A_1593 = arith.constant 11 : i32
        %add3A_1594 = arith.addi %mul3A_103, %add3A_1593 : i32
        %get3A_1595 = arith.index_cast %add3A_1594 : i32 to index
        %get3A_1596 = arith.constant 96 : index
        %get3A_1597 = tpu.vector_load %arg10[%get3A_1595, %get3A_1596] {strides = array<i32>} : memref<128x128xf32, #tpu.memory_space<vmem>>, vector<1x16xf32>,
        %get3A_1598 = vector.shape_cast %get3A_1597 : vector<1x16xf32> to vector<16xf32>
        %add3A_1599 = arith.constant 11 : i32
        %add3A_1600 = arith.addi %mul3A_103, %add3A_1599 : i32
        %get3A_1601 = arith.index_cast %add3A_1600 : i32 to index
        %get3A_1602 = arith.constant 96 : index
        %get3A_1603 = tpu.vector_load %arg11[%get3A_1601, %get3A_1602] {strides = array<i32>} : memref<128x128xf32, #tpu.memory_space<vmem>>, vector<1x16xf32>,
        %get3A_1604 = vector.shape_cast %get3A_1603 : vector<1x16xf32> to vector<16xf32>
        %sub3A_1605 = arith.subf %get3A_1598, %get3A_1604 : vector<16xf32>
        %max3A_1606 = arith.maximumf %max3A_1592, %sub3A_1605 : vector<16xf32>
        %add3A_1607 = arith.constant 12 : i32
        %add3A_1608 = arith.addi %mul3A_103, %add3A_1607 : i32
        %get3A_1609 = arith.index_cast %add3A_1608 : i32 to index
        %get3A_1610 = arith.constant 96 : index
        %get3A_1611 = tpu.vector_load %arg10[%get3A_1609, %get3A_1610] {strides = array<i32>} : memref<128x128xf32, #tpu.memory_space<vmem>>, vector<1x16xf32>,
        %get3A_1612 = vector.shape_cast %get3A_1611 : vector<1x16xf32> to vector<16xf32>
        %add3A_1613 = arith.constant 12 : i32
        %add3A_1614 = arith.addi %mul3A_103, %add3A_1613 : i32
        %get3A_1615 = arith.index_cast %add3A_1614 : i32 to index
        %get3A_1616 = arith.constant 96 : index
        %get3A_1617 = tpu.vector_load %arg11[%get3A_1615, %get3A_1616] {strides = array<i32>} : memref<128x128xf32, #tpu.memory_space<vmem>>, vector<1x16xf32>,
        %get3A_1618 = vector.shape_cast %get3A_1617 : vector<1x16xf32> to vector<16xf32>
        %sub3A_1619 = arith.subf %get3A_1612, %get3A_1618 : vector<16xf32>
        %max3A_1620 = arith.maximumf %max3A_1606, %sub3A_1619 : vector<16xf32>
        %add3A_1621 = arith.constant 13 : i32
        %add3A_1622 = arith.addi %mul3A_103, %add3A_1621 : i32
        %get3A_1623 = arith.index_cast %add3A_1622 : i32 to index
        %get3A_1624 = arith.constant 96 : index
        %get3A_1625 = tpu.vector_load %arg10[%get3A_1623, %get3A_1624] {strides = array<i32>} : memref<128x128xf32, #tpu.memory_space<vmem>>, vector<1x16xf32>,
        %get3A_1626 = vector.shape_cast %get3A_1625 : vector<1x16xf32> to vector<16xf32>
        %add3A_1627 = arith.constant 13 : i32
        %add3A_1628 = arith.addi %mul3A_103, %add3A_1627 : i32
        %get3A_1629 = arith.index_cast %add3A_1628 : i32 to index
        %get3A_1630 = arith.constant 96 : index
        %get3A_1631 = tpu.vector_load %arg11[%get3A_1629, %get3A_1630] {strides = array<i32>} : memref<128x128xf32, #tpu.memory_space<vmem>>, vector<1x16xf32>,
        %get3A_1632 = vector.shape_cast %get3A_1631 : vector<1x16xf32> to vector<16xf32>
        %sub3A_1633 = arith.subf %get3A_1626, %get3A_1632 : vector<16xf32>
        %max3A_1634 = arith.maximumf %max3A_1620, %sub3A_1633 : vector<16xf32>
        %add3A_1635 = arith.constant 14 : i32
        %add3A_1636 = arith.addi %mul3A_103, %add3A_1635 : i32
        %get3A_1637 = arith.index_cast %add3A_1636 : i32 to index
        %get3A_1638 = arith.constant 96 : index
        %get3A_1639 = tpu.vector_load %arg10[%get3A_1637, %get3A_1638] {strides = array<i32>} : memref<128x128xf32, #tpu.memory_space<vmem>>, vector<1x16xf32>,
        %get3A_1640 = vector.shape_cast %get3A_1639 : vector<1x16xf32> to vector<16xf32>
        %add3A_1641 = arith.constant 14 : i32
        %add3A_1642 = arith.addi %mul3A_103, %add3A_1641 : i32
        %get3A_1643 = arith.index_cast %add3A_1642 : i32 to index
        %get3A_1644 = arith.constant 96 : index
        %get3A_1645 = tpu.vector_load %arg11[%get3A_1643, %get3A_1644] {strides = array<i32>} : memref<128x128xf32, #tpu.memory_space<vmem>>, vector<1x16xf32>,
        %get3A_1646 = vector.shape_cast %get3A_1645 : vector<1x16xf32> to vector<16xf32>
        %sub3A_1647 = arith.subf %get3A_1640, %get3A_1646 : vector<16xf32>
        %max3A_1648 = arith.maximumf %max3A_1634, %sub3A_1647 : vector<16xf32>
        %add3A_1649 = arith.constant 15 : i32
        %add3A_1650 = arith.addi %mul3A_103, %add3A_1649 : i32
        %get3A_1651 = arith.index_cast %add3A_1650 : i32 to index
        %get3A_1652 = arith.constant 96 : index
        %get3A_1653 = tpu.vector_load %arg10[%get3A_1651, %get3A_1652] {strides = array<i32>} : memref<128x128xf32, #tpu.memory_space<vmem>>, vector<1x16xf32>,
        %get3A_1654 = vector.shape_cast %get3A_1653 : vector<1x16xf32> to vector<16xf32>
        %add3A_1655 = arith.constant 15 : i32
        %add3A_1656 = arith.addi %mul3A_103, %add3A_1655 : i32
        %get3A_1657 = arith.index_cast %add3A_1656 : i32 to index
        %get3A_1658 = arith.constant 96 : index
        %get3A_1659 = tpu.vector_load %arg11[%get3A_1657, %get3A_1658] {strides = array<i32>} : memref<128x128xf32, #tpu.memory_space<vmem>>, vector<1x16xf32>,
        %get3A_1660 = vector.shape_cast %get3A_1659 : vector<1x16xf32> to vector<16xf32>
        %sub3A_1661 = arith.subf %get3A_1654, %get3A_1660 : vector<16xf32>
        %max3A_1662 = arith.maximumf %max3A_1648, %sub3A_1661 : vector<16xf32>
        %swap3A_1663 = arith.index_cast %scan3A_101 : i32 to index
        %swap3A_1664 = arith.constant 96 : index
        %swap3A_1665 = tpu.vector_load %arg12[%swap3A_1663, %swap3A_1664] {strides = array<i32>} : memref<8x128xf32, #tpu.memory_space<vmem>>, vector<1x16xf32>,
        %swap3A_1666 = vector.shape_cast %swap3A_1665 : vector<1x16xf32> to vector<16xf32>
        %swap3A_1667 = vector.shape_cast %max3A_1662 : vector<16xf32> to vector<1x16xf32>
        tpu.vector_store %arg12[%swap3A_1663, %swap3A_1664], %swap3A_1667 {strides = array<i32>} : memref<8x128xf32, #tpu.memory_space<vmem>>, vector<1x16xf32>,
        %get3A_1668 = arith.index_cast %mul3A_103 : i32 to index
        %get3A_1669 = arith.constant 112 : index
        %get3A_1670 = tpu.vector_load %arg10[%get3A_1668, %get3A_1669] {strides = array<i32>} : memref<128x128xf32, #tpu.memory_space<vmem>>, vector<1x16xf32>,
        %get3A_1671 = vector.shape_cast %get3A_1670 : vector<1x16xf32> to vector<16xf32>
        %get3A_1672 = arith.index_cast %mul3A_103 : i32 to index
        %get3A_1673 = arith.constant 112 : index
        %get3A_1674 = tpu.vector_load %arg11[%get3A_1672, %get3A_1673] {strides = array<i32>} : memref<128x128xf32, #tpu.memory_space<vmem>>, vector<1x16xf32>,
        %get3A_1675 = vector.shape_cast %get3A_1674 : vector<1x16xf32> to vector<16xf32>
        %sub3A_1676 = arith.subf %get3A_1671, %get3A_1675 : vector<16xf32>
        %add3A_1677 = arith.constant 1 : i32
        %add3A_1678 = arith.addi %mul3A_103, %add3A_1677 : i32
        %get3A_1679 = arith.index_cast %add3A_1678 : i32 to index
        %get3A_1680 = arith.constant 112 : index
        %get3A_1681 = tpu.vector_load %arg10[%get3A_1679, %get3A_1680] {strides = array<i32>} : memref<128x128xf32, #tpu.memory_space<vmem>>, vector<1x16xf32>,
        %get3A_1682 = vector.shape_cast %get3A_1681 : vector<1x16xf32> to vector<16xf32>
        %add3A_1683 = arith.constant 1 : i32
        %add3A_1684 = arith.addi %mul3A_103, %add3A_1683 : i32
        %get3A_1685 = arith.index_cast %add3A_1684 : i32 to index
        %get3A_1686 = arith.constant 112 : index
        %get3A_1687 = tpu.vector_load %arg11[%get3A_1685, %get3A_1686] {strides = array<i32>} : memref<128x128xf32, #tpu.memory_space<vmem>>, vector<1x16xf32>,
        %get3A_1688 = vector.shape_cast %get3A_1687 : vector<1x16xf32> to vector<16xf32>
        %sub3A_1689 = arith.subf %get3A_1682, %get3A_1688 : vector<16xf32>
        %max3A_1690 = arith.maximumf %sub3A_1676, %sub3A_1689 : vector<16xf32>
        %add3A_1691 = arith.constant 2 : i32
        %add3A_1692 = arith.addi %mul3A_103, %add3A_1691 : i32
        %get3A_1693 = arith.index_cast %add3A_1692 : i32 to index
        %get3A_1694 = arith.constant 112 : index
        %get3A_1695 = tpu.vector_load %arg10[%get3A_1693, %get3A_1694] {strides = array<i32>} : memref<128x128xf32, #tpu.memory_space<vmem>>, vector<1x16xf32>,
        %get3A_1696 = vector.shape_cast %get3A_1695 : vector<1x16xf32> to vector<16xf32>
        %add3A_1697 = arith.constant 2 : i32
        %add3A_1698 = arith.addi %mul3A_103, %add3A_1697 : i32
        %get3A_1699 = arith.index_cast %add3A_1698 : i32 to index
        %get3A_1700 = arith.constant 112 : index
        %get3A_1701 = tpu.vector_load %arg11[%get3A_1699, %get3A_1700] {strides = array<i32>} : memref<128x128xf32, #tpu.memory_space<vmem>>, vector<1x16xf32>,
        %get3A_1702 = vector.shape_cast %get3A_1701 : vector<1x16xf32> to vector<16xf32>
        %sub3A_1703 = arith.subf %get3A_1696, %get3A_1702 : vector<16xf32>
        %max3A_1704 = arith.maximumf %max3A_1690, %sub3A_1703 : vector<16xf32>
        %add3A_1705 = arith.constant 3 : i32
        %add3A_1706 = arith.addi %mul3A_103, %add3A_1705 : i32
        %get3A_1707 = arith.index_cast %add3A_1706 : i32 to index
        %get3A_1708 = arith.constant 112 : index
        %get3A_1709 = tpu.vector_load %arg10[%get3A_1707, %get3A_1708] {strides = array<i32>} : memref<128x128xf32, #tpu.memory_space<vmem>>, vector<1x16xf32>,
        %get3A_1710 = vector.shape_cast %get3A_1709 : vector<1x16xf32> to vector<16xf32>
        %add3A_1711 = arith.constant 3 : i32
        %add3A_1712 = arith.addi %mul3A_103, %add3A_1711 : i32
        %get3A_1713 = arith.index_cast %add3A_1712 : i32 to index
        %get3A_1714 = arith.constant 112 : index
        %get3A_1715 = tpu.vector_load %arg11[%get3A_1713, %get3A_1714] {strides = array<i32>} : memref<128x128xf32, #tpu.memory_space<vmem>>, vector<1x16xf32>,
        %get3A_1716 = vector.shape_cast %get3A_1715 : vector<1x16xf32> to vector<16xf32>
        %sub3A_1717 = arith.subf %get3A_1710, %get3A_1716 : vector<16xf32>
        %max3A_1718 = arith.maximumf %max3A_1704, %sub3A_1717 : vector<16xf32>
        %add3A_1719 = arith.constant 4 : i32
        %add3A_1720 = arith.addi %mul3A_103, %add3A_1719 : i32
        %get3A_1721 = arith.index_cast %add3A_1720 : i32 to index
        %get3A_1722 = arith.constant 112 : index
        %get3A_1723 = tpu.vector_load %arg10[%get3A_1721, %get3A_1722] {strides = array<i32>} : memref<128x128xf32, #tpu.memory_space<vmem>>, vector<1x16xf32>,
        %get3A_1724 = vector.shape_cast %get3A_1723 : vector<1x16xf32> to vector<16xf32>
        %add3A_1725 = arith.constant 4 : i32
        %add3A_1726 = arith.addi %mul3A_103, %add3A_1725 : i32
        %get3A_1727 = arith.index_cast %add3A_1726 : i32 to index
        %get3A_1728 = arith.constant 112 : index
        %get3A_1729 = tpu.vector_load %arg11[%get3A_1727, %get3A_1728] {strides = array<i32>} : memref<128x128xf32, #tpu.memory_space<vmem>>, vector<1x16xf32>,
        %get3A_1730 = vector.shape_cast %get3A_1729 : vector<1x16xf32> to vector<16xf32>
        %sub3A_1731 = arith.subf %get3A_1724, %get3A_1730 : vector<16xf32>
        %max3A_1732 = arith.maximumf %max3A_1718, %sub3A_1731 : vector<16xf32>
        %add3A_1733 = arith.constant 5 : i32
        %add3A_1734 = arith.addi %mul3A_103, %add3A_1733 : i32
        %get3A_1735 = arith.index_cast %add3A_1734 : i32 to index
        %get3A_1736 = arith.constant 112 : index
        %get3A_1737 = tpu.vector_load %arg10[%get3A_1735, %get3A_1736] {strides = array<i32>} : memref<128x128xf32, #tpu.memory_space<vmem>>, vector<1x16xf32>,
        %get3A_1738 = vector.shape_cast %get3A_1737 : vector<1x16xf32> to vector<16xf32>
        %add3A_1739 = arith.constant 5 : i32
        %add3A_1740 = arith.addi %mul3A_103, %add3A_1739 : i32
        %get3A_1741 = arith.index_cast %add3A_1740 : i32 to index
        %get3A_1742 = arith.constant 112 : index
        %get3A_1743 = tpu.vector_load %arg11[%get3A_1741, %get3A_1742] {strides = array<i32>} : memref<128x128xf32, #tpu.memory_space<vmem>>, vector<1x16xf32>,
        %get3A_1744 = vector.shape_cast %get3A_1743 : vector<1x16xf32> to vector<16xf32>
        %sub3A_1745 = arith.subf %get3A_1738, %get3A_1744 : vector<16xf32>
        %max3A_1746 = arith.maximumf %max3A_1732, %sub3A_1745 : vector<16xf32>
        %add3A_1747 = arith.constant 6 : i32
        %add3A_1748 = arith.addi %mul3A_103, %add3A_1747 : i32
        %get3A_1749 = arith.index_cast %add3A_1748 : i32 to index
        %get3A_1750 = arith.constant 112 : index
        %get3A_1751 = tpu.vector_load %arg10[%get3A_1749, %get3A_1750] {strides = array<i32>} : memref<128x128xf32, #tpu.memory_space<vmem>>, vector<1x16xf32>,
        %get3A_1752 = vector.shape_cast %get3A_1751 : vector<1x16xf32> to vector<16xf32>
        %add3A_1753 = arith.constant 6 : i32
        %add3A_1754 = arith.addi %mul3A_103, %add3A_1753 : i32
        %get3A_1755 = arith.index_cast %add3A_1754 : i32 to index
        %get3A_1756 = arith.constant 112 : index
        %get3A_1757 = tpu.vector_load %arg11[%get3A_1755, %get3A_1756] {strides = array<i32>} : memref<128x128xf32, #tpu.memory_space<vmem>>, vector<1x16xf32>,
        %get3A_1758 = vector.shape_cast %get3A_1757 : vector<1x16xf32> to vector<16xf32>
        %sub3A_1759 = arith.subf %get3A_1752, %get3A_1758 : vector<16xf32>
        %max3A_1760 = arith.maximumf %max3A_1746, %sub3A_1759 : vector<16xf32>
        %add3A_1761 = arith.constant 7 : i32
        %add3A_1762 = arith.addi %mul3A_103, %add3A_1761 : i32
        %get3A_1763 = arith.index_cast %add3A_1762 : i32 to index
        %get3A_1764 = arith.constant 112 : index
        %get3A_1765 = tpu.vector_load %arg10[%get3A_1763, %get3A_1764] {strides = array<i32>} : memref<128x128xf32, #tpu.memory_space<vmem>>, vector<1x16xf32>,
        %get3A_1766 = vector.shape_cast %get3A_1765 : vector<1x16xf32> to vector<16xf32>
        %add3A_1767 = arith.constant 7 : i32
        %add3A_1768 = arith.addi %mul3A_103, %add3A_1767 : i32
        %get3A_1769 = arith.index_cast %add3A_1768 : i32 to index
        %get3A_1770 = arith.constant 112 : index
        %get3A_1771 = tpu.vector_load %arg11[%get3A_1769, %get3A_1770] {strides = array<i32>} : memref<128x128xf32, #tpu.memory_space<vmem>>, vector<1x16xf32>,
        %get3A_1772 = vector.shape_cast %get3A_1771 : vector<1x16xf32> to vector<16xf32>
        %sub3A_1773 = arith.subf %get3A_1766, %get3A_1772 : vector<16xf32>
        %max3A_1774 = arith.maximumf %max3A_1760, %sub3A_1773 : vector<16xf32>
        %add3A_1775 = arith.constant 8 : i32
        %add3A_1776 = arith.addi %mul3A_103, %add3A_1775 : i32
        %get3A_1777 = arith.index_cast %add3A_1776 : i32 to index
        %get3A_1778 = arith.constant 112 : index
        %get3A_1779 = tpu.vector_load %arg10[%get3A_1777, %get3A_1778] {strides = array<i32>} : memref<128x128xf32, #tpu.memory_space<vmem>>, vector<1x16xf32>,
        %get3A_1780 = vector.shape_cast %get3A_1779 : vector<1x16xf32> to vector<16xf32>
        %add3A_1781 = arith.constant 8 : i32
        %add3A_1782 = arith.addi %mul3A_103, %add3A_1781 : i32
        %get3A_1783 = arith.index_cast %add3A_1782 : i32 to index
        %get3A_1784 = arith.constant 112 : index
        %get3A_1785 = tpu.vector_load %arg11[%get3A_1783, %get3A_1784] {strides = array<i32>} : memref<128x128xf32, #tpu.memory_space<vmem>>, vector<1x16xf32>,
        %get3A_1786 = vector.shape_cast %get3A_1785 : vector<1x16xf32> to vector<16xf32>
        %sub3A_1787 = arith.subf %get3A_1780, %get3A_1786 : vector<16xf32>
        %max3A_1788 = arith.maximumf %max3A_1774, %sub3A_1787 : vector<16xf32>
        %add3A_1789 = arith.constant 9 : i32
        %add3A_1790 = arith.addi %mul3A_103, %add3A_1789 : i32
        %get3A_1791 = arith.index_cast %add3A_1790 : i32 to index
        %get3A_1792 = arith.constant 112 : index
        %get3A_1793 = tpu.vector_load %arg10[%get3A_1791, %get3A_1792] {strides = array<i32>} : memref<128x128xf32, #tpu.memory_space<vmem>>, vector<1x16xf32>,
        %get3A_1794 = vector.shape_cast %get3A_1793 : vector<1x16xf32> to vector<16xf32>
        %add3A_1795 = arith.constant 9 : i32
        %add3A_1796 = arith.addi %mul3A_103, %add3A_1795 : i32
        %get3A_1797 = arith.index_cast %add3A_1796 : i32 to index
        %get3A_1798 = arith.constant 112 : index
        %get3A_1799 = tpu.vector_load %arg11[%get3A_1797, %get3A_1798] {strides = array<i32>} : memref<128x128xf32, #tpu.memory_space<vmem>>, vector<1x16xf32>,
        %get3A_1800 = vector.shape_cast %get3A_1799 : vector<1x16xf32> to vector<16xf32>
        %sub3A_1801 = arith.subf %get3A_1794, %get3A_1800 : vector<16xf32>
        %max3A_1802 = arith.maximumf %max3A_1788, %sub3A_1801 : vector<16xf32>
        %add3A_1803 = arith.constant 10 : i32
        %add3A_1804 = arith.addi %mul3A_103, %add3A_1803 : i32
        %get3A_1805 = arith.index_cast %add3A_1804 : i32 to index
        %get3A_1806 = arith.constant 112 : index
        %get3A_1807 = tpu.vector_load %arg10[%get3A_1805, %get3A_1806] {strides = array<i32>} : memref<128x128xf32, #tpu.memory_space<vmem>>, vector<1x16xf32>,
        %get3A_1808 = vector.shape_cast %get3A_1807 : vector<1x16xf32> to vector<16xf32>
        %add3A_1809 = arith.constant 10 : i32
        %add3A_1810 = arith.addi %mul3A_103, %add3A_1809 : i32
        %get3A_1811 = arith.index_cast %add3A_1810 : i32 to index
        %get3A_1812 = arith.constant 112 : index
        %get3A_1813 = tpu.vector_load %arg11[%get3A_1811, %get3A_1812] {strides = array<i32>} : memref<128x128xf32, #tpu.memory_space<vmem>>, vector<1x16xf32>,
        %get3A_1814 = vector.shape_cast %get3A_1813 : vector<1x16xf32> to vector<16xf32>
        %sub3A_1815 = arith.subf %get3A_1808, %get3A_1814 : vector<16xf32>
        %max3A_1816 = arith.maximumf %max3A_1802, %sub3A_1815 : vector<16xf32>
        %add3A_1817 = arith.constant 11 : i32
        %add3A_1818 = arith.addi %mul3A_103, %add3A_1817 : i32
        %get3A_1819 = arith.index_cast %add3A_1818 : i32 to index
        %get3A_1820 = arith.constant 112 : index
        %get3A_1821 = tpu.vector_load %arg10[%get3A_1819, %get3A_1820] {strides = array<i32>} : memref<128x128xf32, #tpu.memory_space<vmem>>, vector<1x16xf32>,
        %get3A_1822 = vector.shape_cast %get3A_1821 : vector<1x16xf32> to vector<16xf32>
        %add3A_1823 = arith.constant 11 : i32
        %add3A_1824 = arith.addi %mul3A_103, %add3A_1823 : i32
        %get3A_1825 = arith.index_cast %add3A_1824 : i32 to index
        %get3A_1826 = arith.constant 112 : index
        %get3A_1827 = tpu.vector_load %arg11[%get3A_1825, %get3A_1826] {strides = array<i32>} : memref<128x128xf32, #tpu.memory_space<vmem>>, vector<1x16xf32>,
        %get3A_1828 = vector.shape_cast %get3A_1827 : vector<1x16xf32> to vector<16xf32>
        %sub3A_1829 = arith.subf %get3A_1822, %get3A_1828 : vector<16xf32>
        %max3A_1830 = arith.maximumf %max3A_1816, %sub3A_1829 : vector<16xf32>
        %add3A_1831 = arith.constant 12 : i32
        %add3A_1832 = arith.addi %mul3A_103, %add3A_1831 : i32
        %get3A_1833 = arith.index_cast %add3A_1832 : i32 to index
        %get3A_1834 = arith.constant 112 : index
        %get3A_1835 = tpu.vector_load %arg10[%get3A_1833, %get3A_1834] {strides = array<i32>} : memref<128x128xf32, #tpu.memory_space<vmem>>, vector<1x16xf32>,
        %get3A_1836 = vector.shape_cast %get3A_1835 : vector<1x16xf32> to vector<16xf32>
        %add3A_1837 = arith.constant 12 : i32
        %add3A_1838 = arith.addi %mul3A_103, %add3A_1837 : i32
        %get3A_1839 = arith.index_cast %add3A_1838 : i32 to index
        %get3A_1840 = arith.constant 112 : index
        %get3A_1841 = tpu.vector_load %arg11[%get3A_1839, %get3A_1840] {strides = array<i32>} : memref<128x128xf32, #tpu.memory_space<vmem>>, vector<1x16xf32>,
        %get3A_1842 = vector.shape_cast %get3A_1841 : vector<1x16xf32> to vector<16xf32>
        %sub3A_1843 = arith.subf %get3A_1836, %get3A_1842 : vector<16xf32>
        %max3A_1844 = arith.maximumf %max3A_1830, %sub3A_1843 : vector<16xf32>
        %add3A_1845 = arith.constant 13 : i32
        %add3A_1846 = arith.addi %mul3A_103, %add3A_1845 : i32
        %get3A_1847 = arith.index_cast %add3A_1846 : i32 to index
        %get3A_1848 = arith.constant 112 : index
        %get3A_1849 = tpu.vector_load %arg10[%get3A_1847, %get3A_1848] {strides = array<i32>} : memref<128x128xf32, #tpu.memory_space<vmem>>, vector<1x16xf32>,
        %get3A_1850 = vector.shape_cast %get3A_1849 : vector<1x16xf32> to vector<16xf32>
        %add3A_1851 = arith.constant 13 : i32
        %add3A_1852 = arith.addi %mul3A_103, %add3A_1851 : i32
        %get3A_1853 = arith.index_cast %add3A_1852 : i32 to index
        %get3A_1854 = arith.constant 112 : index
        %get3A_1855 = tpu.vector_load %arg11[%get3A_1853, %get3A_1854] {strides = array<i32>} : memref<128x128xf32, #tpu.memory_space<vmem>>, vector<1x16xf32>,
        %get3A_1856 = vector.shape_cast %get3A_1855 : vector<1x16xf32> to vector<16xf32>
        %sub3A_1857 = arith.subf %get3A_1850, %get3A_1856 : vector<16xf32>
        %max3A_1858 = arith.maximumf %max3A_1844, %sub3A_1857 : vector<16xf32>
        %add3A_1859 = arith.constant 14 : i32
        %add3A_1860 = arith.addi %mul3A_103, %add3A_1859 : i32
        %get3A_1861 = arith.index_cast %add3A_1860 : i32 to index
        %get3A_1862 = arith.constant 112 : index
        %get3A_1863 = tpu.vector_load %arg10[%get3A_1861, %get3A_1862] {strides = array<i32>} : memref<128x128xf32, #tpu.memory_space<vmem>>, vector<1x16xf32>,
        %get3A_1864 = vector.shape_cast %get3A_1863 : vector<1x16xf32> to vector<16xf32>
        %add3A_1865 = arith.constant 14 : i32
        %add3A_1866 = arith.addi %mul3A_103, %add3A_1865 : i32
        %get3A_1867 = arith.index_cast %add3A_1866 : i32 to index
        %get3A_1868 = arith.constant 112 : index
        %get3A_1869 = tpu.vector_load %arg11[%get3A_1867, %get3A_1868] {strides = array<i32>} : memref<128x128xf32, #tpu.memory_space<vmem>>, vector<1x16xf32>,
        %get3A_1870 = vector.shape_cast %get3A_1869 : vector<1x16xf32> to vector<16xf32>
        %sub3A_1871 = arith.subf %get3A_1864, %get3A_1870 : vector<16xf32>
        %max3A_1872 = arith.maximumf %max3A_1858, %sub3A_1871 : vector<16xf32>
        %add3A_1873 = arith.constant 15 : i32
        %add3A_1874 = arith.addi %mul3A_103, %add3A_1873 : i32
        %get3A_1875 = arith.index_cast %add3A_1874 : i32 to index
        %get3A_1876 = arith.constant 112 : index
        %get3A_1877 = tpu.vector_load %arg10[%get3A_1875, %get3A_1876] {strides = array<i32>} : memref<128x128xf32, #tpu.memory_space<vmem>>, vector<1x16xf32>,
        %get3A_1878 = vector.shape_cast %get3A_1877 : vector<1x16xf32> to vector<16xf32>
        %add3A_1879 = arith.constant 15 : i32
        %add3A_1880 = arith.addi %mul3A_103, %add3A_1879 : i32
        %get3A_1881 = arith.index_cast %add3A_1880 : i32 to index
        %get3A_1882 = arith.constant 112 : index
        %get3A_1883 = tpu.vector_load %arg11[%get3A_1881, %get3A_1882] {strides = array<i32>} : memref<128x128xf32, #tpu.memory_space<vmem>>, vector<1x16xf32>,
        %get3A_1884 = vector.shape_cast %get3A_1883 : vector<1x16xf32> to vector<16xf32>
        %sub3A_1885 = arith.subf %get3A_1878, %get3A_1884 : vector<16xf32>
        %max3A_1886 = arith.maximumf %max3A_1872, %sub3A_1885 : vector<16xf32>
        %swap3A_1887 = arith.index_cast %scan3A_101 : i32 to index
        %swap3A_1888 = arith.constant 112 : index
        %swap3A_1889 = tpu.vector_load %arg12[%swap3A_1887, %swap3A_1888] {strides = array<i32>} : memref<8x128xf32, #tpu.memory_space<vmem>>, vector<1x16xf32>,
        %swap3A_1890 = vector.shape_cast %swap3A_1889 : vector<1x16xf32> to vector<16xf32>
        %swap3A_1891 = vector.shape_cast %max3A_1886 : vector<16xf32> to vector<1x16xf32>
        tpu.vector_store %arg12[%swap3A_1887, %swap3A_1888], %swap3A_1891 {strides = array<i32>} : memref<8x128xf32, #tpu.memory_space<vmem>>, vector<1x16xf32>,
      }
      %scan3A_97 = arith.constant 8 : i32
      %mul3A_98 = arith.constant 8 : i32
      %mul3A_99 = arith.muli %add3A_91, %mul3A_98 : i32
      %add3A_100 = arith.addi %mul3A_2, %mul3A_99 : i32
      "tpu.region"() ({
        %run_scoped3A = tpu.sem_alloc : memref<!tpu.dma_semaphore, #tpu.memory_space<semaphore_mem>>
        %dma_start3A_101 = arith.constant 0 : i32
        %dma_start3A_102 = tpu.memref_slice %arg5[%add3A_100, %dma_start3A_101] : memref<20480x128xf32, #tpu.memory_space<hbm>> -> memref<8x128xf32, #tpu.memory_space<hbm>>
        %dma_start3A_103 = arith.constant 0 : i32
        %dma_start3A_104 = tpu.memref_slice %arg5[%add3A_100, %dma_start3A_103] : memref<20480x128xf32, #tpu.memory_space<hbm>> -> memref<8x128xf32, #tpu.memory_space<hbm>>
        tpu.enqueue_dma source(%arg12 : memref<8x128xf32, #tpu.memory_space<vmem>>) target(%dma_start3A_104 : memref<8x128xf32, #tpu.memory_space<hbm>>) target_semaphore(%run_scoped3A : memref<!tpu.dma_semaphore, #tpu.memory_space<semaphore_mem>>)
        %dma_wait3A_105 = arith.constant 0 : i32
        %dma_wait3A_106 = tpu.memref_slice %arg5[%add3A_100, %dma_wait3A_105] : memref<20480x128xf32, #tpu.memory_space<hbm>> -> memref<8x128xf32, #tpu.memory_space<hbm>>
        %dma_wait3A_107 = arith.constant 0 : i32
        %dma_wait3A_108 = tpu.memref_slice %arg5[%add3A_100, %dma_wait3A_107] : memref<20480x128xf32, #tpu.memory_space<hbm>> -> memref<8x128xf32, #tpu.memory_space<hbm>>
        tpu.wait_dma2 semaphore(%run_scoped3A : memref<!tpu.dma_semaphore, #tpu.memory_space<semaphore_mem>>) src(%arg12 : memref<8x128xf32, #tpu.memory_space<vmem>>) dst(%dma_wait3A_108 : memref<8x128xf32, #tpu.memory_space<hbm>>)
        tpu.yield
      }) : () -> ()
    }
    %scan3A_18 = arith.constant 40 : i32
    %dma_wait3A = arith.constant 0 : i32
    %dma_wait3A_19 = arith.constant 0 : i32
    %dma_wait3A_20 = tpu.memref_slice %arg2[%dma_wait3A, %dma_wait3A_19] : memref<20000x128xf32, #tpu.memory_space<hbm>> -> memref<128x128xf32, #tpu.memory_space<hbm>>
    %dma_wait3A_21 = arith.constant 0 : i32
    %dma_wait3A_22 = arith.constant 0 : i32
    %dma_wait3A_23 = tpu.memref_slice %arg2[%dma_wait3A_21, %dma_wait3A_22] : memref<20000x128xf32, #tpu.memory_space<hbm>> -> memref<128x128xf32, #tpu.memory_space<hbm>>
    tpu.wait_dma2 semaphore(%arg13 : memref<!tpu.dma_semaphore, #tpu.memory_space<semaphore_mem>>) src(%dma_wait3A_23 : memref<128x128xf32, #tpu.memory_space<hbm>>) dst(%arg8 : memref<128x128xf32, #tpu.memory_space<vmem>>)
    %dma_wait3A_24 = arith.constant 0 : i32
    %dma_wait3A_25 = arith.constant 0 : i32
    %dma_wait3A_26 = tpu.memref_slice %arg2[%dma_wait3A_24, %dma_wait3A_25] : memref<20000x128xf32, #tpu.memory_space<hbm>> -> memref<128x128xf32, #tpu.memory_space<hbm>>
    %dma_wait3A_27 = arith.constant 0 : i32
    %dma_wait3A_28 = arith.constant 0 : i32
    %dma_wait3A_29 = tpu.memref_slice %arg2[%dma_wait3A_27, %dma_wait3A_28] : memref<20000x128xf32, #tpu.memory_space<hbm>> -> memref<128x128xf32, #tpu.memory_space<hbm>>
    tpu.wait_dma2 semaphore(%arg13 : memref<!tpu.dma_semaphore, #tpu.memory_space<semaphore_mem>>) src(%dma_wait3A_29 : memref<128x128xf32, #tpu.memory_space<hbm>>) dst(%arg9 : memref<128x128xf32, #tpu.memory_space<vmem>>)
    return
  }
}

module attributes {stable_mosaic.version = 14 : i64} {
  func.func @_tc_conv_kernel(%arg0: i32, %arg1: memref<2000x128xf32, #tpu.memory_space<vmem>>, %arg2: memref<2000x128xf32, #tpu.memory_space<vmem>>, %arg3: memref<128x128xf32, #tpu.memory_space<vmem>>, %arg4: memref<128x128xf32, #tpu.memory_space<vmem>>, %arg5: memref<1x128xf32, #tpu.memory_space<vmem>>, %arg6: memref<2000x128xf32, #tpu.memory_space<vmem>>) attributes {dimension_semantics = [#tpu.dimension_semantics<arbitrary>], iteration_bounds = array<i64: 10>, scalar_prefetch = 0 : i64, scratch_operands = 0 : i64, tpu.core_type = #tpu.core_type<tc>, window_params = [{transform_indices = @transform_0, window_bounds = array<i64: 2000, 128>}, {transform_indices = @transform_1, window_bounds = array<i64: 2000, 128>}, {pipeline_mode = #tpu.pipeline_mode<synchronous>, transform_indices = @transform_2, window_bounds = array<i64: 128, 128>}, {pipeline_mode = #tpu.pipeline_mode<synchronous>, transform_indices = @transform_3, window_bounds = array<i64: 128, 128>}, {pipeline_mode = #tpu.pipeline_mode<synchronous>, transform_indices = @transform_4, window_bounds = array<i64: 1, 128>}, {transform_indices = @transform_5, window_bounds = array<i64: 2000, 128>}]} {
    %get3A = arith.constant 0 : index
    %get3A_0 = arith.constant 0 : index
    %get3A_1 = vector.load %arg1[%get3A, %get3A_0] : memref<2000x128xf32, #tpu.memory_space<vmem>>, vector<2000x128xf32>
    %get3A_2 = arith.constant 0 : index
    %get3A_3 = arith.constant 0 : index
    %get3A_4 = vector.load %arg3[%get3A_2, %get3A_3] : memref<128x128xf32, #tpu.memory_space<vmem>>, vector<128x128xf32>
    %dot_general3A = arith.constant dense<0.000000e+00> : vector<2000x128xf32>
    %dot_general3A_5 = tpu.matmul %get3A_1, %get3A_4, %dot_general3A {dimension_numbers = #tpu.dot_dimension_numbers<[1], [0], [0], [1], [0, 0, 1, 1], [], []>, transpose_lhs_hint = false} : vector<2000x128xf32>, vector<128x128xf32>, vector<2000x128xf32> -> vector<2000x128xf32>
    %get3A_6 = arith.constant 0 : index
    %get3A_7 = arith.constant 0 : index
    %get3A_8 = vector.load %arg2[%get3A_6, %get3A_7] : memref<2000x128xf32, #tpu.memory_space<vmem>>, vector<2000x128xf32>
    %get3A_9 = arith.constant 0 : index
    %get3A_10 = arith.constant 0 : index
    %get3A_11 = vector.load %arg4[%get3A_9, %get3A_10] : memref<128x128xf32, #tpu.memory_space<vmem>>, vector<128x128xf32>
    %dot_general3A_12 = arith.constant dense<0.000000e+00> : vector<2000x128xf32>
    %dot_general3A_13 = tpu.matmul %get3A_8, %get3A_11, %dot_general3A_12 {dimension_numbers = #tpu.dot_dimension_numbers<[1], [0], [0], [1], [0, 0, 1, 1], [], []>, transpose_lhs_hint = false} : vector<2000x128xf32>, vector<128x128xf32>, vector<2000x128xf32> -> vector<2000x128xf32>
    %add3A = arith.addf %dot_general3A_5, %dot_general3A_13 : vector<2000x128xf32>
    %get3A_14 = arith.constant 0 : index
    %get3A_15 = arith.constant 0 : index
    %get3A_16 = vector.load %arg5[%get3A_14, %get3A_15] : memref<1x128xf32, #tpu.memory_space<vmem>>, vector<1x128xf32>
    %add3A_17 = vector.broadcast %get3A_16 : vector<1x128xf32> to vector<2000x128xf32>
    %add3A_18 = arith.addf %add3A, %add3A_17 : vector<2000x128xf32>
    %max3A = arith.constant 0.000000e+00 : f32
    %max3A_19 = vector.broadcast %max3A : f32 to vector<2000x128xf32>
    %max3A_20 = arith.maximumf %add3A_18, %max3A_19 : vector<2000x128xf32>
    %swap3A = arith.constant 0 : index
    %swap3A_21 = arith.constant 0 : index
    %swap3A_22 = vector.load %arg6[%swap3A, %swap3A_21] : memref<2000x128xf32, #tpu.memory_space<vmem>>, vector<2000x128xf32>
    tpu.vector_store %arg6[%swap3A, %swap3A_21], %max3A_20 {strides = array<i32>} : memref<2000x128xf32, #tpu.memory_space<vmem>>, vector<2000x128xf32>,
    return
  }
  func.func @transform_0(%arg0: i32) -> (i32, i32) {
    %c0_i32 = arith.constant 0 : i32
    %c0_i32_0 = arith.constant 0 : i32
    return %arg0, %c0_i32 : i32, i32
  }
  func.func @transform_1(%arg0: i32) -> (i32, i32) {
    %c0_i32 = arith.constant 0 : i32
    %c0_i32_0 = arith.constant 0 : i32
    return %arg0, %c0_i32 : i32, i32
  }
  func.func @transform_2(%arg0: i32) -> (i32, i32) {
    %c0_i32 = arith.constant 0 : i32
    %c0_i32_0 = arith.constant 0 : i32
    %c0_i32_1 = arith.constant 0 : i32
    return %c0_i32, %c0_i32_0 : i32, i32
  }
  func.func @transform_3(%arg0: i32) -> (i32, i32) {
    %c0_i32 = arith.constant 0 : i32
    %c0_i32_0 = arith.constant 0 : i32
    %c0_i32_1 = arith.constant 0 : i32
    return %c0_i32, %c0_i32_0 : i32, i32
  }
  func.func @transform_4(%arg0: i32) -> (i32, i32) {
    %c0_i32 = arith.constant 0 : i32
    %c0_i32_0 = arith.constant 0 : i32
    %c0_i32_1 = arith.constant 0 : i32
    return %c0_i32, %c0_i32_0 : i32, i32
  }
  func.func @transform_5(%arg0: i32) -> (i32, i32) {
    %c0_i32 = arith.constant 0 : i32
    %c0_i32_0 = arith.constant 0 : i32
    return %arg0, %c0_i32 : i32, i32
  }
}

</mosaic_0001>

<sc_bundles>
// kernel: kernel.4.cloned.1.call-start
scs
__scs_entry_jumppad:
0x0: {  	(pc) =	sbr.rel $0x88, $3  }
0x1: {  	(tag) =	ssettag $0x0;
	lr =	simm.s32 $0x1  }
0x2: {  	[smem:$0x3F9D] =	sst lr;
	_ =	strace $0xD0000000  }
0x3: {  	_ = 	snop  }
0x4: {  	_ = 	snop  }
0x5: {  	_ = 	snop  }
0x6: {  	_ = 	snop  }
0x7: {  	_ = 	snop  }
__scs_overlays_trampoline_lowered:
0x8: {  	[smem:$0x3FAC] =	sst s0  }
0x9: {  	[smem:$0x3FAD] =	sst s1  }
0xa: {  	[smem:$0x3FAE] =	sst s2  }
0xb: {  	[smem:$0x3FAF] =	sst s3  }
0xc: {  	[smem:$0x3FB0] =	sst s4  }
0xd: {  	[smem:$0x3FB1] =	sst s5  }
0xe: {  	[smem:$0x3FB2] =	sst s6  }
0xf: {  	[smem:$0x3FB3] =	sst s7  }
0x10: {  	[smem:$0x3FB4] =	sst s8  }
0x11: {  	[smem:$0x3FB5] =	sst s9;
	s0 =	simm.s32 @!p0 $0x0  }
0x12: {  	s1 =	sld [smem:$0x3F9B];
	s0 =	simm.s32 @p0 $0x1  }
0x13: {  	[smem:$0x3FB6] =	sst s0;
	s0 =	simm.s32 @!p1 $0x0  }
0x14: {  	s2 =	sld [smem:$0x3F9A];
	s0 =	simm.s32 @p1 $0x1  }
0x15: {  	[smem:$0x3FB7] =	sst s0;
	s0 =	simm.s32 @!p2 $0x0  }
0x16: {  	s3 =	sld [smem:$0x3FDB];
	s0 =	simm.s32 @p2 $0x1  }
0x17: {  	s4 =	simm.s32 $0x1BF5;
	[smem:$0x3FB9] =	sst s0  }
0x18: {  	s0 =	sld [smem:$0x3F9C];
	_ =	swait.ge [sflag:s4], $0x0  }
0x19: {  	s7 =	sld [smem:$0x3F9D]  }
0x1a: {  	s8 =	sadd.s32 $0xFFFFE003, lr  }
0x1b: {  	s9 =	sadd.s32 $0xFFFFFEF7, lr;
	s5 =	simm.s32 $0xFFFFFFFF;
	p2 =	slt.u32 s8, $0xFFFFF086  }
0x1c: {  	p1 =	slt.u32 s9, $0xF7A;
	s5 =	simm.s32 @!p2 $0x0  }
0x1d: {  	s5 =	simm.s32 @p1 $0x1;
	p0 =	seq.s32 s7, s2  }
0x1e: {  	s7 =	smul.u32 @!p0 $0xF7A, s2;
	p2 =	seq.s32 @!p0 s5, $0x0  }
0x1f: {  	s9 =	smul.u32 $0xF7A, s1;
	s8 =	simm.s32 @!p0 $0x1BF5;
	p2 =	por !p2, p0  }
0x20: {  	[sflag:s8] =	ssyncset.s32 @!p0 $0xFFFFF086;
	s6 =	sadd.s32 @!p0 s3, s7;
	s7 =	simm.s32 @!p0 $0x108  }
0x21: {  	s3 =	sadd.s32 s3, s9;
	s6 =	sadd.s32 @!p0 $0x88, s6;
	s7 =	simm.s32 @p2 $0x1082  }
0x22: {  	[simem:s7], [sflag:s8] =	dma.local @!p0 [hbm:s6], $0xF7A  }
0x23: {  	s9 =	sor.u32 $0xD0000000, s2;
	s6 =	simm.s32 $0x108;
	_ =	swait.ge @!p0 [sflag:s8], $0x0  }
0x24: {  	s3 =	sadd.s32 $0x88, s3;
	s6 =	simm.s32 @!p1 $0x1082;
	[sflag:s4] =	ssyncset.s32 $0xFFFFF086  }
0x25: {  	[simem:s6], [sflag:s4] =	dma.local [hbm:s3], $0xF7A  }
0x26: {  	[smem:$0x3F9D] =	sst s1;
	(tag) =	ssettag s2;
	_ =	strace s9  }
0x27: {  	s1 =	sld [smem:$0x3FAD]  }
0x28: {  	s2 =	sld [smem:$0x3FAE]  }
0x29: {  	s4 =	sld [smem:$0x3FB0]  }
0x2a: {  	p0 =	seq.s32 s5, $0x0;
	s5 =	sld [smem:$0x3FB1]  }
0x2b: {  	s6 =	sld [smem:$0x3FB2]  }
0x2c: {  	s7 =	sld [smem:$0x3FB3]  }
0x2d: {  	s3 =	simm.s32 $0x108;
	s8 =	sld [smem:$0x3FB4]  }
0x2e: {  	s3 =	simm.s32 @!p0 $0x1082;
	s9 =	sld [smem:$0x3FB5]  }
0x2f: {  	lr =	sadd.s32 s0, s3;
	s0 =	sld [smem:$0x3FAC]  }
0x30: {  	s3 =	sld [smem:$0x3FAF]  }
0x31: {  	[smem:$0x3FB8] =	sst s10  }
0x32: {  	s10 =	sld [smem:$0x3FB6];
	_ =	sdelay $0x3  }
0x33: {  	p0 =	seq.s32 s10, $0x1;
	s10 =	sld [smem:$0x3FB8];
	_ =	sdelay $0x3  }
0x34: {  	[smem:$0x3FB8] =	sst s10  }
0x35: {  	s10 =	sld [smem:$0x3FB7];
	_ =	sdelay $0x3  }
0x36: {  	p1 =	seq.s32 s10, $0x1;
	s10 =	sld [smem:$0x3FB8];
	_ =	sdelay $0x3  }
0x37: {  	[smem:$0x3FB8] =	sst s10  }
0x38: {  	s10 =	sld [smem:$0x3FB9]  }
0x39: {  	_ = 	snop;
	(pc) =	sbr.ind lr, $3  }
0x3a: {  	_ = 	snop  }
0x3b: {  	_ = 	snop  }
0x3c: {  	p2 =	seq.s32 s10, $0x1;
	s10 =	sld [smem:$0x3FB8]  }
0x3d: {  	_ =	shalt  }
0x3e: {  	_ =	shalt  }
0x3f: {  	_ =	shalt  }
0x40: {  	_ =	shalt  }
0x41: {  	_ =	shalt  }
0x42: {  	_ =	shalt  }
0x43: {  	_ =	shalt  }
0x44: {  	_ =	shalt  }
0x45: {  	_ =	shalt  }
0x46: {  	_ =	shalt  }
0x47: {  	_ =	shalt  }
0x48: {  	_ =	shalt  }
0x49: {  	_ =	shalt  }
0x4a: {  	_ =	shalt  }
0x4b: {  	_ =	shalt  }
0x4c: {  	_ =	shalt  }
0x4d: {  	_ =	shalt  }
0x4e: {  	_ =	shalt  }
0x4f: {  	_ =	shalt  }
0x50: {  	_ =	shalt  }
0x51: {  	_ =	shalt  }
0x52: {  	_ =	shalt  }
0x53: {  	_ =	shalt  }
0x54: {  	_ =	shalt  }
0x55: {  	_ =	shalt  }
0x56: {  	_ =	shalt  }
0x57: {  	_ =	shalt  }
0x58: {  	_ =	shalt  }
0x59: {  	_ =	shalt  }
0x5a: {  	_ =	shalt  }
0x5b: {  	_ =	shalt  }
0x5c: {  	_ =	shalt  }
0x5d: {  	_ =	shalt  }
0x5e: {  	_ =	shalt  }
0x5f: {  	_ =	shalt  }
0x60: {  	_ =	shalt  }
0x61: {  	_ =	shalt  }
0x62: {  	_ =	shalt  }
0x63: {  	_ =	shalt  }
0x64: {  	_ =	shalt  }
0x65: {  	_ =	shalt  }
0x66: {  	_ =	shalt  }
0x67: {  	_ =	shalt  }
0x68: {  	_ =	shalt  }
0x69: {  	_ =	shalt  }
0x6a: {  	_ =	shalt  }
0x6b: {  	_ =	shalt  }
0x6c: {  	_ =	shalt  }
0x6d: {  	_ =	shalt  }
0x6e: {  	_ =	shalt  }
0x6f: {  	_ =	shalt  }
0x70: {  	_ =	shalt  }
0x71: {  	_ =	shalt  }
0x72: {  	_ =	shalt  }
0x73: {  	_ =	shalt  }
0x74: {  	_ =	shalt  }
0x75: {  	_ =	shalt  }
0x76: {  	_ =	shalt  }
0x77: {  	_ =	shalt  }
0x78: {  	_ =	shalt  }
0x79: {  	_ =	shalt  }
0x7a: {  	_ =	shalt  }
0x7b: {  	_ =	shalt  }
0x7c: {  	_ =	shalt  }
0x7d: {  	_ =	shalt  }
0x7e: {  	_ =	shalt  }
0x7f: {  	_ =	shalt  }
0x80: {  	_ =	shalt  }
0x81: {  	_ =	shalt  }
0x82: {  	_ =	shalt  }
0x83: {  	_ =	shalt  }
0x84: {  	_ =	shalt  }
0x85: {  	_ =	shalt  }
0x86: {  	_ =	shalt  }
0x87: {  	_ =	shalt  }
.Lfunc_end0:
.L_simem_size_0:
called_computation_lowered:
.L_overlay_start_0:
0x88: {  	s2 =	sld [smem:$0x3FD9]  }
0x89: {  	s3 =	sld [smem:$0x3FFE];
	_ =	sdelay $0x1  }
0x8a: {  	s1 =	srdreg.scid  }
0x8b: {  	s0 =	sand.u32 $0x1, s1  }
0x8c: {  	s17 =	sshll.u32 s0, $0xA;
	s2 =	sadd.s32 s3, s2  }
0x8d: {  	s2 =	sadd.s32 s2, s17  }
0x8e: {  	[smem:$0x3FC4] =	sst s2  }
0x8f: {  	_ = 	snop  }
0x90: {  	s2 =	sld [smem:$0x3FC9]  }
0x91: {  	s18 =	sld [smem:$0x3FD0];
	(tm) =	ssettm $0x1  }
0x92: {  	s4 =	sld [smem:$0x3FFB];
	_ =	sdelay $0x3  }
0x93: {  	_ =	strace s4  }
0x94: {  	s4 =	sld [smem:$0x3FFC];
	_ =	sdelay $0x3  }
0x95: {  	_ =	strace s4  }
0x96: {  	s4 =	sld [smem:$0x3FFD];
	_ =	sdelay $0x3  }
0x97: {  	_ =	strace s4  }
0x98: {  	_ =	strace $0x8FFFFFFF  }
0x99: {  	s19 =	sld [smem:$0x3FDB];
	_ =	sdelay $0x1  }
0x9a: {  	s5 =	simm.s32 $_scs_section_size  }
0x9b: {  	s6 =	simm.s32 $_size__tile_overlayer_lowered;
	s7 =	simm.s32 $_tile_overlayer_lowered  }
0x9c: {  	s22 =	simm.s32 $0x1BFF;
	s21 =	sshll.u32 s7, $0x1;
	s4 =	sadd.s32 s5, s19  }
0x9d: {  	s8 =	simm.s32 $0x0;
	s20 =	sshll.u32 s6, $0x1;
	s6 =	sadd.s32 s21, s4  }
0x9e: {  	[timem:s8], [sflag:s22] =	dma.local [hbm:s6], s20  }
0x9f: {  	_ =	swait.ge [sflag:s22], s20  }
0xa0: {  	s5 =	ssub.s32 $0x0, s20;
	[sflag:s22] =	ssyncset.done $0x0  }
0xa1: {  	[sflag:s22] =	ssyncadd.s32 s5;
	_ =	sdelay $0x1  }
0xa2: {  	s23 =	simm.s32 $0x1B8B  }
0xa3: {  	_ =	swait.ge [sflag:s23], $0x1  }
0xa4: {  	[sflag:s23] =	ssyncset.done $0x0  }
0xa5: {  	s25 =	simm.s32 $0x1B8E;
	s24 =	sld [smem:$0x3FFE];
	[sflag:s23] =	ssyncadd.s32 $0xFFFFFFFF  }
0xa6: {  	s26 =	simm.s32 $execute0_lowered;
	[smem:$0x3FD2] =	sst s25  }
0xa7: {  	s6 =	sshll.u32 s26, $0x1;
	_ =	strace $0x80000046;
	[dreg:$0x1] =	wrdreg $0xFFFFFFFF  }
0xa8: {  	s28 =	simm.s32 $_size_execute0_lowered;
	s4 =	sadd.s32 s4, s6;
	[dreg:$0x0] =	wrdreg $0x0  }
0xa9: {  	s6 =	sshll.u32 s28, $0x1;
	[dreg:$0x2] =	wrdreg s4  }
0xaa: {  	[dreg:$0x3] =	wrdreg s6  }
0xab: {  	[dreg:$0x4] =	wrdreg $0xC0  }
0xac: {  	_ =	task [dreg:s8], $0x5FFFF  }
0xad: {  	[dreg:$0x1] =	wrdreg $0xFFFFFFFF  }
0xae: {  	[dreg:$0x0] =	wrdreg $0x60  }
0xaf: {  	[dreg:$0x2] =	wrdreg s2  }
0xb0: {  	[dreg:$0x3] =	wrdreg s18  }
0xb1: {  	[dreg:$0x4] =	wrdreg s24  }
0xb2: {  	[dreg:$0x5] =	wrdreg $0x9  }
0xb3: {  	_ =	task.clear_ibuf [dreg:s8], $0x6FFFF;
	_ =	strace $0x90000046  }
0xb4: {  	s29 =	simm.s32 $0x9;
	_ =	strace $0x80000048  }
0xb5: {  	_ =	swait.ge [sflag:s29], $0x1  }
0xb6: {  	[sflag:s29] =	ssyncadd.s32 $0xFFFFFFFF  }
0xb7: {  	_ =	strace $0x90000048  }
0xb8: {  	_ =	sfence  }
0xb9: {  	s30 =	sld [smem:$0x0];
	_ =	sdelay $0x2  }
0xba: {  	s31 =	sshll.u32 s1, $0xD;
	s1 =	sshrl.u32 s1, $0x2  }
0xbb: {  	s3 =	sand.u32 $0x4000, s31;
	s1 =	sadd.s32 s1, s30  }
0xbc: {  	s0 =	sor.u32 s3, s0;
	s1 =	sshll.u32 s1, $0x11  }
0xbd: {  	s0 =	sor.u32 s1, s0  }
0xbe: {  	s0 =	sadd.s32 $0x8F2B, s0  }
0xbf: {  	[sflag:s0] =	ssyncadd.remote.s32 $0x1  }
0xc0: {  	_ =	sfence.sel $0xFFFF  }
0xc1: {  	[dreg:$0x0] =	wrdreg $0xFFFFFFFF;
	(pc) =	sbr.abs _section_cstart, $3  }
0xc2: {  	[dreg:$0x1] =	wrdreg $0xFFFFFFFF  }
0xc3: {  	_ =	task.clear_ibuf [dreg:s8], $0x2FFFF;
	_ =	strace $0x9FFFFFFF  }
0xc4: {  	(tm) =	ssettm $0x7FFFFFFF  }
0xc5: {  	_ =	shalt  }
tec
execute0_lowered:
.L_overlay_start_1:
0x0: {  	(tag) =	ssettag $0x1  }
0x1: {  	s1 =	rddreg [dreg:$0x0]  }
0x2: {  	s5 =	rddreg [dreg:$0x1];
	s2 =	srdreg.scid  }
0x3: {  	s0 =	stileid.u32;
	s4 =	rddreg [dreg:$0x2];
	s3 =	simm.s32 $0x0  }
0x4: {  	s11 =	simm.s32 $0x2880;
	s12 =	simm.s32 $0x2800;
	s13 =	simm.s32 $0x5080  }
0x5: {  	s14 =	simm.s32 $0x80;
	s15 =	simm.s32 $0x5100;
	s16 =	simm.s32 $0x9100  }
0x6: {  	s17 =	simm.s32 $0xD100;
	s18 =	simm.s32 $0x11100;
	s19 =	simm.s32 $0x1  }
0x7: {  	s20 =	simm.s32 $0x15100;
	s6 =	sand.u32 $0x1, s2;
	s7 =	sshll.u32 s0, $0x1  }
0x8: {  	s21 =	simm.s32 $0x2;
	s22 =	simm.s32 $0x0;
	s8 =	sor.u32 s6, s7  }
0x9: {  	[smem:$0x7FF] =	sst s3;
	s6 =	ssub.s32 $0x2, s6;
	s7 =	smul.u32 $0x500, s8  }
0xa: {  	s2 =	rddreg [dreg:$0x3];
	_ =	strace $0x80000047;
	s9 =	sshrl.u32 s6, $0x1  }
0xb: {  	s10 =	sadd.s32 s7, s4;
	s5 =	sadd.s32 s5, s7;
	s7 =	smul.u32 $0x14000, s8  }
0xc: {  	s9 =	ssub.s32 s6, s9;
	s4 =	sadd.s32 $0xBA00, s4;
	s8 =	smul.u32 $0x50, s8  }
0xd: {  	s9 =	smax.u32 s9, $0x1;
	s6 =	sadd.s32 $0x1A00, s10;
	s10 =	simm.s32 $0x3  }
.LBB2_1:
0xe: {  	[tilespmem:s3], [sflag:$0x3] =	stream.linear.gather [hbm4b:s5+s3], $0x2800, $0x38;
	[tilespmem:$0x15500] =	vst v63  }
0xf: {  	_ =	swait.ge [sflag:s10], $0x2800  }
0x10: {  	[sflag:s10] =	ssyncset.done $0x0  }
0x11: {  	[sflag:s10] =	ssyncadd.s32 $0xFFFFD800  }
0x12: {  	[tilespmem:s11], [sflag:$0x3] =	stream.linear.gather [hbm4b:s6+s3], $0x2800, $0x38;
	[tilespmem:$0x15500] =	vst v63  }
0x13: {  	_ =	swait.ge [sflag:s10], $0x2800  }
0x14: {  	[sflag:s10] =	ssyncset.done $0x0  }
0x15: {  	[sflag:s10] =	ssyncadd.s32 $0xFFFFD800  }
0x16: {  	[tilespmem:s12], [sflag:$0x3] =	stream.linear.gather [hbm4b:s5+s3], $0x80, $0x38;
	[tilespmem:$0x15500] =	vst v63  }
0x17: {  	_ =	swait.ge [sflag:s10], $0x80  }
0x18: {  	[sflag:s10] =	ssyncset.done $0x0  }
0x19: {  	[sflag:s10] =	ssyncadd.s32 $0xFFFFFF80  }
0x1a: {  	[tilespmem:s13], [sflag:$0x3] =	stream.linear.gather [hbm4b:s6+s3], $0x80, $0x38;
	[tilespmem:$0x15500] =	vst v63  }
0x1b: {  	_ =	swait.ge [sflag:s10], $0x80  }
0x1c: {  	[sflag:s10] =	ssyncset.done $0x0  }
0x1d: {  	[sflag:s10] =	ssyncadd.s32 $0xFFFFFF80  }
0x1e: {  	[tilespmem:s15], [sflag:$0x1] =	stream.indirect.gather [hbm4b:s1+s14], $0x80, s3, s14, $0xb8;
	[tilespmem:$0x15500] =	vst v63  }
0x1f: {  	s23 =	simm.s32 $0x0  }
0x20: {  	[tilespmem:s16], [sflag:$0x1] =	stream.indirect.gather [hbm4b:s1+s14], $0x80, s11, s14, $0xb8;
	[tilespmem:$0x15500] =	vst v63  }
.LBB2_2:
0x21: {  	s24 =	sshllo.u32 s23, $0x1  }
0x22: {  	s25 =	sshll.u32 s24, $0x7  }
0x23: {  	[tilespmem:s17], [sflag:$0x2] =	stream.indirect.gather [hbm4b:s1+s14], $0x80, s25, s14, $0xb8;
	[tilespmem:$0x15500] =	vst v63  }
0x24: {  	s25 =	sadd.s32 $0x2880, s25  }
0x25: {  	[tilespmem:s18], [sflag:$0x2] =	stream.indirect.gather [hbm4b:s1+s14], $0x80, s25, s14, $0xb8;
	[tilespmem:$0x15500] =	vst v63  }
0x26: {  	_ =	swait.ge [sflag:s19], $0x4000  }
0x27: {  	[sflag:s19] =	ssyncset.done $0x0  }
0x28: {  	[sflag:s19] =	ssyncadd.s32 $0xFFFFC000  }
0x29: {  	_ =	swait.ge [sflag:s19], $0x4000  }
0x2a: {  	[sflag:s19] =	ssyncset.done $0x0  }
0x2b: {  	s25 =	simm.s32 $0x0;
	[sflag:s19] =	ssyncadd.s32 $0xFFFFC000  }
.LBB2_3:
0x2c: {  	s26 =	sshll.u32 s25, $0xB  }
0x2d: {  	v0 =	vld [tilespmem:s26+$0x5100]  }
0x2e: {  	v1 =	vld [tilespmem:s26+$0x9100]  }
0x2f: {  	v2 =	vld [tilespmem:s26+$0x5180]  }
0x30: {  	v3 =	vld [tilespmem:s26+$0x9180]  }
0x31: {  	v4 =	vld [tilespmem:s26+$0x5200]  }
0x32: {  	v5 =	vld [tilespmem:s26+$0x9200]  }
0x33: {  	v6 =	vld [tilespmem:s26+$0x5280]  }
0x34: {  	v7 =	vld [tilespmem:s26+$0x9280]  }
0x35: {  	v8 =	vld [tilespmem:s26+$0x5300]  }
0x36: {  	v9 =	vld [tilespmem:s26+$0x9300]  }
0x37: {  	v10 =	vld [tilespmem:s26+$0x5380]  }
0x38: {  	v11 =	vld [tilespmem:s26+$0x9380]  }
0x39: {  	v12 =	vld [tilespmem:s26+$0x5400]  }
0x3a: {  	v13 =	vld [tilespmem:s26+$0x9400]  }
0x3b: {  	v14 =	vld [tilespmem:s26+$0x5480]  }
0x3c: {  	v15 =	vld [tilespmem:s26+$0x9480]  }
0x3d: {  	v16 =	vld [tilespmem:s26+$0x5500]  }
0x3e: {  	v17 =	vld [tilespmem:s26+$0x9500]  }
0x3f: {  	v18 =	vld [tilespmem:s26+$0x5580]  }
0x40: {  	v19 =	vld [tilespmem:s26+$0x9580]  }
0x41: {  	v20 =	vld [tilespmem:s26+$0x5600]  }
0x42: {  	v21 =	vld [tilespmem:s26+$0x9600]  }
0x43: {  	v51 =	vld [tilespmem:s26+$0x5680];
	v0 =	vsub.f32 v0, v1;
	v50 =	vsub.f32 v2, v3  }
0x44: {  	v53 =	vld [tilespmem:s26+$0x9680];
	v52 =	vsub.f32 v4, v5  }
0x45: {  	v55 =	vld [tilespmem:s26+$0x5700];
	v54 =	vsub.f32 v6, v7;
	v0 =	vmax.f32 v0, v50  }
0x46: {  	v57 =	vld [tilespmem:s26+$0x9700];
	v56 =	vsub.f32 v8, v9;
	v0 =	vmax.f32 v0, v52  }
0x47: {  	v59 =	vld [tilespmem:s26+$0x5780];
	v58 =	vsub.f32 v10, v11;
	v0 =	vmax.f32 v0, v54  }
0x48: {  	v61 =	vld [tilespmem:s26+$0x9780];
	v60 =	vsub.f32 v12, v13;
	v0 =	vmax.f32 v0, v56  }
0x49: {  	v63 =	vld [tilespmem:s26+$0x5800];
	v62 =	vsub.f32 v14, v15;
	v0 =	vmax.f32 v0, v58  }
0x4a: {  	v23 =	vld [tilespmem:s26+$0x5880];
	v16 =	vsub.f32 v16, v17;
	v0 =	vmax.f32 v0, v60  }
0x4b: {  	v17 =	vld [tilespmem:s26+$0x9800];
	v22 =	vsub.f32 v18, v19;
	v0 =	vmax.f32 v0, v62  }
0x4c: {  	v25 =	vld [tilespmem:s26+$0x9880];
	v24 =	vsub.f32 v20, v21;
	v0 =	vmax.f32 v0, v16  }
0x4d: {  	v26 =	vsub.f32 v51, v53;
	v0 =	vmax.f32 v0, v22  }
0x4e: {  	v27 =	vsub.f32 v55, v57;
	v0 =	vmax.f32 v0, v24  }
0x4f: {  	v28 =	vsub.f32 v59, v61;
	v0 =	vmax.f32 v0, v26  }
0x50: {  	v29 =	vsub.f32 v63, v17;
	v0 =	vmax.f32 v0, v27  }
0x51: {  	v30 =	vsub.f32 v23, v25;
	v0 =	vmax.f32 v0, v28  }
0x52: {  	s28 =	sshll.u32 s25, $0x7;
	v0 =	vmax.f32 v0, v29  }
0x53: {  	s28 =	sand.u32 $0x3FFFFF80, s28;
	v0 =	vmax.f32 v0, v30  }
0x54: {  	[tilespmem:s28+$0x15100] =	vst v0  }
0x55: {  	v0 =	vld [tilespmem:s26+$0x5110]  }
0x56: {  	v31 =	vld [tilespmem:s26+$0x9110]  }
0x57: {  	v32 =	vld [tilespmem:s26+$0x5190]  }
0x58: {  	v33 =	vld [tilespmem:s26+$0x9190]  }
0x59: {  	v34 =	vld [tilespmem:s26+$0x5210]  }
0x5a: {  	v35 =	vld [tilespmem:s26+$0x9210]  }
0x5b: {  	v36 =	vld [tilespmem:s26+$0x5290]  }
0x5c: {  	v37 =	vld [tilespmem:s26+$0x9290]  }
0x5d: {  	v38 =	vld [tilespmem:s26+$0x5310]  }
0x5e: {  	v39 =	vld [tilespmem:s26+$0x9310]  }
0x5f: {  	v40 =	vld [tilespmem:s26+$0x5390]  }
0x60: {  	v41 =	vld [tilespmem:s26+$0x9390]  }
0x61: {  	v42 =	vld [tilespmem:s26+$0x5410]  }
0x62: {  	v43 =	vld [tilespmem:s26+$0x9410]  }
0x63: {  	v44 =	vld [tilespmem:s26+$0x5490]  }
0x64: {  	v45 =	vld [tilespmem:s26+$0x9490]  }
0x65: {  	v46 =	vld [tilespmem:s26+$0x5510]  }
0x66: {  	v47 =	vld [tilespmem:s26+$0x9510]  }
0x67: {  	v48 =	vld [tilespmem:s26+$0x5590]  }
0x68: {  	v49 =	vld [tilespmem:s26+$0x9590]  }
0x69: {  	v50 =	vld [tilespmem:s26+$0x5610]  }
0x6a: {  	v51 =	vld [tilespmem:s26+$0x9610]  }
0x6b: {  	v53 =	vld [tilespmem:s26+$0x5690];
	v0 =	vsub.f32 v0, v31;
	v52 =	vsub.f32 v32, v33  }
0x6c: {  	v55 =	vld [tilespmem:s26+$0x9690];
	v54 =	vsub.f32 v34, v35  }
0x6d: {  	v57 =	vld [tilespmem:s26+$0x5710];
	v56 =	vsub.f32 v36, v37;
	v0 =	vmax.f32 v0, v52  }
0x6e: {  	v59 =	vld [tilespmem:s26+$0x9710];
	v58 =	vsub.f32 v38, v39;
	v0 =	vmax.f32 v0, v54  }
0x6f: {  	v61 =	vld [tilespmem:s26+$0x5790];
	v60 =	vsub.f32 v40, v41;
	v0 =	vmax.f32 v0, v56  }
0x70: {  	v63 =	vld [tilespmem:s26+$0x9790];
	v62 =	vsub.f32 v42, v43;
	v0 =	vmax.f32 v0, v58  }
0x71: {  	v22 =	vld [tilespmem:s26+$0x5810];
	v15 =	vsub.f32 v44, v45;
	v0 =	vmax.f32 v0, v60  }
0x72: {  	v24 =	vld [tilespmem:s26+$0x9810];
	v23 =	vsub.f32 v46, v47;
	v0 =	vmax.f32 v0, v62  }
0x73: {  	v26 =	vld [tilespmem:s26+$0x5890];
	v25 =	vsub.f32 v48, v49;
	v0 =	vmax.f32 v0, v15  }
0x74: {  	v28 =	vld [tilespmem:s26+$0x9890];
	v27 =	vsub.f32 v50, v51;
	v0 =	vmax.f32 v0, v23  }
0x75: {  	v29 =	vsub.f32 v53, v55;
	v0 =	vmax.f32 v0, v25  }
0x76: {  	v30 =	vsub.f32 v57, v59;
	v0 =	vmax.f32 v0, v27  }
0x77: {  	v31 =	vsub.f32 v61, v63;
	v0 =	vmax.f32 v0, v29  }
0x78: {  	v32 =	vsub.f32 v22, v24;
	v0 =	vmax.f32 v0, v30  }
0x79: {  	v33 =	vsub.f32 v26, v28;
	v0 =	vmax.f32 v0, v31  }
0x7a: {  	v0 =	vmax.f32 v0, v32  }
0x7b: {  	v0 =	vmax.f32 v0, v33  }
0x7c: {  	[tilespmem:s28+$0x15110] =	vst v0  }
0x7d: {  	v0 =	vld [tilespmem:s26+$0x5120]  }
0x7e: {  	v34 =	vld [tilespmem:s26+$0x9120]  }
0x7f: {  	v35 =	vld [tilespmem:s26+$0x51A0]  }
0x80: {  	v36 =	vld [tilespmem:s26+$0x91A0]  }
0x81: {  	v37 =	vld [tilespmem:s26+$0x5220]  }
0x82: {  	v38 =	vld [tilespmem:s26+$0x9220]  }
0x83: {  	v39 =	vld [tilespmem:s26+$0x52A0]  }
0x84: {  	v40 =	vld [tilespmem:s26+$0x92A0]  }
0x85: {  	v41 =	vld [tilespmem:s26+$0x5320]  }
0x86: {  	v42 =	vld [tilespmem:s26+$0x9320]  }
0x87: {  	v43 =	vld [tilespmem:s26+$0x53A0]  }
0x88: {  	v44 =	vld [tilespmem:s26+$0x93A0]  }
0x89: {  	v45 =	vld [tilespmem:s26+$0x5420]  }
0x8a: {  	v46 =	vld [tilespmem:s26+$0x9420]  }
0x8b: {  	v47 =	vld [tilespmem:s26+$0x54A0]  }
0x8c: {  	v48 =	vld [tilespmem:s26+$0x94A0]  }
0x8d: {  	v49 =	vld [tilespmem:s26+$0x5520]  }
0x8e: {  	v50 =	vld [tilespmem:s26+$0x9520]  }
0x8f: {  	v51 =	vld [tilespmem:s26+$0x55A0]  }
0x90: {  	v52 =	vld [tilespmem:s26+$0x95A0]  }
0x91: {  	v53 =	vld [tilespmem:s26+$0x5620]  }
0x92: {  	v54 =	vld [tilespmem:s26+$0x9620]  }
0x93: {  	v56 =	vld [tilespmem:s26+$0x56A0];
	v0 =	vsub.f32 v0, v34;
	v55 =	vsub.f32 v35, v36  }
0x94: {  	v58 =	vld [tilespmem:s26+$0x96A0];
	v57 =	vsub.f32 v37, v38  }
0x95: {  	v60 =	vld [tilespmem:s26+$0x5720];
	v59 =	vsub.f32 v39, v40;
	v0 =	vmax.f32 v0, v55  }
0x96: {  	v62 =	vld [tilespmem:s26+$0x9720];
	v61 =	vsub.f32 v41, v42;
	v0 =	vmax.f32 v0, v57  }
0x97: {  	v22 =	vld [tilespmem:s26+$0x57A0];
	v63 =	vsub.f32 v43, v44;
	v0 =	vmax.f32 v0, v59  }
0x98: {  	v24 =	vld [tilespmem:s26+$0x97A0];
	v23 =	vsub.f32 v45, v46;
	v0 =	vmax.f32 v0, v61  }
0x99: {  	v26 =	vld [tilespmem:s26+$0x5820];
	v25 =	vsub.f32 v47, v48;
	v0 =	vmax.f32 v0, v63  }
0x9a: {  	v28 =	vld [tilespmem:s26+$0x9820];
	v27 =	vsub.f32 v49, v50;
	v0 =	vmax.f32 v0, v23  }
0x9b: {  	v30 =	vld [tilespmem:s26+$0x58A0];
	v29 =	vsub.f32 v51, v52;
	v0 =	vmax.f32 v0, v25  }
0x9c: {  	v32 =	vld [tilespmem:s26+$0x98A0];
	v31 =	vsub.f32 v53, v54;
	v0 =	vmax.f32 v0, v27  }
0x9d: {  	v33 =	vsub.f32 v56, v58;
	v0 =	vmax.f32 v0, v29  }
0x9e: {  	v34 =	vsub.f32 v60, v62;
	v0 =	vmax.f32 v0, v31  }
0x9f: {  	v35 =	vsub.f32 v22, v24;
	v0 =	vmax.f32 v0, v33  }
0xa0: {  	v36 =	vsub.f32 v26, v28;
	v0 =	vmax.f32 v0, v34  }
0xa1: {  	v37 =	vsub.f32 v30, v32;
	v0 =	vmax.f32 v0, v35  }
0xa2: {  	v0 =	vmax.f32 v0, v36  }
0xa3: {  	v0 =	vmax.f32 v0, v37  }
0xa4: {  	[tilespmem:s28+$0x15120] =	vst v0  }
0xa5: {  	v0 =	vld [tilespmem:s26+$0x5130]  }
0xa6: {  	v38 =	vld [tilespmem:s26+$0x9130]  }
0xa7: {  	v39 =	vld [tilespmem:s26+$0x51B0]  }
0xa8: {  	v40 =	vld [tilespmem:s26+$0x91B0]  }
0xa9: {  	v41 =	vld [tilespmem:s26+$0x5230]  }
0xaa: {  	v42 =	vld [tilespmem:s26+$0x9230]  }
0xab: {  	v43 =	vld [tilespmem:s26+$0x52B0]  }
0xac: {  	v44 =	vld [tilespmem:s26+$0x92B0]  }
0xad: {  	v45 =	vld [tilespmem:s26+$0x5330]  }
0xae: {  	v46 =	vld [tilespmem:s26+$0x9330]  }
0xaf: {  	v47 =	vld [tilespmem:s26+$0x53B0]  }
0xb0: {  	v48 =	vld [tilespmem:s26+$0x93B0]  }
0xb1: {  	v49 =	vld [tilespmem:s26+$0x5430]  }
0xb2: {  	v50 =	vld [tilespmem:s26+$0x9430]  }
0xb3: {  	v51 =	vld [tilespmem:s26+$0x54B0]  }
0xb4: {  	v52 =	vld [tilespmem:s26+$0x94B0]  }
0xb5: {  	v53 =	vld [tilespmem:s26+$0x5530]  }
0xb6: {  	v54 =	vld [tilespmem:s26+$0x9530]  }
0xb7: {  	v55 =	vld [tilespmem:s26+$0x55B0]  }
0xb8: {  	v56 =	vld [tilespmem:s26+$0x95B0]  }
0xb9: {  	v57 =	vld [tilespmem:s26+$0x5630]  }
0xba: {  	v58 =	vld [tilespmem:s26+$0x9630]  }
0xbb: {  	v60 =	vld [tilespmem:s26+$0x56B0];
	v0 =	vsub.f32 v0, v38;
	v59 =	vsub.f32 v39, v40  }
0xbc: {  	v62 =	vld [tilespmem:s26+$0x96B0];
	v61 =	vsub.f32 v41, v42  }
0xbd: {  	v22 =	vld [tilespmem:s26+$0x5730];
	v63 =	vsub.f32 v43, v44;
	v0 =	vmax.f32 v0, v59  }
0xbe: {  	v24 =	vld [tilespmem:s26+$0x9730];
	v23 =	vsub.f32 v45, v46;
	v0 =	vmax.f32 v0, v61  }
0xbf: {  	v26 =	vld [tilespmem:s26+$0x57B0];
	v25 =	vsub.f32 v47, v48;
	v0 =	vmax.f32 v0, v63  }
0xc0: {  	v28 =	vld [tilespmem:s26+$0x97B0];
	v27 =	vsub.f32 v49, v50;
	v0 =	vmax.f32 v0, v23  }
0xc1: {  	v30 =	vld [tilespmem:s26+$0x5830];
	v29 =	vsub.f32 v51, v52;
	v0 =	vmax.f32 v0, v25  }
0xc2: {  	v32 =	vld [tilespmem:s26+$0x9830];
	v31 =	vsub.f32 v53, v54;
	v0 =	vmax.f32 v0, v27  }
0xc3: {  	v34 =	vld [tilespmem:s26+$0x58B0];
	v33 =	vsub.f32 v55, v56;
	v0 =	vmax.f32 v0, v29  }
0xc4: {  	v36 =	vld [tilespmem:s26+$0x98B0];
	v35 =	vsub.f32 v57, v58;
	v0 =	vmax.f32 v0, v31  }
0xc5: {  	v37 =	vsub.f32 v60, v62;
	v0 =	vmax.f32 v0, v33  }
0xc6: {  	v38 =	vsub.f32 v22, v24;
	v0 =	vmax.f32 v0, v35  }
0xc7: {  	v39 =	vsub.f32 v26, v28;
	v0 =	vmax.f32 v0, v37  }
0xc8: {  	v40 =	vsub.f32 v30, v32;
	v0 =	vmax.f32 v0, v38  }
0xc9: {  	v41 =	vsub.f32 v34, v36;
	v0 =	vmax.f32 v0, v39  }
0xca: {  	v0 =	vmax.f32 v0, v40  }
0xcb: {  	v0 =	vmax.f32 v0, v41  }
0xcc: {  	[tilespmem:s28+$0x15130] =	vst v0  }
0xcd: {  	v0 =	vld [tilespmem:s26+$0x5140]  }
0xce: {  	v42 =	vld [tilespmem:s26+$0x9140]  }
0xcf: {  	v43 =	vld [tilespmem:s26+$0x51C0]  }
0xd0: {  	v44 =	vld [tilespmem:s26+$0x91C0]  }
0xd1: {  	v45 =	vld [tilespmem:s26+$0x5240]  }
0xd2: {  	v46 =	vld [tilespmem:s26+$0x9240]  }
0xd3: {  	v47 =	vld [tilespmem:s26+$0x52C0]  }
0xd4: {  	v48 =	vld [tilespmem:s26+$0x92C0]  }
0xd5: {  	v49 =	vld [tilespmem:s26+$0x5340]  }
0xd6: {  	v50 =	vld [tilespmem:s26+$0x9340]  }
0xd7: {  	v51 =	vld [tilespmem:s26+$0x53C0]  }
0xd8: {  	v52 =	vld [tilespmem:s26+$0x93C0]  }
0xd9: {  	v53 =	vld [tilespmem:s26+$0x5440]  }
0xda: {  	v54 =	vld [tilespmem:s26+$0x9440]  }
0xdb: {  	v55 =	vld [tilespmem:s26+$0x54C0]  }
0xdc: {  	v56 =	vld [tilespmem:s26+$0x94C0]  }
0xdd: {  	v57 =	vld [tilespmem:s26+$0x5540]  }
0xde: {  	v58 =	vld [tilespmem:s26+$0x9540]  }
0xdf: {  	v59 =	vld [tilespmem:s26+$0x55C0]  }
0xe0: {  	v60 =	vld [tilespmem:s26+$0x95C0]  }
0xe1: {  	v61 =	vld [tilespmem:s26+$0x5640]  }
0xe2: {  	v62 =	vld [tilespmem:s26+$0x9640]  }
0xe3: {  	v22 =	vld [tilespmem:s26+$0x56C0];
	v0 =	vsub.f32 v0, v42;
	v63 =	vsub.f32 v43, v44  }
0xe4: {  	v24 =	vld [tilespmem:s26+$0x96C0];
	v23 =	vsub.f32 v45, v46  }
0xe5: {  	v26 =	vld [tilespmem:s26+$0x5740];
	v25 =	vsub.f32 v47, v48;
	v0 =	vmax.f32 v0, v63  }
0xe6: {  	v28 =	vld [tilespmem:s26+$0x9740];
	v27 =	vsub.f32 v49, v50;
	v0 =	vmax.f32 v0, v23  }
0xe7: {  	v30 =	vld [tilespmem:s26+$0x57C0];
	v29 =	vsub.f32 v51, v52;
	v0 =	vmax.f32 v0, v25  }
0xe8: {  	v32 =	vld [tilespmem:s26+$0x97C0];
	v31 =	vsub.f32 v53, v54;
	v0 =	vmax.f32 v0, v27  }
0xe9: {  	v34 =	vld [tilespmem:s26+$0x5840];
	v33 =	vsub.f32 v55, v56;
	v0 =	vmax.f32 v0, v29  }
0xea: {  	v36 =	vld [tilespmem:s26+$0x9840];
	v35 =	vsub.f32 v57, v58;
	v0 =	vmax.f32 v0, v31  }
0xeb: {  	v38 =	vld [tilespmem:s26+$0x58C0];
	v37 =	vsub.f32 v59, v60;
	v0 =	vmax.f32 v0, v33  }
0xec: {  	v40 =	vld [tilespmem:s26+$0x98C0];
	v39 =	vsub.f32 v61, v62;
	v0 =	vmax.f32 v0, v35  }
0xed: {  	v41 =	vsub.f32 v22, v24;
	v0 =	vmax.f32 v0, v37  }
0xee: {  	v42 =	vsub.f32 v26, v28;
	v0 =	vmax.f32 v0, v39  }
0xef: {  	v43 =	vsub.f32 v30, v32;
	v0 =	vmax.f32 v0, v41  }
0xf0: {  	v44 =	vsub.f32 v34, v36;
	v0 =	vmax.f32 v0, v42  }
0xf1: {  	v45 =	vsub.f32 v38, v40;
	v0 =	vmax.f32 v0, v43  }
0xf2: {  	v0 =	vmax.f32 v0, v44  }
0xf3: {  	v0 =	vmax.f32 v0, v45  }
0xf4: {  	[tilespmem:s28+$0x15140] =	vst v0  }
0xf5: {  	v0 =	vld [tilespmem:s26+$0x5150]  }
0xf6: {  	v46 =	vld [tilespmem:s26+$0x9150]  }
0xf7: {  	v47 =	vld [tilespmem:s26+$0x51D0]  }
0xf8: {  	v48 =	vld [tilespmem:s26+$0x91D0]  }
0xf9: {  	v49 =	vld [tilespmem:s26+$0x5250]  }
0xfa: {  	v50 =	vld [tilespmem:s26+$0x9250]  }
0xfb: {  	v51 =	vld [tilespmem:s26+$0x52D0]  }
0xfc: {  	v52 =	vld [tilespmem:s26+$0x92D0]  }
0xfd: {  	v53 =	vld [tilespmem:s26+$0x5350]  }
0xfe: {  	v54 =	vld [tilespmem:s26+$0x9350]  }
0xff: {  	v55 =	vld [tilespmem:s26+$0x53D0]  }
0x100: {  	v56 =	vld [tilespmem:s26+$0x93D0]  }
0x101: {  	v57 =	vld [tilespmem:s26+$0x5450]  }
0x102: {  	v58 =	vld [tilespmem:s26+$0x9450]  }
0x103: {  	v59 =	vld [tilespmem:s26+$0x54D0]  }
0x104: {  	v60 =	vld [tilespmem:s26+$0x94D0]  }
0x105: {  	v61 =	vld [tilespmem:s26+$0x5550]  }
0x106: {  	v62 =	vld [tilespmem:s26+$0x9550]  }
0x107: {  	v63 =	vld [tilespmem:s26+$0x55D0]  }
0x108: {  	v24 =	vld [tilespmem:s26+$0x95D0]  }
0x109: {  	v25 =	vld [tilespmem:s26+$0x5650]  }
0x10a: {  	v26 =	vld [tilespmem:s26+$0x9650]  }
0x10b: {  	v28 =	vld [tilespmem:s26+$0x56D0];
	v0 =	vsub.f32 v0, v46;
	v27 =	vsub.f32 v47, v48  }
0x10c: {  	v30 =	vld [tilespmem:s26+$0x96D0];
	v29 =	vsub.f32 v49, v50  }
0x10d: {  	v32 =	vld [tilespmem:s26+$0x5750];
	v31 =	vsub.f32 v51, v52;
	v0 =	vmax.f32 v0, v27  }
0x10e: {  	v34 =	vld [tilespmem:s26+$0x9750];
	v33 =	vsub.f32 v53, v54;
	v0 =	vmax.f32 v0, v29  }
0x10f: {  	v36 =	vld [tilespmem:s26+$0x57D0];
	v35 =	vsub.f32 v55, v56;
	v0 =	vmax.f32 v0, v31  }
0x110: {  	v38 =	vld [tilespmem:s26+$0x97D0];
	v37 =	vsub.f32 v57, v58;
	v0 =	vmax.f32 v0, v33  }
0x111: {  	v40 =	vld [tilespmem:s26+$0x5850];
	v39 =	vsub.f32 v59, v60;
	v0 =	vmax.f32 v0, v35  }
0x112: {  	v42 =	vld [tilespmem:s26+$0x9850];
	v41 =	vsub.f32 v61, v62;
	v0 =	vmax.f32 v0, v37  }
0x113: {  	v44 =	vld [tilespmem:s26+$0x58D0];
	v43 =	vsub.f32 v63, v24;
	v0 =	vmax.f32 v0, v39  }
0x114: {  	v45 =	vsub.f32 v25, v26;
	v46 =	vld [tilespmem:s26+$0x98D0];
	v0 =	vmax.f32 v0, v41  }
0x115: {  	v47 =	vsub.f32 v28, v30;
	v0 =	vmax.f32 v0, v43  }
0x116: {  	v48 =	vsub.f32 v32, v34;
	v0 =	vmax.f32 v0, v45  }
0x117: {  	v49 =	vsub.f32 v36, v38;
	v0 =	vmax.f32 v0, v47  }
0x118: {  	v50 =	vsub.f32 v40, v42;
	v0 =	vmax.f32 v0, v48  }
0x119: {  	v51 =	vsub.f32 v44, v46;
	v0 =	vmax.f32 v0, v49  }
0x11a: {  	v0 =	vmax.f32 v0, v50  }
0x11b: {  	v0 =	vmax.f32 v0, v51  }
0x11c: {  	[tilespmem:s28+$0x15150] =	vst v0  }
0x11d: {  	v0 =	vld [tilespmem:s26+$0x5160]  }
0x11e: {  	v52 =	vld [tilespmem:s26+$0x9160]  }
0x11f: {  	v53 =	vld [tilespmem:s26+$0x51E0]  }
0x120: {  	v54 =	vld [tilespmem:s26+$0x91E0]  }
0x121: {  	v55 =	vld [tilespmem:s26+$0x5260]  }
0x122: {  	v56 =	vld [tilespmem:s26+$0x9260]  }
0x123: {  	v57 =	vld [tilespmem:s26+$0x52E0]  }
0x124: {  	v58 =	vld [tilespmem:s26+$0x92E0]  }
0x125: {  	v59 =	vld [tilespmem:s26+$0x5360]  }
0x126: {  	v60 =	vld [tilespmem:s26+$0x9360]  }
0x127: {  	v61 =	vld [tilespmem:s26+$0x53E0]  }
0x128: {  	v62 =	vld [tilespmem:s26+$0x93E0]  }
0x129: {  	v63 =	vld [tilespmem:s26+$0x5460]  }
0x12a: {  	v24 =	vld [tilespmem:s26+$0x9460]  }
0x12b: {  	v25 =	vld [tilespmem:s26+$0x54E0]  }
0x12c: {  	v26 =	vld [tilespmem:s26+$0x94E0]  }
0x12d: {  	v27 =	vld [tilespmem:s26+$0x5560]  }
0x12e: {  	v28 =	vld [tilespmem:s26+$0x9560]  }
0x12f: {  	v29 =	vld [tilespmem:s26+$0x55E0]  }
0x130: {  	v30 =	vld [tilespmem:s26+$0x95E0]  }
0x131: {  	v31 =	vld [tilespmem:s26+$0x5660]  }
0x132: {  	v32 =	vld [tilespmem:s26+$0x9660]  }
0x133: {  	v34 =	vld [tilespmem:s26+$0x56E0];
	v0 =	vsub.f32 v0, v52;
	v33 =	vsub.f32 v53, v54  }
0x134: {  	v36 =	vld [tilespmem:s26+$0x96E0];
	v35 =	vsub.f32 v55, v56  }
0x135: {  	v38 =	vld [tilespmem:s26+$0x5760];
	v37 =	vsub.f32 v57, v58;
	v0 =	vmax.f32 v0, v33  }
0x136: {  	v40 =	vld [tilespmem:s26+$0x9760];
	v39 =	vsub.f32 v59, v60;
	v0 =	vmax.f32 v0, v35  }
0x137: {  	v42 =	vld [tilespmem:s26+$0x57E0];
	v41 =	vsub.f32 v61, v62;
	v0 =	vmax.f32 v0, v37  }
0x138: {  	v44 =	vld [tilespmem:s26+$0x97E0];
	v43 =	vsub.f32 v63, v24;
	v0 =	vmax.f32 v0, v39  }
0x139: {  	v46 =	vld [tilespmem:s26+$0x5860];
	v45 =	vsub.f32 v25, v26;
	v0 =	vmax.f32 v0, v41  }
0x13a: {  	v48 =	vld [tilespmem:s26+$0x9860];
	v47 =	vsub.f32 v27, v28;
	v0 =	vmax.f32 v0, v43  }
0x13b: {  	v50 =	vld [tilespmem:s26+$0x58E0];
	v49 =	vsub.f32 v29, v30;
	v0 =	vmax.f32 v0, v45  }
0x13c: {  	v51 =	vsub.f32 v31, v32;
	v52 =	vld [tilespmem:s26+$0x98E0];
	v0 =	vmax.f32 v0, v47  }
0x13d: {  	v53 =	vsub.f32 v34, v36;
	v0 =	vmax.f32 v0, v49  }
0x13e: {  	v54 =	vsub.f32 v38, v40;
	v0 =	vmax.f32 v0, v51  }
0x13f: {  	v55 =	vsub.f32 v42, v44;
	v0 =	vmax.f32 v0, v53  }
0x140: {  	v56 =	vsub.f32 v46, v48;
	v0 =	vmax.f32 v0, v54  }
0x141: {  	v57 =	vsub.f32 v50, v52;
	v0 =	vmax.f32 v0, v55  }
0x142: {  	v0 =	vmax.f32 v0, v56  }
0x143: {  	v0 =	vmax.f32 v0, v57  }
0x144: {  	[tilespmem:s28+$0x15160] =	vst v0  }
0x145: {  	v0 =	vld [tilespmem:s26+$0x5170]  }
0x146: {  	v58 =	vld [tilespmem:s26+$0x9170]  }
0x147: {  	v59 =	vld [tilespmem:s26+$0x51F0]  }
0x148: {  	v60 =	vld [tilespmem:s26+$0x91F0]  }
0x149: {  	v61 =	vld [tilespmem:s26+$0x5270]  }
0x14a: {  	v62 =	vld [tilespmem:s26+$0x9270]  }
0x14b: {  	v63 =	vld [tilespmem:s26+$0x52F0]  }
0x14c: {  	v24 =	vld [tilespmem:s26+$0x92F0]  }
0x14d: {  	v25 =	vld [tilespmem:s26+$0x5370]  }
0x14e: {  	v26 =	vld [tilespmem:s26+$0x9370]  }
0x14f: {  	v27 =	vld [tilespmem:s26+$0x53F0]  }
0x150: {  	v28 =	vld [tilespmem:s26+$0x93F0]  }
0x151: {  	v29 =	vld [tilespmem:s26+$0x5470]  }
0x152: {  	v30 =	vld [tilespmem:s26+$0x9470]  }
0x153: {  	v31 =	vld [tilespmem:s26+$0x54F0]  }
0x154: {  	v32 =	vld [tilespmem:s26+$0x94F0]  }
0x155: {  	v33 =	vld [tilespmem:s26+$0x5570]  }
0x156: {  	v34 =	vld [tilespmem:s26+$0x9570]  }
0x157: {  	v35 =	vld [tilespmem:s26+$0x55F0]  }
0x158: {  	v36 =	vld [tilespmem:s26+$0x95F0]  }
0x159: {  	v37 =	vld [tilespmem:s26+$0x5670]  }
0x15a: {  	v38 =	vld [tilespmem:s26+$0x9670]  }
0x15b: {  	v40 =	vld [tilespmem:s26+$0x56F0];
	v0 =	vsub.f32 v0, v58;
	v39 =	vsub.f32 v59, v60  }
0x15c: {  	v42 =	vld [tilespmem:s26+$0x96F0];
	v41 =	vsub.f32 v61, v62  }
0x15d: {  	v44 =	vld [tilespmem:s26+$0x5770];
	v43 =	vsub.f32 v63, v24;
	v0 =	vmax.f32 v0, v39  }
0x15e: {  	v46 =	vld [tilespmem:s26+$0x9770];
	v45 =	vsub.f32 v25, v26;
	v0 =	vmax.f32 v0, v41  }
0x15f: {  	v48 =	vld [tilespmem:s26+$0x57F0];
	v47 =	vsub.f32 v27, v28;
	v0 =	vmax.f32 v0, v43  }
0x160: {  	v50 =	vld [tilespmem:s26+$0x97F0];
	v49 =	vsub.f32 v29, v30;
	v0 =	vmax.f32 v0, v45  }
0x161: {  	v52 =	vld [tilespmem:s26+$0x5870];
	v51 =	vsub.f32 v31, v32;
	v0 =	vmax.f32 v0, v47  }
0x162: {  	v54 =	vld [tilespmem:s26+$0x9870];
	v53 =	vsub.f32 v33, v34;
	v0 =	vmax.f32 v0, v49  }
0x163: {  	v56 =	vld [tilespmem:s26+$0x58F0];
	v55 =	vsub.f32 v35, v36;
	v0 =	vmax.f32 v0, v51  }
0x164: {  	v57 =	vsub.f32 v37, v38;
	v58 =	vld [tilespmem:s26+$0x98F0];
	v0 =	vmax.f32 v0, v53  }
0x165: {  	v59 =	vsub.f32 v40, v42;
	v0 =	vmax.f32 v0, v55  }
0x166: {  	v60 =	vsub.f32 v44, v46;
	v0 =	vmax.f32 v0, v57  }
0x167: {  	p0 =	sne.s32 s25, $0x7;
	v61 =	vsub.f32 v48, v50;
	v0 =	vmax.f32 v0, v59  }
.Ltmp0:
0x168: {  	v62 =	vsub.f32 v52, v54;
	v0 =	vmax.f32 v0, v60;
	(pc) =	sbr.rel @p0 .LBB2_3-.Ltmp0, $4  }
0x169: {  	v63 =	vsub.f32 v56, v58;
	v0 =	vmax.f32 v0, v61  }
0x16a: {  	v0 =	vmax.f32 v0, v62  }
0x16b: {  	v0 =	vmax.f32 v0, v63  }
0x16c: {  	s25 =	sadd.s32 $0x1, s25;
	[tilespmem:s28+$0x15170] =	vst v0  }
0x16d: {  	s25 =	sshll.u32 s23, $0xB  }
0x16e: {  	s25 =	sadd.s32 s7, s25  }
0x16f: {  	s25 =	sshrl.u32 s25, $0x3  }
0x170: {  	s26 =	sadd.s32 s4, s25;
	s25 =	simm.s32 $0x0  }
0x171: {  	[hbm4b:s26+s25] =	stream.linear.scatter [tilespmem:s20], [sflag:$0x3], $0x400, $0x38;
	[tilespmem:$0x15500] =	vst v63  }
0x172: {  	_ =	swait.ge [sflag:s10], $0x400  }
0x173: {  	s31 =	sshll.u32 s23, $0x8;
	[sflag:s10] =	ssyncset.done $0x0  }
0x174: {  	s28 =	sadd.s32 $0x100, s31;
	[sflag:s10] =	ssyncadd.s32 $0xFFFFFC00  }
0x175: {  	[tilespmem:s15], [sflag:$0x1] =	stream.indirect.gather [hbm4b:s1+s14], $0x80, s28, s14, $0xb8;
	[tilespmem:$0x15500] =	vst v63  }
0x176: {  	s26 =	sadd.s32 $0x2980, s31  }
0x177: {  	[tilespmem:s16], [sflag:$0x1] =	stream.indirect.gather [hbm4b:s1+s14], $0x80, s26, s14, $0xb8;
	[tilespmem:$0x15500] =	vst v63  }
0x178: {  	_ =	swait.ge [sflag:s21], $0x4000  }
0x179: {  	[sflag:s21] =	ssyncset.done $0x0  }
0x17a: {  	[sflag:s21] =	ssyncadd.s32 $0xFFFFC000  }
0x17b: {  	_ =	swait.ge [sflag:s21], $0x4000  }
0x17c: {  	[sflag:s21] =	ssyncset.done $0x0  }
0x17d: {  	[sflag:s21] =	ssyncadd.s32 $0xFFFFC000  }
.LBB2_5:
0x17e: {  	s26 =	sshll.u32 s25, $0xB  }
0x17f: {  	v0 =	vld [tilespmem:s26+$0xD100]  }
0x180: {  	v1 =	vld [tilespmem:s26+$0x11100]  }
0x181: {  	v2 =	vld [tilespmem:s26+$0xD180]  }
0x182: {  	v3 =	vld [tilespmem:s26+$0x11180]  }
0x183: {  	v4 =	vld [tilespmem:s26+$0xD200]  }
0x184: {  	v5 =	vld [tilespmem:s26+$0x11200]  }
0x185: {  	v6 =	vld [tilespmem:s26+$0xD280]  }
0x186: {  	v7 =	vld [tilespmem:s26+$0x11280]  }
0x187: {  	v8 =	vld [tilespmem:s26+$0xD300]  }
0x188: {  	v9 =	vld [tilespmem:s26+$0x11300]  }
0x189: {  	v10 =	vld [tilespmem:s26+$0xD380]  }
0x18a: {  	v11 =	vld [tilespmem:s26+$0x11380]  }
0x18b: {  	v12 =	vld [tilespmem:s26+$0xD400]  }
0x18c: {  	v13 =	vld [tilespmem:s26+$0x11400]  }
0x18d: {  	v14 =	vld [tilespmem:s26+$0xD480]  }
0x18e: {  	v15 =	vld [tilespmem:s26+$0x11480]  }
0x18f: {  	v16 =	vld [tilespmem:s26+$0xD500]  }
0x190: {  	v17 =	vld [tilespmem:s26+$0x11500]  }
0x191: {  	v18 =	vld [tilespmem:s26+$0xD580]  }
0x192: {  	v19 =	vld [tilespmem:s26+$0x11580]  }
0x193: {  	v20 =	vld [tilespmem:s26+$0xD600]  }
0x194: {  	v21 =	vld [tilespmem:s26+$0x11600]  }
0x195: {  	v51 =	vld [tilespmem:s26+$0xD680];
	v0 =	vsub.f32 v0, v1;
	v50 =	vsub.f32 v2, v3  }
0x196: {  	v53 =	vld [tilespmem:s26+$0x11680];
	v52 =	vsub.f32 v4, v5  }
0x197: {  	v55 =	vld [tilespmem:s26+$0xD700];
	v54 =	vsub.f32 v6, v7;
	v0 =	vmax.f32 v0, v50  }
0x198: {  	v57 =	vld [tilespmem:s26+$0x11700];
	v56 =	vsub.f32 v8, v9;
	v0 =	vmax.f32 v0, v52  }
0x199: {  	v59 =	vld [tilespmem:s26+$0xD780];
	v58 =	vsub.f32 v10, v11;
	v0 =	vmax.f32 v0, v54  }
0x19a: {  	v61 =	vld [tilespmem:s26+$0x11780];
	v60 =	vsub.f32 v12, v13;
	v0 =	vmax.f32 v0, v56  }
0x19b: {  	v63 =	vld [tilespmem:s26+$0xD800];
	v62 =	vsub.f32 v14, v15;
	v0 =	vmax.f32 v0, v58  }
0x19c: {  	v23 =	vld [tilespmem:s26+$0xD880];
	v16 =	vsub.f32 v16, v17;
	v0 =	vmax.f32 v0, v60  }
0x19d: {  	v17 =	vld [tilespmem:s26+$0x11800];
	v22 =	vsub.f32 v18, v19;
	v0 =	vmax.f32 v0, v62  }
0x19e: {  	v25 =	vld [tilespmem:s26+$0x11880];
	v24 =	vsub.f32 v20, v21;
	v0 =	vmax.f32 v0, v16  }
0x19f: {  	v26 =	vsub.f32 v51, v53;
	v0 =	vmax.f32 v0, v22  }
0x1a0: {  	v27 =	vsub.f32 v55, v57;
	v0 =	vmax.f32 v0, v24  }
0x1a1: {  	v28 =	vsub.f32 v59, v61;
	v0 =	vmax.f32 v0, v26  }
0x1a2: {  	v29 =	vsub.f32 v63, v17;
	v0 =	vmax.f32 v0, v27  }
0x1a3: {  	v30 =	vsub.f32 v23, v25;
	v0 =	vmax.f32 v0, v28  }
0x1a4: {  	s28 =	sshll.u32 s25, $0x7;
	v0 =	vmax.f32 v0, v29  }
0x1a5: {  	s28 =	sand.u32 $0x3FFFFF80, s28;
	v0 =	vmax.f32 v0, v30  }
0x1a6: {  	[tilespmem:s28+$0x15100] =	vst v0  }
0x1a7: {  	v0 =	vld [tilespmem:s26+$0xD110]  }
0x1a8: {  	v31 =	vld [tilespmem:s26+$0x11110]  }
0x1a9: {  	v32 =	vld [tilespmem:s26+$0xD190]  }
0x1aa: {  	v33 =	vld [tilespmem:s26+$0x11190]  }
0x1ab: {  	v34 =	vld [tilespmem:s26+$0xD210]  }
0x1ac: {  	v35 =	vld [tilespmem:s26+$0x11210]  }
0x1ad: {  	v36 =	vld [tilespmem:s26+$0xD290]  }
0x1ae: {  	v37 =	vld [tilespmem:s26+$0x11290]  }
0x1af: {  	v38 =	vld [tilespmem:s26+$0xD310]  }
0x1b0: {  	v39 =	vld [tilespmem:s26+$0x11310]  }
0x1b1: {  	v40 =	vld [tilespmem:s26+$0xD390]  }
0x1b2: {  	v41 =	vld [tilespmem:s26+$0x11390]  }
0x1b3: {  	v42 =	vld [tilespmem:s26+$0xD410]  }
0x1b4: {  	v43 =	vld [tilespmem:s26+$0x11410]  }
0x1b5: {  	v44 =	vld [tilespmem:s26+$0xD490]  }
0x1b6: {  	v45 =	vld [tilespmem:s26+$0x11490]  }
0x1b7: {  	v46 =	vld [tilespmem:s26+$0xD510]  }
0x1b8: {  	v47 =	vld [tilespmem:s26+$0x11510]  }
0x1b9: {  	v48 =	vld [tilespmem:s26+$0xD590]  }
0x1ba: {  	v49 =	vld [tilespmem:s26+$0x11590]  }
0x1bb: {  	v50 =	vld [tilespmem:s26+$0xD610]  }
0x1bc: {  	v51 =	vld [tilespmem:s26+$0x11610]  }
0x1bd: {  	v53 =	vld [tilespmem:s26+$0xD690];
	v0 =	vsub.f32 v0, v31;
	v52 =	vsub.f32 v32, v33  }
0x1be: {  	v55 =	vld [tilespmem:s26+$0x11690];
	v54 =	vsub.f32 v34, v35  }
0x1bf: {  	v57 =	vld [tilespmem:s26+$0xD710];
	v56 =	vsub.f32 v36, v37;
	v0 =	vmax.f32 v0, v52  }
0x1c0: {  	v59 =	vld [tilespmem:s26+$0x11710];
	v58 =	vsub.f32 v38, v39;
	v0 =	vmax.f32 v0, v54  }
0x1c1: {  	v61 =	vld [tilespmem:s26+$0xD790];
	v60 =	vsub.f32 v40, v41;
	v0 =	vmax.f32 v0, v56  }
0x1c2: {  	v63 =	vld [tilespmem:s26+$0x11790];
	v62 =	vsub.f32 v42, v43;
	v0 =	vmax.f32 v0, v58  }
0x1c3: {  	v22 =	vld [tilespmem:s26+$0xD810];
	v15 =	vsub.f32 v44, v45;
	v0 =	vmax.f32 v0, v60  }
0x1c4: {  	v24 =	vld [tilespmem:s26+$0x11810];
	v23 =	vsub.f32 v46, v47;
	v0 =	vmax.f32 v0, v62  }
0x1c5: {  	v26 =	vld [tilespmem:s26+$0xD890];
	v25 =	vsub.f32 v48, v49;
	v0 =	vmax.f32 v0, v15  }
0x1c6: {  	v28 =	vld [tilespmem:s26+$0x11890];
	v27 =	vsub.f32 v50, v51;
	v0 =	vmax.f32 v0, v23  }
0x1c7: {  	v29 =	vsub.f32 v53, v55;
	v0 =	vmax.f32 v0, v25  }
0x1c8: {  	v30 =	vsub.f32 v57, v59;
	v0 =	vmax.f32 v0, v27  }
0x1c9: {  	v31 =	vsub.f32 v61, v63;
	v0 =	vmax.f32 v0, v29  }
0x1ca: {  	v32 =	vsub.f32 v22, v24;
	v0 =	vmax.f32 v0, v30  }
0x1cb: {  	v33 =	vsub.f32 v26, v28;
	v0 =	vmax.f32 v0, v31  }
0x1cc: {  	v0 =	vmax.f32 v0, v32  }
0x1cd: {  	v0 =	vmax.f32 v0, v33  }
0x1ce: {  	[tilespmem:s28+$0x15110] =	vst v0  }
0x1cf: {  	v0 =	vld [tilespmem:s26+$0xD120]  }
0x1d0: {  	v34 =	vld [tilespmem:s26+$0x11120]  }
0x1d1: {  	v35 =	vld [tilespmem:s26+$0xD1A0]  }
0x1d2: {  	v36 =	vld [tilespmem:s26+$0x111A0]  }
0x1d3: {  	v37 =	vld [tilespmem:s26+$0xD220]  }
0x1d4: {  	v38 =	vld [tilespmem:s26+$0x11220]  }
0x1d5: {  	v39 =	vld [tilespmem:s26+$0xD2A0]  }
0x1d6: {  	v40 =	vld [tilespmem:s26+$0x112A0]  }
0x1d7: {  	v41 =	vld [tilespmem:s26+$0xD320]  }
0x1d8: {  	v42 =	vld [tilespmem:s26+$0x11320]  }
0x1d9: {  	v43 =	vld [tilespmem:s26+$0xD3A0]  }
0x1da: {  	v44 =	vld [tilespmem:s26+$0x113A0]  }
0x1db: {  	v45 =	vld [tilespmem:s26+$0xD420]  }
0x1dc: {  	v46 =	vld [tilespmem:s26+$0x11420]  }
0x1dd: {  	v47 =	vld [tilespmem:s26+$0xD4A0]  }
0x1de: {  	v48 =	vld [tilespmem:s26+$0x114A0]  }
0x1df: {  	v49 =	vld [tilespmem:s26+$0xD520]  }
0x1e0: {  	v50 =	vld [tilespmem:s26+$0x11520]  }
0x1e1: {  	v51 =	vld [tilespmem:s26+$0xD5A0]  }
0x1e2: {  	v52 =	vld [tilespmem:s26+$0x115A0]  }
0x1e3: {  	v53 =	vld [tilespmem:s26+$0xD620]  }
0x1e4: {  	v54 =	vld [tilespmem:s26+$0x11620]  }
0x1e5: {  	v56 =	vld [tilespmem:s26+$0xD6A0];
	v0 =	vsub.f32 v0, v34;
	v55 =	vsub.f32 v35, v36  }
0x1e6: {  	v58 =	vld [tilespmem:s26+$0x116A0];
	v57 =	vsub.f32 v37, v38  }
0x1e7: {  	v60 =	vld [tilespmem:s26+$0xD720];
	v59 =	vsub.f32 v39, v40;
	v0 =	vmax.f32 v0, v55  }
0x1e8: {  	v62 =	vld [tilespmem:s26+$0x11720];
	v61 =	vsub.f32 v41, v42;
	v0 =	vmax.f32 v0, v57  }
0x1e9: {  	v22 =	vld [tilespmem:s26+$0xD7A0];
	v63 =	vsub.f32 v43, v44;
	v0 =	vmax.f32 v0, v59  }
0x1ea: {  	v24 =	vld [tilespmem:s26+$0x117A0];
	v23 =	vsub.f32 v45, v46;
	v0 =	vmax.f32 v0, v61  }
0x1eb: {  	v26 =	vld [tilespmem:s26+$0xD820];
	v25 =	vsub.f32 v47, v48;
	v0 =	vmax.f32 v0, v63  }
0x1ec: {  	v28 =	vld [tilespmem:s26+$0x11820];
	v27 =	vsub.f32 v49, v50;
	v0 =	vmax.f32 v0, v23  }
0x1ed: {  	v30 =	vld [tilespmem:s26+$0xD8A0];
	v29 =	vsub.f32 v51, v52;
	v0 =	vmax.f32 v0, v25  }
0x1ee: {  	v32 =	vld [tilespmem:s26+$0x118A0];
	v31 =	vsub.f32 v53, v54;
	v0 =	vmax.f32 v0, v27  }
0x1ef: {  	v33 =	vsub.f32 v56, v58;
	v0 =	vmax.f32 v0, v29  }
0x1f0: {  	v34 =	vsub.f32 v60, v62;
	v0 =	vmax.f32 v0, v31  }
0x1f1: {  	v35 =	vsub.f32 v22, v24;
	v0 =	vmax.f32 v0, v33  }
0x1f2: {  	v36 =	vsub.f32 v26, v28;
	v0 =	vmax.f32 v0, v34  }
0x1f3: {  	v37 =	vsub.f32 v30, v32;
	v0 =	vmax.f32 v0, v35  }
0x1f4: {  	v0 =	vmax.f32 v0, v36  }
0x1f5: {  	v0 =	vmax.f32 v0, v37  }
0x1f6: {  	[tilespmem:s28+$0x15120] =	vst v0  }
0x1f7: {  	v0 =	vld [tilespmem:s26+$0xD130]  }
0x1f8: {  	v38 =	vld [tilespmem:s26+$0x11130]  }
0x1f9: {  	v39 =	vld [tilespmem:s26+$0xD1B0]  }
0x1fa: {  	v40 =	vld [tilespmem:s26+$0x111B0]  }
0x1fb: {  	v41 =	vld [tilespmem:s26+$0xD230]  }
0x1fc: {  	v42 =	vld [tilespmem:s26+$0x11230]  }
0x1fd: {  	v43 =	vld [tilespmem:s26+$0xD2B0]  }
0x1fe: {  	v44 =	vld [tilespmem:s26+$0x112B0]  }
0x1ff: {  	v45 =	vld [tilespmem:s26+$0xD330]  }
0x200: {  	v46 =	vld [tilespmem:s26+$0x11330]  }
0x201: {  	v47 =	vld [tilespmem:s26+$0xD3B0]  }
0x202: {  	v48 =	vld [tilespmem:s26+$0x113B0]  }
0x203: {  	v49 =	vld [tilespmem:s26+$0xD430]  }
0x204: {  	v50 =	vld [tilespmem:s26+$0x11430]  }
0x205: {  	v51 =	vld [tilespmem:s26+$0xD4B0]  }
0x206: {  	v52 =	vld [tilespmem:s26+$0x114B0]  }
0x207: {  	v53 =	vld [tilespmem:s26+$0xD530]  }
0x208: {  	v54 =	vld [tilespmem:s26+$0x11530]  }
0x209: {  	v55 =	vld [tilespmem:s26+$0xD5B0]  }
0x20a: {  	v56 =	vld [tilespmem:s26+$0x115B0]  }
0x20b: {  	v57 =	vld [tilespmem:s26+$0xD630]  }
0x20c: {  	v58 =	vld [tilespmem:s26+$0x11630]  }
0x20d: {  	v60 =	vld [tilespmem:s26+$0xD6B0];
	v0 =	vsub.f32 v0, v38;
	v59 =	vsub.f32 v39, v40  }
0x20e: {  	v62 =	vld [tilespmem:s26+$0x116B0];
	v61 =	vsub.f32 v41, v42  }
0x20f: {  	v22 =	vld [tilespmem:s26+$0xD730];
	v63 =	vsub.f32 v43, v44;
	v0 =	vmax.f32 v0, v59  }
0x210: {  	v24 =	vld [tilespmem:s26+$0x11730];
	v23 =	vsub.f32 v45, v46;
	v0 =	vmax.f32 v0, v61  }
0x211: {  	v26 =	vld [tilespmem:s26+$0xD7B0];
	v25 =	vsub.f32 v47, v48;
	v0 =	vmax.f32 v0, v63  }
0x212: {  	v28 =	vld [tilespmem:s26+$0x117B0];
	v27 =	vsub.f32 v49, v50;
	v0 =	vmax.f32 v0, v23  }
0x213: {  	v30 =	vld [tilespmem:s26+$0xD830];
	v29 =	vsub.f32 v51, v52;
	v0 =	vmax.f32 v0, v25  }
0x214: {  	v32 =	vld [tilespmem:s26+$0x11830];
	v31 =	vsub.f32 v53, v54;
	v0 =	vmax.f32 v0, v27  }
0x215: {  	v34 =	vld [tilespmem:s26+$0xD8B0];
	v33 =	vsub.f32 v55, v56;
	v0 =	vmax.f32 v0, v29  }
0x216: {  	v36 =	vld [tilespmem:s26+$0x118B0];
	v35 =	vsub.f32 v57, v58;
	v0 =	vmax.f32 v0, v31  }
0x217: {  	v37 =	vsub.f32 v60, v62;
	v0 =	vmax.f32 v0, v33  }
0x218: {  	v38 =	vsub.f32 v22, v24;
	v0 =	vmax.f32 v0, v35  }
0x219: {  	v39 =	vsub.f32 v26, v28;
	v0 =	vmax.f32 v0, v37  }
0x21a: {  	v40 =	vsub.f32 v30, v32;
	v0 =	vmax.f32 v0, v38  }
0x21b: {  	v41 =	vsub.f32 v34, v36;
	v0 =	vmax.f32 v0, v39  }
0x21c: {  	v0 =	vmax.f32 v0, v40  }
0x21d: {  	v0 =	vmax.f32 v0, v41  }
0x21e: {  	[tilespmem:s28+$0x15130] =	vst v0  }
0x21f: {  	v0 =	vld [tilespmem:s26+$0xD140]  }
0x220: {  	v42 =	vld [tilespmem:s26+$0x11140]  }
0x221: {  	v43 =	vld [tilespmem:s26+$0xD1C0]  }
0x222: {  	v44 =	vld [tilespmem:s26+$0x111C0]  }
0x223: {  	v45 =	vld [tilespmem:s26+$0xD240]  }
0x224: {  	v46 =	vld [tilespmem:s26+$0x11240]  }
0x225: {  	v47 =	vld [tilespmem:s26+$0xD2C0]  }
0x226: {  	v48 =	vld [tilespmem:s26+$0x112C0]  }
0x227: {  	v49 =	vld [tilespmem:s26+$0xD340]  }
0x228: {  	v50 =	vld [tilespmem:s26+$0x11340]  }
0x229: {  	v51 =	vld [tilespmem:s26+$0xD3C0]  }
0x22a: {  	v52 =	vld [tilespmem:s26+$0x113C0]  }
0x22b: {  	v53 =	vld [tilespmem:s26+$0xD440]  }
0x22c: {  	v54 =	vld [tilespmem:s26+$0x11440]  }
0x22d: {  	v55 =	vld [tilespmem:s26+$0xD4C0]  }
0x22e: {  	v56 =	vld [tilespmem:s26+$0x114C0]  }
0x22f: {  	v57 =	vld [tilespmem:s26+$0xD540]  }
0x230: {  	v58 =	vld [tilespmem:s26+$0x11540]  }
0x231: {  	v59 =	vld [tilespmem:s26+$0xD5C0]  }
0x232: {  	v60 =	vld [tilespmem:s26+$0x115C0]  }
0x233: {  	v61 =	vld [tilespmem:s26+$0xD640]  }
0x234: {  	v62 =	vld [tilespmem:s26+$0x11640]  }
0x235: {  	v22 =	vld [tilespmem:s26+$0xD6C0];
	v0 =	vsub.f32 v0, v42;
	v63 =	vsub.f32 v43, v44  }
0x236: {  	v24 =	vld [tilespmem:s26+$0x116C0];
	v23 =	vsub.f32 v45, v46  }
0x237: {  	v26 =	vld [tilespmem:s26+$0xD740];
	v25 =	vsub.f32 v47, v48;
	v0 =	vmax.f32 v0, v63  }
0x238: {  	v28 =	vld [tilespmem:s26+$0x11740];
	v27 =	vsub.f32 v49, v50;
	v0 =	vmax.f32 v0, v23  }
0x239: {  	v30 =	vld [tilespmem:s26+$0xD7C0];
	v29 =	vsub.f32 v51, v52;
	v0 =	vmax.f32 v0, v25  }
0x23a: {  	v32 =	vld [tilespmem:s26+$0x117C0];
	v31 =	vsub.f32 v53, v54;
	v0 =	vmax.f32 v0, v27  }
0x23b: {  	v34 =	vld [tilespmem:s26+$0xD840];
	v33 =	vsub.f32 v55, v56;
	v0 =	vmax.f32 v0, v29  }
0x23c: {  	v36 =	vld [tilespmem:s26+$0x11840];
	v35 =	vsub.f32 v57, v58;
	v0 =	vmax.f32 v0, v31  }
0x23d: {  	v38 =	vld [tilespmem:s26+$0xD8C0];
	v37 =	vsub.f32 v59, v60;
	v0 =	vmax.f32 v0, v33  }
0x23e: {  	v40 =	vld [tilespmem:s26+$0x118C0];
	v39 =	vsub.f32 v61, v62;
	v0 =	vmax.f32 v0, v35  }
0x23f: {  	v41 =	vsub.f32 v22, v24;
	v0 =	vmax.f32 v0, v37  }
0x240: {  	v42 =	vsub.f32 v26, v28;
	v0 =	vmax.f32 v0, v39  }
0x241: {  	v43 =	vsub.f32 v30, v32;
	v0 =	vmax.f32 v0, v41  }
0x242: {  	v44 =	vsub.f32 v34, v36;
	v0 =	vmax.f32 v0, v42  }
0x243: {  	v45 =	vsub.f32 v38, v40;
	v0 =	vmax.f32 v0, v43  }
0x244: {  	v0 =	vmax.f32 v0, v44  }
0x245: {  	v0 =	vmax.f32 v0, v45  }
0x246: {  	[tilespmem:s28+$0x15140] =	vst v0  }
0x247: {  	v0 =	vld [tilespmem:s26+$0xD150]  }
0x248: {  	v46 =	vld [tilespmem:s26+$0x11150]  }
0x249: {  	v47 =	vld [tilespmem:s26+$0xD1D0]  }
0x24a: {  	v48 =	vld [tilespmem:s26+$0x111D0]  }
0x24b: {  	v49 =	vld [tilespmem:s26+$0xD250]  }
0x24c: {  	v50 =	vld [tilespmem:s26+$0x11250]  }
0x24d: {  	v51 =	vld [tilespmem:s26+$0xD2D0]  }
0x24e: {  	v52 =	vld [tilespmem:s26+$0x112D0]  }
0x24f: {  	v53 =	vld [tilespmem:s26+$0xD350]  }
0x250: {  	v54 =	vld [tilespmem:s26+$0x11350]  }
0x251: {  	v55 =	vld [tilespmem:s26+$0xD3D0]  }
0x252: {  	v56 =	vld [tilespmem:s26+$0x113D0]  }
0x253: {  	v57 =	vld [tilespmem:s26+$0xD450]  }
0x254: {  	v58 =	vld [tilespmem:s26+$0x11450]  }
0x255: {  	v59 =	vld [tilespmem:s26+$0xD4D0]  }
0x256: {  	v60 =	vld [tilespmem:s26+$0x114D0]  }
0x257: {  	v61 =	vld [tilespmem:s26+$0xD550]  }
0x258: {  	v62 =	vld [tilespmem:s26+$0x11550]  }
0x259: {  	v63 =	vld [tilespmem:s26+$0xD5D0]  }
0x25a: {  	v24 =	vld [tilespmem:s26+$0x115D0]  }
0x25b: {  	v25 =	vld [tilespmem:s26+$0xD650]  }
0x25c: {  	v26 =	vld [tilespmem:s26+$0x11650]  }
0x25d: {  	v28 =	vld [tilespmem:s26+$0xD6D0];
	v0 =	vsub.f32 v0, v46;
	v27 =	vsub.f32 v47, v48  }
0x25e: {  	v30 =	vld [tilespmem:s26+$0x116D0];
	v29 =	vsub.f32 v49, v50  }
0x25f: {  	v32 =	vld [tilespmem:s26+$0xD750];
	v31 =	vsub.f32 v51, v52;
	v0 =	vmax.f32 v0, v27  }
0x260: {  	v34 =	vld [tilespmem:s26+$0x11750];
	v33 =	vsub.f32 v53, v54;
	v0 =	vmax.f32 v0, v29  }
0x261: {  	v36 =	vld [tilespmem:s26+$0xD7D0];
	v35 =	vsub.f32 v55, v56;
	v0 =	vmax.f32 v0, v31  }
0x262: {  	v38 =	vld [tilespmem:s26+$0x117D0];
	v37 =	vsub.f32 v57, v58;
	v0 =	vmax.f32 v0, v33  }
0x263: {  	v40 =	vld [tilespmem:s26+$0xD850];
	v39 =	vsub.f32 v59, v60;
	v0 =	vmax.f32 v0, v35  }
0x264: {  	v42 =	vld [tilespmem:s26+$0x11850];
	v41 =	vsub.f32 v61, v62;
	v0 =	vmax.f32 v0, v37  }
0x265: {  	v44 =	vld [tilespmem:s26+$0xD8D0];
	v43 =	vsub.f32 v63, v24;
	v0 =	vmax.f32 v0, v39  }
0x266: {  	v45 =	vsub.f32 v25, v26;
	v46 =	vld [tilespmem:s26+$0x118D0];
	v0 =	vmax.f32 v0, v41  }
0x267: {  	v47 =	vsub.f32 v28, v30;
	v0 =	vmax.f32 v0, v43  }
0x268: {  	v48 =	vsub.f32 v32, v34;
	v0 =	vmax.f32 v0, v45  }
0x269: {  	v49 =	vsub.f32 v36, v38;
	v0 =	vmax.f32 v0, v47  }
0x26a: {  	v50 =	vsub.f32 v40, v42;
	v0 =	vmax.f32 v0, v48  }
0x26b: {  	v51 =	vsub.f32 v44, v46;
	v0 =	vmax.f32 v0, v49  }
0x26c: {  	v0 =	vmax.f32 v0, v50  }
0x26d: {  	v0 =	vmax.f32 v0, v51  }
0x26e: {  	[tilespmem:s28+$0x15150] =	vst v0  }
0x26f: {  	v0 =	vld [tilespmem:s26+$0xD160]  }
0x270: {  	v52 =	vld [tilespmem:s26+$0x11160]  }
0x271: {  	v53 =	vld [tilespmem:s26+$0xD1E0]  }
0x272: {  	v54 =	vld [tilespmem:s26+$0x111E0]  }
0x273: {  	v55 =	vld [tilespmem:s26+$0xD260]  }
0x274: {  	v56 =	vld [tilespmem:s26+$0x11260]  }
0x275: {  	v57 =	vld [tilespmem:s26+$0xD2E0]  }
0x276: {  	v58 =	vld [tilespmem:s26+$0x112E0]  }
0x277: {  	v59 =	vld [tilespmem:s26+$0xD360]  }
0x278: {  	v60 =	vld [tilespmem:s26+$0x11360]  }
0x279: {  	v61 =	vld [tilespmem:s26+$0xD3E0]  }
0x27a: {  	v62 =	vld [tilespmem:s26+$0x113E0]  }
0x27b: {  	v63 =	vld [tilespmem:s26+$0xD460]  }
0x27c: {  	v24 =	vld [tilespmem:s26+$0x11460]  }
0x27d: {  	v25 =	vld [tilespmem:s26+$0xD4E0]  }
0x27e: {  	v26 =	vld [tilespmem:s26+$0x114E0]  }
0x27f: {  	v27 =	vld [tilespmem:s26+$0xD560]  }
0x280: {  	v28 =	vld [tilespmem:s26+$0x11560]  }
0x281: {  	v29 =	vld [tilespmem:s26+$0xD5E0]  }
0x282: {  	v30 =	vld [tilespmem:s26+$0x115E0]  }
0x283: {  	v31 =	vld [tilespmem:s26+$0xD660]  }
0x284: {  	v32 =	vld [tilespmem:s26+$0x11660]  }
0x285: {  	v34 =	vld [tilespmem:s26+$0xD6E0];
	v0 =	vsub.f32 v0, v52;
	v33 =	vsub.f32 v53, v54  }
0x286: {  	v36 =	vld [tilespmem:s26+$0x116E0];
	v35 =	vsub.f32 v55, v56  }
0x287: {  	v38 =	vld [tilespmem:s26+$0xD760];
	v37 =	vsub.f32 v57, v58;
	v0 =	vmax.f32 v0, v33  }
0x288: {  	v40 =	vld [tilespmem:s26+$0x11760];
	v39 =	vsub.f32 v59, v60;
	v0 =	vmax.f32 v0, v35  }
0x289: {  	v42 =	vld [tilespmem:s26+$0xD7E0];
	v41 =	vsub.f32 v61, v62;
	v0 =	vmax.f32 v0, v37  }
0x28a: {  	v44 =	vld [tilespmem:s26+$0x117E0];
	v43 =	vsub.f32 v63, v24;
	v0 =	vmax.f32 v0, v39  }
0x28b: {  	v46 =	vld [tilespmem:s26+$0xD860];
	v45 =	vsub.f32 v25, v26;
	v0 =	vmax.f32 v0, v41  }
0x28c: {  	v48 =	vld [tilespmem:s26+$0x11860];
	v47 =	vsub.f32 v27, v28;
	v0 =	vmax.f32 v0, v43  }
0x28d: {  	v50 =	vld [tilespmem:s26+$0xD8E0];
	v49 =	vsub.f32 v29, v30;
	v0 =	vmax.f32 v0, v45  }
0x28e: {  	v51 =	vsub.f32 v31, v32;
	v52 =	vld [tilespmem:s26+$0x118E0];
	v0 =	vmax.f32 v0, v47  }
0x28f: {  	v53 =	vsub.f32 v34, v36;
	v0 =	vmax.f32 v0, v49  }
0x290: {  	v54 =	vsub.f32 v38, v40;
	v0 =	vmax.f32 v0, v51  }
0x291: {  	v55 =	vsub.f32 v42, v44;
	v0 =	vmax.f32 v0, v53  }
0x292: {  	v56 =	vsub.f32 v46, v48;
	v0 =	vmax.f32 v0, v54  }
0x293: {  	v57 =	vsub.f32 v50, v52;
	v0 =	vmax.f32 v0, v55  }
0x294: {  	v0 =	vmax.f32 v0, v56  }
0x295: {  	v0 =	vmax.f32 v0, v57  }
0x296: {  	[tilespmem:s28+$0x15160] =	vst v0  }
0x297: {  	v0 =	vld [tilespmem:s26+$0xD170]  }
0x298: {  	v58 =	vld [tilespmem:s26+$0x11170]  }
0x299: {  	v59 =	vld [tilespmem:s26+$0xD1F0]  }
0x29a: {  	v60 =	vld [tilespmem:s26+$0x111F0]  }
0x29b: {  	v61 =	vld [tilespmem:s26+$0xD270]  }
0x29c: {  	v62 =	vld [tilespmem:s26+$0x11270]  }
0x29d: {  	v63 =	vld [tilespmem:s26+$0xD2F0]  }
0x29e: {  	v24 =	vld [tilespmem:s26+$0x112F0]  }
0x29f: {  	v25 =	vld [tilespmem:s26+$0xD370]  }
0x2a0: {  	v26 =	vld [tilespmem:s26+$0x11370]  }
0x2a1: {  	v27 =	vld [tilespmem:s26+$0xD3F0]  }
0x2a2: {  	v28 =	vld [tilespmem:s26+$0x113F0]  }
0x2a3: {  	v29 =	vld [tilespmem:s26+$0xD470]  }
0x2a4: {  	v30 =	vld [tilespmem:s26+$0x11470]  }
0x2a5: {  	v31 =	vld [tilespmem:s26+$0xD4F0]  }
0x2a6: {  	v32 =	vld [tilespmem:s26+$0x114F0]  }
0x2a7: {  	v33 =	vld [tilespmem:s26+$0xD570]  }
0x2a8: {  	v34 =	vld [tilespmem:s26+$0x11570]  }
0x2a9: {  	v35 =	vld [tilespmem:s26+$0xD5F0]  }
0x2aa: {  	v36 =	vld [tilespmem:s26+$0x115F0]  }
0x2ab: {  	v37 =	vld [tilespmem:s26+$0xD670]  }
0x2ac: {  	v38 =	vld [tilespmem:s26+$0x11670]  }
0x2ad: {  	v40 =	vld [tilespmem:s26+$0xD6F0];
	v0 =	vsub.f32 v0, v58;
	v39 =	vsub.f32 v59, v60  }
0x2ae: {  	v42 =	vld [tilespmem:s26+$0x116F0];
	v41 =	vsub.f32 v61, v62  }
0x2af: {  	v44 =	vld [tilespmem:s26+$0xD770];
	v43 =	vsub.f32 v63, v24;
	v0 =	vmax.f32 v0, v39  }
0x2b0: {  	v46 =	vld [tilespmem:s26+$0x11770];
	v45 =	vsub.f32 v25, v26;
	v0 =	vmax.f32 v0, v41  }
0x2b1: {  	v48 =	vld [tilespmem:s26+$0xD7F0];
	v47 =	vsub.f32 v27, v28;
	v0 =	vmax.f32 v0, v43  }
0x2b2: {  	v50 =	vld [tilespmem:s26+$0x117F0];
	v49 =	vsub.f32 v29, v30;
	v0 =	vmax.f32 v0, v45  }
0x2b3: {  	v52 =	vld [tilespmem:s26+$0xD870];
	v51 =	vsub.f32 v31, v32;
	v0 =	vmax.f32 v0, v47  }
0x2b4: {  	v54 =	vld [tilespmem:s26+$0x11870];
	v53 =	vsub.f32 v33, v34;
	v0 =	vmax.f32 v0, v49  }
0x2b5: {  	v56 =	vld [tilespmem:s26+$0xD8F0];
	v55 =	vsub.f32 v35, v36;
	v0 =	vmax.f32 v0, v51  }
0x2b6: {  	v57 =	vsub.f32 v37, v38;
	v58 =	vld [tilespmem:s26+$0x118F0];
	v0 =	vmax.f32 v0, v53  }
0x2b7: {  	v59 =	vsub.f32 v40, v42;
	v0 =	vmax.f32 v0, v55  }
0x2b8: {  	v60 =	vsub.f32 v44, v46;
	v0 =	vmax.f32 v0, v57  }
0x2b9: {  	p0 =	sne.s32 s25, $0x7;
	v61 =	vsub.f32 v48, v50;
	v0 =	vmax.f32 v0, v59  }
.Ltmp1:
0x2ba: {  	v62 =	vsub.f32 v52, v54;
	v0 =	vmax.f32 v0, v60;
	(pc) =	sbr.rel @p0 .LBB2_5-.Ltmp1, $4  }
0x2bb: {  	v63 =	vsub.f32 v56, v58;
	v0 =	vmax.f32 v0, v61  }
0x2bc: {  	v0 =	vmax.f32 v0, v62  }
0x2bd: {  	v0 =	vmax.f32 v0, v63  }
0x2be: {  	s25 =	sadd.s32 $0x1, s25;
	[tilespmem:s28+$0x15170] =	vst v0  }
0x2bf: {  	s24 =	sadd.s32 s8, s24  }
0x2c0: {  	s23 =	sadd.s32 $0x1, s23;
	s24 =	sshll.u32 s24, $0x7  }
0x2c1: {  	p0 =	sne.s32 s23, $0x28;
	s24 =	sand.u32 $0x1FFFFF80, s24  }
.Ltmp2:
0x2c2: {  	s24 =	sadd.s32 s4, s24;
	(pc) =	sbr.rel @p0 .LBB2_2-.Ltmp2, $4  }
0x2c3: {  	[hbm4b:s24+s3] =	stream.linear.scatter [tilespmem:s20], [sflag:$0x3], $0x400, $0x38;
	[tilespmem:$0x15500] =	vst v63  }
0x2c4: {  	_ =	swait.ge [sflag:s10], $0x400  }
0x2c5: {  	[sflag:s10] =	ssyncset.done $0x0  }
0x2c6: {  	[sflag:s10] =	ssyncadd.s32 $0xFFFFFC00  }
0x2c7: {  	s22 =	sadd.s32 $0x1, s22  }
0x2c8: {  	_ =	swait.ge [sflag:s19], $0x4000;
	p0 =	sne.s32 s22, s9  }
.Ltmp3:
0x2c9: {  	[sflag:s19] =	ssyncset.done $0x0;
	(pc) =	sbr.rel @p0 .LBB2_1-.Ltmp3, $4  }
0x2ca: {  	[sflag:s19] =	ssyncadd.s32 $0xFFFFC000  }
0x2cb: {  	_ =	swait.ge [sflag:s19], $0x4000  }
0x2cc: {  	[sflag:s19] =	ssyncset.done $0x0  }
0x2cd: {  	[sflag:s19] =	ssyncadd.s32 $0xFFFFC000  }
0x2ce: {  	_ =	sfence.sel $0x180000  }
0x2cf: {  	[bflag:$0x0] =	sbarrier.arrive $0xFFFF  }
0x2d0: {  	p0 =	sne.s32 s0, $0x0;
	_ =	strace $0x90000047  }
0x2d1: {  	s0 =	sadd.s32 @!p0 $0x100000, s2;
	[bflag:$0x2] =	sbarrier.arrive $0xFFFF  }
0x2d2: {  	[sflag:s0] =	ssyncadd.tile.s32 @!p0 $0x1;
	_ =	shalt  }
.Lfunc_end2:
_tile_overlayer_lowered:
.L_overlay_start_2:
0x2d3: {  	(tag) =	ssettag $0x2  }
0x2d4: {  	s0 =	rddreg [dreg:$0x0];
	s2 =	stileid.u32  }
0x2d5: {  	s1 =	rddreg [dreg:$0x1];
	p0 =	sne.s32 s2, $0x0  }
0x2d6: {  	s3 =	rddreg [dreg:$0x2];
	[bflag:$0x3] =	sbarrier.arrive $0xFFFF;
	s2 =	simm.s32 @!p0 $0x1C03  }
0x2d7: {  	[timem:s3], [sflag:s2] =	dma.local @!p0 [hbm:s0], s1  }
0x2d8: {  	s0 =	simm.s32 @!p0 $0x3  }
0x2d9: {  	_ =	swait.ge @!p0 [sflag:s0], s1  }
0x2da: {  	s1 =	ssub.s32 @!p0 $0x0, s1;
	[sflag:s0] =	ssyncset.done @!p0 $0x0  }
0x2db: {  	[sflag:s0] =	ssyncadd.s32 @!p0 s1  }
0x2dc: {  	[bflag:$0x3] =	sbarrier.arrive $0xFFFF  }
0x2dd: {  	_ =	shalt  }

</sc_bundles>
